<compile_context>
chip_gen: v7x
topology: tpu7x:2x2x1
jax: 0.10.2.dev20260603
libtpu: 0.0.44.dev20260713+nightly
codegen_flags: <defaults>
</compile_context>

<pallas_src>
import functools

import jax
import jax.numpy as jnp
from jax import lax
from jax.experimental import pallas as pl
from jax.experimental.pallas import tpu as pltpu
from jax.experimental.pallas import tpu_sc as plsc

_N = 10000
_E = 320000
_D = 128
_K = 3
_ALPHA = 0.1
_TEMP = 0.5
_TYPE_SIZES = (4000, 3000, 3000)

_NC, _NS = 2, 16
_NW = _NC * _NS
_EB = 40
_EPW = _E // _NW
_NB = _EPW // _EB
_EBD = 80
_NBD = _EPW // _EBD
_RPS = 632
_NP = _NS * _RPS

_mesh = plsc.VectorSubcoreMesh(
    core_axis_name="c", subcore_axis_name="s",
    num_cores=_NC, num_subcores=_NS)



def _prep_body(x_ref, w_ref, b_ref, h_ref, z_ref, mean_ref, std_ref):
    h = jnp.dot(x_ref[...], w_ref[...], preferred_element_type=jnp.float32)
    h = h + b_ref[...]
    nrm = jnp.sqrt(jnp.sum(h * h, axis=1, keepdims=True))
    h = h / jnp.maximum(nrm, 1e-12)
    means, stds, rows = [], [], []
    start = 0
    for s in _TYPE_SIZES:
        seg = h[start:start + s]
        m = jnp.sum(seg, axis=0, keepdims=True) / s
        v = jnp.sum((seg - m) ** 2, axis=0, keepdims=True) / (s - 1)
        sd = jnp.sqrt(v)
        means.append(m)
        stds.append(sd)
        rows.append((seg - m) / sd)
        start += s
    tilde = jnp.concatenate(rows, axis=0)
    h_ref[...] = tilde
    zn = jnp.sqrt(jnp.sum(tilde * tilde, axis=1, keepdims=True))
    z_ref[...] = tilde / jnp.maximum(zn, 1e-12)
    pad = jnp.zeros((8 - len(_TYPE_SIZES), _D), dtype=jnp.float32)
    mean_ref[...] = jnp.concatenate(means + [pad], axis=0)
    std_ref[...] = jnp.concatenate(stds + [pad], axis=0)


_prep = pl.pallas_call(
    _prep_body,
    out_shape=[
        jax.ShapeDtypeStruct((_N, _D), jnp.float32),
        jax.ShapeDtypeStruct((_N, _D), jnp.float32),
        jax.ShapeDtypeStruct((8, _D), jnp.float32),
        jax.ShapeDtypeStruct((8, _D), jnp.float32),
    ],
)



_DL = 128


@functools.partial(
    pl.kernel,
    out_type=jax.ShapeDtypeStruct((_NC, _NS, _RPS, _DL), jnp.float32),
    mesh=_mesh,
    scratch_types=[
        pltpu.VMEM((_EBD,), jnp.int32),
        pltpu.VMEM((_EBD, _DL), jnp.float32),
        pltpu.VMEM_SHARED((_NP, _DL), jnp.float32),
        pltpu.SemaphoreType.DMA,
    ],
)
def _deg_sc(col_hbm, ones_hbm, zeros_hbm, out_hbm, col_v, ones_v, deg_sh, sem):
    cid = lax.axis_index("c")
    sid = lax.axis_index("s")
    wid = sid * _NC + cid
    pltpu.sync_copy(zeros_hbm, deg_sh.at[pl.ds(sid * _RPS, _RPS)])
    pltpu.sync_copy(ones_hbm, ones_v)
    plsc.subcore_barrier()

    def body(i, carry):
        base = wid * _EPW + i * _EBD
        pltpu.sync_copy(col_hbm.at[pl.ds(base, _EBD)], col_v)
        pltpu.sync_copy(ones_v, deg_sh.at[col_v], add=True)
        return carry

    lax.fori_loop(0, _NBD, body, 0)
    plsc.subcore_barrier()
    pltpu.sync_copy(deg_sh.at[pl.ds(sid * _RPS, _RPS)], out_hbm.at[cid, sid])



@functools.partial(
    pl.kernel,
    out_type=jax.ShapeDtypeStruct((_NC, _NS, _RPS, _D), jnp.float32),
    mesh=_mesh,
    scratch_types=[
        pltpu.VMEM((_EB,), jnp.int32),
        pltpu.VMEM((_EB,), jnp.int32),
        pltpu.VMEM((_EB,), jnp.int32),
        pltpu.VMEM((_EB,), jnp.int32),
        pltpu.VMEM((_EB, _D), jnp.float32),
        pltpu.VMEM((_EB, _D), jnp.float32),
        pltpu.VMEM_SHARED((_NP, _D), jnp.float32),
        pltpu.SemaphoreType.DMA,
        pltpu.SemaphoreType.DMA,
    ],
)
def _scatter_sc(y_hbm, row_hbm, col_hbm, zeros_hbm, out_hbm,
                row0_v, col0_v, row1_v, col1_v, rows0_v, rows1_v,
                agg_sh, sem0, sem1):
    cid = lax.axis_index("c")
    sid = lax.axis_index("s")
    wid = sid * _NC + cid
    pltpu.sync_copy(zeros_hbm, agg_sh.at[pl.ds(sid * _RPS, _RPS)])
    plsc.subcore_barrier()
    ebase = wid * _EPW

    def fetch(blk, row_v, col_v, rows_v, sem):
        base = ebase + blk * _EB
        pltpu.sync_copy(row_hbm.at[pl.ds(base, _EB)], row_v)
        pltpu.sync_copy(col_hbm.at[pl.ds(base, _EB)], col_v)
        pltpu.async_copy(y_hbm.at[row_v], rows_v, sem)

    def drain_add(row_v, col_v, rows_v, sem):
        pltpu.make_async_copy(y_hbm.at[row_v], rows_v, sem).wait()
        pltpu.sync_copy(rows_v, agg_sh.at[col_v], add=True)

    fetch(0, row0_v, col0_v, rows0_v, sem0)

    def body(j, carry):
        fetch(2 * j + 1, row1_v, col1_v, rows1_v, sem1)
        drain_add(row0_v, col0_v, rows0_v, sem0)
        fetch(2 * j + 2, row0_v, col0_v, rows0_v, sem0)
        drain_add(row1_v, col1_v, rows1_v, sem1)
        return carry

    lax.fori_loop(0, _NB // 2 - 1, body, 0)
    fetch(_NB - 1, row1_v, col1_v, rows1_v, sem1)
    drain_add(row0_v, col0_v, rows0_v, sem0)
    drain_add(row1_v, col1_v, rows1_v, sem1)
    plsc.subcore_barrier()
    pltpu.sync_copy(agg_sh.at[pl.ds(sid * _RPS, _RPS)], out_hbm.at[cid, sid])



@functools.partial(
    pl.kernel,
    out_type=jax.ShapeDtypeStruct((_E, 16), jnp.float32),
    mesh=_mesh,
    scratch_types=[
        pltpu.VMEM((_EB,), jnp.int32),
        pltpu.VMEM((_EB,), jnp.int32),
        pltpu.VMEM((_EB,), jnp.int32),
        pltpu.VMEM((_EB,), jnp.int32),
        pltpu.VMEM((_EB, _D), jnp.float32),
        pltpu.VMEM((_EB, _D), jnp.float32),
        pltpu.VMEM((_EB, _D), jnp.float32),
        pltpu.VMEM((_EB, _D), jnp.float32),
        pltpu.VMEM((_EB, 16), jnp.float32),
        pltpu.SemaphoreType.DMA,
        pltpu.SemaphoreType.DMA,
    ],
)
def _dots_sc(z_hbm, a_hbm, b_hbm, out_hbm,
             ai0_v, bi0_v, ai1_v, bi1_v, za0_v, zb0_v, za1_v, zb1_v,
             d_v, sem0, sem1):
    cid = lax.axis_index("c")
    sid = lax.axis_index("s")
    wid = sid * _NC + cid
    ebase = wid * _EPW

    def fetch(blk, ai_v, bi_v, za_v, zb_v, sem):
        base = ebase + blk * _EB
        pltpu.sync_copy(a_hbm.at[pl.ds(base, _EB)], ai_v)
        pltpu.sync_copy(b_hbm.at[pl.ds(base, _EB)], bi_v)
        pltpu.async_copy(z_hbm.at[ai_v], za_v, sem)
        pltpu.async_copy(z_hbm.at[bi_v], zb_v, sem)

    def drain_dot(blk, ai_v, bi_v, za_v, zb_v, sem):
        pltpu.make_async_copy(z_hbm.at[ai_v], za_v, sem).wait()
        pltpu.make_async_copy(z_hbm.at[bi_v], zb_v, sem).wait()

        def ebody(e, c2):
            acc = za_v[e, pl.ds(0, 16)] * zb_v[e, pl.ds(0, 16)]
            for j in range(1, _D // 16):
                acc = acc + za_v[e, pl.ds(16 * j, 16)] * zb_v[e, pl.ds(16 * j, 16)]
            d_v[e, :] = acc
            return c2

        lax.fori_loop(0, _EB, ebody, 0)
        pltpu.sync_copy(d_v, out_hbm.at[pl.ds(ebase + blk * _EB, _EB)])

    fetch(0, ai0_v, bi0_v, za0_v, zb0_v, sem0)

    def body(j, carry):
        fetch(2 * j + 1, ai1_v, bi1_v, za1_v, zb1_v, sem1)
        drain_dot(2 * j, ai0_v, bi0_v, za0_v, zb0_v, sem0)
        fetch(2 * j + 2, ai0_v, bi0_v, za0_v, zb0_v, sem0)
        drain_dot(2 * j + 1, ai1_v, bi1_v, za1_v, zb1_v, sem1)
        return carry

    lax.fori_loop(0, _NB // 2 - 1, body, 0)
    fetch(_NB - 1, ai1_v, bi1_v, za1_v, zb1_v, sem1)
    drain_dot(_NB - 2, ai0_v, bi0_v, za0_v, zb0_v, sem0)
    drain_dot(_NB - 1, ai1_v, bi1_v, za1_v, zb1_v, sem1)



def _dinvy_body(degp_ref, h_ref, dinv_ref, y_ref):
    d0 = degp_ref[0].reshape(_NP, _DL)[: _N, 0:1]
    d1 = degp_ref[1].reshape(_NP, _DL)[: _N, 0:1]
    deg = d0 + d1 + 1.0
    dinv = 1.0 / jnp.sqrt(jnp.maximum(deg, 1e-12))
    dinv_ref[...] = jnp.broadcast_to(dinv, (_N, 8))
    y_ref[...] = h_ref[...] * dinv


_dinvy = pl.pallas_call(
    _dinvy_body,
    out_shape=[
        jax.ShapeDtypeStruct((_N, 8), jnp.float32),
        jax.ShapeDtypeStruct((_N, _D), jnp.float32),
    ],
)



def _combine_mid_body(u_ref, y_ref, h_ref, dinv_ref, yn_ref):
    dinv = dinv_ref[:, 0:1]
    u = (u_ref[0].reshape(_NP, _D)[: _N] + u_ref[1].reshape(_NP, _D)[: _N])
    xn = (1.0 - _ALPHA) * (dinv * (u + y_ref[...])) + _ALPHA * h_ref[...]
    yn_ref[...] = xn * dinv


_combine_mid = pl.pallas_call(
    _combine_mid_body,
    out_shape=jax.ShapeDtypeStruct((_N, _D), jnp.float32),
)


def _combine_last_body(u_ref, y_ref, h_ref, dinv_ref, mean_ref, std_ref, z_ref):
    dinv = dinv_ref[:, 0:1]
    u = (u_ref[0].reshape(_NP, _D)[: _N] + u_ref[1].reshape(_NP, _D)[: _N])
    xn = (1.0 - _ALPHA) * (dinv * (u + y_ref[...])) + _ALPHA * h_ref[...]
    parts = []
    start = 0
    for i, s in enumerate(_TYPE_SIZES):
        seg = xn[start:start + s]
        parts.append(seg * std_ref[i:i + 1, :] + mean_ref[i:i + 1, :])
        start += s
    z_ref[...] = jnp.concatenate(parts, axis=0)


_combine_last = pl.pallas_call(
    _combine_last_body,
    out_shape=jax.ShapeDtypeStruct((_N, _D), jnp.float32),
)



_LB = 8000


def _loss_body(dp_ref, dn_ref, loss_ref, acc_ref):
    i = pl.program_id(0)

    @pl.when(i == 0)
    def _():
        acc_ref[0] = 0.0
        acc_ref[1] = 0.0

    acc_ref[0] += jnp.sum(jnp.exp(jnp.sum(dp_ref[...], axis=1) / _TEMP))
    acc_ref[1] += jnp.sum(jnp.exp(jnp.sum(dn_ref[...], axis=1) / _TEMP))

    @pl.when(i == pl.num_programs(0) - 1)
    def _():
        pos = acc_ref[0]
        neg = acc_ref[1]
        loss_ref[...] = jnp.full((1, 1), -jnp.log(pos / (pos + neg)), jnp.float32)


_loss = pl.pallas_call(
    _loss_body,
    grid=(_E // _LB,),
    in_specs=[
        pl.BlockSpec((_LB, 16), lambda i: (i, 0)),
        pl.BlockSpec((_LB, 16), lambda i: (i, 0)),
    ],
    out_specs=pl.BlockSpec((1, 1), lambda i: (0, 0)),
    out_shape=jax.ShapeDtypeStruct((1, 1), jnp.float32),
    scratch_shapes=[pltpu.SMEM((2,), jnp.float32)],
)



@jax.jit
def kernel(X, edge_index, neg_edge, W, b):
    row = edge_index[0]
    col = edge_index[1]
    zeros8 = jnp.zeros((_RPS, _DL), jnp.float32)
    zerosd = jnp.zeros((_RPS, _D), jnp.float32)
    ones8 = jnp.ones((_EBD, _DL), jnp.float32)

    h, z, mean8, std8 = _prep(X, W, b.reshape(1, _D))
    degp = _deg_sc(col, ones8, zeros8)
    dinv8, y = _dinvy(degp, h)

    for step in range(_K):
        u = _scatter_sc(y, row, col, zerosd)
        if step < _K - 1:
            y = _combine_mid(u, y, h, dinv8)
        else:
            Z = _combine_last(u, y, h, dinv8, mean8, std8)

    dp = _dots_sc(z, row, col)
    dn = _dots_sc(z, neg_edge[0], neg_edge[1])
    loss = _loss(dp, dn)[0, 0]
    return (Z, loss)

# --- scband reference (transcript-rebuilt; emitter-appended) ---
"""Pipeline reference for scband-het-gdc-45853070852383 (READ-ONLY COPY).

The authoritative reference and input builder live on the scoring server;
editing this copy changes nothing except your own understanding.
"""

import jax, jax.numpy as jnp
import numpy as np

N = 10000
E = 320000
W_IN = 128
W_OUT = 128
K = 3
ALPHA = 0.1
TEMP = 0.5
TYPE_SIZES = [4000, 3000, 3000]


def setup_inputs(seed: int = 0):
    key = jax.random.key(seed)
    k1, k2, k3, k4 = jax.random.split(key, 4)
    X = jax.random.normal(k1, (N, W_IN), dtype=jnp.float32)
    edge_index = jax.random.randint(k2, (2, E), 0, N, dtype=jnp.int32)
    neg_edge = jax.random.randint(k3, (2, E), 0, N, dtype=jnp.int32)
    # nn.Linear(w_in, w_out) weight with xavier_normal_(gain=1.414); stored here as [w_in, w_out]
    std = 1.414 * float(np.sqrt(2.0 / (W_IN + W_OUT)))
    W = jax.random.normal(k4, (W_IN, W_OUT), dtype=jnp.float32) * std
    b = jnp.zeros((W_OUT,), dtype=jnp.float32)
    return {"X": X, "edge_index": edge_index, "neg_edge": neg_edge, "W": W, "b": b}


def _l2norm(z):
    n = jnp.linalg.norm(z, axis=1, keepdims=True)
    return z / jnp.maximum(n, 1e-12)


def _gcn_norm(edge_index, n):
    row = edge_index[0]
    col = edge_index[1]
    loop = jnp.arange(n, dtype=row.dtype)
    row = jnp.concatenate([row, loop])
    col = jnp.concatenate([col, loop])
    deg = jnp.zeros((n,), dtype=jnp.float32).at[col].add(1.0)
    dinv = jnp.where(deg > 0, 1.0 / jnp.sqrt(jnp.maximum(deg, 1e-12)), 0.0)
    norm = dinv[row] * dinv[col]
    return row, col, norm


def _appnp(h, row, col, norm, k_steps, alpha):
    x = h
    for _ in range(k_steps):
        m = x[row] * norm[:, None]
        agg = jnp.zeros_like(x).at[col].add(m)
        x = (1.0 - alpha) * agg + alpha * h
    return x


def reference(X, edge_index, neg_edge, W, b):
    # type_aware_encoding: linear + l2 activation (dataset not in ['DBLP'])
    H = X @ W + b
    H = _l2norm(H)
    # type_adaptive_normalization (contiguous type partition)
    means, stds = [], []
    start = 0
    for s in TYPE_SIZES:
        seg = H[start:start + s]
        means.append(jnp.mean(seg, axis=0))
        stds.append(jnp.std(seg, axis=0, ddof=1))
        start += s
    mean_t = jnp.stack(means)
    std_t = jnp.stack(stds)
    node_type = jnp.concatenate([jnp.full((s,), i, dtype=jnp.int32) for i, s in enumerate(TYPE_SIZES)])
    tilde_H = (H - mean_t[node_type]) / std_t[node_type]
    # diffusion: APPNP(K=num_layers, alpha=alpha) with GCN normalization + self loops
    row, col, norm = _gcn_norm(edge_index, N)
    tilde_Z = _appnp(tilde_H, row, col, norm, K, ALPHA)
    # type information restoration
    Z = tilde_Z * std_t[node_type] + mean_t[node_type]
    # TIMReg contrastive regularizer
    z = _l2norm(tilde_H)
    pred_pos = jnp.sum(z[edge_index[0]] * z[edge_index[1]], axis=1)
    pred_neg = jnp.sum(z[neg_edge[0]] * z[neg_edge[1]], axis=1)
    pos = jnp.sum(jnp.exp(pred_pos / TEMP))
    neg = jnp.sum(jnp.exp(pred_neg / TEMP))
    loss = -jnp.log(pos / (pos + neg))
    return (Z, loss)

if __name__ == "__main__":
    import jax
    _d = setup_inputs()
    print(jax.jit(kernel)(*tuple(_d.values())))

</pallas_src>

<mosaic_0001>
#map = affine_map<(d0, d1) -> (0, 0)>
#map1 = affine_map<(d0, d1) -> (0)>
#map2 = affine_map<(d0, d1) -> (0, 0, 0, 0)>
module attributes {stable_mosaic.version = 14 : i64} {
  func.func @_scatter_sc(%arg0: i32, %arg1: i32, %arg2: memref<10000x128xf32, #tpu.memory_space<hbm>>, %arg3: memref<320000xi32, #tpu.memory_space<hbm>>, %arg4: memref<320000xi32, #tpu.memory_space<hbm>>, %arg5: memref<632x128xf32, #tpu.memory_space<hbm>>, %arg6: memref<2x16x632x128xf32, #tpu.memory_space<hbm>>, %arg7: memref<40xi32, #tpu.memory_space<vmem>>, %arg8: memref<40xi32, #tpu.memory_space<vmem>>, %arg9: memref<40xi32, #tpu.memory_space<vmem>>, %arg10: memref<40xi32, #tpu.memory_space<vmem>>, %arg11: memref<40x128xf32, #tpu.memory_space<vmem>>, %arg12: memref<40x128xf32, #tpu.memory_space<vmem>>, %arg13: memref<10112x128xf32, #tpu.memory_space<vmem_shared>>, %arg14: memref<!tpu.dma_semaphore, #tpu.memory_space<semaphore_mem>>, %arg15: memref<!tpu.dma_semaphore, #tpu.memory_space<semaphore_mem>>) attributes {dimension_semantics = [#tpu.dimension_semantics<core_parallel>, #tpu.dimension_semantics<subcore_parallel>], iteration_bounds = array<i64: 2, 16>, scalar_prefetch = 0 : i64, scratch_operands = 9 : i64, tpu.core_type = #tpu.core_type<sc_vector_subcore>, window_params = [{transform_indices = #map}, {transform_indices = #map1}, {transform_indices = #map1}, {transform_indices = #map}, {transform_indices = #map2}]} {
    %mul3A = arith.constant 2 : i32
    %mul3A_0 = arith.muli %arg1, %mul3A : i32
    %add3A = arith.addi %mul3A_0, %arg0 : i32
    %mul3A_1 = arith.constant 632 : i32
    %mul3A_2 = arith.muli %arg1, %mul3A_1 : i32
    "tpu.region"() ({
      %run_scoped3A = tpu.sem_alloc : memref<!tpu.dma_semaphore, #tpu.memory_space<semaphore_mem>>
      %dma_start3A_27 = arith.constant 0 : i32
      %dma_start3A_28 = tpu.memref_slice %arg13[%mul3A_2, %dma_start3A_27] : memref<10112x128xf32, #tpu.memory_space<vmem_shared>> -> memref<632x128xf32, #tpu.memory_space<vmem_shared>>
      tpu.enqueue_dma source(%arg5 : memref<632x128xf32, #tpu.memory_space<hbm>>) target(%dma_start3A_28 : memref<632x128xf32, #tpu.memory_space<vmem_shared>>) target_semaphore(%run_scoped3A : memref<!tpu.dma_semaphore, #tpu.memory_space<semaphore_mem>>)
      %dma_wait3A_29 = arith.constant 0 : i32
      %dma_wait3A_30 = tpu.memref_slice %arg13[%mul3A_2, %dma_wait3A_29] : memref<10112x128xf32, #tpu.memory_space<vmem_shared>> -> memref<632x128xf32, #tpu.memory_space<vmem_shared>>
      tpu.wait_dma2 semaphore(%run_scoped3A : memref<!tpu.dma_semaphore, #tpu.memory_space<semaphore_mem>>) src(%arg5 : memref<632x128xf32, #tpu.memory_space<hbm>>) dst(%dma_wait3A_30 : memref<632x128xf32, #tpu.memory_space<vmem_shared>>)
      tpu.yield
    }) : () -> ()
    %barrier3A = arith.constant 0 : index
    tpu.barrier barrier_id(%barrier3A)
    %mul3A_3 = arith.constant 10000 : i32
    %mul3A_4 = arith.muli %add3A, %mul3A_3 : i32
    %add3A_5 = arith.constant 0 : i32
    %add3A_6 = arith.addi %mul3A_4, %add3A_5 : i32
    "tpu.region"() ({
      %run_scoped3A = tpu.sem_alloc : memref<!tpu.dma_semaphore, #tpu.memory_space<semaphore_mem>>
      %dma_start3A_27 = tpu.memref_slice %arg3[%add3A_6] : memref<320000xi32, #tpu.memory_space<hbm>> -> memref<40xi32, #tpu.memory_space<hbm>>
      %dma_start3A_28 = tpu.memref_slice %arg3[%add3A_6] : memref<320000xi32, #tpu.memory_space<hbm>> -> memref<40xi32, #tpu.memory_space<hbm>>
      tpu.enqueue_dma source(%dma_start3A_28 : memref<40xi32, #tpu.memory_space<hbm>>) target(%arg7 : memref<40xi32, #tpu.memory_space<vmem>>) target_semaphore(%run_scoped3A : memref<!tpu.dma_semaphore, #tpu.memory_space<semaphore_mem>>)
      %dma_wait3A_29 = tpu.memref_slice %arg3[%add3A_6] : memref<320000xi32, #tpu.memory_space<hbm>> -> memref<40xi32, #tpu.memory_space<hbm>>
      %dma_wait3A_30 = tpu.memref_slice %arg3[%add3A_6] : memref<320000xi32, #tpu.memory_space<hbm>> -> memref<40xi32, #tpu.memory_space<hbm>>
      tpu.wait_dma2 semaphore(%run_scoped3A : memref<!tpu.dma_semaphore, #tpu.memory_space<semaphore_mem>>) src(%dma_wait3A_30 : memref<40xi32, #tpu.memory_space<hbm>>) dst(%arg7 : memref<40xi32, #tpu.memory_space<vmem>>)
      tpu.yield
    }) : () -> ()
    "tpu.region"() ({
      %run_scoped3A = tpu.sem_alloc : memref<!tpu.dma_semaphore, #tpu.memory_space<semaphore_mem>>
      %dma_start3A_27 = tpu.memref_slice %arg4[%add3A_6] : memref<320000xi32, #tpu.memory_space<hbm>> -> memref<40xi32, #tpu.memory_space<hbm>>
      %dma_start3A_28 = tpu.memref_slice %arg4[%add3A_6] : memref<320000xi32, #tpu.memory_space<hbm>> -> memref<40xi32, #tpu.memory_space<hbm>>
      tpu.enqueue_dma source(%dma_start3A_28 : memref<40xi32, #tpu.memory_space<hbm>>) target(%arg8 : memref<40xi32, #tpu.memory_space<vmem>>) target_semaphore(%run_scoped3A : memref<!tpu.dma_semaphore, #tpu.memory_space<semaphore_mem>>)
      %dma_wait3A_29 = tpu.memref_slice %arg4[%add3A_6] : memref<320000xi32, #tpu.memory_space<hbm>> -> memref<40xi32, #tpu.memory_space<hbm>>
      %dma_wait3A_30 = tpu.memref_slice %arg4[%add3A_6] : memref<320000xi32, #tpu.memory_space<hbm>> -> memref<40xi32, #tpu.memory_space<hbm>>
      tpu.wait_dma2 semaphore(%run_scoped3A : memref<!tpu.dma_semaphore, #tpu.memory_space<semaphore_mem>>) src(%dma_wait3A_30 : memref<40xi32, #tpu.memory_space<hbm>>) dst(%arg8 : memref<40xi32, #tpu.memory_space<vmem>>)
      tpu.yield
    }) : () -> ()
    %dma_start3A = arith.constant 0 : i32
    %dma_start3A_7 = arith.constant 0 : i32
    %dma_start3A_8 = tpu.memref_slice %arg2[%dma_start3A, %dma_start3A_7] : memref<10000x128xf32, #tpu.memory_space<hbm>> -> memref<10000x128xf32, #tpu.memory_space<hbm>>
    tpu.enqueue_indirect_dma source(%dma_start3A_8 : memref<10000x128xf32, #tpu.memory_space<hbm>>) target(%arg11 : memref<40x128xf32, #tpu.memory_space<vmem>>) offsets(%arg7 : memref<40xi32, #tpu.memory_space<vmem>>) semaphore(%arg14 : memref<!tpu.dma_semaphore, #tpu.memory_space<semaphore_mem>>)
    %scan3A = arith.constant 0 : i32
    %scan3A_9 = arith.constant 0 : i32
    %scan3A_10 = arith.constant 124 : i32
    %scan3A_11 = arith.addi %scan3A_9, %scan3A_10 : i32
    %scan3A_12 = arith.constant 1 : i32
    scf.for %scan3A_27 = %scan3A_9 to %scan3A_11 step %scan3A_12  : i32 {
      %mul3A_28 = arith.constant 2 : i32
      %mul3A_29 = arith.muli %mul3A_28, %scan3A_27 : i32
      %add3A_30 = arith.constant 1 : i32
      %add3A_31 = arith.addi %mul3A_29, %add3A_30 : i32
      %mul3A_32 = arith.constant 40 : i32
      %mul3A_33 = arith.muli %add3A_31, %mul3A_32 : i32
      %add3A_34 = arith.addi %mul3A_4, %mul3A_33 : i32
      "tpu.region"() ({
        %run_scoped3A = tpu.sem_alloc : memref<!tpu.dma_semaphore, #tpu.memory_space<semaphore_mem>>
        %dma_start3A_54 = tpu.memref_slice %arg3[%add3A_34] : memref<320000xi32, #tpu.memory_space<hbm>> -> memref<40xi32, #tpu.memory_space<hbm>>
        %dma_start3A_55 = tpu.memref_slice %arg3[%add3A_34] : memref<320000xi32, #tpu.memory_space<hbm>> -> memref<40xi32, #tpu.memory_space<hbm>>
        tpu.enqueue_dma source(%dma_start3A_55 : memref<40xi32, #tpu.memory_space<hbm>>) target(%arg9 : memref<40xi32, #tpu.memory_space<vmem>>) target_semaphore(%run_scoped3A : memref<!tpu.dma_semaphore, #tpu.memory_space<semaphore_mem>>)
        %dma_wait3A_56 = tpu.memref_slice %arg3[%add3A_34] : memref<320000xi32, #tpu.memory_space<hbm>> -> memref<40xi32, #tpu.memory_space<hbm>>
        %dma_wait3A_57 = tpu.memref_slice %arg3[%add3A_34] : memref<320000xi32, #tpu.memory_space<hbm>> -> memref<40xi32, #tpu.memory_space<hbm>>
        tpu.wait_dma2 semaphore(%run_scoped3A : memref<!tpu.dma_semaphore, #tpu.memory_space<semaphore_mem>>) src(%dma_wait3A_57 : memref<40xi32, #tpu.memory_space<hbm>>) dst(%arg9 : memref<40xi32, #tpu.memory_space<vmem>>)
        tpu.yield
      }) : () -> ()
      "tpu.region"() ({
        %run_scoped3A = tpu.sem_alloc : memref<!tpu.dma_semaphore, #tpu.memory_space<semaphore_mem>>
        %dma_start3A_54 = tpu.memref_slice %arg4[%add3A_34] : memref<320000xi32, #tpu.memory_space<hbm>> -> memref<40xi32, #tpu.memory_space<hbm>>
        %dma_start3A_55 = tpu.memref_slice %arg4[%add3A_34] : memref<320000xi32, #tpu.memory_space<hbm>> -> memref<40xi32, #tpu.memory_space<hbm>>
        tpu.enqueue_dma source(%dma_start3A_55 : memref<40xi32, #tpu.memory_space<hbm>>) target(%arg10 : memref<40xi32, #tpu.memory_space<vmem>>) target_semaphore(%run_scoped3A : memref<!tpu.dma_semaphore, #tpu.memory_space<semaphore_mem>>)
        %dma_wait3A_56 = tpu.memref_slice %arg4[%add3A_34] : memref<320000xi32, #tpu.memory_space<hbm>> -> memref<40xi32, #tpu.memory_space<hbm>>
        %dma_wait3A_57 = tpu.memref_slice %arg4[%add3A_34] : memref<320000xi32, #tpu.memory_space<hbm>> -> memref<40xi32, #tpu.memory_space<hbm>>
        tpu.wait_dma2 semaphore(%run_scoped3A : memref<!tpu.dma_semaphore, #tpu.memory_space<semaphore_mem>>) src(%dma_wait3A_57 : memref<40xi32, #tpu.memory_space<hbm>>) dst(%arg10 : memref<40xi32, #tpu.memory_space<vmem>>)
        tpu.yield
      }) : () -> ()
      %dma_start3A_35 = arith.constant 0 : i32
      %dma_start3A_36 = arith.constant 0 : i32
      %dma_start3A_37 = tpu.memref_slice %arg2[%dma_start3A_35, %dma_start3A_36] : memref<10000x128xf32, #tpu.memory_space<hbm>> -> memref<10000x128xf32, #tpu.memory_space<hbm>>
      tpu.enqueue_indirect_dma source(%dma_start3A_37 : memref<10000x128xf32, #tpu.memory_space<hbm>>) target(%arg12 : memref<40x128xf32, #tpu.memory_space<vmem>>) offsets(%arg9 : memref<40xi32, #tpu.memory_space<vmem>>) semaphore(%arg15 : memref<!tpu.dma_semaphore, #tpu.memory_space<semaphore_mem>>)
      %dma_wait3A_38 = arith.constant 0 : i32
      %dma_wait3A_39 = arith.constant 0 : i32
      %dma_wait3A_40 = tpu.memref_slice %arg2[%dma_wait3A_38, %dma_wait3A_39] : memref<10000x128xf32, #tpu.memory_space<hbm>> -> memref<10000x128xf32, #tpu.memory_space<hbm>>
      tpu.wait_indirect_dma semaphore(%arg14 : memref<!tpu.dma_semaphore, #tpu.memory_space<semaphore_mem>>) src(%dma_wait3A_40 : memref<10000x128xf32, #tpu.memory_space<hbm>>) dst(%arg11 : memref<40x128xf32, #tpu.memory_space<vmem>>)
      "tpu.region"() ({
        %run_scoped3A = tpu.sem_alloc : memref<!tpu.dma_semaphore, #tpu.memory_space<semaphore_mem>>
        %dma_start3A_54 = arith.constant 0 : i32
        %dma_start3A_55 = arith.constant 0 : i32
        %dma_start3A_56 = tpu.memref_slice %arg13[%dma_start3A_54, %dma_start3A_55] : memref<10112x128xf32, #tpu.memory_space<vmem_shared>> -> memref<10112x128xf32, #tpu.memory_space<vmem_shared>>
        tpu.enqueue_indirect_dma source(%arg11 : memref<40x128xf32, #tpu.memory_space<vmem>>) target(%dma_start3A_56 : memref<10112x128xf32, #tpu.memory_space<vmem_shared>>) offsets(%arg8 : memref<40xi32, #tpu.memory_space<vmem>>) semaphore(%run_scoped3A : memref<!tpu.dma_semaphore, #tpu.memory_space<semaphore_mem>>) {add = true}
        %dma_wait3A_57 = arith.constant 0 : i32
        %dma_wait3A_58 = arith.constant 0 : i32
        %dma_wait3A_59 = tpu.memref_slice %arg13[%dma_wait3A_57, %dma_wait3A_58] : memref<10112x128xf32, #tpu.memory_space<vmem_shared>> -> memref<10112x128xf32, #tpu.memory_space<vmem_shared>>
        tpu.wait_indirect_dma semaphore(%run_scoped3A : memref<!tpu.dma_semaphore, #tpu.memory_space<semaphore_mem>>) src(%arg11 : memref<40x128xf32, #tpu.memory_space<vmem>>) dst(%dma_wait3A_59 : memref<10112x128xf32, #tpu.memory_space<vmem_shared>>)
        tpu.yield
      }) : () -> ()
      %mul3A_41 = arith.constant 2 : i32
      %mul3A_42 = arith.muli %mul3A_41, %scan3A_27 : i32
      %add3A_43 = arith.constant 2 : i32
      %add3A_44 = arith.addi %mul3A_42, %add3A_43 : i32
      %mul3A_45 = arith.constant 40 : i32
      %mul3A_46 = arith.muli %add3A_44, %mul3A_45 : i32
      %add3A_47 = arith.addi %mul3A_4, %mul3A_46 : i32
      "tpu.region"() ({
        %run_scoped3A = tpu.sem_alloc : memref<!tpu.dma_semaphore, #tpu.memory_space<semaphore_mem>>
        %dma_start3A_54 = tpu.memref_slice %arg3[%add3A_47] : memref<320000xi32, #tpu.memory_space<hbm>> -> memref<40xi32, #tpu.memory_space<hbm>>
        %dma_start3A_55 = tpu.memref_slice %arg3[%add3A_47] : memref<320000xi32, #tpu.memory_space<hbm>> -> memref<40xi32, #tpu.memory_space<hbm>>
        tpu.enqueue_dma source(%dma_start3A_55 : memref<40xi32, #tpu.memory_space<hbm>>) target(%arg7 : memref<40xi32, #tpu.memory_space<vmem>>) target_semaphore(%run_scoped3A : memref<!tpu.dma_semaphore, #tpu.memory_space<semaphore_mem>>)
        %dma_wait3A_56 = tpu.memref_slice %arg3[%add3A_47] : memref<320000xi32, #tpu.memory_space<hbm>> -> memref<40xi32, #tpu.memory_space<hbm>>
        %dma_wait3A_57 = tpu.memref_slice %arg3[%add3A_47] : memref<320000xi32, #tpu.memory_space<hbm>> -> memref<40xi32, #tpu.memory_space<hbm>>
        tpu.wait_dma2 semaphore(%run_scoped3A : memref<!tpu.dma_semaphore, #tpu.memory_space<semaphore_mem>>) src(%dma_wait3A_57 : memref<40xi32, #tpu.memory_space<hbm>>) dst(%arg7 : memref<40xi32, #tpu.memory_space<vmem>>)
        tpu.yield
      }) : () -> ()
      "tpu.region"() ({
        %run_scoped3A = tpu.sem_alloc : memref<!tpu.dma_semaphore, #tpu.memory_space<semaphore_mem>>
        %dma_start3A_54 = tpu.memref_slice %arg4[%add3A_47] : memref<320000xi32, #tpu.memory_space<hbm>> -> memref<40xi32, #tpu.memory_space<hbm>>
        %dma_start3A_55 = tpu.memref_slice %arg4[%add3A_47] : memref<320000xi32, #tpu.memory_space<hbm>> -> memref<40xi32, #tpu.memory_space<hbm>>
        tpu.enqueue_dma source(%dma_start3A_55 : memref<40xi32, #tpu.memory_space<hbm>>) target(%arg8 : memref<40xi32, #tpu.memory_space<vmem>>) target_semaphore(%run_scoped3A : memref<!tpu.dma_semaphore, #tpu.memory_space<semaphore_mem>>)
        %dma_wait3A_56 = tpu.memref_slice %arg4[%add3A_47] : memref<320000xi32, #tpu.memory_space<hbm>> -> memref<40xi32, #tpu.memory_space<hbm>>
        %dma_wait3A_57 = tpu.memref_slice %arg4[%add3A_47] : memref<320000xi32, #tpu.memory_space<hbm>> -> memref<40xi32, #tpu.memory_space<hbm>>
        tpu.wait_dma2 semaphore(%run_scoped3A : memref<!tpu.dma_semaphore, #tpu.memory_space<semaphore_mem>>) src(%dma_wait3A_57 : memref<40xi32, #tpu.memory_space<hbm>>) dst(%arg8 : memref<40xi32, #tpu.memory_space<vmem>>)
        tpu.yield
      }) : () -> ()
      %dma_start3A_48 = arith.constant 0 : i32
      %dma_start3A_49 = arith.constant 0 : i32
      %dma_start3A_50 = tpu.memref_slice %arg2[%dma_start3A_48, %dma_start3A_49] : memref<10000x128xf32, #tpu.memory_space<hbm>> -> memref<10000x128xf32, #tpu.memory_space<hbm>>
      tpu.enqueue_indirect_dma source(%dma_start3A_50 : memref<10000x128xf32, #tpu.memory_space<hbm>>) target(%arg11 : memref<40x128xf32, #tpu.memory_space<vmem>>) offsets(%arg7 : memref<40xi32, #tpu.memory_space<vmem>>) semaphore(%arg14 : memref<!tpu.dma_semaphore, #tpu.memory_space<semaphore_mem>>)
      %dma_wait3A_51 = arith.constant 0 : i32
      %dma_wait3A_52 = arith.constant 0 : i32
      %dma_wait3A_53 = tpu.memref_slice %arg2[%dma_wait3A_51, %dma_wait3A_52] : memref<10000x128xf32, #tpu.memory_space<hbm>> -> memref<10000x128xf32, #tpu.memory_space<hbm>>
      tpu.wait_indirect_dma semaphore(%arg15 : memref<!tpu.dma_semaphore, #tpu.memory_space<semaphore_mem>>) src(%dma_wait3A_53 : memref<10000x128xf32, #tpu.memory_space<hbm>>) dst(%arg12 : memref<40x128xf32, #tpu.memory_space<vmem>>)
      "tpu.region"() ({
        %run_scoped3A = tpu.sem_alloc : memref<!tpu.dma_semaphore, #tpu.memory_space<semaphore_mem>>
        %dma_start3A_54 = arith.constant 0 : i32
        %dma_start3A_55 = arith.constant 0 : i32
        %dma_start3A_56 = tpu.memref_slice %arg13[%dma_start3A_54, %dma_start3A_55] : memref<10112x128xf32, #tpu.memory_space<vmem_shared>> -> memref<10112x128xf32, #tpu.memory_space<vmem_shared>>
        tpu.enqueue_indirect_dma source(%arg12 : memref<40x128xf32, #tpu.memory_space<vmem>>) target(%dma_start3A_56 : memref<10112x128xf32, #tpu.memory_space<vmem_shared>>) offsets(%arg10 : memref<40xi32, #tpu.memory_space<vmem>>) semaphore(%run_scoped3A : memref<!tpu.dma_semaphore, #tpu.memory_space<semaphore_mem>>) {add = true}
        %dma_wait3A_57 = arith.constant 0 : i32
        %dma_wait3A_58 = arith.constant 0 : i32
        %dma_wait3A_59 = tpu.memref_slice %arg13[%dma_wait3A_57, %dma_wait3A_58] : memref<10112x128xf32, #tpu.memory_space<vmem_shared>> -> memref<10112x128xf32, #tpu.memory_space<vmem_shared>>
        tpu.wait_indirect_dma semaphore(%run_scoped3A : memref<!tpu.dma_semaphore, #tpu.memory_space<semaphore_mem>>) src(%arg12 : memref<40x128xf32, #tpu.memory_space<vmem>>) dst(%dma_wait3A_59 : memref<10112x128xf32, #tpu.memory_space<vmem_shared>>)
        tpu.yield
      }) : () -> ()
    }
    %scan3A_13 = arith.constant 124 : i32
    %add3A_14 = arith.constant 9960 : i32
    %add3A_15 = arith.addi %mul3A_4, %add3A_14 : i32
    "tpu.region"() ({
      %run_scoped3A = tpu.sem_alloc : memref<!tpu.dma_semaphore, #tpu.memory_space<semaphore_mem>>
      %dma_start3A_27 = tpu.memref_slice %arg3[%add3A_15] : memref<320000xi32, #tpu.memory_space<hbm>> -> memref<40xi32, #tpu.memory_space<hbm>>
      %dma_start3A_28 = tpu.memref_slice %arg3[%add3A_15] : memref<320000xi32, #tpu.memory_space<hbm>> -> memref<40xi32, #tpu.memory_space<hbm>>
      tpu.enqueue_dma source(%dma_start3A_28 : memref<40xi32, #tpu.memory_space<hbm>>) target(%arg9 : memref<40xi32, #tpu.memory_space<vmem>>) target_semaphore(%run_scoped3A : memref<!tpu.dma_semaphore, #tpu.memory_space<semaphore_mem>>)
      %dma_wait3A_29 = tpu.memref_slice %arg3[%add3A_15] : memref<320000xi32, #tpu.memory_space<hbm>> -> memref<40xi32, #tpu.memory_space<hbm>>
      %dma_wait3A_30 = tpu.memref_slice %arg3[%add3A_15] : memref<320000xi32, #tpu.memory_space<hbm>> -> memref<40xi32, #tpu.memory_space<hbm>>
      tpu.wait_dma2 semaphore(%run_scoped3A : memref<!tpu.dma_semaphore, #tpu.memory_space<semaphore_mem>>) src(%dma_wait3A_30 : memref<40xi32, #tpu.memory_space<hbm>>) dst(%arg9 : memref<40xi32, #tpu.memory_space<vmem>>)
      tpu.yield
    }) : () -> ()
    "tpu.region"() ({
      %run_scoped3A = tpu.sem_alloc : memref<!tpu.dma_semaphore, #tpu.memory_space<semaphore_mem>>
      %dma_start3A_27 = tpu.memref_slice %arg4[%add3A_15] : memref<320000xi32, #tpu.memory_space<hbm>> -> memref<40xi32, #tpu.memory_space<hbm>>
      %dma_start3A_28 = tpu.memref_slice %arg4[%add3A_15] : memref<320000xi32, #tpu.memory_space<hbm>> -> memref<40xi32, #tpu.memory_space<hbm>>
      tpu.enqueue_dma source(%dma_start3A_28 : memref<40xi32, #tpu.memory_space<hbm>>) target(%arg10 : memref<40xi32, #tpu.memory_space<vmem>>) target_semaphore(%run_scoped3A : memref<!tpu.dma_semaphore, #tpu.memory_space<semaphore_mem>>)
      %dma_wait3A_29 = tpu.memref_slice %arg4[%add3A_15] : memref<320000xi32, #tpu.memory_space<hbm>> -> memref<40xi32, #tpu.memory_space<hbm>>
      %dma_wait3A_30 = tpu.memref_slice %arg4[%add3A_15] : memref<320000xi32, #tpu.memory_space<hbm>> -> memref<40xi32, #tpu.memory_space<hbm>>
      tpu.wait_dma2 semaphore(%run_scoped3A : memref<!tpu.dma_semaphore, #tpu.memory_space<semaphore_mem>>) src(%dma_wait3A_30 : memref<40xi32, #tpu.memory_space<hbm>>) dst(%arg10 : memref<40xi32, #tpu.memory_space<vmem>>)
      tpu.yield
    }) : () -> ()
    %dma_start3A_16 = arith.constant 0 : i32
    %dma_start3A_17 = arith.constant 0 : i32
    %dma_start3A_18 = tpu.memref_slice %arg2[%dma_start3A_16, %dma_start3A_17] : memref<10000x128xf32, #tpu.memory_space<hbm>> -> memref<10000x128xf32, #tpu.memory_space<hbm>>
    tpu.enqueue_indirect_dma source(%dma_start3A_18 : memref<10000x128xf32, #tpu.memory_space<hbm>>) target(%arg12 : memref<40x128xf32, #tpu.memory_space<vmem>>) offsets(%arg9 : memref<40xi32, #tpu.memory_space<vmem>>) semaphore(%arg15 : memref<!tpu.dma_semaphore, #tpu.memory_space<semaphore_mem>>)
    %dma_wait3A = arith.constant 0 : i32
    %dma_wait3A_19 = arith.constant 0 : i32
    %dma_wait3A_20 = tpu.memref_slice %arg2[%dma_wait3A, %dma_wait3A_19] : memref<10000x128xf32, #tpu.memory_space<hbm>> -> memref<10000x128xf32, #tpu.memory_space<hbm>>
    tpu.wait_indirect_dma semaphore(%arg14 : memref<!tpu.dma_semaphore, #tpu.memory_space<semaphore_mem>>) src(%dma_wait3A_20 : memref<10000x128xf32, #tpu.memory_space<hbm>>) dst(%arg11 : memref<40x128xf32, #tpu.memory_space<vmem>>)
    "tpu.region"() ({
      %run_scoped3A = tpu.sem_alloc : memref<!tpu.dma_semaphore, #tpu.memory_space<semaphore_mem>>
      %dma_start3A_27 = arith.constant 0 : i32
      %dma_start3A_28 = arith.constant 0 : i32
      %dma_start3A_29 = tpu.memref_slice %arg13[%dma_start3A_27, %dma_start3A_28] : memref<10112x128xf32, #tpu.memory_space<vmem_shared>> -> memref<10112x128xf32, #tpu.memory_space<vmem_shared>>
      tpu.enqueue_indirect_dma source(%arg11 : memref<40x128xf32, #tpu.memory_space<vmem>>) target(%dma_start3A_29 : memref<10112x128xf32, #tpu.memory_space<vmem_shared>>) offsets(%arg8 : memref<40xi32, #tpu.memory_space<vmem>>) semaphore(%run_scoped3A : memref<!tpu.dma_semaphore, #tpu.memory_space<semaphore_mem>>) {add = true}
      %dma_wait3A_30 = arith.constant 0 : i32
      %dma_wait3A_31 = arith.constant 0 : i32
      %dma_wait3A_32 = tpu.memref_slice %arg13[%dma_wait3A_30, %dma_wait3A_31] : memref<10112x128xf32, #tpu.memory_space<vmem_shared>> -> memref<10112x128xf32, #tpu.memory_space<vmem_shared>>
      tpu.wait_indirect_dma semaphore(%run_scoped3A : memref<!tpu.dma_semaphore, #tpu.memory_space<semaphore_mem>>) src(%arg11 : memref<40x128xf32, #tpu.memory_space<vmem>>) dst(%dma_wait3A_32 : memref<10112x128xf32, #tpu.memory_space<vmem_shared>>)
      tpu.yield
    }) : () -> ()
    %dma_wait3A_21 = arith.constant 0 : i32
    %dma_wait3A_22 = arith.constant 0 : i32
    %dma_wait3A_23 = tpu.memref_slice %arg2[%dma_wait3A_21, %dma_wait3A_22] : memref<10000x128xf32, #tpu.memory_space<hbm>> -> memref<10000x128xf32, #tpu.memory_space<hbm>>
    tpu.wait_indirect_dma semaphore(%arg15 : memref<!tpu.dma_semaphore, #tpu.memory_space<semaphore_mem>>) src(%dma_wait3A_23 : memref<10000x128xf32, #tpu.memory_space<hbm>>) dst(%arg12 : memref<40x128xf32, #tpu.memory_space<vmem>>)
    "tpu.region"() ({
      %run_scoped3A = tpu.sem_alloc : memref<!tpu.dma_semaphore, #tpu.memory_space<semaphore_mem>>
      %dma_start3A_27 = arith.constant 0 : i32
      %dma_start3A_28 = arith.constant 0 : i32
      %dma_start3A_29 = tpu.memref_slice %arg13[%dma_start3A_27, %dma_start3A_28] : memref<10112x128xf32, #tpu.memory_space<vmem_shared>> -> memref<10112x128xf32, #tpu.memory_space<vmem_shared>>
      tpu.enqueue_indirect_dma source(%arg12 : memref<40x128xf32, #tpu.memory_space<vmem>>) target(%dma_start3A_29 : memref<10112x128xf32, #tpu.memory_space<vmem_shared>>) offsets(%arg10 : memref<40xi32, #tpu.memory_space<vmem>>) semaphore(%run_scoped3A : memref<!tpu.dma_semaphore, #tpu.memory_space<semaphore_mem>>) {add = true}
      %dma_wait3A_30 = arith.constant 0 : i32
      %dma_wait3A_31 = arith.constant 0 : i32
      %dma_wait3A_32 = tpu.memref_slice %arg13[%dma_wait3A_30, %dma_wait3A_31] : memref<10112x128xf32, #tpu.memory_space<vmem_shared>> -> memref<10112x128xf32, #tpu.memory_space<vmem_shared>>
      tpu.wait_indirect_dma semaphore(%run_scoped3A : memref<!tpu.dma_semaphore, #tpu.memory_space<semaphore_mem>>) src(%arg12 : memref<40x128xf32, #tpu.memory_space<vmem>>) dst(%dma_wait3A_32 : memref<10112x128xf32, #tpu.memory_space<vmem_shared>>)
      tpu.yield
    }) : () -> ()
    %barrier3A_24 = arith.constant 0 : index
    tpu.barrier barrier_id(%barrier3A_24)
    %mul3A_25 = arith.constant 632 : i32
    %mul3A_26 = arith.muli %arg1, %mul3A_25 : i32
    "tpu.region"() ({
      %run_scoped3A = tpu.sem_alloc : memref<!tpu.dma_semaphore, #tpu.memory_space<semaphore_mem>>
      %dma_start3A_27 = arith.constant 0 : i32
      %dma_start3A_28 = arith.constant 0 : i32
      %dma_start3A_29 = tpu.memref_slice %arg6[%arg0, %arg1, %dma_start3A_27, %dma_start3A_28] : memref<2x16x632x128xf32, #tpu.memory_space<hbm>> -> memref<1x1x632x128xf32, #tpu.memory_space<hbm>>
      %dma_start3A_30 = tpu.memref_squeeze %dma_start3A_29 : memref<1x1x632x128xf32, #tpu.memory_space<hbm>> -> memref<632x128xf32, #tpu.memory_space<hbm>>
      %dma_start3A_31 = arith.constant 0 : i32
      %dma_start3A_32 = tpu.memref_slice %arg13[%mul3A_26, %dma_start3A_31] : memref<10112x128xf32, #tpu.memory_space<vmem_shared>> -> memref<632x128xf32, #tpu.memory_space<vmem_shared>>
      tpu.enqueue_dma source(%dma_start3A_32 : memref<632x128xf32, #tpu.memory_space<vmem_shared>>) target(%dma_start3A_30 : memref<632x128xf32, #tpu.memory_space<hbm>>) target_semaphore(%run_scoped3A : memref<!tpu.dma_semaphore, #tpu.memory_space<semaphore_mem>>)
      %dma_wait3A_33 = arith.constant 0 : i32
      %dma_wait3A_34 = arith.constant 0 : i32
      %dma_wait3A_35 = tpu.memref_slice %arg6[%arg0, %arg1, %dma_wait3A_33, %dma_wait3A_34] : memref<2x16x632x128xf32, #tpu.memory_space<hbm>> -> memref<1x1x632x128xf32, #tpu.memory_space<hbm>>
      %dma_wait3A_36 = tpu.memref_squeeze %dma_wait3A_35 : memref<1x1x632x128xf32, #tpu.memory_space<hbm>> -> memref<632x128xf32, #tpu.memory_space<hbm>>
      %dma_wait3A_37 = arith.constant 0 : i32
      %dma_wait3A_38 = tpu.memref_slice %arg13[%mul3A_26, %dma_wait3A_37] : memref<10112x128xf32, #tpu.memory_space<vmem_shared>> -> memref<632x128xf32, #tpu.memory_space<vmem_shared>>
      tpu.wait_dma2 semaphore(%run_scoped3A : memref<!tpu.dma_semaphore, #tpu.memory_space<semaphore_mem>>) src(%dma_wait3A_38 : memref<632x128xf32, #tpu.memory_space<vmem_shared>>) dst(%dma_wait3A_36 : memref<632x128xf32, #tpu.memory_space<hbm>>)
      tpu.yield
    }) : () -> ()
    return
  }
}

#map = affine_map<(d0, d1) -> (0)>
#map1 = affine_map<(d0, d1) -> (0, 0)>
#map2 = affine_map<(d0, d1) -> (0, 0, 0, 0)>
module attributes {stable_mosaic.version = 14 : i64} {
  func.func @_deg_sc(%arg0: i32, %arg1: i32, %arg2: memref<320000xi32, #tpu.memory_space<hbm>>, %arg3: memref<80x128xf32, #tpu.memory_space<hbm>>, %arg4: memref<632x128xf32, #tpu.memory_space<hbm>>, %arg5: memref<2x16x632x128xf32, #tpu.memory_space<hbm>>, %arg6: memref<80xi32, #tpu.memory_space<vmem>>, %arg7: memref<80x128xf32, #tpu.memory_space<vmem>>, %arg8: memref<10112x128xf32, #tpu.memory_space<vmem_shared>>, %arg9: memref<!tpu.dma_semaphore, #tpu.memory_space<semaphore_mem>>) attributes {dimension_semantics = [#tpu.dimension_semantics<core_parallel>, #tpu.dimension_semantics<subcore_parallel>], iteration_bounds = array<i64: 2, 16>, scalar_prefetch = 0 : i64, scratch_operands = 4 : i64, tpu.core_type = #tpu.core_type<sc_vector_subcore>, window_params = [{transform_indices = #map}, {transform_indices = #map1}, {transform_indices = #map1}, {transform_indices = #map2}]} {
    %mul3A = arith.constant 2 : i32
    %mul3A_0 = arith.muli %arg1, %mul3A : i32
    %add3A = arith.addi %mul3A_0, %arg0 : i32
    %mul3A_1 = arith.constant 632 : i32
    %mul3A_2 = arith.muli %arg1, %mul3A_1 : i32
    "tpu.region"() ({
      %run_scoped3A = tpu.sem_alloc : memref<!tpu.dma_semaphore, #tpu.memory_space<semaphore_mem>>
      %dma_start3A = arith.constant 0 : i32
      %dma_start3A_11 = tpu.memref_slice %arg8[%mul3A_2, %dma_start3A] : memref<10112x128xf32, #tpu.memory_space<vmem_shared>> -> memref<632x128xf32, #tpu.memory_space<vmem_shared>>
      tpu.enqueue_dma source(%arg4 : memref<632x128xf32, #tpu.memory_space<hbm>>) target(%dma_start3A_11 : memref<632x128xf32, #tpu.memory_space<vmem_shared>>) target_semaphore(%run_scoped3A : memref<!tpu.dma_semaphore, #tpu.memory_space<semaphore_mem>>)
      %dma_wait3A = arith.constant 0 : i32
      %dma_wait3A_12 = tpu.memref_slice %arg8[%mul3A_2, %dma_wait3A] : memref<10112x128xf32, #tpu.memory_space<vmem_shared>> -> memref<632x128xf32, #tpu.memory_space<vmem_shared>>
      tpu.wait_dma2 semaphore(%run_scoped3A : memref<!tpu.dma_semaphore, #tpu.memory_space<semaphore_mem>>) src(%arg4 : memref<632x128xf32, #tpu.memory_space<hbm>>) dst(%dma_wait3A_12 : memref<632x128xf32, #tpu.memory_space<vmem_shared>>)
      tpu.yield
    }) : () -> ()
    "tpu.region"() ({
      %run_scoped3A = tpu.sem_alloc : memref<!tpu.dma_semaphore, #tpu.memory_space<semaphore_mem>>
      tpu.enqueue_dma source(%arg3 : memref<80x128xf32, #tpu.memory_space<hbm>>) target(%arg7 : memref<80x128xf32, #tpu.memory_space<vmem>>) target_semaphore(%run_scoped3A : memref<!tpu.dma_semaphore, #tpu.memory_space<semaphore_mem>>)
      tpu.wait_dma2 semaphore(%run_scoped3A : memref<!tpu.dma_semaphore, #tpu.memory_space<semaphore_mem>>) src(%arg3 : memref<80x128xf32, #tpu.memory_space<hbm>>) dst(%arg7 : memref<80x128xf32, #tpu.memory_space<vmem>>)
      tpu.yield
    }) : () -> ()
    %barrier3A = arith.constant 0 : index
    tpu.barrier barrier_id(%barrier3A)
    %scan3A = arith.constant 0 : i32
    %scan3A_3 = arith.constant 0 : i32
    %scan3A_4 = arith.constant 125 : i32
    %scan3A_5 = arith.addi %scan3A_3, %scan3A_4 : i32
    %scan3A_6 = arith.constant 1 : i32
    scf.for %scan3A_11 = %scan3A_3 to %scan3A_5 step %scan3A_6  : i32 {
      %mul3A_12 = arith.constant 10000 : i32
      %mul3A_13 = arith.muli %add3A, %mul3A_12 : i32
      %mul3A_14 = arith.constant 80 : i32
      %mul3A_15 = arith.muli %scan3A_11, %mul3A_14 : i32
      %add3A_16 = arith.addi %mul3A_13, %mul3A_15 : i32
      "tpu.region"() ({
        %run_scoped3A = tpu.sem_alloc : memref<!tpu.dma_semaphore, #tpu.memory_space<semaphore_mem>>
        %dma_start3A = tpu.memref_slice %arg2[%add3A_16] : memref<320000xi32, #tpu.memory_space<hbm>> -> memref<80xi32, #tpu.memory_space<hbm>>
        %dma_start3A_17 = tpu.memref_slice %arg2[%add3A_16] : memref<320000xi32, #tpu.memory_space<hbm>> -> memref<80xi32, #tpu.memory_space<hbm>>
        tpu.enqueue_dma source(%dma_start3A_17 : memref<80xi32, #tpu.memory_space<hbm>>) target(%arg6 : memref<80xi32, #tpu.memory_space<vmem>>) target_semaphore(%run_scoped3A : memref<!tpu.dma_semaphore, #tpu.memory_space<semaphore_mem>>)
        %dma_wait3A = tpu.memref_slice %arg2[%add3A_16] : memref<320000xi32, #tpu.memory_space<hbm>> -> memref<80xi32, #tpu.memory_space<hbm>>
        %dma_wait3A_18 = tpu.memref_slice %arg2[%add3A_16] : memref<320000xi32, #tpu.memory_space<hbm>> -> memref<80xi32, #tpu.memory_space<hbm>>
        tpu.wait_dma2 semaphore(%run_scoped3A : memref<!tpu.dma_semaphore, #tpu.memory_space<semaphore_mem>>) src(%dma_wait3A_18 : memref<80xi32, #tpu.memory_space<hbm>>) dst(%arg6 : memref<80xi32, #tpu.memory_space<vmem>>)
        tpu.yield
      }) : () -> ()
      "tpu.region"() ({
        %run_scoped3A = tpu.sem_alloc : memref<!tpu.dma_semaphore, #tpu.memory_space<semaphore_mem>>
        %dma_start3A = arith.constant 0 : i32
        %dma_start3A_17 = arith.constant 0 : i32
        %dma_start3A_18 = tpu.memref_slice %arg8[%dma_start3A, %dma_start3A_17] : memref<10112x128xf32, #tpu.memory_space<vmem_shared>> -> memref<10112x128xf32, #tpu.memory_space<vmem_shared>>
        tpu.enqueue_indirect_dma source(%arg7 : memref<80x128xf32, #tpu.memory_space<vmem>>) target(%dma_start3A_18 : memref<10112x128xf32, #tpu.memory_space<vmem_shared>>) offsets(%arg6 : memref<80xi32, #tpu.memory_space<vmem>>) semaphore(%run_scoped3A : memref<!tpu.dma_semaphore, #tpu.memory_space<semaphore_mem>>) {add = true}
        %dma_wait3A = arith.constant 0 : i32
        %dma_wait3A_19 = arith.constant 0 : i32
        %dma_wait3A_20 = tpu.memref_slice %arg8[%dma_wait3A, %dma_wait3A_19] : memref<10112x128xf32, #tpu.memory_space<vmem_shared>> -> memref<10112x128xf32, #tpu.memory_space<vmem_shared>>
        tpu.wait_indirect_dma semaphore(%run_scoped3A : memref<!tpu.dma_semaphore, #tpu.memory_space<semaphore_mem>>) src(%arg7 : memref<80x128xf32, #tpu.memory_space<vmem>>) dst(%dma_wait3A_20 : memref<10112x128xf32, #tpu.memory_space<vmem_shared>>)
        tpu.yield
      }) : () -> ()
    }
    %scan3A_7 = arith.constant 125 : i32
    %barrier3A_8 = arith.constant 0 : index
    tpu.barrier barrier_id(%barrier3A_8)
    %mul3A_9 = arith.constant 632 : i32
    %mul3A_10 = arith.muli %arg1, %mul3A_9 : i32
    "tpu.region"() ({
      %run_scoped3A = tpu.sem_alloc : memref<!tpu.dma_semaphore, #tpu.memory_space<semaphore_mem>>
      %dma_start3A = arith.constant 0 : i32
      %dma_start3A_11 = arith.constant 0 : i32
      %dma_start3A_12 = tpu.memref_slice %arg5[%arg0, %arg1, %dma_start3A, %dma_start3A_11] : memref<2x16x632x128xf32, #tpu.memory_space<hbm>> -> memref<1x1x632x128xf32, #tpu.memory_space<hbm>>
      %dma_start3A_13 = tpu.memref_squeeze %dma_start3A_12 : memref<1x1x632x128xf32, #tpu.memory_space<hbm>> -> memref<632x128xf32, #tpu.memory_space<hbm>>
      %dma_start3A_14 = arith.constant 0 : i32
      %dma_start3A_15 = tpu.memref_slice %arg8[%mul3A_10, %dma_start3A_14] : memref<10112x128xf32, #tpu.memory_space<vmem_shared>> -> memref<632x128xf32, #tpu.memory_space<vmem_shared>>
      tpu.enqueue_dma source(%dma_start3A_15 : memref<632x128xf32, #tpu.memory_space<vmem_shared>>) target(%dma_start3A_13 : memref<632x128xf32, #tpu.memory_space<hbm>>) target_semaphore(%run_scoped3A : memref<!tpu.dma_semaphore, #tpu.memory_space<semaphore_mem>>)
      %dma_wait3A = arith.constant 0 : i32
      %dma_wait3A_16 = arith.constant 0 : i32
      %dma_wait3A_17 = tpu.memref_slice %arg5[%arg0, %arg1, %dma_wait3A, %dma_wait3A_16] : memref<2x16x632x128xf32, #tpu.memory_space<hbm>> -> memref<1x1x632x128xf32, #tpu.memory_space<hbm>>
      %dma_wait3A_18 = tpu.memref_squeeze %dma_wait3A_17 : memref<1x1x632x128xf32, #tpu.memory_space<hbm>> -> memref<632x128xf32, #tpu.memory_space<hbm>>
      %dma_wait3A_19 = arith.constant 0 : i32
      %dma_wait3A_20 = tpu.memref_slice %arg8[%mul3A_10, %dma_wait3A_19] : memref<10112x128xf32, #tpu.memory_space<vmem_shared>> -> memref<632x128xf32, #tpu.memory_space<vmem_shared>>
      tpu.wait_dma2 semaphore(%run_scoped3A : memref<!tpu.dma_semaphore, #tpu.memory_space<semaphore_mem>>) src(%dma_wait3A_20 : memref<632x128xf32, #tpu.memory_space<vmem_shared>>) dst(%dma_wait3A_18 : memref<632x128xf32, #tpu.memory_space<hbm>>)
      tpu.yield
    }) : () -> ()
    return
  }
}

#map = affine_map<(d0, d1) -> (0, 0)>
#map1 = affine_map<(d0, d1) -> (0)>
#map2 = affine_map<(d0, d1) -> (0, 0, 0, 0)>
module attributes {stable_mosaic.version = 14 : i64} {
  func.func @_scatter_sc(%arg0: i32, %arg1: i32, %arg2: memref<10000x128xf32, #tpu.memory_space<hbm>>, %arg3: memref<320000xi32, #tpu.memory_space<hbm>>, %arg4: memref<320000xi32, #tpu.memory_space<hbm>>, %arg5: memref<632x128xf32, #tpu.memory_space<hbm>>, %arg6: memref<2x16x632x128xf32, #tpu.memory_space<hbm>>, %arg7: memref<40xi32, #tpu.memory_space<vmem>>, %arg8: memref<40xi32, #tpu.memory_space<vmem>>, %arg9: memref<40xi32, #tpu.memory_space<vmem>>, %arg10: memref<40xi32, #tpu.memory_space<vmem>>, %arg11: memref<40x128xf32, #tpu.memory_space<vmem>>, %arg12: memref<40x128xf32, #tpu.memory_space<vmem>>, %arg13: memref<10112x128xf32, #tpu.memory_space<vmem_shared>>, %arg14: memref<!tpu.dma_semaphore, #tpu.memory_space<semaphore_mem>>, %arg15: memref<!tpu.dma_semaphore, #tpu.memory_space<semaphore_mem>>) attributes {dimension_semantics = [#tpu.dimension_semantics<core_parallel>, #tpu.dimension_semantics<subcore_parallel>], iteration_bounds = array<i64: 2, 16>, scalar_prefetch = 0 : i64, scratch_operands = 9 : i64, tpu.core_type = #tpu.core_type<sc_vector_subcore>, window_params = [{transform_indices = #map}, {transform_indices = #map1}, {transform_indices = #map1}, {transform_indices = #map}, {transform_indices = #map2}]} {
    %mul3A = arith.constant 2 : i32
    %mul3A_0 = arith.muli %arg1, %mul3A : i32
    %add3A = arith.addi %mul3A_0, %arg0 : i32
    %mul3A_1 = arith.constant 632 : i32
    %mul3A_2 = arith.muli %arg1, %mul3A_1 : i32
    "tpu.region"() ({
      %run_scoped3A = tpu.sem_alloc : memref<!tpu.dma_semaphore, #tpu.memory_space<semaphore_mem>>
      %dma_start3A_27 = arith.constant 0 : i32
      %dma_start3A_28 = tpu.memref_slice %arg13[%mul3A_2, %dma_start3A_27] : memref<10112x128xf32, #tpu.memory_space<vmem_shared>> -> memref<632x128xf32, #tpu.memory_space<vmem_shared>>
      tpu.enqueue_dma source(%arg5 : memref<632x128xf32, #tpu.memory_space<hbm>>) target(%dma_start3A_28 : memref<632x128xf32, #tpu.memory_space<vmem_shared>>) target_semaphore(%run_scoped3A : memref<!tpu.dma_semaphore, #tpu.memory_space<semaphore_mem>>)
      %dma_wait3A_29 = arith.constant 0 : i32
      %dma_wait3A_30 = tpu.memref_slice %arg13[%mul3A_2, %dma_wait3A_29] : memref<10112x128xf32, #tpu.memory_space<vmem_shared>> -> memref<632x128xf32, #tpu.memory_space<vmem_shared>>
      tpu.wait_dma2 semaphore(%run_scoped3A : memref<!tpu.dma_semaphore, #tpu.memory_space<semaphore_mem>>) src(%arg5 : memref<632x128xf32, #tpu.memory_space<hbm>>) dst(%dma_wait3A_30 : memref<632x128xf32, #tpu.memory_space<vmem_shared>>)
      tpu.yield
    }) : () -> ()
    %barrier3A = arith.constant 0 : index
    tpu.barrier barrier_id(%barrier3A)
    %mul3A_3 = arith.constant 10000 : i32
    %mul3A_4 = arith.muli %add3A, %mul3A_3 : i32
    %add3A_5 = arith.constant 0 : i32
    %add3A_6 = arith.addi %mul3A_4, %add3A_5 : i32
    "tpu.region"() ({
      %run_scoped3A = tpu.sem_alloc : memref<!tpu.dma_semaphore, #tpu.memory_space<semaphore_mem>>
      %dma_start3A_27 = tpu.memref_slice %arg3[%add3A_6] : memref<320000xi32, #tpu.memory_space<hbm>> -> memref<40xi32, #tpu.memory_space<hbm>>
      %dma_start3A_28 = tpu.memref_slice %arg3[%add3A_6] : memref<320000xi32, #tpu.memory_space<hbm>> -> memref<40xi32, #tpu.memory_space<hbm>>
      tpu.enqueue_dma source(%dma_start3A_28 : memref<40xi32, #tpu.memory_space<hbm>>) target(%arg7 : memref<40xi32, #tpu.memory_space<vmem>>) target_semaphore(%run_scoped3A : memref<!tpu.dma_semaphore, #tpu.memory_space<semaphore_mem>>)
      %dma_wait3A_29 = tpu.memref_slice %arg3[%add3A_6] : memref<320000xi32, #tpu.memory_space<hbm>> -> memref<40xi32, #tpu.memory_space<hbm>>
      %dma_wait3A_30 = tpu.memref_slice %arg3[%add3A_6] : memref<320000xi32, #tpu.memory_space<hbm>> -> memref<40xi32, #tpu.memory_space<hbm>>
      tpu.wait_dma2 semaphore(%run_scoped3A : memref<!tpu.dma_semaphore, #tpu.memory_space<semaphore_mem>>) src(%dma_wait3A_30 : memref<40xi32, #tpu.memory_space<hbm>>) dst(%arg7 : memref<40xi32, #tpu.memory_space<vmem>>)
      tpu.yield
    }) : () -> ()
    "tpu.region"() ({
      %run_scoped3A = tpu.sem_alloc : memref<!tpu.dma_semaphore, #tpu.memory_space<semaphore_mem>>
      %dma_start3A_27 = tpu.memref_slice %arg4[%add3A_6] : memref<320000xi32, #tpu.memory_space<hbm>> -> memref<40xi32, #tpu.memory_space<hbm>>
      %dma_start3A_28 = tpu.memref_slice %arg4[%add3A_6] : memref<320000xi32, #tpu.memory_space<hbm>> -> memref<40xi32, #tpu.memory_space<hbm>>
      tpu.enqueue_dma source(%dma_start3A_28 : memref<40xi32, #tpu.memory_space<hbm>>) target(%arg8 : memref<40xi32, #tpu.memory_space<vmem>>) target_semaphore(%run_scoped3A : memref<!tpu.dma_semaphore, #tpu.memory_space<semaphore_mem>>)
      %dma_wait3A_29 = tpu.memref_slice %arg4[%add3A_6] : memref<320000xi32, #tpu.memory_space<hbm>> -> memref<40xi32, #tpu.memory_space<hbm>>
      %dma_wait3A_30 = tpu.memref_slice %arg4[%add3A_6] : memref<320000xi32, #tpu.memory_space<hbm>> -> memref<40xi32, #tpu.memory_space<hbm>>
      tpu.wait_dma2 semaphore(%run_scoped3A : memref<!tpu.dma_semaphore, #tpu.memory_space<semaphore_mem>>) src(%dma_wait3A_30 : memref<40xi32, #tpu.memory_space<hbm>>) dst(%arg8 : memref<40xi32, #tpu.memory_space<vmem>>)
      tpu.yield
    }) : () -> ()
    %dma_start3A = arith.constant 0 : i32
    %dma_start3A_7 = arith.constant 0 : i32
    %dma_start3A_8 = tpu.memref_slice %arg2[%dma_start3A, %dma_start3A_7] : memref<10000x128xf32, #tpu.memory_space<hbm>> -> memref<10000x128xf32, #tpu.memory_space<hbm>>
    tpu.enqueue_indirect_dma source(%dma_start3A_8 : memref<10000x128xf32, #tpu.memory_space<hbm>>) target(%arg11 : memref<40x128xf32, #tpu.memory_space<vmem>>) offsets(%arg7 : memref<40xi32, #tpu.memory_space<vmem>>) semaphore(%arg14 : memref<!tpu.dma_semaphore, #tpu.memory_space<semaphore_mem>>)
    %scan3A = arith.constant 0 : i32
    %scan3A_9 = arith.constant 0 : i32
    %scan3A_10 = arith.constant 124 : i32
    %scan3A_11 = arith.addi %scan3A_9, %scan3A_10 : i32
    %scan3A_12 = arith.constant 1 : i32
    scf.for %scan3A_27 = %scan3A_9 to %scan3A_11 step %scan3A_12  : i32 {
      %mul3A_28 = arith.constant 2 : i32
      %mul3A_29 = arith.muli %mul3A_28, %scan3A_27 : i32
      %add3A_30 = arith.constant 1 : i32
      %add3A_31 = arith.addi %mul3A_29, %add3A_30 : i32
      %mul3A_32 = arith.constant 40 : i32
      %mul3A_33 = arith.muli %add3A_31, %mul3A_32 : i32
      %add3A_34 = arith.addi %mul3A_4, %mul3A_33 : i32
      "tpu.region"() ({
        %run_scoped3A = tpu.sem_alloc : memref<!tpu.dma_semaphore, #tpu.memory_space<semaphore_mem>>
        %dma_start3A_54 = tpu.memref_slice %arg3[%add3A_34] : memref<320000xi32, #tpu.memory_space<hbm>> -> memref<40xi32, #tpu.memory_space<hbm>>
        %dma_start3A_55 = tpu.memref_slice %arg3[%add3A_34] : memref<320000xi32, #tpu.memory_space<hbm>> -> memref<40xi32, #tpu.memory_space<hbm>>
        tpu.enqueue_dma source(%dma_start3A_55 : memref<40xi32, #tpu.memory_space<hbm>>) target(%arg9 : memref<40xi32, #tpu.memory_space<vmem>>) target_semaphore(%run_scoped3A : memref<!tpu.dma_semaphore, #tpu.memory_space<semaphore_mem>>)
        %dma_wait3A_56 = tpu.memref_slice %arg3[%add3A_34] : memref<320000xi32, #tpu.memory_space<hbm>> -> memref<40xi32, #tpu.memory_space<hbm>>
        %dma_wait3A_57 = tpu.memref_slice %arg3[%add3A_34] : memref<320000xi32, #tpu.memory_space<hbm>> -> memref<40xi32, #tpu.memory_space<hbm>>
        tpu.wait_dma2 semaphore(%run_scoped3A : memref<!tpu.dma_semaphore, #tpu.memory_space<semaphore_mem>>) src(%dma_wait3A_57 : memref<40xi32, #tpu.memory_space<hbm>>) dst(%arg9 : memref<40xi32, #tpu.memory_space<vmem>>)
        tpu.yield
      }) : () -> ()
      "tpu.region"() ({
        %run_scoped3A = tpu.sem_alloc : memref<!tpu.dma_semaphore, #tpu.memory_space<semaphore_mem>>
        %dma_start3A_54 = tpu.memref_slice %arg4[%add3A_34] : memref<320000xi32, #tpu.memory_space<hbm>> -> memref<40xi32, #tpu.memory_space<hbm>>
        %dma_start3A_55 = tpu.memref_slice %arg4[%add3A_34] : memref<320000xi32, #tpu.memory_space<hbm>> -> memref<40xi32, #tpu.memory_space<hbm>>
        tpu.enqueue_dma source(%dma_start3A_55 : memref<40xi32, #tpu.memory_space<hbm>>) target(%arg10 : memref<40xi32, #tpu.memory_space<vmem>>) target_semaphore(%run_scoped3A : memref<!tpu.dma_semaphore, #tpu.memory_space<semaphore_mem>>)
        %dma_wait3A_56 = tpu.memref_slice %arg4[%add3A_34] : memref<320000xi32, #tpu.memory_space<hbm>> -> memref<40xi32, #tpu.memory_space<hbm>>
        %dma_wait3A_57 = tpu.memref_slice %arg4[%add3A_34] : memref<320000xi32, #tpu.memory_space<hbm>> -> memref<40xi32, #tpu.memory_space<hbm>>
        tpu.wait_dma2 semaphore(%run_scoped3A : memref<!tpu.dma_semaphore, #tpu.memory_space<semaphore_mem>>) src(%dma_wait3A_57 : memref<40xi32, #tpu.memory_space<hbm>>) dst(%arg10 : memref<40xi32, #tpu.memory_space<vmem>>)
        tpu.yield
      }) : () -> ()
      %dma_start3A_35 = arith.constant 0 : i32
      %dma_start3A_36 = arith.constant 0 : i32
      %dma_start3A_37 = tpu.memref_slice %arg2[%dma_start3A_35, %dma_start3A_36] : memref<10000x128xf32, #tpu.memory_space<hbm>> -> memref<10000x128xf32, #tpu.memory_space<hbm>>
      tpu.enqueue_indirect_dma source(%dma_start3A_37 : memref<10000x128xf32, #tpu.memory_space<hbm>>) target(%arg12 : memref<40x128xf32, #tpu.memory_space<vmem>>) offsets(%arg9 : memref<40xi32, #tpu.memory_space<vmem>>) semaphore(%arg15 : memref<!tpu.dma_semaphore, #tpu.memory_space<semaphore_mem>>)
      %dma_wait3A_38 = arith.constant 0 : i32
      %dma_wait3A_39 = arith.constant 0 : i32
      %dma_wait3A_40 = tpu.memref_slice %arg2[%dma_wait3A_38, %dma_wait3A_39] : memref<10000x128xf32, #tpu.memory_space<hbm>> -> memref<10000x128xf32, #tpu.memory_space<hbm>>
      tpu.wait_indirect_dma semaphore(%arg14 : memref<!tpu.dma_semaphore, #tpu.memory_space<semaphore_mem>>) src(%dma_wait3A_40 : memref<10000x128xf32, #tpu.memory_space<hbm>>) dst(%arg11 : memref<40x128xf32, #tpu.memory_space<vmem>>)
      "tpu.region"() ({
        %run_scoped3A = tpu.sem_alloc : memref<!tpu.dma_semaphore, #tpu.memory_space<semaphore_mem>>
        %dma_start3A_54 = arith.constant 0 : i32
        %dma_start3A_55 = arith.constant 0 : i32
        %dma_start3A_56 = tpu.memref_slice %arg13[%dma_start3A_54, %dma_start3A_55] : memref<10112x128xf32, #tpu.memory_space<vmem_shared>> -> memref<10112x128xf32, #tpu.memory_space<vmem_shared>>
        tpu.enqueue_indirect_dma source(%arg11 : memref<40x128xf32, #tpu.memory_space<vmem>>) target(%dma_start3A_56 : memref<10112x128xf32, #tpu.memory_space<vmem_shared>>) offsets(%arg8 : memref<40xi32, #tpu.memory_space<vmem>>) semaphore(%run_scoped3A : memref<!tpu.dma_semaphore, #tpu.memory_space<semaphore_mem>>) {add = true}
        %dma_wait3A_57 = arith.constant 0 : i32
        %dma_wait3A_58 = arith.constant 0 : i32
        %dma_wait3A_59 = tpu.memref_slice %arg13[%dma_wait3A_57, %dma_wait3A_58] : memref<10112x128xf32, #tpu.memory_space<vmem_shared>> -> memref<10112x128xf32, #tpu.memory_space<vmem_shared>>
        tpu.wait_indirect_dma semaphore(%run_scoped3A : memref<!tpu.dma_semaphore, #tpu.memory_space<semaphore_mem>>) src(%arg11 : memref<40x128xf32, #tpu.memory_space<vmem>>) dst(%dma_wait3A_59 : memref<10112x128xf32, #tpu.memory_space<vmem_shared>>)
        tpu.yield
      }) : () -> ()
      %mul3A_41 = arith.constant 2 : i32
      %mul3A_42 = arith.muli %mul3A_41, %scan3A_27 : i32
      %add3A_43 = arith.constant 2 : i32
      %add3A_44 = arith.addi %mul3A_42, %add3A_43 : i32
      %mul3A_45 = arith.constant 40 : i32
      %mul3A_46 = arith.muli %add3A_44, %mul3A_45 : i32
      %add3A_47 = arith.addi %mul3A_4, %mul3A_46 : i32
      "tpu.region"() ({
        %run_scoped3A = tpu.sem_alloc : memref<!tpu.dma_semaphore, #tpu.memory_space<semaphore_mem>>
        %dma_start3A_54 = tpu.memref_slice %arg3[%add3A_47] : memref<320000xi32, #tpu.memory_space<hbm>> -> memref<40xi32, #tpu.memory_space<hbm>>
        %dma_start3A_55 = tpu.memref_slice %arg3[%add3A_47] : memref<320000xi32, #tpu.memory_space<hbm>> -> memref<40xi32, #tpu.memory_space<hbm>>
        tpu.enqueue_dma source(%dma_start3A_55 : memref<40xi32, #tpu.memory_space<hbm>>) target(%arg7 : memref<40xi32, #tpu.memory_space<vmem>>) target_semaphore(%run_scoped3A : memref<!tpu.dma_semaphore, #tpu.memory_space<semaphore_mem>>)
        %dma_wait3A_56 = tpu.memref_slice %arg3[%add3A_47] : memref<320000xi32, #tpu.memory_space<hbm>> -> memref<40xi32, #tpu.memory_space<hbm>>
        %dma_wait3A_57 = tpu.memref_slice %arg3[%add3A_47] : memref<320000xi32, #tpu.memory_space<hbm>> -> memref<40xi32, #tpu.memory_space<hbm>>
        tpu.wait_dma2 semaphore(%run_scoped3A : memref<!tpu.dma_semaphore, #tpu.memory_space<semaphore_mem>>) src(%dma_wait3A_57 : memref<40xi32, #tpu.memory_space<hbm>>) dst(%arg7 : memref<40xi32, #tpu.memory_space<vmem>>)
        tpu.yield
      }) : () -> ()
      "tpu.region"() ({
        %run_scoped3A = tpu.sem_alloc : memref<!tpu.dma_semaphore, #tpu.memory_space<semaphore_mem>>
        %dma_start3A_54 = tpu.memref_slice %arg4[%add3A_47] : memref<320000xi32, #tpu.memory_space<hbm>> -> memref<40xi32, #tpu.memory_space<hbm>>
        %dma_start3A_55 = tpu.memref_slice %arg4[%add3A_47] : memref<320000xi32, #tpu.memory_space<hbm>> -> memref<40xi32, #tpu.memory_space<hbm>>
        tpu.enqueue_dma source(%dma_start3A_55 : memref<40xi32, #tpu.memory_space<hbm>>) target(%arg8 : memref<40xi32, #tpu.memory_space<vmem>>) target_semaphore(%run_scoped3A : memref<!tpu.dma_semaphore, #tpu.memory_space<semaphore_mem>>)
        %dma_wait3A_56 = tpu.memref_slice %arg4[%add3A_47] : memref<320000xi32, #tpu.memory_space<hbm>> -> memref<40xi32, #tpu.memory_space<hbm>>
        %dma_wait3A_57 = tpu.memref_slice %arg4[%add3A_47] : memref<320000xi32, #tpu.memory_space<hbm>> -> memref<40xi32, #tpu.memory_space<hbm>>
        tpu.wait_dma2 semaphore(%run_scoped3A : memref<!tpu.dma_semaphore, #tpu.memory_space<semaphore_mem>>) src(%dma_wait3A_57 : memref<40xi32, #tpu.memory_space<hbm>>) dst(%arg8 : memref<40xi32, #tpu.memory_space<vmem>>)
        tpu.yield
      }) : () -> ()
      %dma_start3A_48 = arith.constant 0 : i32
      %dma_start3A_49 = arith.constant 0 : i32
      %dma_start3A_50 = tpu.memref_slice %arg2[%dma_start3A_48, %dma_start3A_49] : memref<10000x128xf32, #tpu.memory_space<hbm>> -> memref<10000x128xf32, #tpu.memory_space<hbm>>
      tpu.enqueue_indirect_dma source(%dma_start3A_50 : memref<10000x128xf32, #tpu.memory_space<hbm>>) target(%arg11 : memref<40x128xf32, #tpu.memory_space<vmem>>) offsets(%arg7 : memref<40xi32, #tpu.memory_space<vmem>>) semaphore(%arg14 : memref<!tpu.dma_semaphore, #tpu.memory_space<semaphore_mem>>)
      %dma_wait3A_51 = arith.constant 0 : i32
      %dma_wait3A_52 = arith.constant 0 : i32
      %dma_wait3A_53 = tpu.memref_slice %arg2[%dma_wait3A_51, %dma_wait3A_52] : memref<10000x128xf32, #tpu.memory_space<hbm>> -> memref<10000x128xf32, #tpu.memory_space<hbm>>
      tpu.wait_indirect_dma semaphore(%arg15 : memref<!tpu.dma_semaphore, #tpu.memory_space<semaphore_mem>>) src(%dma_wait3A_53 : memref<10000x128xf32, #tpu.memory_space<hbm>>) dst(%arg12 : memref<40x128xf32, #tpu.memory_space<vmem>>)
      "tpu.region"() ({
        %run_scoped3A = tpu.sem_alloc : memref<!tpu.dma_semaphore, #tpu.memory_space<semaphore_mem>>
        %dma_start3A_54 = arith.constant 0 : i32
        %dma_start3A_55 = arith.constant 0 : i32
        %dma_start3A_56 = tpu.memref_slice %arg13[%dma_start3A_54, %dma_start3A_55] : memref<10112x128xf32, #tpu.memory_space<vmem_shared>> -> memref<10112x128xf32, #tpu.memory_space<vmem_shared>>
        tpu.enqueue_indirect_dma source(%arg12 : memref<40x128xf32, #tpu.memory_space<vmem>>) target(%dma_start3A_56 : memref<10112x128xf32, #tpu.memory_space<vmem_shared>>) offsets(%arg10 : memref<40xi32, #tpu.memory_space<vmem>>) semaphore(%run_scoped3A : memref<!tpu.dma_semaphore, #tpu.memory_space<semaphore_mem>>) {add = true}
        %dma_wait3A_57 = arith.constant 0 : i32
        %dma_wait3A_58 = arith.constant 0 : i32
        %dma_wait3A_59 = tpu.memref_slice %arg13[%dma_wait3A_57, %dma_wait3A_58] : memref<10112x128xf32, #tpu.memory_space<vmem_shared>> -> memref<10112x128xf32, #tpu.memory_space<vmem_shared>>
        tpu.wait_indirect_dma semaphore(%run_scoped3A : memref<!tpu.dma_semaphore, #tpu.memory_space<semaphore_mem>>) src(%arg12 : memref<40x128xf32, #tpu.memory_space<vmem>>) dst(%dma_wait3A_59 : memref<10112x128xf32, #tpu.memory_space<vmem_shared>>)
        tpu.yield
      }) : () -> ()
    }
    %scan3A_13 = arith.constant 124 : i32
    %add3A_14 = arith.constant 9960 : i32
    %add3A_15 = arith.addi %mul3A_4, %add3A_14 : i32
    "tpu.region"() ({
      %run_scoped3A = tpu.sem_alloc : memref<!tpu.dma_semaphore, #tpu.memory_space<semaphore_mem>>
      %dma_start3A_27 = tpu.memref_slice %arg3[%add3A_15] : memref<320000xi32, #tpu.memory_space<hbm>> -> memref<40xi32, #tpu.memory_space<hbm>>
      %dma_start3A_28 = tpu.memref_slice %arg3[%add3A_15] : memref<320000xi32, #tpu.memory_space<hbm>> -> memref<40xi32, #tpu.memory_space<hbm>>
      tpu.enqueue_dma source(%dma_start3A_28 : memref<40xi32, #tpu.memory_space<hbm>>) target(%arg9 : memref<40xi32, #tpu.memory_space<vmem>>) target_semaphore(%run_scoped3A : memref<!tpu.dma_semaphore, #tpu.memory_space<semaphore_mem>>)
      %dma_wait3A_29 = tpu.memref_slice %arg3[%add3A_15] : memref<320000xi32, #tpu.memory_space<hbm>> -> memref<40xi32, #tpu.memory_space<hbm>>
      %dma_wait3A_30 = tpu.memref_slice %arg3[%add3A_15] : memref<320000xi32, #tpu.memory_space<hbm>> -> memref<40xi32, #tpu.memory_space<hbm>>
      tpu.wait_dma2 semaphore(%run_scoped3A : memref<!tpu.dma_semaphore, #tpu.memory_space<semaphore_mem>>) src(%dma_wait3A_30 : memref<40xi32, #tpu.memory_space<hbm>>) dst(%arg9 : memref<40xi32, #tpu.memory_space<vmem>>)
      tpu.yield
    }) : () -> ()
    "tpu.region"() ({
      %run_scoped3A = tpu.sem_alloc : memref<!tpu.dma_semaphore, #tpu.memory_space<semaphore_mem>>
      %dma_start3A_27 = tpu.memref_slice %arg4[%add3A_15] : memref<320000xi32, #tpu.memory_space<hbm>> -> memref<40xi32, #tpu.memory_space<hbm>>
      %dma_start3A_28 = tpu.memref_slice %arg4[%add3A_15] : memref<320000xi32, #tpu.memory_space<hbm>> -> memref<40xi32, #tpu.memory_space<hbm>>
      tpu.enqueue_dma source(%dma_start3A_28 : memref<40xi32, #tpu.memory_space<hbm>>) target(%arg10 : memref<40xi32, #tpu.memory_space<vmem>>) target_semaphore(%run_scoped3A : memref<!tpu.dma_semaphore, #tpu.memory_space<semaphore_mem>>)
      %dma_wait3A_29 = tpu.memref_slice %arg4[%add3A_15] : memref<320000xi32, #tpu.memory_space<hbm>> -> memref<40xi32, #tpu.memory_space<hbm>>
      %dma_wait3A_30 = tpu.memref_slice %arg4[%add3A_15] : memref<320000xi32, #tpu.memory_space<hbm>> -> memref<40xi32, #tpu.memory_space<hbm>>
      tpu.wait_dma2 semaphore(%run_scoped3A : memref<!tpu.dma_semaphore, #tpu.memory_space<semaphore_mem>>) src(%dma_wait3A_30 : memref<40xi32, #tpu.memory_space<hbm>>) dst(%arg10 : memref<40xi32, #tpu.memory_space<vmem>>)
      tpu.yield
    }) : () -> ()
    %dma_start3A_16 = arith.constant 0 : i32
    %dma_start3A_17 = arith.constant 0 : i32
    %dma_start3A_18 = tpu.memref_slice %arg2[%dma_start3A_16, %dma_start3A_17] : memref<10000x128xf32, #tpu.memory_space<hbm>> -> memref<10000x128xf32, #tpu.memory_space<hbm>>
    tpu.enqueue_indirect_dma source(%dma_start3A_18 : memref<10000x128xf32, #tpu.memory_space<hbm>>) target(%arg12 : memref<40x128xf32, #tpu.memory_space<vmem>>) offsets(%arg9 : memref<40xi32, #tpu.memory_space<vmem>>) semaphore(%arg15 : memref<!tpu.dma_semaphore, #tpu.memory_space<semaphore_mem>>)
    %dma_wait3A = arith.constant 0 : i32
    %dma_wait3A_19 = arith.constant 0 : i32
    %dma_wait3A_20 = tpu.memref_slice %arg2[%dma_wait3A, %dma_wait3A_19] : memref<10000x128xf32, #tpu.memory_space<hbm>> -> memref<10000x128xf32, #tpu.memory_space<hbm>>
    tpu.wait_indirect_dma semaphore(%arg14 : memref<!tpu.dma_semaphore, #tpu.memory_space<semaphore_mem>>) src(%dma_wait3A_20 : memref<10000x128xf32, #tpu.memory_space<hbm>>) dst(%arg11 : memref<40x128xf32, #tpu.memory_space<vmem>>)
    "tpu.region"() ({
      %run_scoped3A = tpu.sem_alloc : memref<!tpu.dma_semaphore, #tpu.memory_space<semaphore_mem>>
      %dma_start3A_27 = arith.constant 0 : i32
      %dma_start3A_28 = arith.constant 0 : i32
      %dma_start3A_29 = tpu.memref_slice %arg13[%dma_start3A_27, %dma_start3A_28] : memref<10112x128xf32, #tpu.memory_space<vmem_shared>> -> memref<10112x128xf32, #tpu.memory_space<vmem_shared>>
      tpu.enqueue_indirect_dma source(%arg11 : memref<40x128xf32, #tpu.memory_space<vmem>>) target(%dma_start3A_29 : memref<10112x128xf32, #tpu.memory_space<vmem_shared>>) offsets(%arg8 : memref<40xi32, #tpu.memory_space<vmem>>) semaphore(%run_scoped3A : memref<!tpu.dma_semaphore, #tpu.memory_space<semaphore_mem>>) {add = true}
      %dma_wait3A_30 = arith.constant 0 : i32
      %dma_wait3A_31 = arith.constant 0 : i32
      %dma_wait3A_32 = tpu.memref_slice %arg13[%dma_wait3A_30, %dma_wait3A_31] : memref<10112x128xf32, #tpu.memory_space<vmem_shared>> -> memref<10112x128xf32, #tpu.memory_space<vmem_shared>>
      tpu.wait_indirect_dma semaphore(%run_scoped3A : memref<!tpu.dma_semaphore, #tpu.memory_space<semaphore_mem>>) src(%arg11 : memref<40x128xf32, #tpu.memory_space<vmem>>) dst(%dma_wait3A_32 : memref<10112x128xf32, #tpu.memory_space<vmem_shared>>)
      tpu.yield
    }) : () -> ()
    %dma_wait3A_21 = arith.constant 0 : i32
    %dma_wait3A_22 = arith.constant 0 : i32
    %dma_wait3A_23 = tpu.memref_slice %arg2[%dma_wait3A_21, %dma_wait3A_22] : memref<10000x128xf32, #tpu.memory_space<hbm>> -> memref<10000x128xf32, #tpu.memory_space<hbm>>
    tpu.wait_indirect_dma semaphore(%arg15 : memref<!tpu.dma_semaphore, #tpu.memory_space<semaphore_mem>>) src(%dma_wait3A_23 : memref<10000x128xf32, #tpu.memory_space<hbm>>) dst(%arg12 : memref<40x128xf32, #tpu.memory_space<vmem>>)
    "tpu.region"() ({
      %run_scoped3A = tpu.sem_alloc : memref<!tpu.dma_semaphore, #tpu.memory_space<semaphore_mem>>
      %dma_start3A_27 = arith.constant 0 : i32
      %dma_start3A_28 = arith.constant 0 : i32
      %dma_start3A_29 = tpu.memref_slice %arg13[%dma_start3A_27, %dma_start3A_28] : memref<10112x128xf32, #tpu.memory_space<vmem_shared>> -> memref<10112x128xf32, #tpu.memory_space<vmem_shared>>
      tpu.enqueue_indirect_dma source(%arg12 : memref<40x128xf32, #tpu.memory_space<vmem>>) target(%dma_start3A_29 : memref<10112x128xf32, #tpu.memory_space<vmem_shared>>) offsets(%arg10 : memref<40xi32, #tpu.memory_space<vmem>>) semaphore(%run_scoped3A : memref<!tpu.dma_semaphore, #tpu.memory_space<semaphore_mem>>) {add = true}
      %dma_wait3A_30 = arith.constant 0 : i32
      %dma_wait3A_31 = arith.constant 0 : i32
      %dma_wait3A_32 = tpu.memref_slice %arg13[%dma_wait3A_30, %dma_wait3A_31] : memref<10112x128xf32, #tpu.memory_space<vmem_shared>> -> memref<10112x128xf32, #tpu.memory_space<vmem_shared>>
      tpu.wait_indirect_dma semaphore(%run_scoped3A : memref<!tpu.dma_semaphore, #tpu.memory_space<semaphore_mem>>) src(%arg12 : memref<40x128xf32, #tpu.memory_space<vmem>>) dst(%dma_wait3A_32 : memref<10112x128xf32, #tpu.memory_space<vmem_shared>>)
      tpu.yield
    }) : () -> ()
    %barrier3A_24 = arith.constant 0 : index
    tpu.barrier barrier_id(%barrier3A_24)
    %mul3A_25 = arith.constant 632 : i32
    %mul3A_26 = arith.muli %arg1, %mul3A_25 : i32
    "tpu.region"() ({
      %run_scoped3A = tpu.sem_alloc : memref<!tpu.dma_semaphore, #tpu.memory_space<semaphore_mem>>
      %dma_start3A_27 = arith.constant 0 : i32
      %dma_start3A_28 = arith.constant 0 : i32
      %dma_start3A_29 = tpu.memref_slice %arg6[%arg0, %arg1, %dma_start3A_27, %dma_start3A_28] : memref<2x16x632x128xf32, #tpu.memory_space<hbm>> -> memref<1x1x632x128xf32, #tpu.memory_space<hbm>>
      %dma_start3A_30 = tpu.memref_squeeze %dma_start3A_29 : memref<1x1x632x128xf32, #tpu.memory_space<hbm>> -> memref<632x128xf32, #tpu.memory_space<hbm>>
      %dma_start3A_31 = arith.constant 0 : i32
      %dma_start3A_32 = tpu.memref_slice %arg13[%mul3A_26, %dma_start3A_31] : memref<10112x128xf32, #tpu.memory_space<vmem_shared>> -> memref<632x128xf32, #tpu.memory_space<vmem_shared>>
      tpu.enqueue_dma source(%dma_start3A_32 : memref<632x128xf32, #tpu.memory_space<vmem_shared>>) target(%dma_start3A_30 : memref<632x128xf32, #tpu.memory_space<hbm>>) target_semaphore(%run_scoped3A : memref<!tpu.dma_semaphore, #tpu.memory_space<semaphore_mem>>)
      %dma_wait3A_33 = arith.constant 0 : i32
      %dma_wait3A_34 = arith.constant 0 : i32
      %dma_wait3A_35 = tpu.memref_slice %arg6[%arg0, %arg1, %dma_wait3A_33, %dma_wait3A_34] : memref<2x16x632x128xf32, #tpu.memory_space<hbm>> -> memref<1x1x632x128xf32, #tpu.memory_space<hbm>>
      %dma_wait3A_36 = tpu.memref_squeeze %dma_wait3A_35 : memref<1x1x632x128xf32, #tpu.memory_space<hbm>> -> memref<632x128xf32, #tpu.memory_space<hbm>>
      %dma_wait3A_37 = arith.constant 0 : i32
      %dma_wait3A_38 = tpu.memref_slice %arg13[%mul3A_26, %dma_wait3A_37] : memref<10112x128xf32, #tpu.memory_space<vmem_shared>> -> memref<632x128xf32, #tpu.memory_space<vmem_shared>>
      tpu.wait_dma2 semaphore(%run_scoped3A : memref<!tpu.dma_semaphore, #tpu.memory_space<semaphore_mem>>) src(%dma_wait3A_38 : memref<632x128xf32, #tpu.memory_space<vmem_shared>>) dst(%dma_wait3A_36 : memref<632x128xf32, #tpu.memory_space<hbm>>)
      tpu.yield
    }) : () -> ()
    return
  }
}

#map = affine_map<(d0, d1) -> (0, 0)>
#map1 = affine_map<(d0, d1) -> (0)>
module attributes {stable_mosaic.version = 14 : i64} {
  func.func @_dots_sc(%arg0: i32, %arg1: i32, %arg2: memref<10000x128xf32, #tpu.memory_space<hbm>>, %arg3: memref<320000xi32, #tpu.memory_space<hbm>>, %arg4: memref<320000xi32, #tpu.memory_space<hbm>>, %arg5: memref<320000x16xf32, #tpu.memory_space<hbm>>, %arg6: memref<40xi32, #tpu.memory_space<vmem>>, %arg7: memref<40xi32, #tpu.memory_space<vmem>>, %arg8: memref<40xi32, #tpu.memory_space<vmem>>, %arg9: memref<40xi32, #tpu.memory_space<vmem>>, %arg10: memref<40x128xf32, #tpu.memory_space<vmem>>, %arg11: memref<40x128xf32, #tpu.memory_space<vmem>>, %arg12: memref<40x128xf32, #tpu.memory_space<vmem>>, %arg13: memref<40x128xf32, #tpu.memory_space<vmem>>, %arg14: memref<40x16xf32, #tpu.memory_space<vmem>>, %arg15: memref<!tpu.dma_semaphore, #tpu.memory_space<semaphore_mem>>, %arg16: memref<!tpu.dma_semaphore, #tpu.memory_space<semaphore_mem>>) attributes {dimension_semantics = [#tpu.dimension_semantics<core_parallel>, #tpu.dimension_semantics<subcore_parallel>], iteration_bounds = array<i64: 2, 16>, scalar_prefetch = 0 : i64, scratch_operands = 11 : i64, tpu.core_type = #tpu.core_type<sc_vector_subcore>, window_params = [{transform_indices = #map}, {transform_indices = #map1}, {transform_indices = #map1}, {transform_indices = #map}]} {
    %mul3A = arith.constant 2 : i32
    %mul3A_0 = arith.muli %arg1, %mul3A : i32
    %add3A = arith.addi %mul3A_0, %arg0 : i32
    %mul3A_1 = arith.constant 10000 : i32
    %mul3A_2 = arith.muli %add3A, %mul3A_1 : i32
    %add3A_3 = arith.constant 0 : i32
    %add3A_4 = arith.addi %mul3A_2, %add3A_3 : i32
    "tpu.region"() ({
      %run_scoped3A = tpu.sem_alloc : memref<!tpu.dma_semaphore, #tpu.memory_space<semaphore_mem>>
      %dma_start3A_50 = tpu.memref_slice %arg3[%add3A_4] : memref<320000xi32, #tpu.memory_space<hbm>> -> memref<40xi32, #tpu.memory_space<hbm>>
      %dma_start3A_51 = tpu.memref_slice %arg3[%add3A_4] : memref<320000xi32, #tpu.memory_space<hbm>> -> memref<40xi32, #tpu.memory_space<hbm>>
      tpu.enqueue_dma source(%dma_start3A_51 : memref<40xi32, #tpu.memory_space<hbm>>) target(%arg6 : memref<40xi32, #tpu.memory_space<vmem>>) target_semaphore(%run_scoped3A : memref<!tpu.dma_semaphore, #tpu.memory_space<semaphore_mem>>)
      %dma_wait3A_52 = tpu.memref_slice %arg3[%add3A_4] : memref<320000xi32, #tpu.memory_space<hbm>> -> memref<40xi32, #tpu.memory_space<hbm>>
      %dma_wait3A_53 = tpu.memref_slice %arg3[%add3A_4] : memref<320000xi32, #tpu.memory_space<hbm>> -> memref<40xi32, #tpu.memory_space<hbm>>
      tpu.wait_dma2 semaphore(%run_scoped3A : memref<!tpu.dma_semaphore, #tpu.memory_space<semaphore_mem>>) src(%dma_wait3A_53 : memref<40xi32, #tpu.memory_space<hbm>>) dst(%arg6 : memref<40xi32, #tpu.memory_space<vmem>>)
      tpu.yield
    }) : () -> ()
    "tpu.region"() ({
      %run_scoped3A = tpu.sem_alloc : memref<!tpu.dma_semaphore, #tpu.memory_space<semaphore_mem>>
      %dma_start3A_50 = tpu.memref_slice %arg4[%add3A_4] : memref<320000xi32, #tpu.memory_space<hbm>> -> memref<40xi32, #tpu.memory_space<hbm>>
      %dma_start3A_51 = tpu.memref_slice %arg4[%add3A_4] : memref<320000xi32, #tpu.memory_space<hbm>> -> memref<40xi32, #tpu.memory_space<hbm>>
      tpu.enqueue_dma source(%dma_start3A_51 : memref<40xi32, #tpu.memory_space<hbm>>) target(%arg7 : memref<40xi32, #tpu.memory_space<vmem>>) target_semaphore(%run_scoped3A : memref<!tpu.dma_semaphore, #tpu.memory_space<semaphore_mem>>)
      %dma_wait3A_52 = tpu.memref_slice %arg4[%add3A_4] : memref<320000xi32, #tpu.memory_space<hbm>> -> memref<40xi32, #tpu.memory_space<hbm>>
      %dma_wait3A_53 = tpu.memref_slice %arg4[%add3A_4] : memref<320000xi32, #tpu.memory_space<hbm>> -> memref<40xi32, #tpu.memory_space<hbm>>
      tpu.wait_dma2 semaphore(%run_scoped3A : memref<!tpu.dma_semaphore, #tpu.memory_space<semaphore_mem>>) src(%dma_wait3A_53 : memref<40xi32, #tpu.memory_space<hbm>>) dst(%arg7 : memref<40xi32, #tpu.memory_space<vmem>>)
      tpu.yield
    }) : () -> ()
    %dma_start3A = arith.constant 0 : i32
    %dma_start3A_5 = arith.constant 0 : i32
    %dma_start3A_6 = tpu.memref_slice %arg2[%dma_start3A, %dma_start3A_5] : memref<10000x128xf32, #tpu.memory_space<hbm>> -> memref<10000x128xf32, #tpu.memory_space<hbm>>
    tpu.enqueue_indirect_dma source(%dma_start3A_6 : memref<10000x128xf32, #tpu.memory_space<hbm>>) target(%arg10 : memref<40x128xf32, #tpu.memory_space<vmem>>) offsets(%arg6 : memref<40xi32, #tpu.memory_space<vmem>>) semaphore(%arg15 : memref<!tpu.dma_semaphore, #tpu.memory_space<semaphore_mem>>)
    %dma_start3A_7 = arith.constant 0 : i32
    %dma_start3A_8 = arith.constant 0 : i32
    %dma_start3A_9 = tpu.memref_slice %arg2[%dma_start3A_7, %dma_start3A_8] : memref<10000x128xf32, #tpu.memory_space<hbm>> -> memref<10000x128xf32, #tpu.memory_space<hbm>>
    tpu.enqueue_indirect_dma source(%dma_start3A_9 : memref<10000x128xf32, #tpu.memory_space<hbm>>) target(%arg11 : memref<40x128xf32, #tpu.memory_space<vmem>>) offsets(%arg7 : memref<40xi32, #tpu.memory_space<vmem>>) semaphore(%arg15 : memref<!tpu.dma_semaphore, #tpu.memory_space<semaphore_mem>>)
    %scan3A = arith.constant 0 : i32
    %scan3A_10 = arith.constant 0 : i32
    %scan3A_11 = arith.constant 124 : i32
    %scan3A_12 = arith.addi %scan3A_10, %scan3A_11 : i32
    %scan3A_13 = arith.constant 1 : i32
    scf.for %scan3A_50 = %scan3A_10 to %scan3A_12 step %scan3A_13  : i32 {
      %mul3A_51 = arith.constant 2 : i32
      %mul3A_52 = arith.muli %mul3A_51, %scan3A_50 : i32
      %add3A_53 = arith.constant 1 : i32
      %add3A_54 = arith.addi %mul3A_52, %add3A_53 : i32
      %mul3A_55 = arith.constant 40 : i32
      %mul3A_56 = arith.muli %add3A_54, %mul3A_55 : i32
      %add3A_57 = arith.addi %mul3A_2, %mul3A_56 : i32
      "tpu.region"() ({
        %run_scoped3A = tpu.sem_alloc : memref<!tpu.dma_semaphore, #tpu.memory_space<semaphore_mem>>
        %dma_start3A_113 = tpu.memref_slice %arg3[%add3A_57] : memref<320000xi32, #tpu.memory_space<hbm>> -> memref<40xi32, #tpu.memory_space<hbm>>
        %dma_start3A_114 = tpu.memref_slice %arg3[%add3A_57] : memref<320000xi32, #tpu.memory_space<hbm>> -> memref<40xi32, #tpu.memory_space<hbm>>
        tpu.enqueue_dma source(%dma_start3A_114 : memref<40xi32, #tpu.memory_space<hbm>>) target(%arg8 : memref<40xi32, #tpu.memory_space<vmem>>) target_semaphore(%run_scoped3A : memref<!tpu.dma_semaphore, #tpu.memory_space<semaphore_mem>>)
        %dma_wait3A_115 = tpu.memref_slice %arg3[%add3A_57] : memref<320000xi32, #tpu.memory_space<hbm>> -> memref<40xi32, #tpu.memory_space<hbm>>
        %dma_wait3A_116 = tpu.memref_slice %arg3[%add3A_57] : memref<320000xi32, #tpu.memory_space<hbm>> -> memref<40xi32, #tpu.memory_space<hbm>>
        tpu.wait_dma2 semaphore(%run_scoped3A : memref<!tpu.dma_semaphore, #tpu.memory_space<semaphore_mem>>) src(%dma_wait3A_116 : memref<40xi32, #tpu.memory_space<hbm>>) dst(%arg8 : memref<40xi32, #tpu.memory_space<vmem>>)
        tpu.yield
      }) : () -> ()
      "tpu.region"() ({
        %run_scoped3A = tpu.sem_alloc : memref<!tpu.dma_semaphore, #tpu.memory_space<semaphore_mem>>
        %dma_start3A_113 = tpu.memref_slice %arg4[%add3A_57] : memref<320000xi32, #tpu.memory_space<hbm>> -> memref<40xi32, #tpu.memory_space<hbm>>
        %dma_start3A_114 = tpu.memref_slice %arg4[%add3A_57] : memref<320000xi32, #tpu.memory_space<hbm>> -> memref<40xi32, #tpu.memory_space<hbm>>
        tpu.enqueue_dma source(%dma_start3A_114 : memref<40xi32, #tpu.memory_space<hbm>>) target(%arg9 : memref<40xi32, #tpu.memory_space<vmem>>) target_semaphore(%run_scoped3A : memref<!tpu.dma_semaphore, #tpu.memory_space<semaphore_mem>>)
        %dma_wait3A_115 = tpu.memref_slice %arg4[%add3A_57] : memref<320000xi32, #tpu.memory_space<hbm>> -> memref<40xi32, #tpu.memory_space<hbm>>
        %dma_wait3A_116 = tpu.memref_slice %arg4[%add3A_57] : memref<320000xi32, #tpu.memory_space<hbm>> -> memref<40xi32, #tpu.memory_space<hbm>>
        tpu.wait_dma2 semaphore(%run_scoped3A : memref<!tpu.dma_semaphore, #tpu.memory_space<semaphore_mem>>) src(%dma_wait3A_116 : memref<40xi32, #tpu.memory_space<hbm>>) dst(%arg9 : memref<40xi32, #tpu.memory_space<vmem>>)
        tpu.yield
      }) : () -> ()
      %dma_start3A_58 = arith.constant 0 : i32
      %dma_start3A_59 = arith.constant 0 : i32
      %dma_start3A_60 = tpu.memref_slice %arg2[%dma_start3A_58, %dma_start3A_59] : memref<10000x128xf32, #tpu.memory_space<hbm>> -> memref<10000x128xf32, #tpu.memory_space<hbm>>
      tpu.enqueue_indirect_dma source(%dma_start3A_60 : memref<10000x128xf32, #tpu.memory_space<hbm>>) target(%arg12 : memref<40x128xf32, #tpu.memory_space<vmem>>) offsets(%arg8 : memref<40xi32, #tpu.memory_space<vmem>>) semaphore(%arg16 : memref<!tpu.dma_semaphore, #tpu.memory_space<semaphore_mem>>)
      %dma_start3A_61 = arith.constant 0 : i32
      %dma_start3A_62 = arith.constant 0 : i32
      %dma_start3A_63 = tpu.memref_slice %arg2[%dma_start3A_61, %dma_start3A_62] : memref<10000x128xf32, #tpu.memory_space<hbm>> -> memref<10000x128xf32, #tpu.memory_space<hbm>>
      tpu.enqueue_indirect_dma source(%dma_start3A_63 : memref<10000x128xf32, #tpu.memory_space<hbm>>) target(%arg13 : memref<40x128xf32, #tpu.memory_space<vmem>>) offsets(%arg9 : memref<40xi32, #tpu.memory_space<vmem>>) semaphore(%arg16 : memref<!tpu.dma_semaphore, #tpu.memory_space<semaphore_mem>>)
      %mul3A_64 = arith.constant 2 : i32
      %mul3A_65 = arith.muli %mul3A_64, %scan3A_50 : i32
      %dma_wait3A_66 = arith.constant 0 : i32
      %dma_wait3A_67 = arith.constant 0 : i32
      %dma_wait3A_68 = tpu.memref_slice %arg2[%dma_wait3A_66, %dma_wait3A_67] : memref<10000x128xf32, #tpu.memory_space<hbm>> -> memref<10000x128xf32, #tpu.memory_space<hbm>>
      tpu.wait_indirect_dma semaphore(%arg15 : memref<!tpu.dma_semaphore, #tpu.memory_space<semaphore_mem>>) src(%dma_wait3A_68 : memref<10000x128xf32, #tpu.memory_space<hbm>>) dst(%arg10 : memref<40x128xf32, #tpu.memory_space<vmem>>)
      %dma_wait3A_69 = arith.constant 0 : i32
      %dma_wait3A_70 = arith.constant 0 : i32
      %dma_wait3A_71 = tpu.memref_slice %arg2[%dma_wait3A_69, %dma_wait3A_70] : memref<10000x128xf32, #tpu.memory_space<hbm>> -> memref<10000x128xf32, #tpu.memory_space<hbm>>
      tpu.wait_indirect_dma semaphore(%arg15 : memref<!tpu.dma_semaphore, #tpu.memory_space<semaphore_mem>>) src(%dma_wait3A_71 : memref<10000x128xf32, #tpu.memory_space<hbm>>) dst(%arg11 : memref<40x128xf32, #tpu.memory_space<vmem>>)
      %scan3A_72 = arith.constant 0 : i32
      %scan3A_73 = arith.constant 0 : i32
      %scan3A_74 = arith.constant 40 : i32
      %scan3A_75 = arith.addi %scan3A_73, %scan3A_74 : i32
      %scan3A_76 = arith.constant 1 : i32
      scf.for %scan3A_113 = %scan3A_73 to %scan3A_75 step %scan3A_76  : i32 {
        %get3A = arith.index_cast %scan3A_113 : i32 to index
        %get3A_114 = arith.constant 0 : index
        %get3A_115 = tpu.vector_load %arg10[%get3A, %get3A_114] {strides = array<i32>} : memref<40x128xf32, #tpu.memory_space<vmem>>, vector<1x16xf32>,
        %get3A_116 = vector.shape_cast %get3A_115 : vector<1x16xf32> to vector<16xf32>
        %get3A_117 = arith.index_cast %scan3A_113 : i32 to index
        %get3A_118 = arith.constant 0 : index
        %get3A_119 = tpu.vector_load %arg11[%get3A_117, %get3A_118] {strides = array<i32>} : memref<40x128xf32, #tpu.memory_space<vmem>>, vector<1x16xf32>,
        %get3A_120 = vector.shape_cast %get3A_119 : vector<1x16xf32> to vector<16xf32>
        %mul3A_121 = arith.mulf %get3A_116, %get3A_120 : vector<16xf32>
        %get3A_122 = arith.index_cast %scan3A_113 : i32 to index
        %get3A_123 = arith.constant 16 : index
        %get3A_124 = tpu.vector_load %arg10[%get3A_122, %get3A_123] {strides = array<i32>} : memref<40x128xf32, #tpu.memory_space<vmem>>, vector<1x16xf32>,
        %get3A_125 = vector.shape_cast %get3A_124 : vector<1x16xf32> to vector<16xf32>
        %get3A_126 = arith.index_cast %scan3A_113 : i32 to index
        %get3A_127 = arith.constant 16 : index
        %get3A_128 = tpu.vector_load %arg11[%get3A_126, %get3A_127] {strides = array<i32>} : memref<40x128xf32, #tpu.memory_space<vmem>>, vector<1x16xf32>,
        %get3A_129 = vector.shape_cast %get3A_128 : vector<1x16xf32> to vector<16xf32>
        %mul3A_130 = arith.mulf %get3A_125, %get3A_129 : vector<16xf32>
        %add3A_131 = arith.addf %mul3A_121, %mul3A_130 : vector<16xf32>
        %get3A_132 = arith.index_cast %scan3A_113 : i32 to index
        %get3A_133 = arith.constant 32 : index
        %get3A_134 = tpu.vector_load %arg10[%get3A_132, %get3A_133] {strides = array<i32>} : memref<40x128xf32, #tpu.memory_space<vmem>>, vector<1x16xf32>,
        %get3A_135 = vector.shape_cast %get3A_134 : vector<1x16xf32> to vector<16xf32>
        %get3A_136 = arith.index_cast %scan3A_113 : i32 to index
        %get3A_137 = arith.constant 32 : index
        %get3A_138 = tpu.vector_load %arg11[%get3A_136, %get3A_137] {strides = array<i32>} : memref<40x128xf32, #tpu.memory_space<vmem>>, vector<1x16xf32>,
        %get3A_139 = vector.shape_cast %get3A_138 : vector<1x16xf32> to vector<16xf32>
        %mul3A_140 = arith.mulf %get3A_135, %get3A_139 : vector<16xf32>
        %add3A_141 = arith.addf %add3A_131, %mul3A_140 : vector<16xf32>
        %get3A_142 = arith.index_cast %scan3A_113 : i32 to index
        %get3A_143 = arith.constant 48 : index
        %get3A_144 = tpu.vector_load %arg10[%get3A_142, %get3A_143] {strides = array<i32>} : memref<40x128xf32, #tpu.memory_space<vmem>>, vector<1x16xf32>,
        %get3A_145 = vector.shape_cast %get3A_144 : vector<1x16xf32> to vector<16xf32>
        %get3A_146 = arith.index_cast %scan3A_113 : i32 to index
        %get3A_147 = arith.constant 48 : index
        %get3A_148 = tpu.vector_load %arg11[%get3A_146, %get3A_147] {strides = array<i32>} : memref<40x128xf32, #tpu.memory_space<vmem>>, vector<1x16xf32>,
        %get3A_149 = vector.shape_cast %get3A_148 : vector<1x16xf32> to vector<16xf32>
        %mul3A_150 = arith.mulf %get3A_145, %get3A_149 : vector<16xf32>
        %add3A_151 = arith.addf %add3A_141, %mul3A_150 : vector<16xf32>
        %get3A_152 = arith.index_cast %scan3A_113 : i32 to index
        %get3A_153 = arith.constant 64 : index
        %get3A_154 = tpu.vector_load %arg10[%get3A_152, %get3A_153] {strides = array<i32>} : memref<40x128xf32, #tpu.memory_space<vmem>>, vector<1x16xf32>,
        %get3A_155 = vector.shape_cast %get3A_154 : vector<1x16xf32> to vector<16xf32>
        %get3A_156 = arith.index_cast %scan3A_113 : i32 to index
        %get3A_157 = arith.constant 64 : index
        %get3A_158 = tpu.vector_load %arg11[%get3A_156, %get3A_157] {strides = array<i32>} : memref<40x128xf32, #tpu.memory_space<vmem>>, vector<1x16xf32>,
        %get3A_159 = vector.shape_cast %get3A_158 : vector<1x16xf32> to vector<16xf32>
        %mul3A_160 = arith.mulf %get3A_155, %get3A_159 : vector<16xf32>
        %add3A_161 = arith.addf %add3A_151, %mul3A_160 : vector<16xf32>
        %get3A_162 = arith.index_cast %scan3A_113 : i32 to index
        %get3A_163 = arith.constant 80 : index
        %get3A_164 = tpu.vector_load %arg10[%get3A_162, %get3A_163] {strides = array<i32>} : memref<40x128xf32, #tpu.memory_space<vmem>>, vector<1x16xf32>,
        %get3A_165 = vector.shape_cast %get3A_164 : vector<1x16xf32> to vector<16xf32>
        %get3A_166 = arith.index_cast %scan3A_113 : i32 to index
        %get3A_167 = arith.constant 80 : index
        %get3A_168 = tpu.vector_load %arg11[%get3A_166, %get3A_167] {strides = array<i32>} : memref<40x128xf32, #tpu.memory_space<vmem>>, vector<1x16xf32>,
        %get3A_169 = vector.shape_cast %get3A_168 : vector<1x16xf32> to vector<16xf32>
        %mul3A_170 = arith.mulf %get3A_165, %get3A_169 : vector<16xf32>
        %add3A_171 = arith.addf %add3A_161, %mul3A_170 : vector<16xf32>
        %get3A_172 = arith.index_cast %scan3A_113 : i32 to index
        %get3A_173 = arith.constant 96 : index
        %get3A_174 = tpu.vector_load %arg10[%get3A_172, %get3A_173] {strides = array<i32>} : memref<40x128xf32, #tpu.memory_space<vmem>>, vector<1x16xf32>,
        %get3A_175 = vector.shape_cast %get3A_174 : vector<1x16xf32> to vector<16xf32>
        %get3A_176 = arith.index_cast %scan3A_113 : i32 to index
        %get3A_177 = arith.constant 96 : index
        %get3A_178 = tpu.vector_load %arg11[%get3A_176, %get3A_177] {strides = array<i32>} : memref<40x128xf32, #tpu.memory_space<vmem>>, vector<1x16xf32>,
        %get3A_179 = vector.shape_cast %get3A_178 : vector<1x16xf32> to vector<16xf32>
        %mul3A_180 = arith.mulf %get3A_175, %get3A_179 : vector<16xf32>
        %add3A_181 = arith.addf %add3A_171, %mul3A_180 : vector<16xf32>
        %get3A_182 = arith.index_cast %scan3A_113 : i32 to index
        %get3A_183 = arith.constant 112 : index
        %get3A_184 = tpu.vector_load %arg10[%get3A_182, %get3A_183] {strides = array<i32>} : memref<40x128xf32, #tpu.memory_space<vmem>>, vector<1x16xf32>,
        %get3A_185 = vector.shape_cast %get3A_184 : vector<1x16xf32> to vector<16xf32>
        %get3A_186 = arith.index_cast %scan3A_113 : i32 to index
        %get3A_187 = arith.constant 112 : index
        %get3A_188 = tpu.vector_load %arg11[%get3A_186, %get3A_187] {strides = array<i32>} : memref<40x128xf32, #tpu.memory_space<vmem>>, vector<1x16xf32>,
        %get3A_189 = vector.shape_cast %get3A_188 : vector<1x16xf32> to vector<16xf32>
        %mul3A_190 = arith.mulf %get3A_185, %get3A_189 : vector<16xf32>
        %add3A_191 = arith.addf %add3A_181, %mul3A_190 : vector<16xf32>
        %swap3A = arith.index_cast %scan3A_113 : i32 to index
        %swap3A_192 = arith.constant 0 : index
        %swap3A_193 = tpu.vector_load %arg14[%swap3A, %swap3A_192] {strides = array<i32>} : memref<40x16xf32, #tpu.memory_space<vmem>>, vector<1x16xf32>,
        %swap3A_194 = vector.shape_cast %swap3A_193 : vector<1x16xf32> to vector<16xf32>
        %swap3A_195 = vector.shape_cast %add3A_191 : vector<16xf32> to vector<1x16xf32>
        tpu.vector_store %arg14[%swap3A, %swap3A_192], %swap3A_195 {strides = array<i32>} : memref<40x16xf32, #tpu.memory_space<vmem>>, vector<1x16xf32>,
      }
      %scan3A_77 = arith.constant 40 : i32
      %mul3A_78 = arith.constant 40 : i32
      %mul3A_79 = arith.muli %mul3A_65, %mul3A_78 : i32
      %add3A_80 = arith.addi %mul3A_2, %mul3A_79 : i32
      "tpu.region"() ({
        %run_scoped3A = tpu.sem_alloc : memref<!tpu.dma_semaphore, #tpu.memory_space<semaphore_mem>>
        %dma_start3A_113 = arith.constant 0 : i32
        %dma_start3A_114 = tpu.memref_slice %arg5[%add3A_80, %dma_start3A_113] : memref<320000x16xf32, #tpu.memory_space<hbm>> -> memref<40x16xf32, #tpu.memory_space<hbm>>
        %dma_start3A_115 = arith.constant 0 : i32
        %dma_start3A_116 = tpu.memref_slice %arg5[%add3A_80, %dma_start3A_115] : memref<320000x16xf32, #tpu.memory_space<hbm>> -> memref<40x16xf32, #tpu.memory_space<hbm>>
        tpu.enqueue_dma source(%arg14 : memref<40x16xf32, #tpu.memory_space<vmem>>) target(%dma_start3A_116 : memref<40x16xf32, #tpu.memory_space<hbm>>) target_semaphore(%run_scoped3A : memref<!tpu.dma_semaphore, #tpu.memory_space<semaphore_mem>>)
        %dma_wait3A_117 = arith.constant 0 : i32
        %dma_wait3A_118 = tpu.memref_slice %arg5[%add3A_80, %dma_wait3A_117] : memref<320000x16xf32, #tpu.memory_space<hbm>> -> memref<40x16xf32, #tpu.memory_space<hbm>>
        %dma_wait3A_119 = arith.constant 0 : i32
        %dma_wait3A_120 = tpu.memref_slice %arg5[%add3A_80, %dma_wait3A_119] : memref<320000x16xf32, #tpu.memory_space<hbm>> -> memref<40x16xf32, #tpu.memory_space<hbm>>
        tpu.wait_dma2 semaphore(%run_scoped3A : memref<!tpu.dma_semaphore, #tpu.memory_space<semaphore_mem>>) src(%arg14 : memref<40x16xf32, #tpu.memory_space<vmem>>) dst(%dma_wait3A_120 : memref<40x16xf32, #tpu.memory_space<hbm>>)
        tpu.yield
      }) : () -> ()
      %mul3A_81 = arith.constant 2 : i32
      %mul3A_82 = arith.muli %mul3A_81, %scan3A_50 : i32
      %add3A_83 = arith.constant 2 : i32
      %add3A_84 = arith.addi %mul3A_82, %add3A_83 : i32
      %mul3A_85 = arith.constant 40 : i32
      %mul3A_86 = arith.muli %add3A_84, %mul3A_85 : i32
      %add3A_87 = arith.addi %mul3A_2, %mul3A_86 : i32
      "tpu.region"() ({
        %run_scoped3A = tpu.sem_alloc : memref<!tpu.dma_semaphore, #tpu.memory_space<semaphore_mem>>
        %dma_start3A_113 = tpu.memref_slice %arg3[%add3A_87] : memref<320000xi32, #tpu.memory_space<hbm>> -> memref<40xi32, #tpu.memory_space<hbm>>
        %dma_start3A_114 = tpu.memref_slice %arg3[%add3A_87] : memref<320000xi32, #tpu.memory_space<hbm>> -> memref<40xi32, #tpu.memory_space<hbm>>
        tpu.enqueue_dma source(%dma_start3A_114 : memref<40xi32, #tpu.memory_space<hbm>>) target(%arg6 : memref<40xi32, #tpu.memory_space<vmem>>) target_semaphore(%run_scoped3A : memref<!tpu.dma_semaphore, #tpu.memory_space<semaphore_mem>>)
        %dma_wait3A_115 = tpu.memref_slice %arg3[%add3A_87] : memref<320000xi32, #tpu.memory_space<hbm>> -> memref<40xi32, #tpu.memory_space<hbm>>
        %dma_wait3A_116 = tpu.memref_slice %arg3[%add3A_87] : memref<320000xi32, #tpu.memory_space<hbm>> -> memref<40xi32, #tpu.memory_space<hbm>>
        tpu.wait_dma2 semaphore(%run_scoped3A : memref<!tpu.dma_semaphore, #tpu.memory_space<semaphore_mem>>) src(%dma_wait3A_116 : memref<40xi32, #tpu.memory_space<hbm>>) dst(%arg6 : memref<40xi32, #tpu.memory_space<vmem>>)
        tpu.yield
      }) : () -> ()
      "tpu.region"() ({
        %run_scoped3A = tpu.sem_alloc : memref<!tpu.dma_semaphore, #tpu.memory_space<semaphore_mem>>
        %dma_start3A_113 = tpu.memref_slice %arg4[%add3A_87] : memref<320000xi32, #tpu.memory_space<hbm>> -> memref<40xi32, #tpu.memory_space<hbm>>
        %dma_start3A_114 = tpu.memref_slice %arg4[%add3A_87] : memref<320000xi32, #tpu.memory_space<hbm>> -> memref<40xi32, #tpu.memory_space<hbm>>
        tpu.enqueue_dma source(%dma_start3A_114 : memref<40xi32, #tpu.memory_space<hbm>>) target(%arg7 : memref<40xi32, #tpu.memory_space<vmem>>) target_semaphore(%run_scoped3A : memref<!tpu.dma_semaphore, #tpu.memory_space<semaphore_mem>>)
        %dma_wait3A_115 = tpu.memref_slice %arg4[%add3A_87] : memref<320000xi32, #tpu.memory_space<hbm>> -> memref<40xi32, #tpu.memory_space<hbm>>
        %dma_wait3A_116 = tpu.memref_slice %arg4[%add3A_87] : memref<320000xi32, #tpu.memory_space<hbm>> -> memref<40xi32, #tpu.memory_space<hbm>>
        tpu.wait_dma2 semaphore(%run_scoped3A : memref<!tpu.dma_semaphore, #tpu.memory_space<semaphore_mem>>) src(%dma_wait3A_116 : memref<40xi32, #tpu.memory_space<hbm>>) dst(%arg7 : memref<40xi32, #tpu.memory_space<vmem>>)
        tpu.yield
      }) : () -> ()
      %dma_start3A_88 = arith.constant 0 : i32
      %dma_start3A_89 = arith.constant 0 : i32
      %dma_start3A_90 = tpu.memref_slice %arg2[%dma_start3A_88, %dma_start3A_89] : memref<10000x128xf32, #tpu.memory_space<hbm>> -> memref<10000x128xf32, #tpu.memory_space<hbm>>
      tpu.enqueue_indirect_dma source(%dma_start3A_90 : memref<10000x128xf32, #tpu.memory_space<hbm>>) target(%arg10 : memref<40x128xf32, #tpu.memory_space<vmem>>) offsets(%arg6 : memref<40xi32, #tpu.memory_space<vmem>>) semaphore(%arg15 : memref<!tpu.dma_semaphore, #tpu.memory_space<semaphore_mem>>)
      %dma_start3A_91 = arith.constant 0 : i32
      %dma_start3A_92 = arith.constant 0 : i32
      %dma_start3A_93 = tpu.memref_slice %arg2[%dma_start3A_91, %dma_start3A_92] : memref<10000x128xf32, #tpu.memory_space<hbm>> -> memref<10000x128xf32, #tpu.memory_space<hbm>>
      tpu.enqueue_indirect_dma source(%dma_start3A_93 : memref<10000x128xf32, #tpu.memory_space<hbm>>) target(%arg11 : memref<40x128xf32, #tpu.memory_space<vmem>>) offsets(%arg7 : memref<40xi32, #tpu.memory_space<vmem>>) semaphore(%arg15 : memref<!tpu.dma_semaphore, #tpu.memory_space<semaphore_mem>>)
      %mul3A_94 = arith.constant 2 : i32
      %mul3A_95 = arith.muli %mul3A_94, %scan3A_50 : i32
      %add3A_96 = arith.constant 1 : i32
      %add3A_97 = arith.addi %mul3A_95, %add3A_96 : i32
      %dma_wait3A_98 = arith.constant 0 : i32
      %dma_wait3A_99 = arith.constant 0 : i32
      %dma_wait3A_100 = tpu.memref_slice %arg2[%dma_wait3A_98, %dma_wait3A_99] : memref<10000x128xf32, #tpu.memory_space<hbm>> -> memref<10000x128xf32, #tpu.memory_space<hbm>>
      tpu.wait_indirect_dma semaphore(%arg16 : memref<!tpu.dma_semaphore, #tpu.memory_space<semaphore_mem>>) src(%dma_wait3A_100 : memref<10000x128xf32, #tpu.memory_space<hbm>>) dst(%arg12 : memref<40x128xf32, #tpu.memory_space<vmem>>)
      %dma_wait3A_101 = arith.constant 0 : i32
      %dma_wait3A_102 = arith.constant 0 : i32
      %dma_wait3A_103 = tpu.memref_slice %arg2[%dma_wait3A_101, %dma_wait3A_102] : memref<10000x128xf32, #tpu.memory_space<hbm>> -> memref<10000x128xf32, #tpu.memory_space<hbm>>
      tpu.wait_indirect_dma semaphore(%arg16 : memref<!tpu.dma_semaphore, #tpu.memory_space<semaphore_mem>>) src(%dma_wait3A_103 : memref<10000x128xf32, #tpu.memory_space<hbm>>) dst(%arg13 : memref<40x128xf32, #tpu.memory_space<vmem>>)
      %scan3A_104 = arith.constant 0 : i32
      %scan3A_105 = arith.constant 0 : i32
      %scan3A_106 = arith.constant 40 : i32
      %scan3A_107 = arith.addi %scan3A_105, %scan3A_106 : i32
      %scan3A_108 = arith.constant 1 : i32
      scf.for %scan3A_113 = %scan3A_105 to %scan3A_107 step %scan3A_108  : i32 {
        %get3A = arith.index_cast %scan3A_113 : i32 to index
        %get3A_114 = arith.constant 0 : index
        %get3A_115 = tpu.vector_load %arg12[%get3A, %get3A_114] {strides = array<i32>} : memref<40x128xf32, #tpu.memory_space<vmem>>, vector<1x16xf32>,
        %get3A_116 = vector.shape_cast %get3A_115 : vector<1x16xf32> to vector<16xf32>
        %get3A_117 = arith.index_cast %scan3A_113 : i32 to index
        %get3A_118 = arith.constant 0 : index
        %get3A_119 = tpu.vector_load %arg13[%get3A_117, %get3A_118] {strides = array<i32>} : memref<40x128xf32, #tpu.memory_space<vmem>>, vector<1x16xf32>,
        %get3A_120 = vector.shape_cast %get3A_119 : vector<1x16xf32> to vector<16xf32>
        %mul3A_121 = arith.mulf %get3A_116, %get3A_120 : vector<16xf32>
        %get3A_122 = arith.index_cast %scan3A_113 : i32 to index
        %get3A_123 = arith.constant 16 : index
        %get3A_124 = tpu.vector_load %arg12[%get3A_122, %get3A_123] {strides = array<i32>} : memref<40x128xf32, #tpu.memory_space<vmem>>, vector<1x16xf32>,
        %get3A_125 = vector.shape_cast %get3A_124 : vector<1x16xf32> to vector<16xf32>
        %get3A_126 = arith.index_cast %scan3A_113 : i32 to index
        %get3A_127 = arith.constant 16 : index
        %get3A_128 = tpu.vector_load %arg13[%get3A_126, %get3A_127] {strides = array<i32>} : memref<40x128xf32, #tpu.memory_space<vmem>>, vector<1x16xf32>,
        %get3A_129 = vector.shape_cast %get3A_128 : vector<1x16xf32> to vector<16xf32>
        %mul3A_130 = arith.mulf %get3A_125, %get3A_129 : vector<16xf32>
        %add3A_131 = arith.addf %mul3A_121, %mul3A_130 : vector<16xf32>
        %get3A_132 = arith.index_cast %scan3A_113 : i32 to index
        %get3A_133 = arith.constant 32 : index
        %get3A_134 = tpu.vector_load %arg12[%get3A_132, %get3A_133] {strides = array<i32>} : memref<40x128xf32, #tpu.memory_space<vmem>>, vector<1x16xf32>,
        %get3A_135 = vector.shape_cast %get3A_134 : vector<1x16xf32> to vector<16xf32>
        %get3A_136 = arith.index_cast %scan3A_113 : i32 to index
        %get3A_137 = arith.constant 32 : index
        %get3A_138 = tpu.vector_load %arg13[%get3A_136, %get3A_137] {strides = array<i32>} : memref<40x128xf32, #tpu.memory_space<vmem>>, vector<1x16xf32>,
        %get3A_139 = vector.shape_cast %get3A_138 : vector<1x16xf32> to vector<16xf32>
        %mul3A_140 = arith.mulf %get3A_135, %get3A_139 : vector<16xf32>
        %add3A_141 = arith.addf %add3A_131, %mul3A_140 : vector<16xf32>
        %get3A_142 = arith.index_cast %scan3A_113 : i32 to index
        %get3A_143 = arith.constant 48 : index
        %get3A_144 = tpu.vector_load %arg12[%get3A_142, %get3A_143] {strides = array<i32>} : memref<40x128xf32, #tpu.memory_space<vmem>>, vector<1x16xf32>,
        %get3A_145 = vector.shape_cast %get3A_144 : vector<1x16xf32> to vector<16xf32>
        %get3A_146 = arith.index_cast %scan3A_113 : i32 to index
        %get3A_147 = arith.constant 48 : index
        %get3A_148 = tpu.vector_load %arg13[%get3A_146, %get3A_147] {strides = array<i32>} : memref<40x128xf32, #tpu.memory_space<vmem>>, vector<1x16xf32>,
        %get3A_149 = vector.shape_cast %get3A_148 : vector<1x16xf32> to vector<16xf32>
        %mul3A_150 = arith.mulf %get3A_145, %get3A_149 : vector<16xf32>
        %add3A_151 = arith.addf %add3A_141, %mul3A_150 : vector<16xf32>
        %get3A_152 = arith.index_cast %scan3A_113 : i32 to index
        %get3A_153 = arith.constant 64 : index
        %get3A_154 = tpu.vector_load %arg12[%get3A_152, %get3A_153] {strides = array<i32>} : memref<40x128xf32, #tpu.memory_space<vmem>>, vector<1x16xf32>,
        %get3A_155 = vector.shape_cast %get3A_154 : vector<1x16xf32> to vector<16xf32>
        %get3A_156 = arith.index_cast %scan3A_113 : i32 to index
        %get3A_157 = arith.constant 64 : index
        %get3A_158 = tpu.vector_load %arg13[%get3A_156, %get3A_157] {strides = array<i32>} : memref<40x128xf32, #tpu.memory_space<vmem>>, vector<1x16xf32>,
        %get3A_159 = vector.shape_cast %get3A_158 : vector<1x16xf32> to vector<16xf32>
        %mul3A_160 = arith.mulf %get3A_155, %get3A_159 : vector<16xf32>
        %add3A_161 = arith.addf %add3A_151, %mul3A_160 : vector<16xf32>
        %get3A_162 = arith.index_cast %scan3A_113 : i32 to index
        %get3A_163 = arith.constant 80 : index
        %get3A_164 = tpu.vector_load %arg12[%get3A_162, %get3A_163] {strides = array<i32>} : memref<40x128xf32, #tpu.memory_space<vmem>>, vector<1x16xf32>,
        %get3A_165 = vector.shape_cast %get3A_164 : vector<1x16xf32> to vector<16xf32>
        %get3A_166 = arith.index_cast %scan3A_113 : i32 to index
        %get3A_167 = arith.constant 80 : index
        %get3A_168 = tpu.vector_load %arg13[%get3A_166, %get3A_167] {strides = array<i32>} : memref<40x128xf32, #tpu.memory_space<vmem>>, vector<1x16xf32>,
        %get3A_169 = vector.shape_cast %get3A_168 : vector<1x16xf32> to vector<16xf32>
        %mul3A_170 = arith.mulf %get3A_165, %get3A_169 : vector<16xf32>
        %add3A_171 = arith.addf %add3A_161, %mul3A_170 : vector<16xf32>
        %get3A_172 = arith.index_cast %scan3A_113 : i32 to index
        %get3A_173 = arith.constant 96 : index
        %get3A_174 = tpu.vector_load %arg12[%get3A_172, %get3A_173] {strides = array<i32>} : memref<40x128xf32, #tpu.memory_space<vmem>>, vector<1x16xf32>,
        %get3A_175 = vector.shape_cast %get3A_174 : vector<1x16xf32> to vector<16xf32>
        %get3A_176 = arith.index_cast %scan3A_113 : i32 to index
        %get3A_177 = arith.constant 96 : index
        %get3A_178 = tpu.vector_load %arg13[%get3A_176, %get3A_177] {strides = array<i32>} : memref<40x128xf32, #tpu.memory_space<vmem>>, vector<1x16xf32>,
        %get3A_179 = vector.shape_cast %get3A_178 : vector<1x16xf32> to vector<16xf32>
        %mul3A_180 = arith.mulf %get3A_175, %get3A_179 : vector<16xf32>
        %add3A_181 = arith.addf %add3A_171, %mul3A_180 : vector<16xf32>
        %get3A_182 = arith.index_cast %scan3A_113 : i32 to index
        %get3A_183 = arith.constant 112 : index
        %get3A_184 = tpu.vector_load %arg12[%get3A_182, %get3A_183] {strides = array<i32>} : memref<40x128xf32, #tpu.memory_space<vmem>>, vector<1x16xf32>,
        %get3A_185 = vector.shape_cast %get3A_184 : vector<1x16xf32> to vector<16xf32>
        %get3A_186 = arith.index_cast %scan3A_113 : i32 to index
        %get3A_187 = arith.constant 112 : index
        %get3A_188 = tpu.vector_load %arg13[%get3A_186, %get3A_187] {strides = array<i32>} : memref<40x128xf32, #tpu.memory_space<vmem>>, vector<1x16xf32>,
        %get3A_189 = vector.shape_cast %get3A_188 : vector<1x16xf32> to vector<16xf32>
        %mul3A_190 = arith.mulf %get3A_185, %get3A_189 : vector<16xf32>
        %add3A_191 = arith.addf %add3A_181, %mul3A_190 : vector<16xf32>
        %swap3A = arith.index_cast %scan3A_113 : i32 to index
        %swap3A_192 = arith.constant 0 : index
        %swap3A_193 = tpu.vector_load %arg14[%swap3A, %swap3A_192] {strides = array<i32>} : memref<40x16xf32, #tpu.memory_space<vmem>>, vector<1x16xf32>,
        %swap3A_194 = vector.shape_cast %swap3A_193 : vector<1x16xf32> to vector<16xf32>
        %swap3A_195 = vector.shape_cast %add3A_191 : vector<16xf32> to vector<1x16xf32>
        tpu.vector_store %arg14[%swap3A, %swap3A_192], %swap3A_195 {strides = array<i32>} : memref<40x16xf32, #tpu.memory_space<vmem>>, vector<1x16xf32>,
      }
      %scan3A_109 = arith.constant 40 : i32
      %mul3A_110 = arith.constant 40 : i32
      %mul3A_111 = arith.muli %add3A_97, %mul3A_110 : i32
      %add3A_112 = arith.addi %mul3A_2, %mul3A_111 : i32
      "tpu.region"() ({
        %run_scoped3A = tpu.sem_alloc : memref<!tpu.dma_semaphore, #tpu.memory_space<semaphore_mem>>
        %dma_start3A_113 = arith.constant 0 : i32
        %dma_start3A_114 = tpu.memref_slice %arg5[%add3A_112, %dma_start3A_113] : memref<320000x16xf32, #tpu.memory_space<hbm>> -> memref<40x16xf32, #tpu.memory_space<hbm>>
        %dma_start3A_115 = arith.constant 0 : i32
        %dma_start3A_116 = tpu.memref_slice %arg5[%add3A_112, %dma_start3A_115] : memref<320000x16xf32, #tpu.memory_space<hbm>> -> memref<40x16xf32, #tpu.memory_space<hbm>>
        tpu.enqueue_dma source(%arg14 : memref<40x16xf32, #tpu.memory_space<vmem>>) target(%dma_start3A_116 : memref<40x16xf32, #tpu.memory_space<hbm>>) target_semaphore(%run_scoped3A : memref<!tpu.dma_semaphore, #tpu.memory_space<semaphore_mem>>)
        %dma_wait3A_117 = arith.constant 0 : i32
        %dma_wait3A_118 = tpu.memref_slice %arg5[%add3A_112, %dma_wait3A_117] : memref<320000x16xf32, #tpu.memory_space<hbm>> -> memref<40x16xf32, #tpu.memory_space<hbm>>
        %dma_wait3A_119 = arith.constant 0 : i32
        %dma_wait3A_120 = tpu.memref_slice %arg5[%add3A_112, %dma_wait3A_119] : memref<320000x16xf32, #tpu.memory_space<hbm>> -> memref<40x16xf32, #tpu.memory_space<hbm>>
        tpu.wait_dma2 semaphore(%run_scoped3A : memref<!tpu.dma_semaphore, #tpu.memory_space<semaphore_mem>>) src(%arg14 : memref<40x16xf32, #tpu.memory_space<vmem>>) dst(%dma_wait3A_120 : memref<40x16xf32, #tpu.memory_space<hbm>>)
        tpu.yield
      }) : () -> ()
    }
    %scan3A_14 = arith.constant 124 : i32
    %add3A_15 = arith.constant 9960 : i32
    %add3A_16 = arith.addi %mul3A_2, %add3A_15 : i32
    "tpu.region"() ({
      %run_scoped3A = tpu.sem_alloc : memref<!tpu.dma_semaphore, #tpu.memory_space<semaphore_mem>>
      %dma_start3A_50 = tpu.memref_slice %arg3[%add3A_16] : memref<320000xi32, #tpu.memory_space<hbm>> -> memref<40xi32, #tpu.memory_space<hbm>>
      %dma_start3A_51 = tpu.memref_slice %arg3[%add3A_16] : memref<320000xi32, #tpu.memory_space<hbm>> -> memref<40xi32, #tpu.memory_space<hbm>>
      tpu.enqueue_dma source(%dma_start3A_51 : memref<40xi32, #tpu.memory_space<hbm>>) target(%arg8 : memref<40xi32, #tpu.memory_space<vmem>>) target_semaphore(%run_scoped3A : memref<!tpu.dma_semaphore, #tpu.memory_space<semaphore_mem>>)
      %dma_wait3A_52 = tpu.memref_slice %arg3[%add3A_16] : memref<320000xi32, #tpu.memory_space<hbm>> -> memref<40xi32, #tpu.memory_space<hbm>>
      %dma_wait3A_53 = tpu.memref_slice %arg3[%add3A_16] : memref<320000xi32, #tpu.memory_space<hbm>> -> memref<40xi32, #tpu.memory_space<hbm>>
      tpu.wait_dma2 semaphore(%run_scoped3A : memref<!tpu.dma_semaphore, #tpu.memory_space<semaphore_mem>>) src(%dma_wait3A_53 : memref<40xi32, #tpu.memory_space<hbm>>) dst(%arg8 : memref<40xi32, #tpu.memory_space<vmem>>)
      tpu.yield
    }) : () -> ()
    "tpu.region"() ({
      %run_scoped3A = tpu.sem_alloc : memref<!tpu.dma_semaphore, #tpu.memory_space<semaphore_mem>>
      %dma_start3A_50 = tpu.memref_slice %arg4[%add3A_16] : memref<320000xi32, #tpu.memory_space<hbm>> -> memref<40xi32, #tpu.memory_space<hbm>>
      %dma_start3A_51 = tpu.memref_slice %arg4[%add3A_16] : memref<320000xi32, #tpu.memory_space<hbm>> -> memref<40xi32, #tpu.memory_space<hbm>>
      tpu.enqueue_dma source(%dma_start3A_51 : memref<40xi32, #tpu.memory_space<hbm>>) target(%arg9 : memref<40xi32, #tpu.memory_space<vmem>>) target_semaphore(%run_scoped3A : memref<!tpu.dma_semaphore, #tpu.memory_space<semaphore_mem>>)
      %dma_wait3A_52 = tpu.memref_slice %arg4[%add3A_16] : memref<320000xi32, #tpu.memory_space<hbm>> -> memref<40xi32, #tpu.memory_space<hbm>>
      %dma_wait3A_53 = tpu.memref_slice %arg4[%add3A_16] : memref<320000xi32, #tpu.memory_space<hbm>> -> memref<40xi32, #tpu.memory_space<hbm>>
      tpu.wait_dma2 semaphore(%run_scoped3A : memref<!tpu.dma_semaphore, #tpu.memory_space<semaphore_mem>>) src(%dma_wait3A_53 : memref<40xi32, #tpu.memory_space<hbm>>) dst(%arg9 : memref<40xi32, #tpu.memory_space<vmem>>)
      tpu.yield
    }) : () -> ()
    %dma_start3A_17 = arith.constant 0 : i32
    %dma_start3A_18 = arith.constant 0 : i32
    %dma_start3A_19 = tpu.memref_slice %arg2[%dma_start3A_17, %dma_start3A_18] : memref<10000x128xf32, #tpu.memory_space<hbm>> -> memref<10000x128xf32, #tpu.memory_space<hbm>>
    tpu.enqueue_indirect_dma source(%dma_start3A_19 : memref<10000x128xf32, #tpu.memory_space<hbm>>) target(%arg12 : memref<40x128xf32, #tpu.memory_space<vmem>>) offsets(%arg8 : memref<40xi32, #tpu.memory_space<vmem>>) semaphore(%arg16 : memref<!tpu.dma_semaphore, #tpu.memory_space<semaphore_mem>>)
    %dma_start3A_20 = arith.constant 0 : i32
    %dma_start3A_21 = arith.constant 0 : i32
    %dma_start3A_22 = tpu.memref_slice %arg2[%dma_start3A_20, %dma_start3A_21] : memref<10000x128xf32, #tpu.memory_space<hbm>> -> memref<10000x128xf32, #tpu.memory_space<hbm>>
    tpu.enqueue_indirect_dma source(%dma_start3A_22 : memref<10000x128xf32, #tpu.memory_space<hbm>>) target(%arg13 : memref<40x128xf32, #tpu.memory_space<vmem>>) offsets(%arg9 : memref<40xi32, #tpu.memory_space<vmem>>) semaphore(%arg16 : memref<!tpu.dma_semaphore, #tpu.memory_space<semaphore_mem>>)
    %dma_wait3A = arith.constant 0 : i32
    %dma_wait3A_23 = arith.constant 0 : i32
    %dma_wait3A_24 = tpu.memref_slice %arg2[%dma_wait3A, %dma_wait3A_23] : memref<10000x128xf32, #tpu.memory_space<hbm>> -> memref<10000x128xf32, #tpu.memory_space<hbm>>
    tpu.wait_indirect_dma semaphore(%arg15 : memref<!tpu.dma_semaphore, #tpu.memory_space<semaphore_mem>>) src(%dma_wait3A_24 : memref<10000x128xf32, #tpu.memory_space<hbm>>) dst(%arg10 : memref<40x128xf32, #tpu.memory_space<vmem>>)
    %dma_wait3A_25 = arith.constant 0 : i32
    %dma_wait3A_26 = arith.constant 0 : i32
    %dma_wait3A_27 = tpu.memref_slice %arg2[%dma_wait3A_25, %dma_wait3A_26] : memref<10000x128xf32, #tpu.memory_space<hbm>> -> memref<10000x128xf32, #tpu.memory_space<hbm>>
    tpu.wait_indirect_dma semaphore(%arg15 : memref<!tpu.dma_semaphore, #tpu.memory_space<semaphore_mem>>) src(%dma_wait3A_27 : memref<10000x128xf32, #tpu.memory_space<hbm>>) dst(%arg11 : memref<40x128xf32, #tpu.memory_space<vmem>>)
    %scan3A_28 = arith.constant 0 : i32
    %scan3A_29 = arith.constant 0 : i32
    %scan3A_30 = arith.constant 40 : i32
    %scan3A_31 = arith.addi %scan3A_29, %scan3A_30 : i32
    %scan3A_32 = arith.constant 1 : i32
    scf.for %scan3A_50 = %scan3A_29 to %scan3A_31 step %scan3A_32  : i32 {
      %get3A = arith.index_cast %scan3A_50 : i32 to index
      %get3A_51 = arith.constant 0 : index
      %get3A_52 = tpu.vector_load %arg10[%get3A, %get3A_51] {strides = array<i32>} : memref<40x128xf32, #tpu.memory_space<vmem>>, vector<1x16xf32>,
      %get3A_53 = vector.shape_cast %get3A_52 : vector<1x16xf32> to vector<16xf32>
      %get3A_54 = arith.index_cast %scan3A_50 : i32 to index
      %get3A_55 = arith.constant 0 : index
      %get3A_56 = tpu.vector_load %arg11[%get3A_54, %get3A_55] {strides = array<i32>} : memref<40x128xf32, #tpu.memory_space<vmem>>, vector<1x16xf32>,
      %get3A_57 = vector.shape_cast %get3A_56 : vector<1x16xf32> to vector<16xf32>
      %mul3A_58 = arith.mulf %get3A_53, %get3A_57 : vector<16xf32>
      %get3A_59 = arith.index_cast %scan3A_50 : i32 to index
      %get3A_60 = arith.constant 16 : index
      %get3A_61 = tpu.vector_load %arg10[%get3A_59, %get3A_60] {strides = array<i32>} : memref<40x128xf32, #tpu.memory_space<vmem>>, vector<1x16xf32>,
      %get3A_62 = vector.shape_cast %get3A_61 : vector<1x16xf32> to vector<16xf32>
      %get3A_63 = arith.index_cast %scan3A_50 : i32 to index
      %get3A_64 = arith.constant 16 : index
      %get3A_65 = tpu.vector_load %arg11[%get3A_63, %get3A_64] {strides = array<i32>} : memref<40x128xf32, #tpu.memory_space<vmem>>, vector<1x16xf32>,
      %get3A_66 = vector.shape_cast %get3A_65 : vector<1x16xf32> to vector<16xf32>
      %mul3A_67 = arith.mulf %get3A_62, %get3A_66 : vector<16xf32>
      %add3A_68 = arith.addf %mul3A_58, %mul3A_67 : vector<16xf32>
      %get3A_69 = arith.index_cast %scan3A_50 : i32 to index
      %get3A_70 = arith.constant 32 : index
      %get3A_71 = tpu.vector_load %arg10[%get3A_69, %get3A_70] {strides = array<i32>} : memref<40x128xf32, #tpu.memory_space<vmem>>, vector<1x16xf32>,
      %get3A_72 = vector.shape_cast %get3A_71 : vector<1x16xf32> to vector<16xf32>
      %get3A_73 = arith.index_cast %scan3A_50 : i32 to index
      %get3A_74 = arith.constant 32 : index
      %get3A_75 = tpu.vector_load %arg11[%get3A_73, %get3A_74] {strides = array<i32>} : memref<40x128xf32, #tpu.memory_space<vmem>>, vector<1x16xf32>,
      %get3A_76 = vector.shape_cast %get3A_75 : vector<1x16xf32> to vector<16xf32>
      %mul3A_77 = arith.mulf %get3A_72, %get3A_76 : vector<16xf32>
      %add3A_78 = arith.addf %add3A_68, %mul3A_77 : vector<16xf32>
      %get3A_79 = arith.index_cast %scan3A_50 : i32 to index
      %get3A_80 = arith.constant 48 : index
      %get3A_81 = tpu.vector_load %arg10[%get3A_79, %get3A_80] {strides = array<i32>} : memref<40x128xf32, #tpu.memory_space<vmem>>, vector<1x16xf32>,
      %get3A_82 = vector.shape_cast %get3A_81 : vector<1x16xf32> to vector<16xf32>
      %get3A_83 = arith.index_cast %scan3A_50 : i32 to index
      %get3A_84 = arith.constant 48 : index
      %get3A_85 = tpu.vector_load %arg11[%get3A_83, %get3A_84] {strides = array<i32>} : memref<40x128xf32, #tpu.memory_space<vmem>>, vector<1x16xf32>,
      %get3A_86 = vector.shape_cast %get3A_85 : vector<1x16xf32> to vector<16xf32>
      %mul3A_87 = arith.mulf %get3A_82, %get3A_86 : vector<16xf32>
      %add3A_88 = arith.addf %add3A_78, %mul3A_87 : vector<16xf32>
      %get3A_89 = arith.index_cast %scan3A_50 : i32 to index
      %get3A_90 = arith.constant 64 : index
      %get3A_91 = tpu.vector_load %arg10[%get3A_89, %get3A_90] {strides = array<i32>} : memref<40x128xf32, #tpu.memory_space<vmem>>, vector<1x16xf32>,
      %get3A_92 = vector.shape_cast %get3A_91 : vector<1x16xf32> to vector<16xf32>
      %get3A_93 = arith.index_cast %scan3A_50 : i32 to index
      %get3A_94 = arith.constant 64 : index
      %get3A_95 = tpu.vector_load %arg11[%get3A_93, %get3A_94] {strides = array<i32>} : memref<40x128xf32, #tpu.memory_space<vmem>>, vector<1x16xf32>,
      %get3A_96 = vector.shape_cast %get3A_95 : vector<1x16xf32> to vector<16xf32>
      %mul3A_97 = arith.mulf %get3A_92, %get3A_96 : vector<16xf32>
      %add3A_98 = arith.addf %add3A_88, %mul3A_97 : vector<16xf32>
      %get3A_99 = arith.index_cast %scan3A_50 : i32 to index
      %get3A_100 = arith.constant 80 : index
      %get3A_101 = tpu.vector_load %arg10[%get3A_99, %get3A_100] {strides = array<i32>} : memref<40x128xf32, #tpu.memory_space<vmem>>, vector<1x16xf32>,
      %get3A_102 = vector.shape_cast %get3A_101 : vector<1x16xf32> to vector<16xf32>
      %get3A_103 = arith.index_cast %scan3A_50 : i32 to index
      %get3A_104 = arith.constant 80 : index
      %get3A_105 = tpu.vector_load %arg11[%get3A_103, %get3A_104] {strides = array<i32>} : memref<40x128xf32, #tpu.memory_space<vmem>>, vector<1x16xf32>,
      %get3A_106 = vector.shape_cast %get3A_105 : vector<1x16xf32> to vector<16xf32>
      %mul3A_107 = arith.mulf %get3A_102, %get3A_106 : vector<16xf32>
      %add3A_108 = arith.addf %add3A_98, %mul3A_107 : vector<16xf32>
      %get3A_109 = arith.index_cast %scan3A_50 : i32 to index
      %get3A_110 = arith.constant 96 : index
      %get3A_111 = tpu.vector_load %arg10[%get3A_109, %get3A_110] {strides = array<i32>} : memref<40x128xf32, #tpu.memory_space<vmem>>, vector<1x16xf32>,
      %get3A_112 = vector.shape_cast %get3A_111 : vector<1x16xf32> to vector<16xf32>
      %get3A_113 = arith.index_cast %scan3A_50 : i32 to index
      %get3A_114 = arith.constant 96 : index
      %get3A_115 = tpu.vector_load %arg11[%get3A_113, %get3A_114] {strides = array<i32>} : memref<40x128xf32, #tpu.memory_space<vmem>>, vector<1x16xf32>,
      %get3A_116 = vector.shape_cast %get3A_115 : vector<1x16xf32> to vector<16xf32>
      %mul3A_117 = arith.mulf %get3A_112, %get3A_116 : vector<16xf32>
      %add3A_118 = arith.addf %add3A_108, %mul3A_117 : vector<16xf32>
      %get3A_119 = arith.index_cast %scan3A_50 : i32 to index
      %get3A_120 = arith.constant 112 : index
      %get3A_121 = tpu.vector_load %arg10[%get3A_119, %get3A_120] {strides = array<i32>} : memref<40x128xf32, #tpu.memory_space<vmem>>, vector<1x16xf32>,
      %get3A_122 = vector.shape_cast %get3A_121 : vector<1x16xf32> to vector<16xf32>
      %get3A_123 = arith.index_cast %scan3A_50 : i32 to index
      %get3A_124 = arith.constant 112 : index
      %get3A_125 = tpu.vector_load %arg11[%get3A_123, %get3A_124] {strides = array<i32>} : memref<40x128xf32, #tpu.memory_space<vmem>>, vector<1x16xf32>,
      %get3A_126 = vector.shape_cast %get3A_125 : vector<1x16xf32> to vector<16xf32>
      %mul3A_127 = arith.mulf %get3A_122, %get3A_126 : vector<16xf32>
      %add3A_128 = arith.addf %add3A_118, %mul3A_127 : vector<16xf32>
      %swap3A = arith.index_cast %scan3A_50 : i32 to index
      %swap3A_129 = arith.constant 0 : index
      %swap3A_130 = tpu.vector_load %arg14[%swap3A, %swap3A_129] {strides = array<i32>} : memref<40x16xf32, #tpu.memory_space<vmem>>, vector<1x16xf32>,
      %swap3A_131 = vector.shape_cast %swap3A_130 : vector<1x16xf32> to vector<16xf32>
      %swap3A_132 = vector.shape_cast %add3A_128 : vector<16xf32> to vector<1x16xf32>
      tpu.vector_store %arg14[%swap3A, %swap3A_129], %swap3A_132 {strides = array<i32>} : memref<40x16xf32, #tpu.memory_space<vmem>>, vector<1x16xf32>,
    }
    %scan3A_33 = arith.constant 40 : i32
    %add3A_34 = arith.constant 9920 : i32
    %add3A_35 = arith.addi %mul3A_2, %add3A_34 : i32
    "tpu.region"() ({
      %run_scoped3A = tpu.sem_alloc : memref<!tpu.dma_semaphore, #tpu.memory_space<semaphore_mem>>
      %dma_start3A_50 = arith.constant 0 : i32
      %dma_start3A_51 = tpu.memref_slice %arg5[%add3A_35, %dma_start3A_50] : memref<320000x16xf32, #tpu.memory_space<hbm>> -> memref<40x16xf32, #tpu.memory_space<hbm>>
      %dma_start3A_52 = arith.constant 0 : i32
      %dma_start3A_53 = tpu.memref_slice %arg5[%add3A_35, %dma_start3A_52] : memref<320000x16xf32, #tpu.memory_space<hbm>> -> memref<40x16xf32, #tpu.memory_space<hbm>>
      tpu.enqueue_dma source(%arg14 : memref<40x16xf32, #tpu.memory_space<vmem>>) target(%dma_start3A_53 : memref<40x16xf32, #tpu.memory_space<hbm>>) target_semaphore(%run_scoped3A : memref<!tpu.dma_semaphore, #tpu.memory_space<semaphore_mem>>)
      %dma_wait3A_54 = arith.constant 0 : i32
      %dma_wait3A_55 = tpu.memref_slice %arg5[%add3A_35, %dma_wait3A_54] : memref<320000x16xf32, #tpu.memory_space<hbm>> -> memref<40x16xf32, #tpu.memory_space<hbm>>
      %dma_wait3A_56 = arith.constant 0 : i32
      %dma_wait3A_57 = tpu.memref_slice %arg5[%add3A_35, %dma_wait3A_56] : memref<320000x16xf32, #tpu.memory_space<hbm>> -> memref<40x16xf32, #tpu.memory_space<hbm>>
      tpu.wait_dma2 semaphore(%run_scoped3A : memref<!tpu.dma_semaphore, #tpu.memory_space<semaphore_mem>>) src(%arg14 : memref<40x16xf32, #tpu.memory_space<vmem>>) dst(%dma_wait3A_57 : memref<40x16xf32, #tpu.memory_space<hbm>>)
      tpu.yield
    }) : () -> ()
    %dma_wait3A_36 = arith.constant 0 : i32
    %dma_wait3A_37 = arith.constant 0 : i32
    %dma_wait3A_38 = tpu.memref_slice %arg2[%dma_wait3A_36, %dma_wait3A_37] : memref<10000x128xf32, #tpu.memory_space<hbm>> -> memref<10000x128xf32, #tpu.memory_space<hbm>>
    tpu.wait_indirect_dma semaphore(%arg16 : memref<!tpu.dma_semaphore, #tpu.memory_space<semaphore_mem>>) src(%dma_wait3A_38 : memref<10000x128xf32, #tpu.memory_space<hbm>>) dst(%arg12 : memref<40x128xf32, #tpu.memory_space<vmem>>)
    %dma_wait3A_39 = arith.constant 0 : i32
    %dma_wait3A_40 = arith.constant 0 : i32
    %dma_wait3A_41 = tpu.memref_slice %arg2[%dma_wait3A_39, %dma_wait3A_40] : memref<10000x128xf32, #tpu.memory_space<hbm>> -> memref<10000x128xf32, #tpu.memory_space<hbm>>
    tpu.wait_indirect_dma semaphore(%arg16 : memref<!tpu.dma_semaphore, #tpu.memory_space<semaphore_mem>>) src(%dma_wait3A_41 : memref<10000x128xf32, #tpu.memory_space<hbm>>) dst(%arg13 : memref<40x128xf32, #tpu.memory_space<vmem>>)
    %scan3A_42 = arith.constant 0 : i32
    %scan3A_43 = arith.constant 0 : i32
    %scan3A_44 = arith.constant 40 : i32
    %scan3A_45 = arith.addi %scan3A_43, %scan3A_44 : i32
    %scan3A_46 = arith.constant 1 : i32
    scf.for %scan3A_50 = %scan3A_43 to %scan3A_45 step %scan3A_46  : i32 {
      %get3A = arith.index_cast %scan3A_50 : i32 to index
      %get3A_51 = arith.constant 0 : index
      %get3A_52 = tpu.vector_load %arg12[%get3A, %get3A_51] {strides = array<i32>} : memref<40x128xf32, #tpu.memory_space<vmem>>, vector<1x16xf32>,
      %get3A_53 = vector.shape_cast %get3A_52 : vector<1x16xf32> to vector<16xf32>
      %get3A_54 = arith.index_cast %scan3A_50 : i32 to index
      %get3A_55 = arith.constant 0 : index
      %get3A_56 = tpu.vector_load %arg13[%get3A_54, %get3A_55] {strides = array<i32>} : memref<40x128xf32, #tpu.memory_space<vmem>>, vector<1x16xf32>,
      %get3A_57 = vector.shape_cast %get3A_56 : vector<1x16xf32> to vector<16xf32>
      %mul3A_58 = arith.mulf %get3A_53, %get3A_57 : vector<16xf32>
      %get3A_59 = arith.index_cast %scan3A_50 : i32 to index
      %get3A_60 = arith.constant 16 : index
      %get3A_61 = tpu.vector_load %arg12[%get3A_59, %get3A_60] {strides = array<i32>} : memref<40x128xf32, #tpu.memory_space<vmem>>, vector<1x16xf32>,
      %get3A_62 = vector.shape_cast %get3A_61 : vector<1x16xf32> to vector<16xf32>
      %get3A_63 = arith.index_cast %scan3A_50 : i32 to index
      %get3A_64 = arith.constant 16 : index
      %get3A_65 = tpu.vector_load %arg13[%get3A_63, %get3A_64] {strides = array<i32>} : memref<40x128xf32, #tpu.memory_space<vmem>>, vector<1x16xf32>,
      %get3A_66 = vector.shape_cast %get3A_65 : vector<1x16xf32> to vector<16xf32>
      %mul3A_67 = arith.mulf %get3A_62, %get3A_66 : vector<16xf32>
      %add3A_68 = arith.addf %mul3A_58, %mul3A_67 : vector<16xf32>
      %get3A_69 = arith.index_cast %scan3A_50 : i32 to index
      %get3A_70 = arith.constant 32 : index
      %get3A_71 = tpu.vector_load %arg12[%get3A_69, %get3A_70] {strides = array<i32>} : memref<40x128xf32, #tpu.memory_space<vmem>>, vector<1x16xf32>,
      %get3A_72 = vector.shape_cast %get3A_71 : vector<1x16xf32> to vector<16xf32>
      %get3A_73 = arith.index_cast %scan3A_50 : i32 to index
      %get3A_74 = arith.constant 32 : index
      %get3A_75 = tpu.vector_load %arg13[%get3A_73, %get3A_74] {strides = array<i32>} : memref<40x128xf32, #tpu.memory_space<vmem>>, vector<1x16xf32>,
      %get3A_76 = vector.shape_cast %get3A_75 : vector<1x16xf32> to vector<16xf32>
      %mul3A_77 = arith.mulf %get3A_72, %get3A_76 : vector<16xf32>
      %add3A_78 = arith.addf %add3A_68, %mul3A_77 : vector<16xf32>
      %get3A_79 = arith.index_cast %scan3A_50 : i32 to index
      %get3A_80 = arith.constant 48 : index
      %get3A_81 = tpu.vector_load %arg12[%get3A_79, %get3A_80] {strides = array<i32>} : memref<40x128xf32, #tpu.memory_space<vmem>>, vector<1x16xf32>,
      %get3A_82 = vector.shape_cast %get3A_81 : vector<1x16xf32> to vector<16xf32>
      %get3A_83 = arith.index_cast %scan3A_50 : i32 to index
      %get3A_84 = arith.constant 48 : index
      %get3A_85 = tpu.vector_load %arg13[%get3A_83, %get3A_84] {strides = array<i32>} : memref<40x128xf32, #tpu.memory_space<vmem>>, vector<1x16xf32>,
      %get3A_86 = vector.shape_cast %get3A_85 : vector<1x16xf32> to vector<16xf32>
      %mul3A_87 = arith.mulf %get3A_82, %get3A_86 : vector<16xf32>
      %add3A_88 = arith.addf %add3A_78, %mul3A_87 : vector<16xf32>
      %get3A_89 = arith.index_cast %scan3A_50 : i32 to index
      %get3A_90 = arith.constant 64 : index
      %get3A_91 = tpu.vector_load %arg12[%get3A_89, %get3A_90] {strides = array<i32>} : memref<40x128xf32, #tpu.memory_space<vmem>>, vector<1x16xf32>,
      %get3A_92 = vector.shape_cast %get3A_91 : vector<1x16xf32> to vector<16xf32>
      %get3A_93 = arith.index_cast %scan3A_50 : i32 to index
      %get3A_94 = arith.constant 64 : index
      %get3A_95 = tpu.vector_load %arg13[%get3A_93, %get3A_94] {strides = array<i32>} : memref<40x128xf32, #tpu.memory_space<vmem>>, vector<1x16xf32>,
      %get3A_96 = vector.shape_cast %get3A_95 : vector<1x16xf32> to vector<16xf32>
      %mul3A_97 = arith.mulf %get3A_92, %get3A_96 : vector<16xf32>
      %add3A_98 = arith.addf %add3A_88, %mul3A_97 : vector<16xf32>
      %get3A_99 = arith.index_cast %scan3A_50 : i32 to index
      %get3A_100 = arith.constant 80 : index
      %get3A_101 = tpu.vector_load %arg12[%get3A_99, %get3A_100] {strides = array<i32>} : memref<40x128xf32, #tpu.memory_space<vmem>>, vector<1x16xf32>,
      %get3A_102 = vector.shape_cast %get3A_101 : vector<1x16xf32> to vector<16xf32>
      %get3A_103 = arith.index_cast %scan3A_50 : i32 to index
      %get3A_104 = arith.constant 80 : index
      %get3A_105 = tpu.vector_load %arg13[%get3A_103, %get3A_104] {strides = array<i32>} : memref<40x128xf32, #tpu.memory_space<vmem>>, vector<1x16xf32>,
      %get3A_106 = vector.shape_cast %get3A_105 : vector<1x16xf32> to vector<16xf32>
      %mul3A_107 = arith.mulf %get3A_102, %get3A_106 : vector<16xf32>
      %add3A_108 = arith.addf %add3A_98, %mul3A_107 : vector<16xf32>
      %get3A_109 = arith.index_cast %scan3A_50 : i32 to index
      %get3A_110 = arith.constant 96 : index
      %get3A_111 = tpu.vector_load %arg12[%get3A_109, %get3A_110] {strides = array<i32>} : memref<40x128xf32, #tpu.memory_space<vmem>>, vector<1x16xf32>,
      %get3A_112 = vector.shape_cast %get3A_111 : vector<1x16xf32> to vector<16xf32>
      %get3A_113 = arith.index_cast %scan3A_50 : i32 to index
      %get3A_114 = arith.constant 96 : index
      %get3A_115 = tpu.vector_load %arg13[%get3A_113, %get3A_114] {strides = array<i32>} : memref<40x128xf32, #tpu.memory_space<vmem>>, vector<1x16xf32>,
      %get3A_116 = vector.shape_cast %get3A_115 : vector<1x16xf32> to vector<16xf32>
      %mul3A_117 = arith.mulf %get3A_112, %get3A_116 : vector<16xf32>
      %add3A_118 = arith.addf %add3A_108, %mul3A_117 : vector<16xf32>
      %get3A_119 = arith.index_cast %scan3A_50 : i32 to index
      %get3A_120 = arith.constant 112 : index
      %get3A_121 = tpu.vector_load %arg12[%get3A_119, %get3A_120] {strides = array<i32>} : memref<40x128xf32, #tpu.memory_space<vmem>>, vector<1x16xf32>,
      %get3A_122 = vector.shape_cast %get3A_121 : vector<1x16xf32> to vector<16xf32>
      %get3A_123 = arith.index_cast %scan3A_50 : i32 to index
      %get3A_124 = arith.constant 112 : index
      %get3A_125 = tpu.vector_load %arg13[%get3A_123, %get3A_124] {strides = array<i32>} : memref<40x128xf32, #tpu.memory_space<vmem>>, vector<1x16xf32>,
      %get3A_126 = vector.shape_cast %get3A_125 : vector<1x16xf32> to vector<16xf32>
      %mul3A_127 = arith.mulf %get3A_122, %get3A_126 : vector<16xf32>
      %add3A_128 = arith.addf %add3A_118, %mul3A_127 : vector<16xf32>
      %swap3A = arith.index_cast %scan3A_50 : i32 to index
      %swap3A_129 = arith.constant 0 : index
      %swap3A_130 = tpu.vector_load %arg14[%swap3A, %swap3A_129] {strides = array<i32>} : memref<40x16xf32, #tpu.memory_space<vmem>>, vector<1x16xf32>,
      %swap3A_131 = vector.shape_cast %swap3A_130 : vector<1x16xf32> to vector<16xf32>
      %swap3A_132 = vector.shape_cast %add3A_128 : vector<16xf32> to vector<1x16xf32>
      tpu.vector_store %arg14[%swap3A, %swap3A_129], %swap3A_132 {strides = array<i32>} : memref<40x16xf32, #tpu.memory_space<vmem>>, vector<1x16xf32>,
    }
    %scan3A_47 = arith.constant 40 : i32
    %add3A_48 = arith.constant 9960 : i32
    %add3A_49 = arith.addi %mul3A_2, %add3A_48 : i32
    "tpu.region"() ({
      %run_scoped3A = tpu.sem_alloc : memref<!tpu.dma_semaphore, #tpu.memory_space<semaphore_mem>>
      %dma_start3A_50 = arith.constant 0 : i32
      %dma_start3A_51 = tpu.memref_slice %arg5[%add3A_49, %dma_start3A_50] : memref<320000x16xf32, #tpu.memory_space<hbm>> -> memref<40x16xf32, #tpu.memory_space<hbm>>
      %dma_start3A_52 = arith.constant 0 : i32
      %dma_start3A_53 = tpu.memref_slice %arg5[%add3A_49, %dma_start3A_52] : memref<320000x16xf32, #tpu.memory_space<hbm>> -> memref<40x16xf32, #tpu.memory_space<hbm>>
      tpu.enqueue_dma source(%arg14 : memref<40x16xf32, #tpu.memory_space<vmem>>) target(%dma_start3A_53 : memref<40x16xf32, #tpu.memory_space<hbm>>) target_semaphore(%run_scoped3A : memref<!tpu.dma_semaphore, #tpu.memory_space<semaphore_mem>>)
      %dma_wait3A_54 = arith.constant 0 : i32
      %dma_wait3A_55 = tpu.memref_slice %arg5[%add3A_49, %dma_wait3A_54] : memref<320000x16xf32, #tpu.memory_space<hbm>> -> memref<40x16xf32, #tpu.memory_space<hbm>>
      %dma_wait3A_56 = arith.constant 0 : i32
      %dma_wait3A_57 = tpu.memref_slice %arg5[%add3A_49, %dma_wait3A_56] : memref<320000x16xf32, #tpu.memory_space<hbm>> -> memref<40x16xf32, #tpu.memory_space<hbm>>
      tpu.wait_dma2 semaphore(%run_scoped3A : memref<!tpu.dma_semaphore, #tpu.memory_space<semaphore_mem>>) src(%arg14 : memref<40x16xf32, #tpu.memory_space<vmem>>) dst(%dma_wait3A_57 : memref<40x16xf32, #tpu.memory_space<hbm>>)
      tpu.yield
    }) : () -> ()
    return
  }
}

#map = affine_map<(d0, d1) -> (0, 0)>
#map1 = affine_map<(d0, d1) -> (0)>
module attributes {stable_mosaic.version = 14 : i64} {
  func.func @_dots_sc(%arg0: i32, %arg1: i32, %arg2: memref<10000x128xf32, #tpu.memory_space<hbm>>, %arg3: memref<320000xi32, #tpu.memory_space<hbm>>, %arg4: memref<320000xi32, #tpu.memory_space<hbm>>, %arg5: memref<320000x16xf32, #tpu.memory_space<hbm>>, %arg6: memref<40xi32, #tpu.memory_space<vmem>>, %arg7: memref<40xi32, #tpu.memory_space<vmem>>, %arg8: memref<40xi32, #tpu.memory_space<vmem>>, %arg9: memref<40xi32, #tpu.memory_space<vmem>>, %arg10: memref<40x128xf32, #tpu.memory_space<vmem>>, %arg11: memref<40x128xf32, #tpu.memory_space<vmem>>, %arg12: memref<40x128xf32, #tpu.memory_space<vmem>>, %arg13: memref<40x128xf32, #tpu.memory_space<vmem>>, %arg14: memref<40x16xf32, #tpu.memory_space<vmem>>, %arg15: memref<!tpu.dma_semaphore, #tpu.memory_space<semaphore_mem>>, %arg16: memref<!tpu.dma_semaphore, #tpu.memory_space<semaphore_mem>>) attributes {dimension_semantics = [#tpu.dimension_semantics<core_parallel>, #tpu.dimension_semantics<subcore_parallel>], iteration_bounds = array<i64: 2, 16>, scalar_prefetch = 0 : i64, scratch_operands = 11 : i64, tpu.core_type = #tpu.core_type<sc_vector_subcore>, window_params = [{transform_indices = #map}, {transform_indices = #map1}, {transform_indices = #map1}, {transform_indices = #map}]} {
    %mul3A = arith.constant 2 : i32
    %mul3A_0 = arith.muli %arg1, %mul3A : i32
    %add3A = arith.addi %mul3A_0, %arg0 : i32
    %mul3A_1 = arith.constant 10000 : i32
    %mul3A_2 = arith.muli %add3A, %mul3A_1 : i32
    %add3A_3 = arith.constant 0 : i32
    %add3A_4 = arith.addi %mul3A_2, %add3A_3 : i32
    "tpu.region"() ({
      %run_scoped3A = tpu.sem_alloc : memref<!tpu.dma_semaphore, #tpu.memory_space<semaphore_mem>>
      %dma_start3A_50 = tpu.memref_slice %arg3[%add3A_4] : memref<320000xi32, #tpu.memory_space<hbm>> -> memref<40xi32, #tpu.memory_space<hbm>>
      %dma_start3A_51 = tpu.memref_slice %arg3[%add3A_4] : memref<320000xi32, #tpu.memory_space<hbm>> -> memref<40xi32, #tpu.memory_space<hbm>>
      tpu.enqueue_dma source(%dma_start3A_51 : memref<40xi32, #tpu.memory_space<hbm>>) target(%arg6 : memref<40xi32, #tpu.memory_space<vmem>>) target_semaphore(%run_scoped3A : memref<!tpu.dma_semaphore, #tpu.memory_space<semaphore_mem>>)
      %dma_wait3A_52 = tpu.memref_slice %arg3[%add3A_4] : memref<320000xi32, #tpu.memory_space<hbm>> -> memref<40xi32, #tpu.memory_space<hbm>>
      %dma_wait3A_53 = tpu.memref_slice %arg3[%add3A_4] : memref<320000xi32, #tpu.memory_space<hbm>> -> memref<40xi32, #tpu.memory_space<hbm>>
      tpu.wait_dma2 semaphore(%run_scoped3A : memref<!tpu.dma_semaphore, #tpu.memory_space<semaphore_mem>>) src(%dma_wait3A_53 : memref<40xi32, #tpu.memory_space<hbm>>) dst(%arg6 : memref<40xi32, #tpu.memory_space<vmem>>)
      tpu.yield
    }) : () -> ()
    "tpu.region"() ({
      %run_scoped3A = tpu.sem_alloc : memref<!tpu.dma_semaphore, #tpu.memory_space<semaphore_mem>>
      %dma_start3A_50 = tpu.memref_slice %arg4[%add3A_4] : memref<320000xi32, #tpu.memory_space<hbm>> -> memref<40xi32, #tpu.memory_space<hbm>>
      %dma_start3A_51 = tpu.memref_slice %arg4[%add3A_4] : memref<320000xi32, #tpu.memory_space<hbm>> -> memref<40xi32, #tpu.memory_space<hbm>>
      tpu.enqueue_dma source(%dma_start3A_51 : memref<40xi32, #tpu.memory_space<hbm>>) target(%arg7 : memref<40xi32, #tpu.memory_space<vmem>>) target_semaphore(%run_scoped3A : memref<!tpu.dma_semaphore, #tpu.memory_space<semaphore_mem>>)
      %dma_wait3A_52 = tpu.memref_slice %arg4[%add3A_4] : memref<320000xi32, #tpu.memory_space<hbm>> -> memref<40xi32, #tpu.memory_space<hbm>>
      %dma_wait3A_53 = tpu.memref_slice %arg4[%add3A_4] : memref<320000xi32, #tpu.memory_space<hbm>> -> memref<40xi32, #tpu.memory_space<hbm>>
      tpu.wait_dma2 semaphore(%run_scoped3A : memref<!tpu.dma_semaphore, #tpu.memory_space<semaphore_mem>>) src(%dma_wait3A_53 : memref<40xi32, #tpu.memory_space<hbm>>) dst(%arg7 : memref<40xi32, #tpu.memory_space<vmem>>)
      tpu.yield
    }) : () -> ()
    %dma_start3A = arith.constant 0 : i32
    %dma_start3A_5 = arith.constant 0 : i32
    %dma_start3A_6 = tpu.memref_slice %arg2[%dma_start3A, %dma_start3A_5] : memref<10000x128xf32, #tpu.memory_space<hbm>> -> memref<10000x128xf32, #tpu.memory_space<hbm>>
    tpu.enqueue_indirect_dma source(%dma_start3A_6 : memref<10000x128xf32, #tpu.memory_space<hbm>>) target(%arg10 : memref<40x128xf32, #tpu.memory_space<vmem>>) offsets(%arg6 : memref<40xi32, #tpu.memory_space<vmem>>) semaphore(%arg15 : memref<!tpu.dma_semaphore, #tpu.memory_space<semaphore_mem>>)
    %dma_start3A_7 = arith.constant 0 : i32
    %dma_start3A_8 = arith.constant 0 : i32
    %dma_start3A_9 = tpu.memref_slice %arg2[%dma_start3A_7, %dma_start3A_8] : memref<10000x128xf32, #tpu.memory_space<hbm>> -> memref<10000x128xf32, #tpu.memory_space<hbm>>
    tpu.enqueue_indirect_dma source(%dma_start3A_9 : memref<10000x128xf32, #tpu.memory_space<hbm>>) target(%arg11 : memref<40x128xf32, #tpu.memory_space<vmem>>) offsets(%arg7 : memref<40xi32, #tpu.memory_space<vmem>>) semaphore(%arg15 : memref<!tpu.dma_semaphore, #tpu.memory_space<semaphore_mem>>)
    %scan3A = arith.constant 0 : i32
    %scan3A_10 = arith.constant 0 : i32
    %scan3A_11 = arith.constant 124 : i32
    %scan3A_12 = arith.addi %scan3A_10, %scan3A_11 : i32
    %scan3A_13 = arith.constant 1 : i32
    scf.for %scan3A_50 = %scan3A_10 to %scan3A_12 step %scan3A_13  : i32 {
      %mul3A_51 = arith.constant 2 : i32
      %mul3A_52 = arith.muli %mul3A_51, %scan3A_50 : i32
      %add3A_53 = arith.constant 1 : i32
      %add3A_54 = arith.addi %mul3A_52, %add3A_53 : i32
      %mul3A_55 = arith.constant 40 : i32
      %mul3A_56 = arith.muli %add3A_54, %mul3A_55 : i32
      %add3A_57 = arith.addi %mul3A_2, %mul3A_56 : i32
      "tpu.region"() ({
        %run_scoped3A = tpu.sem_alloc : memref<!tpu.dma_semaphore, #tpu.memory_space<semaphore_mem>>
        %dma_start3A_113 = tpu.memref_slice %arg3[%add3A_57] : memref<320000xi32, #tpu.memory_space<hbm>> -> memref<40xi32, #tpu.memory_space<hbm>>
        %dma_start3A_114 = tpu.memref_slice %arg3[%add3A_57] : memref<320000xi32, #tpu.memory_space<hbm>> -> memref<40xi32, #tpu.memory_space<hbm>>
        tpu.enqueue_dma source(%dma_start3A_114 : memref<40xi32, #tpu.memory_space<hbm>>) target(%arg8 : memref<40xi32, #tpu.memory_space<vmem>>) target_semaphore(%run_scoped3A : memref<!tpu.dma_semaphore, #tpu.memory_space<semaphore_mem>>)
        %dma_wait3A_115 = tpu.memref_slice %arg3[%add3A_57] : memref<320000xi32, #tpu.memory_space<hbm>> -> memref<40xi32, #tpu.memory_space<hbm>>
        %dma_wait3A_116 = tpu.memref_slice %arg3[%add3A_57] : memref<320000xi32, #tpu.memory_space<hbm>> -> memref<40xi32, #tpu.memory_space<hbm>>
        tpu.wait_dma2 semaphore(%run_scoped3A : memref<!tpu.dma_semaphore, #tpu.memory_space<semaphore_mem>>) src(%dma_wait3A_116 : memref<40xi32, #tpu.memory_space<hbm>>) dst(%arg8 : memref<40xi32, #tpu.memory_space<vmem>>)
        tpu.yield
      }) : () -> ()
      "tpu.region"() ({
        %run_scoped3A = tpu.sem_alloc : memref<!tpu.dma_semaphore, #tpu.memory_space<semaphore_mem>>
        %dma_start3A_113 = tpu.memref_slice %arg4[%add3A_57] : memref<320000xi32, #tpu.memory_space<hbm>> -> memref<40xi32, #tpu.memory_space<hbm>>
        %dma_start3A_114 = tpu.memref_slice %arg4[%add3A_57] : memref<320000xi32, #tpu.memory_space<hbm>> -> memref<40xi32, #tpu.memory_space<hbm>>
        tpu.enqueue_dma source(%dma_start3A_114 : memref<40xi32, #tpu.memory_space<hbm>>) target(%arg9 : memref<40xi32, #tpu.memory_space<vmem>>) target_semaphore(%run_scoped3A : memref<!tpu.dma_semaphore, #tpu.memory_space<semaphore_mem>>)
        %dma_wait3A_115 = tpu.memref_slice %arg4[%add3A_57] : memref<320000xi32, #tpu.memory_space<hbm>> -> memref<40xi32, #tpu.memory_space<hbm>>
        %dma_wait3A_116 = tpu.memref_slice %arg4[%add3A_57] : memref<320000xi32, #tpu.memory_space<hbm>> -> memref<40xi32, #tpu.memory_space<hbm>>
        tpu.wait_dma2 semaphore(%run_scoped3A : memref<!tpu.dma_semaphore, #tpu.memory_space<semaphore_mem>>) src(%dma_wait3A_116 : memref<40xi32, #tpu.memory_space<hbm>>) dst(%arg9 : memref<40xi32, #tpu.memory_space<vmem>>)
        tpu.yield
      }) : () -> ()
      %dma_start3A_58 = arith.constant 0 : i32
      %dma_start3A_59 = arith.constant 0 : i32
      %dma_start3A_60 = tpu.memref_slice %arg2[%dma_start3A_58, %dma_start3A_59] : memref<10000x128xf32, #tpu.memory_space<hbm>> -> memref<10000x128xf32, #tpu.memory_space<hbm>>
      tpu.enqueue_indirect_dma source(%dma_start3A_60 : memref<10000x128xf32, #tpu.memory_space<hbm>>) target(%arg12 : memref<40x128xf32, #tpu.memory_space<vmem>>) offsets(%arg8 : memref<40xi32, #tpu.memory_space<vmem>>) semaphore(%arg16 : memref<!tpu.dma_semaphore, #tpu.memory_space<semaphore_mem>>)
      %dma_start3A_61 = arith.constant 0 : i32
      %dma_start3A_62 = arith.constant 0 : i32
      %dma_start3A_63 = tpu.memref_slice %arg2[%dma_start3A_61, %dma_start3A_62] : memref<10000x128xf32, #tpu.memory_space<hbm>> -> memref<10000x128xf32, #tpu.memory_space<hbm>>
      tpu.enqueue_indirect_dma source(%dma_start3A_63 : memref<10000x128xf32, #tpu.memory_space<hbm>>) target(%arg13 : memref<40x128xf32, #tpu.memory_space<vmem>>) offsets(%arg9 : memref<40xi32, #tpu.memory_space<vmem>>) semaphore(%arg16 : memref<!tpu.dma_semaphore, #tpu.memory_space<semaphore_mem>>)
      %mul3A_64 = arith.constant 2 : i32
      %mul3A_65 = arith.muli %mul3A_64, %scan3A_50 : i32
      %dma_wait3A_66 = arith.constant 0 : i32
      %dma_wait3A_67 = arith.constant 0 : i32
      %dma_wait3A_68 = tpu.memref_slice %arg2[%dma_wait3A_66, %dma_wait3A_67] : memref<10000x128xf32, #tpu.memory_space<hbm>> -> memref<10000x128xf32, #tpu.memory_space<hbm>>
      tpu.wait_indirect_dma semaphore(%arg15 : memref<!tpu.dma_semaphore, #tpu.memory_space<semaphore_mem>>) src(%dma_wait3A_68 : memref<10000x128xf32, #tpu.memory_space<hbm>>) dst(%arg10 : memref<40x128xf32, #tpu.memory_space<vmem>>)
      %dma_wait3A_69 = arith.constant 0 : i32
      %dma_wait3A_70 = arith.constant 0 : i32
      %dma_wait3A_71 = tpu.memref_slice %arg2[%dma_wait3A_69, %dma_wait3A_70] : memref<10000x128xf32, #tpu.memory_space<hbm>> -> memref<10000x128xf32, #tpu.memory_space<hbm>>
      tpu.wait_indirect_dma semaphore(%arg15 : memref<!tpu.dma_semaphore, #tpu.memory_space<semaphore_mem>>) src(%dma_wait3A_71 : memref<10000x128xf32, #tpu.memory_space<hbm>>) dst(%arg11 : memref<40x128xf32, #tpu.memory_space<vmem>>)
      %scan3A_72 = arith.constant 0 : i32
      %scan3A_73 = arith.constant 0 : i32
      %scan3A_74 = arith.constant 40 : i32
      %scan3A_75 = arith.addi %scan3A_73, %scan3A_74 : i32
      %scan3A_76 = arith.constant 1 : i32
      scf.for %scan3A_113 = %scan3A_73 to %scan3A_75 step %scan3A_76  : i32 {
        %get3A = arith.index_cast %scan3A_113 : i32 to index
        %get3A_114 = arith.constant 0 : index
        %get3A_115 = tpu.vector_load %arg10[%get3A, %get3A_114] {strides = array<i32>} : memref<40x128xf32, #tpu.memory_space<vmem>>, vector<1x16xf32>,
        %get3A_116 = vector.shape_cast %get3A_115 : vector<1x16xf32> to vector<16xf32>
        %get3A_117 = arith.index_cast %scan3A_113 : i32 to index
        %get3A_118 = arith.constant 0 : index
        %get3A_119 = tpu.vector_load %arg11[%get3A_117, %get3A_118] {strides = array<i32>} : memref<40x128xf32, #tpu.memory_space<vmem>>, vector<1x16xf32>,
        %get3A_120 = vector.shape_cast %get3A_119 : vector<1x16xf32> to vector<16xf32>
        %mul3A_121 = arith.mulf %get3A_116, %get3A_120 : vector<16xf32>
        %get3A_122 = arith.index_cast %scan3A_113 : i32 to index
        %get3A_123 = arith.constant 16 : index
        %get3A_124 = tpu.vector_load %arg10[%get3A_122, %get3A_123] {strides = array<i32>} : memref<40x128xf32, #tpu.memory_space<vmem>>, vector<1x16xf32>,
        %get3A_125 = vector.shape_cast %get3A_124 : vector<1x16xf32> to vector<16xf32>
        %get3A_126 = arith.index_cast %scan3A_113 : i32 to index
        %get3A_127 = arith.constant 16 : index
        %get3A_128 = tpu.vector_load %arg11[%get3A_126, %get3A_127] {strides = array<i32>} : memref<40x128xf32, #tpu.memory_space<vmem>>, vector<1x16xf32>,
        %get3A_129 = vector.shape_cast %get3A_128 : vector<1x16xf32> to vector<16xf32>
        %mul3A_130 = arith.mulf %get3A_125, %get3A_129 : vector<16xf32>
        %add3A_131 = arith.addf %mul3A_121, %mul3A_130 : vector<16xf32>
        %get3A_132 = arith.index_cast %scan3A_113 : i32 to index
        %get3A_133 = arith.constant 32 : index
        %get3A_134 = tpu.vector_load %arg10[%get3A_132, %get3A_133] {strides = array<i32>} : memref<40x128xf32, #tpu.memory_space<vmem>>, vector<1x16xf32>,
        %get3A_135 = vector.shape_cast %get3A_134 : vector<1x16xf32> to vector<16xf32>
        %get3A_136 = arith.index_cast %scan3A_113 : i32 to index
        %get3A_137 = arith.constant 32 : index
        %get3A_138 = tpu.vector_load %arg11[%get3A_136, %get3A_137] {strides = array<i32>} : memref<40x128xf32, #tpu.memory_space<vmem>>, vector<1x16xf32>,
        %get3A_139 = vector.shape_cast %get3A_138 : vector<1x16xf32> to vector<16xf32>
        %mul3A_140 = arith.mulf %get3A_135, %get3A_139 : vector<16xf32>
        %add3A_141 = arith.addf %add3A_131, %mul3A_140 : vector<16xf32>
        %get3A_142 = arith.index_cast %scan3A_113 : i32 to index
        %get3A_143 = arith.constant 48 : index
        %get3A_144 = tpu.vector_load %arg10[%get3A_142, %get3A_143] {strides = array<i32>} : memref<40x128xf32, #tpu.memory_space<vmem>>, vector<1x16xf32>,
        %get3A_145 = vector.shape_cast %get3A_144 : vector<1x16xf32> to vector<16xf32>
        %get3A_146 = arith.index_cast %scan3A_113 : i32 to index
        %get3A_147 = arith.constant 48 : index
        %get3A_148 = tpu.vector_load %arg11[%get3A_146, %get3A_147] {strides = array<i32>} : memref<40x128xf32, #tpu.memory_space<vmem>>, vector<1x16xf32>,
        %get3A_149 = vector.shape_cast %get3A_148 : vector<1x16xf32> to vector<16xf32>
        %mul3A_150 = arith.mulf %get3A_145, %get3A_149 : vector<16xf32>
        %add3A_151 = arith.addf %add3A_141, %mul3A_150 : vector<16xf32>
        %get3A_152 = arith.index_cast %scan3A_113 : i32 to index
        %get3A_153 = arith.constant 64 : index
        %get3A_154 = tpu.vector_load %arg10[%get3A_152, %get3A_153] {strides = array<i32>} : memref<40x128xf32, #tpu.memory_space<vmem>>, vector<1x16xf32>,
        %get3A_155 = vector.shape_cast %get3A_154 : vector<1x16xf32> to vector<16xf32>
        %get3A_156 = arith.index_cast %scan3A_113 : i32 to index
        %get3A_157 = arith.constant 64 : index
        %get3A_158 = tpu.vector_load %arg11[%get3A_156, %get3A_157] {strides = array<i32>} : memref<40x128xf32, #tpu.memory_space<vmem>>, vector<1x16xf32>,
        %get3A_159 = vector.shape_cast %get3A_158 : vector<1x16xf32> to vector<16xf32>
        %mul3A_160 = arith.mulf %get3A_155, %get3A_159 : vector<16xf32>
        %add3A_161 = arith.addf %add3A_151, %mul3A_160 : vector<16xf32>
        %get3A_162 = arith.index_cast %scan3A_113 : i32 to index
        %get3A_163 = arith.constant 80 : index
        %get3A_164 = tpu.vector_load %arg10[%get3A_162, %get3A_163] {strides = array<i32>} : memref<40x128xf32, #tpu.memory_space<vmem>>, vector<1x16xf32>,
        %get3A_165 = vector.shape_cast %get3A_164 : vector<1x16xf32> to vector<16xf32>
        %get3A_166 = arith.index_cast %scan3A_113 : i32 to index
        %get3A_167 = arith.constant 80 : index
        %get3A_168 = tpu.vector_load %arg11[%get3A_166, %get3A_167] {strides = array<i32>} : memref<40x128xf32, #tpu.memory_space<vmem>>, vector<1x16xf32>,
        %get3A_169 = vector.shape_cast %get3A_168 : vector<1x16xf32> to vector<16xf32>
        %mul3A_170 = arith.mulf %get3A_165, %get3A_169 : vector<16xf32>
        %add3A_171 = arith.addf %add3A_161, %mul3A_170 : vector<16xf32>
        %get3A_172 = arith.index_cast %scan3A_113 : i32 to index
        %get3A_173 = arith.constant 96 : index
        %get3A_174 = tpu.vector_load %arg10[%get3A_172, %get3A_173] {strides = array<i32>} : memref<40x128xf32, #tpu.memory_space<vmem>>, vector<1x16xf32>,
        %get3A_175 = vector.shape_cast %get3A_174 : vector<1x16xf32> to vector<16xf32>
        %get3A_176 = arith.index_cast %scan3A_113 : i32 to index
        %get3A_177 = arith.constant 96 : index
        %get3A_178 = tpu.vector_load %arg11[%get3A_176, %get3A_177] {strides = array<i32>} : memref<40x128xf32, #tpu.memory_space<vmem>>, vector<1x16xf32>,
        %get3A_179 = vector.shape_cast %get3A_178 : vector<1x16xf32> to vector<16xf32>
        %mul3A_180 = arith.mulf %get3A_175, %get3A_179 : vector<16xf32>
        %add3A_181 = arith.addf %add3A_171, %mul3A_180 : vector<16xf32>
        %get3A_182 = arith.index_cast %scan3A_113 : i32 to index
        %get3A_183 = arith.constant 112 : index
        %get3A_184 = tpu.vector_load %arg10[%get3A_182, %get3A_183] {strides = array<i32>} : memref<40x128xf32, #tpu.memory_space<vmem>>, vector<1x16xf32>,
        %get3A_185 = vector.shape_cast %get3A_184 : vector<1x16xf32> to vector<16xf32>
        %get3A_186 = arith.index_cast %scan3A_113 : i32 to index
        %get3A_187 = arith.constant 112 : index
        %get3A_188 = tpu.vector_load %arg11[%get3A_186, %get3A_187] {strides = array<i32>} : memref<40x128xf32, #tpu.memory_space<vmem>>, vector<1x16xf32>,
        %get3A_189 = vector.shape_cast %get3A_188 : vector<1x16xf32> to vector<16xf32>
        %mul3A_190 = arith.mulf %get3A_185, %get3A_189 : vector<16xf32>
        %add3A_191 = arith.addf %add3A_181, %mul3A_190 : vector<16xf32>
        %swap3A = arith.index_cast %scan3A_113 : i32 to index
        %swap3A_192 = arith.constant 0 : index
        %swap3A_193 = tpu.vector_load %arg14[%swap3A, %swap3A_192] {strides = array<i32>} : memref<40x16xf32, #tpu.memory_space<vmem>>, vector<1x16xf32>,
        %swap3A_194 = vector.shape_cast %swap3A_193 : vector<1x16xf32> to vector<16xf32>
        %swap3A_195 = vector.shape_cast %add3A_191 : vector<16xf32> to vector<1x16xf32>
        tpu.vector_store %arg14[%swap3A, %swap3A_192], %swap3A_195 {strides = array<i32>} : memref<40x16xf32, #tpu.memory_space<vmem>>, vector<1x16xf32>,
      }
      %scan3A_77 = arith.constant 40 : i32
      %mul3A_78 = arith.constant 40 : i32
      %mul3A_79 = arith.muli %mul3A_65, %mul3A_78 : i32
      %add3A_80 = arith.addi %mul3A_2, %mul3A_79 : i32
      "tpu.region"() ({
        %run_scoped3A = tpu.sem_alloc : memref<!tpu.dma_semaphore, #tpu.memory_space<semaphore_mem>>
        %dma_start3A_113 = arith.constant 0 : i32
        %dma_start3A_114 = tpu.memref_slice %arg5[%add3A_80, %dma_start3A_113] : memref<320000x16xf32, #tpu.memory_space<hbm>> -> memref<40x16xf32, #tpu.memory_space<hbm>>
        %dma_start3A_115 = arith.constant 0 : i32
        %dma_start3A_116 = tpu.memref_slice %arg5[%add3A_80, %dma_start3A_115] : memref<320000x16xf32, #tpu.memory_space<hbm>> -> memref<40x16xf32, #tpu.memory_space<hbm>>
        tpu.enqueue_dma source(%arg14 : memref<40x16xf32, #tpu.memory_space<vmem>>) target(%dma_start3A_116 : memref<40x16xf32, #tpu.memory_space<hbm>>) target_semaphore(%run_scoped3A : memref<!tpu.dma_semaphore, #tpu.memory_space<semaphore_mem>>)
        %dma_wait3A_117 = arith.constant 0 : i32
        %dma_wait3A_118 = tpu.memref_slice %arg5[%add3A_80, %dma_wait3A_117] : memref<320000x16xf32, #tpu.memory_space<hbm>> -> memref<40x16xf32, #tpu.memory_space<hbm>>
        %dma_wait3A_119 = arith.constant 0 : i32
        %dma_wait3A_120 = tpu.memref_slice %arg5[%add3A_80, %dma_wait3A_119] : memref<320000x16xf32, #tpu.memory_space<hbm>> -> memref<40x16xf32, #tpu.memory_space<hbm>>
        tpu.wait_dma2 semaphore(%run_scoped3A : memref<!tpu.dma_semaphore, #tpu.memory_space<semaphore_mem>>) src(%arg14 : memref<40x16xf32, #tpu.memory_space<vmem>>) dst(%dma_wait3A_120 : memref<40x16xf32, #tpu.memory_space<hbm>>)
        tpu.yield
      }) : () -> ()
      %mul3A_81 = arith.constant 2 : i32
      %mul3A_82 = arith.muli %mul3A_81, %scan3A_50 : i32
      %add3A_83 = arith.constant 2 : i32
      %add3A_84 = arith.addi %mul3A_82, %add3A_83 : i32
      %mul3A_85 = arith.constant 40 : i32
      %mul3A_86 = arith.muli %add3A_84, %mul3A_85 : i32
      %add3A_87 = arith.addi %mul3A_2, %mul3A_86 : i32
      "tpu.region"() ({
        %run_scoped3A = tpu.sem_alloc : memref<!tpu.dma_semaphore, #tpu.memory_space<semaphore_mem>>
        %dma_start3A_113 = tpu.memref_slice %arg3[%add3A_87] : memref<320000xi32, #tpu.memory_space<hbm>> -> memref<40xi32, #tpu.memory_space<hbm>>
        %dma_start3A_114 = tpu.memref_slice %arg3[%add3A_87] : memref<320000xi32, #tpu.memory_space<hbm>> -> memref<40xi32, #tpu.memory_space<hbm>>
        tpu.enqueue_dma source(%dma_start3A_114 : memref<40xi32, #tpu.memory_space<hbm>>) target(%arg6 : memref<40xi32, #tpu.memory_space<vmem>>) target_semaphore(%run_scoped3A : memref<!tpu.dma_semaphore, #tpu.memory_space<semaphore_mem>>)
        %dma_wait3A_115 = tpu.memref_slice %arg3[%add3A_87] : memref<320000xi32, #tpu.memory_space<hbm>> -> memref<40xi32, #tpu.memory_space<hbm>>
        %dma_wait3A_116 = tpu.memref_slice %arg3[%add3A_87] : memref<320000xi32, #tpu.memory_space<hbm>> -> memref<40xi32, #tpu.memory_space<hbm>>
        tpu.wait_dma2 semaphore(%run_scoped3A : memref<!tpu.dma_semaphore, #tpu.memory_space<semaphore_mem>>) src(%dma_wait3A_116 : memref<40xi32, #tpu.memory_space<hbm>>) dst(%arg6 : memref<40xi32, #tpu.memory_space<vmem>>)
        tpu.yield
      }) : () -> ()
      "tpu.region"() ({
        %run_scoped3A = tpu.sem_alloc : memref<!tpu.dma_semaphore, #tpu.memory_space<semaphore_mem>>
        %dma_start3A_113 = tpu.memref_slice %arg4[%add3A_87] : memref<320000xi32, #tpu.memory_space<hbm>> -> memref<40xi32, #tpu.memory_space<hbm>>
        %dma_start3A_114 = tpu.memref_slice %arg4[%add3A_87] : memref<320000xi32, #tpu.memory_space<hbm>> -> memref<40xi32, #tpu.memory_space<hbm>>
        tpu.enqueue_dma source(%dma_start3A_114 : memref<40xi32, #tpu.memory_space<hbm>>) target(%arg7 : memref<40xi32, #tpu.memory_space<vmem>>) target_semaphore(%run_scoped3A : memref<!tpu.dma_semaphore, #tpu.memory_space<semaphore_mem>>)
        %dma_wait3A_115 = tpu.memref_slice %arg4[%add3A_87] : memref<320000xi32, #tpu.memory_space<hbm>> -> memref<40xi32, #tpu.memory_space<hbm>>
        %dma_wait3A_116 = tpu.memref_slice %arg4[%add3A_87] : memref<320000xi32, #tpu.memory_space<hbm>> -> memref<40xi32, #tpu.memory_space<hbm>>
        tpu.wait_dma2 semaphore(%run_scoped3A : memref<!tpu.dma_semaphore, #tpu.memory_space<semaphore_mem>>) src(%dma_wait3A_116 : memref<40xi32, #tpu.memory_space<hbm>>) dst(%arg7 : memref<40xi32, #tpu.memory_space<vmem>>)
        tpu.yield
      }) : () -> ()
      %dma_start3A_88 = arith.constant 0 : i32
      %dma_start3A_89 = arith.constant 0 : i32
      %dma_start3A_90 = tpu.memref_slice %arg2[%dma_start3A_88, %dma_start3A_89] : memref<10000x128xf32, #tpu.memory_space<hbm>> -> memref<10000x128xf32, #tpu.memory_space<hbm>>
      tpu.enqueue_indirect_dma source(%dma_start3A_90 : memref<10000x128xf32, #tpu.memory_space<hbm>>) target(%arg10 : memref<40x128xf32, #tpu.memory_space<vmem>>) offsets(%arg6 : memref<40xi32, #tpu.memory_space<vmem>>) semaphore(%arg15 : memref<!tpu.dma_semaphore, #tpu.memory_space<semaphore_mem>>)
      %dma_start3A_91 = arith.constant 0 : i32
      %dma_start3A_92 = arith.constant 0 : i32
      %dma_start3A_93 = tpu.memref_slice %arg2[%dma_start3A_91, %dma_start3A_92] : memref<10000x128xf32, #tpu.memory_space<hbm>> -> memref<10000x128xf32, #tpu.memory_space<hbm>>
      tpu.enqueue_indirect_dma source(%dma_start3A_93 : memref<10000x128xf32, #tpu.memory_space<hbm>>) target(%arg11 : memref<40x128xf32, #tpu.memory_space<vmem>>) offsets(%arg7 : memref<40xi32, #tpu.memory_space<vmem>>) semaphore(%arg15 : memref<!tpu.dma_semaphore, #tpu.memory_space<semaphore_mem>>)
      %mul3A_94 = arith.constant 2 : i32
      %mul3A_95 = arith.muli %mul3A_94, %scan3A_50 : i32
      %add3A_96 = arith.constant 1 : i32
      %add3A_97 = arith.addi %mul3A_95, %add3A_96 : i32
      %dma_wait3A_98 = arith.constant 0 : i32
      %dma_wait3A_99 = arith.constant 0 : i32
      %dma_wait3A_100 = tpu.memref_slice %arg2[%dma_wait3A_98, %dma_wait3A_99] : memref<10000x128xf32, #tpu.memory_space<hbm>> -> memref<10000x128xf32, #tpu.memory_space<hbm>>
      tpu.wait_indirect_dma semaphore(%arg16 : memref<!tpu.dma_semaphore, #tpu.memory_space<semaphore_mem>>) src(%dma_wait3A_100 : memref<10000x128xf32, #tpu.memory_space<hbm>>) dst(%arg12 : memref<40x128xf32, #tpu.memory_space<vmem>>)
      %dma_wait3A_101 = arith.constant 0 : i32
      %dma_wait3A_102 = arith.constant 0 : i32
      %dma_wait3A_103 = tpu.memref_slice %arg2[%dma_wait3A_101, %dma_wait3A_102] : memref<10000x128xf32, #tpu.memory_space<hbm>> -> memref<10000x128xf32, #tpu.memory_space<hbm>>
      tpu.wait_indirect_dma semaphore(%arg16 : memref<!tpu.dma_semaphore, #tpu.memory_space<semaphore_mem>>) src(%dma_wait3A_103 : memref<10000x128xf32, #tpu.memory_space<hbm>>) dst(%arg13 : memref<40x128xf32, #tpu.memory_space<vmem>>)
      %scan3A_104 = arith.constant 0 : i32
      %scan3A_105 = arith.constant 0 : i32
      %scan3A_106 = arith.constant 40 : i32
      %scan3A_107 = arith.addi %scan3A_105, %scan3A_106 : i32
      %scan3A_108 = arith.constant 1 : i32
      scf.for %scan3A_113 = %scan3A_105 to %scan3A_107 step %scan3A_108  : i32 {
        %get3A = arith.index_cast %scan3A_113 : i32 to index
        %get3A_114 = arith.constant 0 : index
        %get3A_115 = tpu.vector_load %arg12[%get3A, %get3A_114] {strides = array<i32>} : memref<40x128xf32, #tpu.memory_space<vmem>>, vector<1x16xf32>,
        %get3A_116 = vector.shape_cast %get3A_115 : vector<1x16xf32> to vector<16xf32>
        %get3A_117 = arith.index_cast %scan3A_113 : i32 to index
        %get3A_118 = arith.constant 0 : index
        %get3A_119 = tpu.vector_load %arg13[%get3A_117, %get3A_118] {strides = array<i32>} : memref<40x128xf32, #tpu.memory_space<vmem>>, vector<1x16xf32>,
        %get3A_120 = vector.shape_cast %get3A_119 : vector<1x16xf32> to vector<16xf32>
        %mul3A_121 = arith.mulf %get3A_116, %get3A_120 : vector<16xf32>
        %get3A_122 = arith.index_cast %scan3A_113 : i32 to index
        %get3A_123 = arith.constant 16 : index
        %get3A_124 = tpu.vector_load %arg12[%get3A_122, %get3A_123] {strides = array<i32>} : memref<40x128xf32, #tpu.memory_space<vmem>>, vector<1x16xf32>,
        %get3A_125 = vector.shape_cast %get3A_124 : vector<1x16xf32> to vector<16xf32>
        %get3A_126 = arith.index_cast %scan3A_113 : i32 to index
        %get3A_127 = arith.constant 16 : index
        %get3A_128 = tpu.vector_load %arg13[%get3A_126, %get3A_127] {strides = array<i32>} : memref<40x128xf32, #tpu.memory_space<vmem>>, vector<1x16xf32>,
        %get3A_129 = vector.shape_cast %get3A_128 : vector<1x16xf32> to vector<16xf32>
        %mul3A_130 = arith.mulf %get3A_125, %get3A_129 : vector<16xf32>
        %add3A_131 = arith.addf %mul3A_121, %mul3A_130 : vector<16xf32>
        %get3A_132 = arith.index_cast %scan3A_113 : i32 to index
        %get3A_133 = arith.constant 32 : index
        %get3A_134 = tpu.vector_load %arg12[%get3A_132, %get3A_133] {strides = array<i32>} : memref<40x128xf32, #tpu.memory_space<vmem>>, vector<1x16xf32>,
        %get3A_135 = vector.shape_cast %get3A_134 : vector<1x16xf32> to vector<16xf32>
        %get3A_136 = arith.index_cast %scan3A_113 : i32 to index
        %get3A_137 = arith.constant 32 : index
        %get3A_138 = tpu.vector_load %arg13[%get3A_136, %get3A_137] {strides = array<i32>} : memref<40x128xf32, #tpu.memory_space<vmem>>, vector<1x16xf32>,
        %get3A_139 = vector.shape_cast %get3A_138 : vector<1x16xf32> to vector<16xf32>
        %mul3A_140 = arith.mulf %get3A_135, %get3A_139 : vector<16xf32>
        %add3A_141 = arith.addf %add3A_131, %mul3A_140 : vector<16xf32>
        %get3A_142 = arith.index_cast %scan3A_113 : i32 to index
        %get3A_143 = arith.constant 48 : index
        %get3A_144 = tpu.vector_load %arg12[%get3A_142, %get3A_143] {strides = array<i32>} : memref<40x128xf32, #tpu.memory_space<vmem>>, vector<1x16xf32>,
        %get3A_145 = vector.shape_cast %get3A_144 : vector<1x16xf32> to vector<16xf32>
        %get3A_146 = arith.index_cast %scan3A_113 : i32 to index
        %get3A_147 = arith.constant 48 : index
        %get3A_148 = tpu.vector_load %arg13[%get3A_146, %get3A_147] {strides = array<i32>} : memref<40x128xf32, #tpu.memory_space<vmem>>, vector<1x16xf32>,
        %get3A_149 = vector.shape_cast %get3A_148 : vector<1x16xf32> to vector<16xf32>
        %mul3A_150 = arith.mulf %get3A_145, %get3A_149 : vector<16xf32>
        %add3A_151 = arith.addf %add3A_141, %mul3A_150 : vector<16xf32>
        %get3A_152 = arith.index_cast %scan3A_113 : i32 to index
        %get3A_153 = arith.constant 64 : index
        %get3A_154 = tpu.vector_load %arg12[%get3A_152, %get3A_153] {strides = array<i32>} : memref<40x128xf32, #tpu.memory_space<vmem>>, vector<1x16xf32>,
        %get3A_155 = vector.shape_cast %get3A_154 : vector<1x16xf32> to vector<16xf32>
        %get3A_156 = arith.index_cast %scan3A_113 : i32 to index
        %get3A_157 = arith.constant 64 : index
        %get3A_158 = tpu.vector_load %arg13[%get3A_156, %get3A_157] {strides = array<i32>} : memref<40x128xf32, #tpu.memory_space<vmem>>, vector<1x16xf32>,
        %get3A_159 = vector.shape_cast %get3A_158 : vector<1x16xf32> to vector<16xf32>
        %mul3A_160 = arith.mulf %get3A_155, %get3A_159 : vector<16xf32>
        %add3A_161 = arith.addf %add3A_151, %mul3A_160 : vector<16xf32>
        %get3A_162 = arith.index_cast %scan3A_113 : i32 to index
        %get3A_163 = arith.constant 80 : index
        %get3A_164 = tpu.vector_load %arg12[%get3A_162, %get3A_163] {strides = array<i32>} : memref<40x128xf32, #tpu.memory_space<vmem>>, vector<1x16xf32>,
        %get3A_165 = vector.shape_cast %get3A_164 : vector<1x16xf32> to vector<16xf32>
        %get3A_166 = arith.index_cast %scan3A_113 : i32 to index
        %get3A_167 = arith.constant 80 : index
        %get3A_168 = tpu.vector_load %arg13[%get3A_166, %get3A_167] {strides = array<i32>} : memref<40x128xf32, #tpu.memory_space<vmem>>, vector<1x16xf32>,
        %get3A_169 = vector.shape_cast %get3A_168 : vector<1x16xf32> to vector<16xf32>
        %mul3A_170 = arith.mulf %get3A_165, %get3A_169 : vector<16xf32>
        %add3A_171 = arith.addf %add3A_161, %mul3A_170 : vector<16xf32>
        %get3A_172 = arith.index_cast %scan3A_113 : i32 to index
        %get3A_173 = arith.constant 96 : index
        %get3A_174 = tpu.vector_load %arg12[%get3A_172, %get3A_173] {strides = array<i32>} : memref<40x128xf32, #tpu.memory_space<vmem>>, vector<1x16xf32>,
        %get3A_175 = vector.shape_cast %get3A_174 : vector<1x16xf32> to vector<16xf32>
        %get3A_176 = arith.index_cast %scan3A_113 : i32 to index
        %get3A_177 = arith.constant 96 : index
        %get3A_178 = tpu.vector_load %arg13[%get3A_176, %get3A_177] {strides = array<i32>} : memref<40x128xf32, #tpu.memory_space<vmem>>, vector<1x16xf32>,
        %get3A_179 = vector.shape_cast %get3A_178 : vector<1x16xf32> to vector<16xf32>
        %mul3A_180 = arith.mulf %get3A_175, %get3A_179 : vector<16xf32>
        %add3A_181 = arith.addf %add3A_171, %mul3A_180 : vector<16xf32>
        %get3A_182 = arith.index_cast %scan3A_113 : i32 to index
        %get3A_183 = arith.constant 112 : index
        %get3A_184 = tpu.vector_load %arg12[%get3A_182, %get3A_183] {strides = array<i32>} : memref<40x128xf32, #tpu.memory_space<vmem>>, vector<1x16xf32>,
        %get3A_185 = vector.shape_cast %get3A_184 : vector<1x16xf32> to vector<16xf32>
        %get3A_186 = arith.index_cast %scan3A_113 : i32 to index
        %get3A_187 = arith.constant 112 : index
        %get3A_188 = tpu.vector_load %arg13[%get3A_186, %get3A_187] {strides = array<i32>} : memref<40x128xf32, #tpu.memory_space<vmem>>, vector<1x16xf32>,
        %get3A_189 = vector.shape_cast %get3A_188 : vector<1x16xf32> to vector<16xf32>
        %mul3A_190 = arith.mulf %get3A_185, %get3A_189 : vector<16xf32>
        %add3A_191 = arith.addf %add3A_181, %mul3A_190 : vector<16xf32>
        %swap3A = arith.index_cast %scan3A_113 : i32 to index
        %swap3A_192 = arith.constant 0 : index
        %swap3A_193 = tpu.vector_load %arg14[%swap3A, %swap3A_192] {strides = array<i32>} : memref<40x16xf32, #tpu.memory_space<vmem>>, vector<1x16xf32>,
        %swap3A_194 = vector.shape_cast %swap3A_193 : vector<1x16xf32> to vector<16xf32>
        %swap3A_195 = vector.shape_cast %add3A_191 : vector<16xf32> to vector<1x16xf32>
        tpu.vector_store %arg14[%swap3A, %swap3A_192], %swap3A_195 {strides = array<i32>} : memref<40x16xf32, #tpu.memory_space<vmem>>, vector<1x16xf32>,
      }
      %scan3A_109 = arith.constant 40 : i32
      %mul3A_110 = arith.constant 40 : i32
      %mul3A_111 = arith.muli %add3A_97, %mul3A_110 : i32
      %add3A_112 = arith.addi %mul3A_2, %mul3A_111 : i32
      "tpu.region"() ({
        %run_scoped3A = tpu.sem_alloc : memref<!tpu.dma_semaphore, #tpu.memory_space<semaphore_mem>>
        %dma_start3A_113 = arith.constant 0 : i32
        %dma_start3A_114 = tpu.memref_slice %arg5[%add3A_112, %dma_start3A_113] : memref<320000x16xf32, #tpu.memory_space<hbm>> -> memref<40x16xf32, #tpu.memory_space<hbm>>
        %dma_start3A_115 = arith.constant 0 : i32
        %dma_start3A_116 = tpu.memref_slice %arg5[%add3A_112, %dma_start3A_115] : memref<320000x16xf32, #tpu.memory_space<hbm>> -> memref<40x16xf32, #tpu.memory_space<hbm>>
        tpu.enqueue_dma source(%arg14 : memref<40x16xf32, #tpu.memory_space<vmem>>) target(%dma_start3A_116 : memref<40x16xf32, #tpu.memory_space<hbm>>) target_semaphore(%run_scoped3A : memref<!tpu.dma_semaphore, #tpu.memory_space<semaphore_mem>>)
        %dma_wait3A_117 = arith.constant 0 : i32
        %dma_wait3A_118 = tpu.memref_slice %arg5[%add3A_112, %dma_wait3A_117] : memref<320000x16xf32, #tpu.memory_space<hbm>> -> memref<40x16xf32, #tpu.memory_space<hbm>>
        %dma_wait3A_119 = arith.constant 0 : i32
        %dma_wait3A_120 = tpu.memref_slice %arg5[%add3A_112, %dma_wait3A_119] : memref<320000x16xf32, #tpu.memory_space<hbm>> -> memref<40x16xf32, #tpu.memory_space<hbm>>
        tpu.wait_dma2 semaphore(%run_scoped3A : memref<!tpu.dma_semaphore, #tpu.memory_space<semaphore_mem>>) src(%arg14 : memref<40x16xf32, #tpu.memory_space<vmem>>) dst(%dma_wait3A_120 : memref<40x16xf32, #tpu.memory_space<hbm>>)
        tpu.yield
      }) : () -> ()
    }
    %scan3A_14 = arith.constant 124 : i32
    %add3A_15 = arith.constant 9960 : i32
    %add3A_16 = arith.addi %mul3A_2, %add3A_15 : i32
    "tpu.region"() ({
      %run_scoped3A = tpu.sem_alloc : memref<!tpu.dma_semaphore, #tpu.memory_space<semaphore_mem>>
      %dma_start3A_50 = tpu.memref_slice %arg3[%add3A_16] : memref<320000xi32, #tpu.memory_space<hbm>> -> memref<40xi32, #tpu.memory_space<hbm>>
      %dma_start3A_51 = tpu.memref_slice %arg3[%add3A_16] : memref<320000xi32, #tpu.memory_space<hbm>> -> memref<40xi32, #tpu.memory_space<hbm>>
      tpu.enqueue_dma source(%dma_start3A_51 : memref<40xi32, #tpu.memory_space<hbm>>) target(%arg8 : memref<40xi32, #tpu.memory_space<vmem>>) target_semaphore(%run_scoped3A : memref<!tpu.dma_semaphore, #tpu.memory_space<semaphore_mem>>)
      %dma_wait3A_52 = tpu.memref_slice %arg3[%add3A_16] : memref<320000xi32, #tpu.memory_space<hbm>> -> memref<40xi32, #tpu.memory_space<hbm>>
      %dma_wait3A_53 = tpu.memref_slice %arg3[%add3A_16] : memref<320000xi32, #tpu.memory_space<hbm>> -> memref<40xi32, #tpu.memory_space<hbm>>
      tpu.wait_dma2 semaphore(%run_scoped3A : memref<!tpu.dma_semaphore, #tpu.memory_space<semaphore_mem>>) src(%dma_wait3A_53 : memref<40xi32, #tpu.memory_space<hbm>>) dst(%arg8 : memref<40xi32, #tpu.memory_space<vmem>>)
      tpu.yield
    }) : () -> ()
    "tpu.region"() ({
      %run_scoped3A = tpu.sem_alloc : memref<!tpu.dma_semaphore, #tpu.memory_space<semaphore_mem>>
      %dma_start3A_50 = tpu.memref_slice %arg4[%add3A_16] : memref<320000xi32, #tpu.memory_space<hbm>> -> memref<40xi32, #tpu.memory_space<hbm>>
      %dma_start3A_51 = tpu.memref_slice %arg4[%add3A_16] : memref<320000xi32, #tpu.memory_space<hbm>> -> memref<40xi32, #tpu.memory_space<hbm>>
      tpu.enqueue_dma source(%dma_start3A_51 : memref<40xi32, #tpu.memory_space<hbm>>) target(%arg9 : memref<40xi32, #tpu.memory_space<vmem>>) target_semaphore(%run_scoped3A : memref<!tpu.dma_semaphore, #tpu.memory_space<semaphore_mem>>)
      %dma_wait3A_52 = tpu.memref_slice %arg4[%add3A_16] : memref<320000xi32, #tpu.memory_space<hbm>> -> memref<40xi32, #tpu.memory_space<hbm>>
      %dma_wait3A_53 = tpu.memref_slice %arg4[%add3A_16] : memref<320000xi32, #tpu.memory_space<hbm>> -> memref<40xi32, #tpu.memory_space<hbm>>
      tpu.wait_dma2 semaphore(%run_scoped3A : memref<!tpu.dma_semaphore, #tpu.memory_space<semaphore_mem>>) src(%dma_wait3A_53 : memref<40xi32, #tpu.memory_space<hbm>>) dst(%arg9 : memref<40xi32, #tpu.memory_space<vmem>>)
      tpu.yield
    }) : () -> ()
    %dma_start3A_17 = arith.constant 0 : i32
    %dma_start3A_18 = arith.constant 0 : i32
    %dma_start3A_19 = tpu.memref_slice %arg2[%dma_start3A_17, %dma_start3A_18] : memref<10000x128xf32, #tpu.memory_space<hbm>> -> memref<10000x128xf32, #tpu.memory_space<hbm>>
    tpu.enqueue_indirect_dma source(%dma_start3A_19 : memref<10000x128xf32, #tpu.memory_space<hbm>>) target(%arg12 : memref<40x128xf32, #tpu.memory_space<vmem>>) offsets(%arg8 : memref<40xi32, #tpu.memory_space<vmem>>) semaphore(%arg16 : memref<!tpu.dma_semaphore, #tpu.memory_space<semaphore_mem>>)
    %dma_start3A_20 = arith.constant 0 : i32
    %dma_start3A_21 = arith.constant 0 : i32
    %dma_start3A_22 = tpu.memref_slice %arg2[%dma_start3A_20, %dma_start3A_21] : memref<10000x128xf32, #tpu.memory_space<hbm>> -> memref<10000x128xf32, #tpu.memory_space<hbm>>
    tpu.enqueue_indirect_dma source(%dma_start3A_22 : memref<10000x128xf32, #tpu.memory_space<hbm>>) target(%arg13 : memref<40x128xf32, #tpu.memory_space<vmem>>) offsets(%arg9 : memref<40xi32, #tpu.memory_space<vmem>>) semaphore(%arg16 : memref<!tpu.dma_semaphore, #tpu.memory_space<semaphore_mem>>)
    %dma_wait3A = arith.constant 0 : i32
    %dma_wait3A_23 = arith.constant 0 : i32
    %dma_wait3A_24 = tpu.memref_slice %arg2[%dma_wait3A, %dma_wait3A_23] : memref<10000x128xf32, #tpu.memory_space<hbm>> -> memref<10000x128xf32, #tpu.memory_space<hbm>>
    tpu.wait_indirect_dma semaphore(%arg15 : memref<!tpu.dma_semaphore, #tpu.memory_space<semaphore_mem>>) src(%dma_wait3A_24 : memref<10000x128xf32, #tpu.memory_space<hbm>>) dst(%arg10 : memref<40x128xf32, #tpu.memory_space<vmem>>)
    %dma_wait3A_25 = arith.constant 0 : i32
    %dma_wait3A_26 = arith.constant 0 : i32
    %dma_wait3A_27 = tpu.memref_slice %arg2[%dma_wait3A_25, %dma_wait3A_26] : memref<10000x128xf32, #tpu.memory_space<hbm>> -> memref<10000x128xf32, #tpu.memory_space<hbm>>
    tpu.wait_indirect_dma semaphore(%arg15 : memref<!tpu.dma_semaphore, #tpu.memory_space<semaphore_mem>>) src(%dma_wait3A_27 : memref<10000x128xf32, #tpu.memory_space<hbm>>) dst(%arg11 : memref<40x128xf32, #tpu.memory_space<vmem>>)
    %scan3A_28 = arith.constant 0 : i32
    %scan3A_29 = arith.constant 0 : i32
    %scan3A_30 = arith.constant 40 : i32
    %scan3A_31 = arith.addi %scan3A_29, %scan3A_30 : i32
    %scan3A_32 = arith.constant 1 : i32
    scf.for %scan3A_50 = %scan3A_29 to %scan3A_31 step %scan3A_32  : i32 {
      %get3A = arith.index_cast %scan3A_50 : i32 to index
      %get3A_51 = arith.constant 0 : index
      %get3A_52 = tpu.vector_load %arg10[%get3A, %get3A_51] {strides = array<i32>} : memref<40x128xf32, #tpu.memory_space<vmem>>, vector<1x16xf32>,
      %get3A_53 = vector.shape_cast %get3A_52 : vector<1x16xf32> to vector<16xf32>
      %get3A_54 = arith.index_cast %scan3A_50 : i32 to index
      %get3A_55 = arith.constant 0 : index
      %get3A_56 = tpu.vector_load %arg11[%get3A_54, %get3A_55] {strides = array<i32>} : memref<40x128xf32, #tpu.memory_space<vmem>>, vector<1x16xf32>,
      %get3A_57 = vector.shape_cast %get3A_56 : vector<1x16xf32> to vector<16xf32>
      %mul3A_58 = arith.mulf %get3A_53, %get3A_57 : vector<16xf32>
      %get3A_59 = arith.index_cast %scan3A_50 : i32 to index
      %get3A_60 = arith.constant 16 : index
      %get3A_61 = tpu.vector_load %arg10[%get3A_59, %get3A_60] {strides = array<i32>} : memref<40x128xf32, #tpu.memory_space<vmem>>, vector<1x16xf32>,
      %get3A_62 = vector.shape_cast %get3A_61 : vector<1x16xf32> to vector<16xf32>
      %get3A_63 = arith.index_cast %scan3A_50 : i32 to index
      %get3A_64 = arith.constant 16 : index
      %get3A_65 = tpu.vector_load %arg11[%get3A_63, %get3A_64] {strides = array<i32>} : memref<40x128xf32, #tpu.memory_space<vmem>>, vector<1x16xf32>,
      %get3A_66 = vector.shape_cast %get3A_65 : vector<1x16xf32> to vector<16xf32>
      %mul3A_67 = arith.mulf %get3A_62, %get3A_66 : vector<16xf32>
      %add3A_68 = arith.addf %mul3A_58, %mul3A_67 : vector<16xf32>
      %get3A_69 = arith.index_cast %scan3A_50 : i32 to index
      %get3A_70 = arith.constant 32 : index
      %get3A_71 = tpu.vector_load %arg10[%get3A_69, %get3A_70] {strides = array<i32>} : memref<40x128xf32, #tpu.memory_space<vmem>>, vector<1x16xf32>,
      %get3A_72 = vector.shape_cast %get3A_71 : vector<1x16xf32> to vector<16xf32>
      %get3A_73 = arith.index_cast %scan3A_50 : i32 to index
      %get3A_74 = arith.constant 32 : index
      %get3A_75 = tpu.vector_load %arg11[%get3A_73, %get3A_74] {strides = array<i32>} : memref<40x128xf32, #tpu.memory_space<vmem>>, vector<1x16xf32>,
      %get3A_76 = vector.shape_cast %get3A_75 : vector<1x16xf32> to vector<16xf32>
      %mul3A_77 = arith.mulf %get3A_72, %get3A_76 : vector<16xf32>
      %add3A_78 = arith.addf %add3A_68, %mul3A_77 : vector<16xf32>
      %get3A_79 = arith.index_cast %scan3A_50 : i32 to index
      %get3A_80 = arith.constant 48 : index
      %get3A_81 = tpu.vector_load %arg10[%get3A_79, %get3A_80] {strides = array<i32>} : memref<40x128xf32, #tpu.memory_space<vmem>>, vector<1x16xf32>,
      %get3A_82 = vector.shape_cast %get3A_81 : vector<1x16xf32> to vector<16xf32>
      %get3A_83 = arith.index_cast %scan3A_50 : i32 to index
      %get3A_84 = arith.constant 48 : index
      %get3A_85 = tpu.vector_load %arg11[%get3A_83, %get3A_84] {strides = array<i32>} : memref<40x128xf32, #tpu.memory_space<vmem>>, vector<1x16xf32>,
      %get3A_86 = vector.shape_cast %get3A_85 : vector<1x16xf32> to vector<16xf32>
      %mul3A_87 = arith.mulf %get3A_82, %get3A_86 : vector<16xf32>
      %add3A_88 = arith.addf %add3A_78, %mul3A_87 : vector<16xf32>
      %get3A_89 = arith.index_cast %scan3A_50 : i32 to index
      %get3A_90 = arith.constant 64 : index
      %get3A_91 = tpu.vector_load %arg10[%get3A_89, %get3A_90] {strides = array<i32>} : memref<40x128xf32, #tpu.memory_space<vmem>>, vector<1x16xf32>,
      %get3A_92 = vector.shape_cast %get3A_91 : vector<1x16xf32> to vector<16xf32>
      %get3A_93 = arith.index_cast %scan3A_50 : i32 to index
      %get3A_94 = arith.constant 64 : index
      %get3A_95 = tpu.vector_load %arg11[%get3A_93, %get3A_94] {strides = array<i32>} : memref<40x128xf32, #tpu.memory_space<vmem>>, vector<1x16xf32>,
      %get3A_96 = vector.shape_cast %get3A_95 : vector<1x16xf32> to vector<16xf32>
      %mul3A_97 = arith.mulf %get3A_92, %get3A_96 : vector<16xf32>
      %add3A_98 = arith.addf %add3A_88, %mul3A_97 : vector<16xf32>
      %get3A_99 = arith.index_cast %scan3A_50 : i32 to index
      %get3A_100 = arith.constant 80 : index
      %get3A_101 = tpu.vector_load %arg10[%get3A_99, %get3A_100] {strides = array<i32>} : memref<40x128xf32, #tpu.memory_space<vmem>>, vector<1x16xf32>,
      %get3A_102 = vector.shape_cast %get3A_101 : vector<1x16xf32> to vector<16xf32>
      %get3A_103 = arith.index_cast %scan3A_50 : i32 to index
      %get3A_104 = arith.constant 80 : index
      %get3A_105 = tpu.vector_load %arg11[%get3A_103, %get3A_104] {strides = array<i32>} : memref<40x128xf32, #tpu.memory_space<vmem>>, vector<1x16xf32>,
      %get3A_106 = vector.shape_cast %get3A_105 : vector<1x16xf32> to vector<16xf32>
      %mul3A_107 = arith.mulf %get3A_102, %get3A_106 : vector<16xf32>
      %add3A_108 = arith.addf %add3A_98, %mul3A_107 : vector<16xf32>
      %get3A_109 = arith.index_cast %scan3A_50 : i32 to index
      %get3A_110 = arith.constant 96 : index
      %get3A_111 = tpu.vector_load %arg10[%get3A_109, %get3A_110] {strides = array<i32>} : memref<40x128xf32, #tpu.memory_space<vmem>>, vector<1x16xf32>,
      %get3A_112 = vector.shape_cast %get3A_111 : vector<1x16xf32> to vector<16xf32>
      %get3A_113 = arith.index_cast %scan3A_50 : i32 to index
      %get3A_114 = arith.constant 96 : index
      %get3A_115 = tpu.vector_load %arg11[%get3A_113, %get3A_114] {strides = array<i32>} : memref<40x128xf32, #tpu.memory_space<vmem>>, vector<1x16xf32>,
      %get3A_116 = vector.shape_cast %get3A_115 : vector<1x16xf32> to vector<16xf32>
      %mul3A_117 = arith.mulf %get3A_112, %get3A_116 : vector<16xf32>
      %add3A_118 = arith.addf %add3A_108, %mul3A_117 : vector<16xf32>
      %get3A_119 = arith.index_cast %scan3A_50 : i32 to index
      %get3A_120 = arith.constant 112 : index
      %get3A_121 = tpu.vector_load %arg10[%get3A_119, %get3A_120] {strides = array<i32>} : memref<40x128xf32, #tpu.memory_space<vmem>>, vector<1x16xf32>,
      %get3A_122 = vector.shape_cast %get3A_121 : vector<1x16xf32> to vector<16xf32>
      %get3A_123 = arith.index_cast %scan3A_50 : i32 to index
      %get3A_124 = arith.constant 112 : index
      %get3A_125 = tpu.vector_load %arg11[%get3A_123, %get3A_124] {strides = array<i32>} : memref<40x128xf32, #tpu.memory_space<vmem>>, vector<1x16xf32>,
      %get3A_126 = vector.shape_cast %get3A_125 : vector<1x16xf32> to vector<16xf32>
      %mul3A_127 = arith.mulf %get3A_122, %get3A_126 : vector<16xf32>
      %add3A_128 = arith.addf %add3A_118, %mul3A_127 : vector<16xf32>
      %swap3A = arith.index_cast %scan3A_50 : i32 to index
      %swap3A_129 = arith.constant 0 : index
      %swap3A_130 = tpu.vector_load %arg14[%swap3A, %swap3A_129] {strides = array<i32>} : memref<40x16xf32, #tpu.memory_space<vmem>>, vector<1x16xf32>,
      %swap3A_131 = vector.shape_cast %swap3A_130 : vector<1x16xf32> to vector<16xf32>
      %swap3A_132 = vector.shape_cast %add3A_128 : vector<16xf32> to vector<1x16xf32>
      tpu.vector_store %arg14[%swap3A, %swap3A_129], %swap3A_132 {strides = array<i32>} : memref<40x16xf32, #tpu.memory_space<vmem>>, vector<1x16xf32>,
    }
    %scan3A_33 = arith.constant 40 : i32
    %add3A_34 = arith.constant 9920 : i32
    %add3A_35 = arith.addi %mul3A_2, %add3A_34 : i32
    "tpu.region"() ({
      %run_scoped3A = tpu.sem_alloc : memref<!tpu.dma_semaphore, #tpu.memory_space<semaphore_mem>>
      %dma_start3A_50 = arith.constant 0 : i32
      %dma_start3A_51 = tpu.memref_slice %arg5[%add3A_35, %dma_start3A_50] : memref<320000x16xf32, #tpu.memory_space<hbm>> -> memref<40x16xf32, #tpu.memory_space<hbm>>
      %dma_start3A_52 = arith.constant 0 : i32
      %dma_start3A_53 = tpu.memref_slice %arg5[%add3A_35, %dma_start3A_52] : memref<320000x16xf32, #tpu.memory_space<hbm>> -> memref<40x16xf32, #tpu.memory_space<hbm>>
      tpu.enqueue_dma source(%arg14 : memref<40x16xf32, #tpu.memory_space<vmem>>) target(%dma_start3A_53 : memref<40x16xf32, #tpu.memory_space<hbm>>) target_semaphore(%run_scoped3A : memref<!tpu.dma_semaphore, #tpu.memory_space<semaphore_mem>>)
      %dma_wait3A_54 = arith.constant 0 : i32
      %dma_wait3A_55 = tpu.memref_slice %arg5[%add3A_35, %dma_wait3A_54] : memref<320000x16xf32, #tpu.memory_space<hbm>> -> memref<40x16xf32, #tpu.memory_space<hbm>>
      %dma_wait3A_56 = arith.constant 0 : i32
      %dma_wait3A_57 = tpu.memref_slice %arg5[%add3A_35, %dma_wait3A_56] : memref<320000x16xf32, #tpu.memory_space<hbm>> -> memref<40x16xf32, #tpu.memory_space<hbm>>
      tpu.wait_dma2 semaphore(%run_scoped3A : memref<!tpu.dma_semaphore, #tpu.memory_space<semaphore_mem>>) src(%arg14 : memref<40x16xf32, #tpu.memory_space<vmem>>) dst(%dma_wait3A_57 : memref<40x16xf32, #tpu.memory_space<hbm>>)
      tpu.yield
    }) : () -> ()
    %dma_wait3A_36 = arith.constant 0 : i32
    %dma_wait3A_37 = arith.constant 0 : i32
    %dma_wait3A_38 = tpu.memref_slice %arg2[%dma_wait3A_36, %dma_wait3A_37] : memref<10000x128xf32, #tpu.memory_space<hbm>> -> memref<10000x128xf32, #tpu.memory_space<hbm>>
    tpu.wait_indirect_dma semaphore(%arg16 : memref<!tpu.dma_semaphore, #tpu.memory_space<semaphore_mem>>) src(%dma_wait3A_38 : memref<10000x128xf32, #tpu.memory_space<hbm>>) dst(%arg12 : memref<40x128xf32, #tpu.memory_space<vmem>>)
    %dma_wait3A_39 = arith.constant 0 : i32
    %dma_wait3A_40 = arith.constant 0 : i32
    %dma_wait3A_41 = tpu.memref_slice %arg2[%dma_wait3A_39, %dma_wait3A_40] : memref<10000x128xf32, #tpu.memory_space<hbm>> -> memref<10000x128xf32, #tpu.memory_space<hbm>>
    tpu.wait_indirect_dma semaphore(%arg16 : memref<!tpu.dma_semaphore, #tpu.memory_space<semaphore_mem>>) src(%dma_wait3A_41 : memref<10000x128xf32, #tpu.memory_space<hbm>>) dst(%arg13 : memref<40x128xf32, #tpu.memory_space<vmem>>)
    %scan3A_42 = arith.constant 0 : i32
    %scan3A_43 = arith.constant 0 : i32
    %scan3A_44 = arith.constant 40 : i32
    %scan3A_45 = arith.addi %scan3A_43, %scan3A_44 : i32
    %scan3A_46 = arith.constant 1 : i32
    scf.for %scan3A_50 = %scan3A_43 to %scan3A_45 step %scan3A_46  : i32 {
      %get3A = arith.index_cast %scan3A_50 : i32 to index
      %get3A_51 = arith.constant 0 : index
      %get3A_52 = tpu.vector_load %arg12[%get3A, %get3A_51] {strides = array<i32>} : memref<40x128xf32, #tpu.memory_space<vmem>>, vector<1x16xf32>,
      %get3A_53 = vector.shape_cast %get3A_52 : vector<1x16xf32> to vector<16xf32>
      %get3A_54 = arith.index_cast %scan3A_50 : i32 to index
      %get3A_55 = arith.constant 0 : index
      %get3A_56 = tpu.vector_load %arg13[%get3A_54, %get3A_55] {strides = array<i32>} : memref<40x128xf32, #tpu.memory_space<vmem>>, vector<1x16xf32>,
      %get3A_57 = vector.shape_cast %get3A_56 : vector<1x16xf32> to vector<16xf32>
      %mul3A_58 = arith.mulf %get3A_53, %get3A_57 : vector<16xf32>
      %get3A_59 = arith.index_cast %scan3A_50 : i32 to index
      %get3A_60 = arith.constant 16 : index
      %get3A_61 = tpu.vector_load %arg12[%get3A_59, %get3A_60] {strides = array<i32>} : memref<40x128xf32, #tpu.memory_space<vmem>>, vector<1x16xf32>,
      %get3A_62 = vector.shape_cast %get3A_61 : vector<1x16xf32> to vector<16xf32>
      %get3A_63 = arith.index_cast %scan3A_50 : i32 to index
      %get3A_64 = arith.constant 16 : index
      %get3A_65 = tpu.vector_load %arg13[%get3A_63, %get3A_64] {strides = array<i32>} : memref<40x128xf32, #tpu.memory_space<vmem>>, vector<1x16xf32>,
      %get3A_66 = vector.shape_cast %get3A_65 : vector<1x16xf32> to vector<16xf32>
      %mul3A_67 = arith.mulf %get3A_62, %get3A_66 : vector<16xf32>
      %add3A_68 = arith.addf %mul3A_58, %mul3A_67 : vector<16xf32>
      %get3A_69 = arith.index_cast %scan3A_50 : i32 to index
      %get3A_70 = arith.constant 32 : index
      %get3A_71 = tpu.vector_load %arg12[%get3A_69, %get3A_70] {strides = array<i32>} : memref<40x128xf32, #tpu.memory_space<vmem>>, vector<1x16xf32>,
      %get3A_72 = vector.shape_cast %get3A_71 : vector<1x16xf32> to vector<16xf32>
      %get3A_73 = arith.index_cast %scan3A_50 : i32 to index
      %get3A_74 = arith.constant 32 : index
      %get3A_75 = tpu.vector_load %arg13[%get3A_73, %get3A_74] {strides = array<i32>} : memref<40x128xf32, #tpu.memory_space<vmem>>, vector<1x16xf32>,
      %get3A_76 = vector.shape_cast %get3A_75 : vector<1x16xf32> to vector<16xf32>
      %mul3A_77 = arith.mulf %get3A_72, %get3A_76 : vector<16xf32>
      %add3A_78 = arith.addf %add3A_68, %mul3A_77 : vector<16xf32>
      %get3A_79 = arith.index_cast %scan3A_50 : i32 to index
      %get3A_80 = arith.constant 48 : index
      %get3A_81 = tpu.vector_load %arg12[%get3A_79, %get3A_80] {strides = array<i32>} : memref<40x128xf32, #tpu.memory_space<vmem>>, vector<1x16xf32>,
      %get3A_82 = vector.shape_cast %get3A_81 : vector<1x16xf32> to vector<16xf32>
      %get3A_83 = arith.index_cast %scan3A_50 : i32 to index
      %get3A_84 = arith.constant 48 : index
      %get3A_85 = tpu.vector_load %arg13[%get3A_83, %get3A_84] {strides = array<i32>} : memref<40x128xf32, #tpu.memory_space<vmem>>, vector<1x16xf32>,
      %get3A_86 = vector.shape_cast %get3A_85 : vector<1x16xf32> to vector<16xf32>
      %mul3A_87 = arith.mulf %get3A_82, %get3A_86 : vector<16xf32>
      %add3A_88 = arith.addf %add3A_78, %mul3A_87 : vector<16xf32>
      %get3A_89 = arith.index_cast %scan3A_50 : i32 to index
      %get3A_90 = arith.constant 64 : index
      %get3A_91 = tpu.vector_load %arg12[%get3A_89, %get3A_90] {strides = array<i32>} : memref<40x128xf32, #tpu.memory_space<vmem>>, vector<1x16xf32>,
      %get3A_92 = vector.shape_cast %get3A_91 : vector<1x16xf32> to vector<16xf32>
      %get3A_93 = arith.index_cast %scan3A_50 : i32 to index
      %get3A_94 = arith.constant 64 : index
      %get3A_95 = tpu.vector_load %arg13[%get3A_93, %get3A_94] {strides = array<i32>} : memref<40x128xf32, #tpu.memory_space<vmem>>, vector<1x16xf32>,
      %get3A_96 = vector.shape_cast %get3A_95 : vector<1x16xf32> to vector<16xf32>
      %mul3A_97 = arith.mulf %get3A_92, %get3A_96 : vector<16xf32>
      %add3A_98 = arith.addf %add3A_88, %mul3A_97 : vector<16xf32>
      %get3A_99 = arith.index_cast %scan3A_50 : i32 to index
      %get3A_100 = arith.constant 80 : index
      %get3A_101 = tpu.vector_load %arg12[%get3A_99, %get3A_100] {strides = array<i32>} : memref<40x128xf32, #tpu.memory_space<vmem>>, vector<1x16xf32>,
      %get3A_102 = vector.shape_cast %get3A_101 : vector<1x16xf32> to vector<16xf32>
      %get3A_103 = arith.index_cast %scan3A_50 : i32 to index
      %get3A_104 = arith.constant 80 : index
      %get3A_105 = tpu.vector_load %arg13[%get3A_103, %get3A_104] {strides = array<i32>} : memref<40x128xf32, #tpu.memory_space<vmem>>, vector<1x16xf32>,
      %get3A_106 = vector.shape_cast %get3A_105 : vector<1x16xf32> to vector<16xf32>
      %mul3A_107 = arith.mulf %get3A_102, %get3A_106 : vector<16xf32>
      %add3A_108 = arith.addf %add3A_98, %mul3A_107 : vector<16xf32>
      %get3A_109 = arith.index_cast %scan3A_50 : i32 to index
      %get3A_110 = arith.constant 96 : index
      %get3A_111 = tpu.vector_load %arg12[%get3A_109, %get3A_110] {strides = array<i32>} : memref<40x128xf32, #tpu.memory_space<vmem>>, vector<1x16xf32>,
      %get3A_112 = vector.shape_cast %get3A_111 : vector<1x16xf32> to vector<16xf32>
      %get3A_113 = arith.index_cast %scan3A_50 : i32 to index
      %get3A_114 = arith.constant 96 : index
      %get3A_115 = tpu.vector_load %arg13[%get3A_113, %get3A_114] {strides = array<i32>} : memref<40x128xf32, #tpu.memory_space<vmem>>, vector<1x16xf32>,
      %get3A_116 = vector.shape_cast %get3A_115 : vector<1x16xf32> to vector<16xf32>
      %mul3A_117 = arith.mulf %get3A_112, %get3A_116 : vector<16xf32>
      %add3A_118 = arith.addf %add3A_108, %mul3A_117 : vector<16xf32>
      %get3A_119 = arith.index_cast %scan3A_50 : i32 to index
      %get3A_120 = arith.constant 112 : index
      %get3A_121 = tpu.vector_load %arg12[%get3A_119, %get3A_120] {strides = array<i32>} : memref<40x128xf32, #tpu.memory_space<vmem>>, vector<1x16xf32>,
      %get3A_122 = vector.shape_cast %get3A_121 : vector<1x16xf32> to vector<16xf32>
      %get3A_123 = arith.index_cast %scan3A_50 : i32 to index
      %get3A_124 = arith.constant 112 : index
      %get3A_125 = tpu.vector_load %arg13[%get3A_123, %get3A_124] {strides = array<i32>} : memref<40x128xf32, #tpu.memory_space<vmem>>, vector<1x16xf32>,
      %get3A_126 = vector.shape_cast %get3A_125 : vector<1x16xf32> to vector<16xf32>
      %mul3A_127 = arith.mulf %get3A_122, %get3A_126 : vector<16xf32>
      %add3A_128 = arith.addf %add3A_118, %mul3A_127 : vector<16xf32>
      %swap3A = arith.index_cast %scan3A_50 : i32 to index
      %swap3A_129 = arith.constant 0 : index
      %swap3A_130 = tpu.vector_load %arg14[%swap3A, %swap3A_129] {strides = array<i32>} : memref<40x16xf32, #tpu.memory_space<vmem>>, vector<1x16xf32>,
      %swap3A_131 = vector.shape_cast %swap3A_130 : vector<1x16xf32> to vector<16xf32>
      %swap3A_132 = vector.shape_cast %add3A_128 : vector<16xf32> to vector<1x16xf32>
      tpu.vector_store %arg14[%swap3A, %swap3A_129], %swap3A_132 {strides = array<i32>} : memref<40x16xf32, #tpu.memory_space<vmem>>, vector<1x16xf32>,
    }
    %scan3A_47 = arith.constant 40 : i32
    %add3A_48 = arith.constant 9960 : i32
    %add3A_49 = arith.addi %mul3A_2, %add3A_48 : i32
    "tpu.region"() ({
      %run_scoped3A = tpu.sem_alloc : memref<!tpu.dma_semaphore, #tpu.memory_space<semaphore_mem>>
      %dma_start3A_50 = arith.constant 0 : i32
      %dma_start3A_51 = tpu.memref_slice %arg5[%add3A_49, %dma_start3A_50] : memref<320000x16xf32, #tpu.memory_space<hbm>> -> memref<40x16xf32, #tpu.memory_space<hbm>>
      %dma_start3A_52 = arith.constant 0 : i32
      %dma_start3A_53 = tpu.memref_slice %arg5[%add3A_49, %dma_start3A_52] : memref<320000x16xf32, #tpu.memory_space<hbm>> -> memref<40x16xf32, #tpu.memory_space<hbm>>
      tpu.enqueue_dma source(%arg14 : memref<40x16xf32, #tpu.memory_space<vmem>>) target(%dma_start3A_53 : memref<40x16xf32, #tpu.memory_space<hbm>>) target_semaphore(%run_scoped3A : memref<!tpu.dma_semaphore, #tpu.memory_space<semaphore_mem>>)
      %dma_wait3A_54 = arith.constant 0 : i32
      %dma_wait3A_55 = tpu.memref_slice %arg5[%add3A_49, %dma_wait3A_54] : memref<320000x16xf32, #tpu.memory_space<hbm>> -> memref<40x16xf32, #tpu.memory_space<hbm>>
      %dma_wait3A_56 = arith.constant 0 : i32
      %dma_wait3A_57 = tpu.memref_slice %arg5[%add3A_49, %dma_wait3A_56] : memref<320000x16xf32, #tpu.memory_space<hbm>> -> memref<40x16xf32, #tpu.memory_space<hbm>>
      tpu.wait_dma2 semaphore(%run_scoped3A : memref<!tpu.dma_semaphore, #tpu.memory_space<semaphore_mem>>) src(%arg14 : memref<40x16xf32, #tpu.memory_space<vmem>>) dst(%dma_wait3A_57 : memref<40x16xf32, #tpu.memory_space<hbm>>)
      tpu.yield
    }) : () -> ()
    return
  }
}

#map = affine_map<(d0, d1) -> (0, 0)>
#map1 = affine_map<(d0, d1) -> (0)>
#map2 = affine_map<(d0, d1) -> (0, 0, 0, 0)>
module attributes {stable_mosaic.version = 14 : i64} {
  func.func @_scatter_sc(%arg0: i32, %arg1: i32, %arg2: memref<10000x128xf32, #tpu.memory_space<hbm>>, %arg3: memref<320000xi32, #tpu.memory_space<hbm>>, %arg4: memref<320000xi32, #tpu.memory_space<hbm>>, %arg5: memref<632x128xf32, #tpu.memory_space<hbm>>, %arg6: memref<2x16x632x128xf32, #tpu.memory_space<hbm>>, %arg7: memref<40xi32, #tpu.memory_space<vmem>>, %arg8: memref<40xi32, #tpu.memory_space<vmem>>, %arg9: memref<40xi32, #tpu.memory_space<vmem>>, %arg10: memref<40xi32, #tpu.memory_space<vmem>>, %arg11: memref<40x128xf32, #tpu.memory_space<vmem>>, %arg12: memref<40x128xf32, #tpu.memory_space<vmem>>, %arg13: memref<10112x128xf32, #tpu.memory_space<vmem_shared>>, %arg14: memref<!tpu.dma_semaphore, #tpu.memory_space<semaphore_mem>>, %arg15: memref<!tpu.dma_semaphore, #tpu.memory_space<semaphore_mem>>) attributes {dimension_semantics = [#tpu.dimension_semantics<core_parallel>, #tpu.dimension_semantics<subcore_parallel>], iteration_bounds = array<i64: 2, 16>, scalar_prefetch = 0 : i64, scratch_operands = 9 : i64, tpu.core_type = #tpu.core_type<sc_vector_subcore>, window_params = [{transform_indices = #map}, {transform_indices = #map1}, {transform_indices = #map1}, {transform_indices = #map}, {transform_indices = #map2}]} {
    %mul3A = arith.constant 2 : i32
    %mul3A_0 = arith.muli %arg1, %mul3A : i32
    %add3A = arith.addi %mul3A_0, %arg0 : i32
    %mul3A_1 = arith.constant 632 : i32
    %mul3A_2 = arith.muli %arg1, %mul3A_1 : i32
    "tpu.region"() ({
      %run_scoped3A = tpu.sem_alloc : memref<!tpu.dma_semaphore, #tpu.memory_space<semaphore_mem>>
      %dma_start3A_27 = arith.constant 0 : i32
      %dma_start3A_28 = tpu.memref_slice %arg13[%mul3A_2, %dma_start3A_27] : memref<10112x128xf32, #tpu.memory_space<vmem_shared>> -> memref<632x128xf32, #tpu.memory_space<vmem_shared>>
      tpu.enqueue_dma source(%arg5 : memref<632x128xf32, #tpu.memory_space<hbm>>) target(%dma_start3A_28 : memref<632x128xf32, #tpu.memory_space<vmem_shared>>) target_semaphore(%run_scoped3A : memref<!tpu.dma_semaphore, #tpu.memory_space<semaphore_mem>>)
      %dma_wait3A_29 = arith.constant 0 : i32
      %dma_wait3A_30 = tpu.memref_slice %arg13[%mul3A_2, %dma_wait3A_29] : memref<10112x128xf32, #tpu.memory_space<vmem_shared>> -> memref<632x128xf32, #tpu.memory_space<vmem_shared>>
      tpu.wait_dma2 semaphore(%run_scoped3A : memref<!tpu.dma_semaphore, #tpu.memory_space<semaphore_mem>>) src(%arg5 : memref<632x128xf32, #tpu.memory_space<hbm>>) dst(%dma_wait3A_30 : memref<632x128xf32, #tpu.memory_space<vmem_shared>>)
      tpu.yield
    }) : () -> ()
    %barrier3A = arith.constant 0 : index
    tpu.barrier barrier_id(%barrier3A)
    %mul3A_3 = arith.constant 10000 : i32
    %mul3A_4 = arith.muli %add3A, %mul3A_3 : i32
    %add3A_5 = arith.constant 0 : i32
    %add3A_6 = arith.addi %mul3A_4, %add3A_5 : i32
    "tpu.region"() ({
      %run_scoped3A = tpu.sem_alloc : memref<!tpu.dma_semaphore, #tpu.memory_space<semaphore_mem>>
      %dma_start3A_27 = tpu.memref_slice %arg3[%add3A_6] : memref<320000xi32, #tpu.memory_space<hbm>> -> memref<40xi32, #tpu.memory_space<hbm>>
      %dma_start3A_28 = tpu.memref_slice %arg3[%add3A_6] : memref<320000xi32, #tpu.memory_space<hbm>> -> memref<40xi32, #tpu.memory_space<hbm>>
      tpu.enqueue_dma source(%dma_start3A_28 : memref<40xi32, #tpu.memory_space<hbm>>) target(%arg7 : memref<40xi32, #tpu.memory_space<vmem>>) target_semaphore(%run_scoped3A : memref<!tpu.dma_semaphore, #tpu.memory_space<semaphore_mem>>)
      %dma_wait3A_29 = tpu.memref_slice %arg3[%add3A_6] : memref<320000xi32, #tpu.memory_space<hbm>> -> memref<40xi32, #tpu.memory_space<hbm>>
      %dma_wait3A_30 = tpu.memref_slice %arg3[%add3A_6] : memref<320000xi32, #tpu.memory_space<hbm>> -> memref<40xi32, #tpu.memory_space<hbm>>
      tpu.wait_dma2 semaphore(%run_scoped3A : memref<!tpu.dma_semaphore, #tpu.memory_space<semaphore_mem>>) src(%dma_wait3A_30 : memref<40xi32, #tpu.memory_space<hbm>>) dst(%arg7 : memref<40xi32, #tpu.memory_space<vmem>>)
      tpu.yield
    }) : () -> ()
    "tpu.region"() ({
      %run_scoped3A = tpu.sem_alloc : memref<!tpu.dma_semaphore, #tpu.memory_space<semaphore_mem>>
      %dma_start3A_27 = tpu.memref_slice %arg4[%add3A_6] : memref<320000xi32, #tpu.memory_space<hbm>> -> memref<40xi32, #tpu.memory_space<hbm>>
      %dma_start3A_28 = tpu.memref_slice %arg4[%add3A_6] : memref<320000xi32, #tpu.memory_space<hbm>> -> memref<40xi32, #tpu.memory_space<hbm>>
      tpu.enqueue_dma source(%dma_start3A_28 : memref<40xi32, #tpu.memory_space<hbm>>) target(%arg8 : memref<40xi32, #tpu.memory_space<vmem>>) target_semaphore(%run_scoped3A : memref<!tpu.dma_semaphore, #tpu.memory_space<semaphore_mem>>)
      %dma_wait3A_29 = tpu.memref_slice %arg4[%add3A_6] : memref<320000xi32, #tpu.memory_space<hbm>> -> memref<40xi32, #tpu.memory_space<hbm>>
      %dma_wait3A_30 = tpu.memref_slice %arg4[%add3A_6] : memref<320000xi32, #tpu.memory_space<hbm>> -> memref<40xi32, #tpu.memory_space<hbm>>
      tpu.wait_dma2 semaphore(%run_scoped3A : memref<!tpu.dma_semaphore, #tpu.memory_space<semaphore_mem>>) src(%dma_wait3A_30 : memref<40xi32, #tpu.memory_space<hbm>>) dst(%arg8 : memref<40xi32, #tpu.memory_space<vmem>>)
      tpu.yield
    }) : () -> ()
    %dma_start3A = arith.constant 0 : i32
    %dma_start3A_7 = arith.constant 0 : i32
    %dma_start3A_8 = tpu.memref_slice %arg2[%dma_start3A, %dma_start3A_7] : memref<10000x128xf32, #tpu.memory_space<hbm>> -> memref<10000x128xf32, #tpu.memory_space<hbm>>
    tpu.enqueue_indirect_dma source(%dma_start3A_8 : memref<10000x128xf32, #tpu.memory_space<hbm>>) target(%arg11 : memref<40x128xf32, #tpu.memory_space<vmem>>) offsets(%arg7 : memref<40xi32, #tpu.memory_space<vmem>>) semaphore(%arg14 : memref<!tpu.dma_semaphore, #tpu.memory_space<semaphore_mem>>)
    %scan3A = arith.constant 0 : i32
    %scan3A_9 = arith.constant 0 : i32
    %scan3A_10 = arith.constant 124 : i32
    %scan3A_11 = arith.addi %scan3A_9, %scan3A_10 : i32
    %scan3A_12 = arith.constant 1 : i32
    scf.for %scan3A_27 = %scan3A_9 to %scan3A_11 step %scan3A_12  : i32 {
      %mul3A_28 = arith.constant 2 : i32
      %mul3A_29 = arith.muli %mul3A_28, %scan3A_27 : i32
      %add3A_30 = arith.constant 1 : i32
      %add3A_31 = arith.addi %mul3A_29, %add3A_30 : i32
      %mul3A_32 = arith.constant 40 : i32
      %mul3A_33 = arith.muli %add3A_31, %mul3A_32 : i32
      %add3A_34 = arith.addi %mul3A_4, %mul3A_33 : i32
      "tpu.region"() ({
        %run_scoped3A = tpu.sem_alloc : memref<!tpu.dma_semaphore, #tpu.memory_space<semaphore_mem>>
        %dma_start3A_54 = tpu.memref_slice %arg3[%add3A_34] : memref<320000xi32, #tpu.memory_space<hbm>> -> memref<40xi32, #tpu.memory_space<hbm>>
        %dma_start3A_55 = tpu.memref_slice %arg3[%add3A_34] : memref<320000xi32, #tpu.memory_space<hbm>> -> memref<40xi32, #tpu.memory_space<hbm>>
        tpu.enqueue_dma source(%dma_start3A_55 : memref<40xi32, #tpu.memory_space<hbm>>) target(%arg9 : memref<40xi32, #tpu.memory_space<vmem>>) target_semaphore(%run_scoped3A : memref<!tpu.dma_semaphore, #tpu.memory_space<semaphore_mem>>)
        %dma_wait3A_56 = tpu.memref_slice %arg3[%add3A_34] : memref<320000xi32, #tpu.memory_space<hbm>> -> memref<40xi32, #tpu.memory_space<hbm>>
        %dma_wait3A_57 = tpu.memref_slice %arg3[%add3A_34] : memref<320000xi32, #tpu.memory_space<hbm>> -> memref<40xi32, #tpu.memory_space<hbm>>
        tpu.wait_dma2 semaphore(%run_scoped3A : memref<!tpu.dma_semaphore, #tpu.memory_space<semaphore_mem>>) src(%dma_wait3A_57 : memref<40xi32, #tpu.memory_space<hbm>>) dst(%arg9 : memref<40xi32, #tpu.memory_space<vmem>>)
        tpu.yield
      }) : () -> ()
      "tpu.region"() ({
        %run_scoped3A = tpu.sem_alloc : memref<!tpu.dma_semaphore, #tpu.memory_space<semaphore_mem>>
        %dma_start3A_54 = tpu.memref_slice %arg4[%add3A_34] : memref<320000xi32, #tpu.memory_space<hbm>> -> memref<40xi32, #tpu.memory_space<hbm>>
        %dma_start3A_55 = tpu.memref_slice %arg4[%add3A_34] : memref<320000xi32, #tpu.memory_space<hbm>> -> memref<40xi32, #tpu.memory_space<hbm>>
        tpu.enqueue_dma source(%dma_start3A_55 : memref<40xi32, #tpu.memory_space<hbm>>) target(%arg10 : memref<40xi32, #tpu.memory_space<vmem>>) target_semaphore(%run_scoped3A : memref<!tpu.dma_semaphore, #tpu.memory_space<semaphore_mem>>)
        %dma_wait3A_56 = tpu.memref_slice %arg4[%add3A_34] : memref<320000xi32, #tpu.memory_space<hbm>> -> memref<40xi32, #tpu.memory_space<hbm>>
        %dma_wait3A_57 = tpu.memref_slice %arg4[%add3A_34] : memref<320000xi32, #tpu.memory_space<hbm>> -> memref<40xi32, #tpu.memory_space<hbm>>
        tpu.wait_dma2 semaphore(%run_scoped3A : memref<!tpu.dma_semaphore, #tpu.memory_space<semaphore_mem>>) src(%dma_wait3A_57 : memref<40xi32, #tpu.memory_space<hbm>>) dst(%arg10 : memref<40xi32, #tpu.memory_space<vmem>>)
        tpu.yield
      }) : () -> ()
      %dma_start3A_35 = arith.constant 0 : i32
      %dma_start3A_36 = arith.constant 0 : i32
      %dma_start3A_37 = tpu.memref_slice %arg2[%dma_start3A_35, %dma_start3A_36] : memref<10000x128xf32, #tpu.memory_space<hbm>> -> memref<10000x128xf32, #tpu.memory_space<hbm>>
      tpu.enqueue_indirect_dma source(%dma_start3A_37 : memref<10000x128xf32, #tpu.memory_space<hbm>>) target(%arg12 : memref<40x128xf32, #tpu.memory_space<vmem>>) offsets(%arg9 : memref<40xi32, #tpu.memory_space<vmem>>) semaphore(%arg15 : memref<!tpu.dma_semaphore, #tpu.memory_space<semaphore_mem>>)
      %dma_wait3A_38 = arith.constant 0 : i32
      %dma_wait3A_39 = arith.constant 0 : i32
      %dma_wait3A_40 = tpu.memref_slice %arg2[%dma_wait3A_38, %dma_wait3A_39] : memref<10000x128xf32, #tpu.memory_space<hbm>> -> memref<10000x128xf32, #tpu.memory_space<hbm>>
      tpu.wait_indirect_dma semaphore(%arg14 : memref<!tpu.dma_semaphore, #tpu.memory_space<semaphore_mem>>) src(%dma_wait3A_40 : memref<10000x128xf32, #tpu.memory_space<hbm>>) dst(%arg11 : memref<40x128xf32, #tpu.memory_space<vmem>>)
      "tpu.region"() ({
        %run_scoped3A = tpu.sem_alloc : memref<!tpu.dma_semaphore, #tpu.memory_space<semaphore_mem>>
        %dma_start3A_54 = arith.constant 0 : i32
        %dma_start3A_55 = arith.constant 0 : i32
        %dma_start3A_56 = tpu.memref_slice %arg13[%dma_start3A_54, %dma_start3A_55] : memref<10112x128xf32, #tpu.memory_space<vmem_shared>> -> memref<10112x128xf32, #tpu.memory_space<vmem_shared>>
        tpu.enqueue_indirect_dma source(%arg11 : memref<40x128xf32, #tpu.memory_space<vmem>>) target(%dma_start3A_56 : memref<10112x128xf32, #tpu.memory_space<vmem_shared>>) offsets(%arg8 : memref<40xi32, #tpu.memory_space<vmem>>) semaphore(%run_scoped3A : memref<!tpu.dma_semaphore, #tpu.memory_space<semaphore_mem>>) {add = true}
        %dma_wait3A_57 = arith.constant 0 : i32
        %dma_wait3A_58 = arith.constant 0 : i32
        %dma_wait3A_59 = tpu.memref_slice %arg13[%dma_wait3A_57, %dma_wait3A_58] : memref<10112x128xf32, #tpu.memory_space<vmem_shared>> -> memref<10112x128xf32, #tpu.memory_space<vmem_shared>>
        tpu.wait_indirect_dma semaphore(%run_scoped3A : memref<!tpu.dma_semaphore, #tpu.memory_space<semaphore_mem>>) src(%arg11 : memref<40x128xf32, #tpu.memory_space<vmem>>) dst(%dma_wait3A_59 : memref<10112x128xf32, #tpu.memory_space<vmem_shared>>)
        tpu.yield
      }) : () -> ()
      %mul3A_41 = arith.constant 2 : i32
      %mul3A_42 = arith.muli %mul3A_41, %scan3A_27 : i32
      %add3A_43 = arith.constant 2 : i32
      %add3A_44 = arith.addi %mul3A_42, %add3A_43 : i32
      %mul3A_45 = arith.constant 40 : i32
      %mul3A_46 = arith.muli %add3A_44, %mul3A_45 : i32
      %add3A_47 = arith.addi %mul3A_4, %mul3A_46 : i32
      "tpu.region"() ({
        %run_scoped3A = tpu.sem_alloc : memref<!tpu.dma_semaphore, #tpu.memory_space<semaphore_mem>>
        %dma_start3A_54 = tpu.memref_slice %arg3[%add3A_47] : memref<320000xi32, #tpu.memory_space<hbm>> -> memref<40xi32, #tpu.memory_space<hbm>>
        %dma_start3A_55 = tpu.memref_slice %arg3[%add3A_47] : memref<320000xi32, #tpu.memory_space<hbm>> -> memref<40xi32, #tpu.memory_space<hbm>>
        tpu.enqueue_dma source(%dma_start3A_55 : memref<40xi32, #tpu.memory_space<hbm>>) target(%arg7 : memref<40xi32, #tpu.memory_space<vmem>>) target_semaphore(%run_scoped3A : memref<!tpu.dma_semaphore, #tpu.memory_space<semaphore_mem>>)
        %dma_wait3A_56 = tpu.memref_slice %arg3[%add3A_47] : memref<320000xi32, #tpu.memory_space<hbm>> -> memref<40xi32, #tpu.memory_space<hbm>>
        %dma_wait3A_57 = tpu.memref_slice %arg3[%add3A_47] : memref<320000xi32, #tpu.memory_space<hbm>> -> memref<40xi32, #tpu.memory_space<hbm>>
        tpu.wait_dma2 semaphore(%run_scoped3A : memref<!tpu.dma_semaphore, #tpu.memory_space<semaphore_mem>>) src(%dma_wait3A_57 : memref<40xi32, #tpu.memory_space<hbm>>) dst(%arg7 : memref<40xi32, #tpu.memory_space<vmem>>)
        tpu.yield
      }) : () -> ()
      "tpu.region"() ({
        %run_scoped3A = tpu.sem_alloc : memref<!tpu.dma_semaphore, #tpu.memory_space<semaphore_mem>>
        %dma_start3A_54 = tpu.memref_slice %arg4[%add3A_47] : memref<320000xi32, #tpu.memory_space<hbm>> -> memref<40xi32, #tpu.memory_space<hbm>>
        %dma_start3A_55 = tpu.memref_slice %arg4[%add3A_47] : memref<320000xi32, #tpu.memory_space<hbm>> -> memref<40xi32, #tpu.memory_space<hbm>>
        tpu.enqueue_dma source(%dma_start3A_55 : memref<40xi32, #tpu.memory_space<hbm>>) target(%arg8 : memref<40xi32, #tpu.memory_space<vmem>>) target_semaphore(%run_scoped3A : memref<!tpu.dma_semaphore, #tpu.memory_space<semaphore_mem>>)
        %dma_wait3A_56 = tpu.memref_slice %arg4[%add3A_47] : memref<320000xi32, #tpu.memory_space<hbm>> -> memref<40xi32, #tpu.memory_space<hbm>>
        %dma_wait3A_57 = tpu.memref_slice %arg4[%add3A_47] : memref<320000xi32, #tpu.memory_space<hbm>> -> memref<40xi32, #tpu.memory_space<hbm>>
        tpu.wait_dma2 semaphore(%run_scoped3A : memref<!tpu.dma_semaphore, #tpu.memory_space<semaphore_mem>>) src(%dma_wait3A_57 : memref<40xi32, #tpu.memory_space<hbm>>) dst(%arg8 : memref<40xi32, #tpu.memory_space<vmem>>)
        tpu.yield
      }) : () -> ()
      %dma_start3A_48 = arith.constant 0 : i32
      %dma_start3A_49 = arith.constant 0 : i32
      %dma_start3A_50 = tpu.memref_slice %arg2[%dma_start3A_48, %dma_start3A_49] : memref<10000x128xf32, #tpu.memory_space<hbm>> -> memref<10000x128xf32, #tpu.memory_space<hbm>>
      tpu.enqueue_indirect_dma source(%dma_start3A_50 : memref<10000x128xf32, #tpu.memory_space<hbm>>) target(%arg11 : memref<40x128xf32, #tpu.memory_space<vmem>>) offsets(%arg7 : memref<40xi32, #tpu.memory_space<vmem>>) semaphore(%arg14 : memref<!tpu.dma_semaphore, #tpu.memory_space<semaphore_mem>>)
      %dma_wait3A_51 = arith.constant 0 : i32
      %dma_wait3A_52 = arith.constant 0 : i32
      %dma_wait3A_53 = tpu.memref_slice %arg2[%dma_wait3A_51, %dma_wait3A_52] : memref<10000x128xf32, #tpu.memory_space<hbm>> -> memref<10000x128xf32, #tpu.memory_space<hbm>>
      tpu.wait_indirect_dma semaphore(%arg15 : memref<!tpu.dma_semaphore, #tpu.memory_space<semaphore_mem>>) src(%dma_wait3A_53 : memref<10000x128xf32, #tpu.memory_space<hbm>>) dst(%arg12 : memref<40x128xf32, #tpu.memory_space<vmem>>)
      "tpu.region"() ({
        %run_scoped3A = tpu.sem_alloc : memref<!tpu.dma_semaphore, #tpu.memory_space<semaphore_mem>>
        %dma_start3A_54 = arith.constant 0 : i32
        %dma_start3A_55 = arith.constant 0 : i32
        %dma_start3A_56 = tpu.memref_slice %arg13[%dma_start3A_54, %dma_start3A_55] : memref<10112x128xf32, #tpu.memory_space<vmem_shared>> -> memref<10112x128xf32, #tpu.memory_space<vmem_shared>>
        tpu.enqueue_indirect_dma source(%arg12 : memref<40x128xf32, #tpu.memory_space<vmem>>) target(%dma_start3A_56 : memref<10112x128xf32, #tpu.memory_space<vmem_shared>>) offsets(%arg10 : memref<40xi32, #tpu.memory_space<vmem>>) semaphore(%run_scoped3A : memref<!tpu.dma_semaphore, #tpu.memory_space<semaphore_mem>>) {add = true}
        %dma_wait3A_57 = arith.constant 0 : i32
        %dma_wait3A_58 = arith.constant 0 : i32
        %dma_wait3A_59 = tpu.memref_slice %arg13[%dma_wait3A_57, %dma_wait3A_58] : memref<10112x128xf32, #tpu.memory_space<vmem_shared>> -> memref<10112x128xf32, #tpu.memory_space<vmem_shared>>
        tpu.wait_indirect_dma semaphore(%run_scoped3A : memref<!tpu.dma_semaphore, #tpu.memory_space<semaphore_mem>>) src(%arg12 : memref<40x128xf32, #tpu.memory_space<vmem>>) dst(%dma_wait3A_59 : memref<10112x128xf32, #tpu.memory_space<vmem_shared>>)
        tpu.yield
      }) : () -> ()
    }
    %scan3A_13 = arith.constant 124 : i32
    %add3A_14 = arith.constant 9960 : i32
    %add3A_15 = arith.addi %mul3A_4, %add3A_14 : i32
    "tpu.region"() ({
      %run_scoped3A = tpu.sem_alloc : memref<!tpu.dma_semaphore, #tpu.memory_space<semaphore_mem>>
      %dma_start3A_27 = tpu.memref_slice %arg3[%add3A_15] : memref<320000xi32, #tpu.memory_space<hbm>> -> memref<40xi32, #tpu.memory_space<hbm>>
      %dma_start3A_28 = tpu.memref_slice %arg3[%add3A_15] : memref<320000xi32, #tpu.memory_space<hbm>> -> memref<40xi32, #tpu.memory_space<hbm>>
      tpu.enqueue_dma source(%dma_start3A_28 : memref<40xi32, #tpu.memory_space<hbm>>) target(%arg9 : memref<40xi32, #tpu.memory_space<vmem>>) target_semaphore(%run_scoped3A : memref<!tpu.dma_semaphore, #tpu.memory_space<semaphore_mem>>)
      %dma_wait3A_29 = tpu.memref_slice %arg3[%add3A_15] : memref<320000xi32, #tpu.memory_space<hbm>> -> memref<40xi32, #tpu.memory_space<hbm>>
      %dma_wait3A_30 = tpu.memref_slice %arg3[%add3A_15] : memref<320000xi32, #tpu.memory_space<hbm>> -> memref<40xi32, #tpu.memory_space<hbm>>
      tpu.wait_dma2 semaphore(%run_scoped3A : memref<!tpu.dma_semaphore, #tpu.memory_space<semaphore_mem>>) src(%dma_wait3A_30 : memref<40xi32, #tpu.memory_space<hbm>>) dst(%arg9 : memref<40xi32, #tpu.memory_space<vmem>>)
      tpu.yield
    }) : () -> ()
    "tpu.region"() ({
      %run_scoped3A = tpu.sem_alloc : memref<!tpu.dma_semaphore, #tpu.memory_space<semaphore_mem>>
      %dma_start3A_27 = tpu.memref_slice %arg4[%add3A_15] : memref<320000xi32, #tpu.memory_space<hbm>> -> memref<40xi32, #tpu.memory_space<hbm>>
      %dma_start3A_28 = tpu.memref_slice %arg4[%add3A_15] : memref<320000xi32, #tpu.memory_space<hbm>> -> memref<40xi32, #tpu.memory_space<hbm>>
      tpu.enqueue_dma source(%dma_start3A_28 : memref<40xi32, #tpu.memory_space<hbm>>) target(%arg10 : memref<40xi32, #tpu.memory_space<vmem>>) target_semaphore(%run_scoped3A : memref<!tpu.dma_semaphore, #tpu.memory_space<semaphore_mem>>)
      %dma_wait3A_29 = tpu.memref_slice %arg4[%add3A_15] : memref<320000xi32, #tpu.memory_space<hbm>> -> memref<40xi32, #tpu.memory_space<hbm>>
      %dma_wait3A_30 = tpu.memref_slice %arg4[%add3A_15] : memref<320000xi32, #tpu.memory_space<hbm>> -> memref<40xi32, #tpu.memory_space<hbm>>
      tpu.wait_dma2 semaphore(%run_scoped3A : memref<!tpu.dma_semaphore, #tpu.memory_space<semaphore_mem>>) src(%dma_wait3A_30 : memref<40xi32, #tpu.memory_space<hbm>>) dst(%arg10 : memref<40xi32, #tpu.memory_space<vmem>>)
      tpu.yield
    }) : () -> ()
    %dma_start3A_16 = arith.constant 0 : i32
    %dma_start3A_17 = arith.constant 0 : i32
    %dma_start3A_18 = tpu.memref_slice %arg2[%dma_start3A_16, %dma_start3A_17] : memref<10000x128xf32, #tpu.memory_space<hbm>> -> memref<10000x128xf32, #tpu.memory_space<hbm>>
    tpu.enqueue_indirect_dma source(%dma_start3A_18 : memref<10000x128xf32, #tpu.memory_space<hbm>>) target(%arg12 : memref<40x128xf32, #tpu.memory_space<vmem>>) offsets(%arg9 : memref<40xi32, #tpu.memory_space<vmem>>) semaphore(%arg15 : memref<!tpu.dma_semaphore, #tpu.memory_space<semaphore_mem>>)
    %dma_wait3A = arith.constant 0 : i32
    %dma_wait3A_19 = arith.constant 0 : i32
    %dma_wait3A_20 = tpu.memref_slice %arg2[%dma_wait3A, %dma_wait3A_19] : memref<10000x128xf32, #tpu.memory_space<hbm>> -> memref<10000x128xf32, #tpu.memory_space<hbm>>
    tpu.wait_indirect_dma semaphore(%arg14 : memref<!tpu.dma_semaphore, #tpu.memory_space<semaphore_mem>>) src(%dma_wait3A_20 : memref<10000x128xf32, #tpu.memory_space<hbm>>) dst(%arg11 : memref<40x128xf32, #tpu.memory_space<vmem>>)
    "tpu.region"() ({
      %run_scoped3A = tpu.sem_alloc : memref<!tpu.dma_semaphore, #tpu.memory_space<semaphore_mem>>
      %dma_start3A_27 = arith.constant 0 : i32
      %dma_start3A_28 = arith.constant 0 : i32
      %dma_start3A_29 = tpu.memref_slice %arg13[%dma_start3A_27, %dma_start3A_28] : memref<10112x128xf32, #tpu.memory_space<vmem_shared>> -> memref<10112x128xf32, #tpu.memory_space<vmem_shared>>
      tpu.enqueue_indirect_dma source(%arg11 : memref<40x128xf32, #tpu.memory_space<vmem>>) target(%dma_start3A_29 : memref<10112x128xf32, #tpu.memory_space<vmem_shared>>) offsets(%arg8 : memref<40xi32, #tpu.memory_space<vmem>>) semaphore(%run_scoped3A : memref<!tpu.dma_semaphore, #tpu.memory_space<semaphore_mem>>) {add = true}
      %dma_wait3A_30 = arith.constant 0 : i32
      %dma_wait3A_31 = arith.constant 0 : i32
      %dma_wait3A_32 = tpu.memref_slice %arg13[%dma_wait3A_30, %dma_wait3A_31] : memref<10112x128xf32, #tpu.memory_space<vmem_shared>> -> memref<10112x128xf32, #tpu.memory_space<vmem_shared>>
      tpu.wait_indirect_dma semaphore(%run_scoped3A : memref<!tpu.dma_semaphore, #tpu.memory_space<semaphore_mem>>) src(%arg11 : memref<40x128xf32, #tpu.memory_space<vmem>>) dst(%dma_wait3A_32 : memref<10112x128xf32, #tpu.memory_space<vmem_shared>>)
      tpu.yield
    }) : () -> ()
    %dma_wait3A_21 = arith.constant 0 : i32
    %dma_wait3A_22 = arith.constant 0 : i32
    %dma_wait3A_23 = tpu.memref_slice %arg2[%dma_wait3A_21, %dma_wait3A_22] : memref<10000x128xf32, #tpu.memory_space<hbm>> -> memref<10000x128xf32, #tpu.memory_space<hbm>>
    tpu.wait_indirect_dma semaphore(%arg15 : memref<!tpu.dma_semaphore, #tpu.memory_space<semaphore_mem>>) src(%dma_wait3A_23 : memref<10000x128xf32, #tpu.memory_space<hbm>>) dst(%arg12 : memref<40x128xf32, #tpu.memory_space<vmem>>)
    "tpu.region"() ({
      %run_scoped3A = tpu.sem_alloc : memref<!tpu.dma_semaphore, #tpu.memory_space<semaphore_mem>>
      %dma_start3A_27 = arith.constant 0 : i32
      %dma_start3A_28 = arith.constant 0 : i32
      %dma_start3A_29 = tpu.memref_slice %arg13[%dma_start3A_27, %dma_start3A_28] : memref<10112x128xf32, #tpu.memory_space<vmem_shared>> -> memref<10112x128xf32, #tpu.memory_space<vmem_shared>>
      tpu.enqueue_indirect_dma source(%arg12 : memref<40x128xf32, #tpu.memory_space<vmem>>) target(%dma_start3A_29 : memref<10112x128xf32, #tpu.memory_space<vmem_shared>>) offsets(%arg10 : memref<40xi32, #tpu.memory_space<vmem>>) semaphore(%run_scoped3A : memref<!tpu.dma_semaphore, #tpu.memory_space<semaphore_mem>>) {add = true}
      %dma_wait3A_30 = arith.constant 0 : i32
      %dma_wait3A_31 = arith.constant 0 : i32
      %dma_wait3A_32 = tpu.memref_slice %arg13[%dma_wait3A_30, %dma_wait3A_31] : memref<10112x128xf32, #tpu.memory_space<vmem_shared>> -> memref<10112x128xf32, #tpu.memory_space<vmem_shared>>
      tpu.wait_indirect_dma semaphore(%run_scoped3A : memref<!tpu.dma_semaphore, #tpu.memory_space<semaphore_mem>>) src(%arg12 : memref<40x128xf32, #tpu.memory_space<vmem>>) dst(%dma_wait3A_32 : memref<10112x128xf32, #tpu.memory_space<vmem_shared>>)
      tpu.yield
    }) : () -> ()
    %barrier3A_24 = arith.constant 0 : index
    tpu.barrier barrier_id(%barrier3A_24)
    %mul3A_25 = arith.constant 632 : i32
    %mul3A_26 = arith.muli %arg1, %mul3A_25 : i32
    "tpu.region"() ({
      %run_scoped3A = tpu.sem_alloc : memref<!tpu.dma_semaphore, #tpu.memory_space<semaphore_mem>>
      %dma_start3A_27 = arith.constant 0 : i32
      %dma_start3A_28 = arith.constant 0 : i32
      %dma_start3A_29 = tpu.memref_slice %arg6[%arg0, %arg1, %dma_start3A_27, %dma_start3A_28] : memref<2x16x632x128xf32, #tpu.memory_space<hbm>> -> memref<1x1x632x128xf32, #tpu.memory_space<hbm>>
      %dma_start3A_30 = tpu.memref_squeeze %dma_start3A_29 : memref<1x1x632x128xf32, #tpu.memory_space<hbm>> -> memref<632x128xf32, #tpu.memory_space<hbm>>
      %dma_start3A_31 = arith.constant 0 : i32
      %dma_start3A_32 = tpu.memref_slice %arg13[%mul3A_26, %dma_start3A_31] : memref<10112x128xf32, #tpu.memory_space<vmem_shared>> -> memref<632x128xf32, #tpu.memory_space<vmem_shared>>
      tpu.enqueue_dma source(%dma_start3A_32 : memref<632x128xf32, #tpu.memory_space<vmem_shared>>) target(%dma_start3A_30 : memref<632x128xf32, #tpu.memory_space<hbm>>) target_semaphore(%run_scoped3A : memref<!tpu.dma_semaphore, #tpu.memory_space<semaphore_mem>>)
      %dma_wait3A_33 = arith.constant 0 : i32
      %dma_wait3A_34 = arith.constant 0 : i32
      %dma_wait3A_35 = tpu.memref_slice %arg6[%arg0, %arg1, %dma_wait3A_33, %dma_wait3A_34] : memref<2x16x632x128xf32, #tpu.memory_space<hbm>> -> memref<1x1x632x128xf32, #tpu.memory_space<hbm>>
      %dma_wait3A_36 = tpu.memref_squeeze %dma_wait3A_35 : memref<1x1x632x128xf32, #tpu.memory_space<hbm>> -> memref<632x128xf32, #tpu.memory_space<hbm>>
      %dma_wait3A_37 = arith.constant 0 : i32
      %dma_wait3A_38 = tpu.memref_slice %arg13[%mul3A_26, %dma_wait3A_37] : memref<10112x128xf32, #tpu.memory_space<vmem_shared>> -> memref<632x128xf32, #tpu.memory_space<vmem_shared>>
      tpu.wait_dma2 semaphore(%run_scoped3A : memref<!tpu.dma_semaphore, #tpu.memory_space<semaphore_mem>>) src(%dma_wait3A_38 : memref<632x128xf32, #tpu.memory_space<vmem_shared>>) dst(%dma_wait3A_36 : memref<632x128xf32, #tpu.memory_space<hbm>>)
      tpu.yield
    }) : () -> ()
    return
  }
}

module attributes {stable_mosaic.version = 14 : i64} {
  func.func @_prep_body(%arg0: memref<10000x128xf32, #tpu.memory_space<vmem>>, %arg1: memref<128x128xf32, #tpu.memory_space<vmem>>, %arg2: memref<1x128xf32, #tpu.memory_space<vmem>>, %arg3: memref<10000x128xf32, #tpu.memory_space<vmem>>, %arg4: memref<10000x128xf32, #tpu.memory_space<vmem>>, %arg5: memref<8x128xf32, #tpu.memory_space<vmem>>, %arg6: memref<8x128xf32, #tpu.memory_space<vmem>>) attributes {dimension_semantics = [], scalar_prefetch = 0 : i64, scratch_operands = 0 : i64, tpu.core_type = #tpu.core_type<tc>} {
    %get3A = arith.constant 0 : index
    %get3A_0 = arith.constant 0 : index
    %get3A_1 = vector.load %arg0[%get3A, %get3A_0] : memref<10000x128xf32, #tpu.memory_space<vmem>>, vector<10000x128xf32>
    %get3A_2 = arith.constant 0 : index
    %get3A_3 = arith.constant 0 : index
    %get3A_4 = vector.load %arg1[%get3A_2, %get3A_3] : memref<128x128xf32, #tpu.memory_space<vmem>>, vector<128x128xf32>
    %dot_general3A = arith.constant dense<0.000000e+00> : vector<10000x128xf32>
    %dot_general3A_5 = tpu.matmul %get3A_1, %get3A_4, %dot_general3A {dimension_numbers = #tpu.dot_dimension_numbers<[1], [0], [0], [1], [0, 0, 1, 1], [], []>, transpose_lhs_hint = false} : vector<10000x128xf32>, vector<128x128xf32>, vector<10000x128xf32> -> vector<10000x128xf32>
    %get3A_6 = arith.constant 0 : index
    %get3A_7 = arith.constant 0 : index
    %get3A_8 = vector.load %arg2[%get3A_6, %get3A_7] : memref<1x128xf32, #tpu.memory_space<vmem>>, vector<1x128xf32>
    %add3A = vector.broadcast %get3A_8 : vector<1x128xf32> to vector<10000x128xf32>
    %add3A_9 = arith.addf %dot_general3A_5, %add3A : vector<10000x128xf32>
    %mul3A = arith.mulf %add3A_9, %add3A_9 : vector<10000x128xf32>
    %reduce_sum3A = arith.constant dense<0.000000e+00> : vector<10000xf32>
    %reduce_sum3A_10 = vector.multi_reduction <add>, %mul3A, %reduce_sum3A [1] : vector<10000x128xf32> to vector<10000xf32>
    %broadcast_in_dim3A = vector.shape_cast %reduce_sum3A_10 : vector<10000xf32> to vector<10000x1xf32>
    %sqrt3A = math.sqrt %broadcast_in_dim3A : vector<10000x1xf32>
    %max3A = arith.constant 9.99999996E-13 : f32
    %max3A_11 = vector.broadcast %max3A : f32 to vector<10000x1xf32>
    %max3A_12 = arith.maximumf %sqrt3A, %max3A_11 : vector<10000x1xf32>
    %div3A = vector.broadcast %max3A_12 : vector<10000x1xf32> to vector<10000x128xf32>
    %div3A_13 = arith.divf %add3A_9, %div3A : vector<10000x128xf32>
    %slice3A = vector.extract_strided_slice %div3A_13 {offsets = [0, 0], sizes = [4000, 128], strides = [1, 1]} : vector<10000x128xf32> to vector<4000x128xf32>
    %reduce_sum3A_14 = arith.constant dense<0.000000e+00> : vector<128xf32>
    %reduce_sum3A_15 = vector.multi_reduction <add>, %slice3A, %reduce_sum3A_14 [0] : vector<4000x128xf32> to vector<128xf32>
    %broadcast_in_dim3A_16 = vector.shape_cast %reduce_sum3A_15 : vector<128xf32> to vector<1x128xf32>
    %div3A_17 = arith.constant 4.000000e+03 : f32
    %div3A_18 = vector.broadcast %div3A_17 : f32 to vector<1x128xf32>
    %div3A_19 = arith.divf %broadcast_in_dim3A_16, %div3A_18 : vector<1x128xf32>
    %sub3A = vector.broadcast %div3A_19 : vector<1x128xf32> to vector<4000x128xf32>
    %sub3A_20 = arith.subf %slice3A, %sub3A : vector<4000x128xf32>
    %integer_pow3A = arith.mulf %sub3A_20, %sub3A_20 : vector<4000x128xf32>
    %reduce_sum3A_21 = arith.constant dense<0.000000e+00> : vector<128xf32>
    %reduce_sum3A_22 = vector.multi_reduction <add>, %integer_pow3A, %reduce_sum3A_21 [0] : vector<4000x128xf32> to vector<128xf32>
    %broadcast_in_dim3A_23 = vector.shape_cast %reduce_sum3A_22 : vector<128xf32> to vector<1x128xf32>
    %div3A_24 = arith.constant 3.999000e+03 : f32
    %div3A_25 = vector.broadcast %div3A_24 : f32 to vector<1x128xf32>
    %div3A_26 = arith.divf %broadcast_in_dim3A_23, %div3A_25 : vector<1x128xf32>
    %sqrt3A_27 = math.sqrt %div3A_26 : vector<1x128xf32>
    %sub3A_28 = vector.broadcast %div3A_19 : vector<1x128xf32> to vector<4000x128xf32>
    %sub3A_29 = arith.subf %slice3A, %sub3A_28 : vector<4000x128xf32>
    %div3A_30 = vector.broadcast %sqrt3A_27 : vector<1x128xf32> to vector<4000x128xf32>
    %div3A_31 = arith.divf %sub3A_29, %div3A_30 : vector<4000x128xf32>
    %slice3A_32 = vector.extract_strided_slice %div3A_13 {offsets = [4000, 0], sizes = [3000, 128], strides = [1, 1]} : vector<10000x128xf32> to vector<3000x128xf32>
    %reduce_sum3A_33 = arith.constant dense<0.000000e+00> : vector<128xf32>
    %reduce_sum3A_34 = vector.multi_reduction <add>, %slice3A_32, %reduce_sum3A_33 [0] : vector<3000x128xf32> to vector<128xf32>
    %broadcast_in_dim3A_35 = vector.shape_cast %reduce_sum3A_34 : vector<128xf32> to vector<1x128xf32>
    %div3A_36 = arith.constant 3.000000e+03 : f32
    %div3A_37 = vector.broadcast %div3A_36 : f32 to vector<1x128xf32>
    %div3A_38 = arith.divf %broadcast_in_dim3A_35, %div3A_37 : vector<1x128xf32>
    %sub3A_39 = vector.broadcast %div3A_38 : vector<1x128xf32> to vector<3000x128xf32>
    %sub3A_40 = arith.subf %slice3A_32, %sub3A_39 : vector<3000x128xf32>
    %integer_pow3A_41 = arith.mulf %sub3A_40, %sub3A_40 : vector<3000x128xf32>
    %reduce_sum3A_42 = arith.constant dense<0.000000e+00> : vector<128xf32>
    %reduce_sum3A_43 = vector.multi_reduction <add>, %integer_pow3A_41, %reduce_sum3A_42 [0] : vector<3000x128xf32> to vector<128xf32>
    %broadcast_in_dim3A_44 = vector.shape_cast %reduce_sum3A_43 : vector<128xf32> to vector<1x128xf32>
    %div3A_45 = arith.constant 2.999000e+03 : f32
    %div3A_46 = vector.broadcast %div3A_45 : f32 to vector<1x128xf32>
    %div3A_47 = arith.divf %broadcast_in_dim3A_44, %div3A_46 : vector<1x128xf32>
    %sqrt3A_48 = math.sqrt %div3A_47 : vector<1x128xf32>
    %sub3A_49 = vector.broadcast %div3A_38 : vector<1x128xf32> to vector<3000x128xf32>
    %sub3A_50 = arith.subf %slice3A_32, %sub3A_49 : vector<3000x128xf32>
    %div3A_51 = vector.broadcast %sqrt3A_48 : vector<1x128xf32> to vector<3000x128xf32>
    %div3A_52 = arith.divf %sub3A_50, %div3A_51 : vector<3000x128xf32>
    %slice3A_53 = vector.extract_strided_slice %div3A_13 {offsets = [7000, 0], sizes = [3000, 128], strides = [1, 1]} : vector<10000x128xf32> to vector<3000x128xf32>
    %reduce_sum3A_54 = arith.constant dense<0.000000e+00> : vector<128xf32>
    %reduce_sum3A_55 = vector.multi_reduction <add>, %slice3A_53, %reduce_sum3A_54 [0] : vector<3000x128xf32> to vector<128xf32>
    %broadcast_in_dim3A_56 = vector.shape_cast %reduce_sum3A_55 : vector<128xf32> to vector<1x128xf32>
    %div3A_57 = arith.constant 3.000000e+03 : f32
    %div3A_58 = vector.broadcast %div3A_57 : f32 to vector<1x128xf32>
    %div3A_59 = arith.divf %broadcast_in_dim3A_56, %div3A_58 : vector<1x128xf32>
    %sub3A_60 = vector.broadcast %div3A_59 : vector<1x128xf32> to vector<3000x128xf32>
    %sub3A_61 = arith.subf %slice3A_53, %sub3A_60 : vector<3000x128xf32>
    %integer_pow3A_62 = arith.mulf %sub3A_61, %sub3A_61 : vector<3000x128xf32>
    %reduce_sum3A_63 = arith.constant dense<0.000000e+00> : vector<128xf32>
    %reduce_sum3A_64 = vector.multi_reduction <add>, %integer_pow3A_62, %reduce_sum3A_63 [0] : vector<3000x128xf32> to vector<128xf32>
    %broadcast_in_dim3A_65 = vector.shape_cast %reduce_sum3A_64 : vector<128xf32> to vector<1x128xf32>
    %div3A_66 = arith.constant 2.999000e+03 : f32
    %div3A_67 = vector.broadcast %div3A_66 : f32 to vector<1x128xf32>
    %div3A_68 = arith.divf %broadcast_in_dim3A_65, %div3A_67 : vector<1x128xf32>
    %sqrt3A_69 = math.sqrt %div3A_68 : vector<1x128xf32>
    %sub3A_70 = vector.broadcast %div3A_59 : vector<1x128xf32> to vector<3000x128xf32>
    %sub3A_71 = arith.subf %slice3A_53, %sub3A_70 : vector<3000x128xf32>
    %div3A_72 = vector.broadcast %sqrt3A_69 : vector<1x128xf32> to vector<3000x128xf32>
    %div3A_73 = arith.divf %sub3A_71, %div3A_72 : vector<3000x128xf32>
    %concatenate3A = tpu.concatenate %div3A_31, %div3A_52, %div3A_73 in 0 : vector<4000x128xf32>, vector<3000x128xf32>, vector<3000x128xf32> -> vector<10000x128xf32>
    %swap3A = arith.constant 0 : index
    %swap3A_74 = arith.constant 0 : index
    %swap3A_75 = vector.load %arg3[%swap3A, %swap3A_74] : memref<10000x128xf32, #tpu.memory_space<vmem>>, vector<10000x128xf32>
    tpu.vector_store %arg3[%swap3A, %swap3A_74], %concatenate3A {strides = array<i32>} : memref<10000x128xf32, #tpu.memory_space<vmem>>, vector<10000x128xf32>,
    %mul3A_76 = arith.mulf %concatenate3A, %concatenate3A : vector<10000x128xf32>
    %reduce_sum3A_77 = arith.constant dense<0.000000e+00> : vector<10000xf32>
    %reduce_sum3A_78 = vector.multi_reduction <add>, %mul3A_76, %reduce_sum3A_77 [1] : vector<10000x128xf32> to vector<10000xf32>
    %broadcast_in_dim3A_79 = vector.shape_cast %reduce_sum3A_78 : vector<10000xf32> to vector<10000x1xf32>
    %sqrt3A_80 = math.sqrt %broadcast_in_dim3A_79 : vector<10000x1xf32>
    %max3A_81 = arith.constant 9.99999996E-13 : f32
    %max3A_82 = vector.broadcast %max3A_81 : f32 to vector<10000x1xf32>
    %max3A_83 = arith.maximumf %sqrt3A_80, %max3A_82 : vector<10000x1xf32>
    %div3A_84 = vector.broadcast %max3A_83 : vector<10000x1xf32> to vector<10000x128xf32>
    %div3A_85 = arith.divf %concatenate3A, %div3A_84 : vector<10000x128xf32>
    %swap3A_86 = arith.constant 0 : index
    %swap3A_87 = arith.constant 0 : index
    %swap3A_88 = vector.load %arg4[%swap3A_86, %swap3A_87] : memref<10000x128xf32, #tpu.memory_space<vmem>>, vector<10000x128xf32>
    tpu.vector_store %arg4[%swap3A_86, %swap3A_87], %div3A_85 {strides = array<i32>} : memref<10000x128xf32, #tpu.memory_space<vmem>>, vector<10000x128xf32>,
    %broadcast_in_dim3A_89 = arith.constant 0.000000e+00 : f32
    %broadcast_in_dim3A_90 = vector.broadcast %broadcast_in_dim3A_89 : f32 to vector<5x128xf32>
    %concatenate3A_91 = tpu.concatenate %div3A_19, %div3A_38, %div3A_59, %broadcast_in_dim3A_90 in 0 : vector<1x128xf32>, vector<1x128xf32>, vector<1x128xf32>, vector<5x128xf32> -> vector<8x128xf32>
    %swap3A_92 = arith.constant 0 : index
    %swap3A_93 = arith.constant 0 : index
    %swap3A_94 = vector.load %arg5[%swap3A_92, %swap3A_93] : memref<8x128xf32, #tpu.memory_space<vmem>>, vector<8x128xf32>
    tpu.vector_store %arg5[%swap3A_92, %swap3A_93], %concatenate3A_91 {strides = array<i32>} : memref<8x128xf32, #tpu.memory_space<vmem>>, vector<8x128xf32>,
    %concatenate3A_95 = tpu.concatenate %sqrt3A_27, %sqrt3A_48, %sqrt3A_69, %broadcast_in_dim3A_90 in 0 : vector<1x128xf32>, vector<1x128xf32>, vector<1x128xf32>, vector<5x128xf32> -> vector<8x128xf32>
    %swap3A_96 = arith.constant 0 : index
    %swap3A_97 = arith.constant 0 : index
    %swap3A_98 = vector.load %arg6[%swap3A_96, %swap3A_97] : memref<8x128xf32, #tpu.memory_space<vmem>>, vector<8x128xf32>
    tpu.vector_store %arg6[%swap3A_96, %swap3A_97], %concatenate3A_95 {strides = array<i32>} : memref<8x128xf32, #tpu.memory_space<vmem>>, vector<8x128xf32>,
    return
  }
}

module attributes {stable_mosaic.version = 14 : i64} {
  func.func @_dinvy_body(%arg0: memref<2x16x632x128xf32, #tpu.memory_space<vmem>>, %arg1: memref<10000x128xf32, #tpu.memory_space<vmem>>, %arg2: memref<10000x8xf32, #tpu.memory_space<vmem>>, %arg3: memref<10000x128xf32, #tpu.memory_space<vmem>>) attributes {dimension_semantics = [], scalar_prefetch = 0 : i64, scratch_operands = 0 : i64, tpu.core_type = #tpu.core_type<tc>} {
    %get3A = arith.constant 0 : index
    %get3A_0 = arith.constant 0 : index
    %get3A_1 = arith.constant 0 : index
    %get3A_2 = arith.constant 0 : index
    %get3A_3 = vector.load %arg0[%get3A, %get3A_0, %get3A_1, %get3A_2] : memref<2x16x632x128xf32, #tpu.memory_space<vmem>>, vector<1x16x632x128xf32>
    %get3A_4 = vector.shape_cast %get3A_3 : vector<1x16x632x128xf32> to vector<16x632x128xf32>
    %reshape3A = vector.shape_cast %get3A_4 : vector<16x632x128xf32> to vector<10112x128xf32>
    %slice3A = vector.extract_strided_slice %reshape3A {offsets = [0, 0], sizes = [10000, 1], strides = [1, 1]} : vector<10112x128xf32> to vector<10000x1xf32>
    %get3A_5 = arith.constant 1 : index
    %get3A_6 = arith.constant 0 : index
    %get3A_7 = arith.constant 0 : index
    %get3A_8 = arith.constant 0 : index
    %get3A_9 = vector.load %arg0[%get3A_5, %get3A_6, %get3A_7, %get3A_8] : memref<2x16x632x128xf32, #tpu.memory_space<vmem>>, vector<1x16x632x128xf32>
    %get3A_10 = vector.shape_cast %get3A_9 : vector<1x16x632x128xf32> to vector<16x632x128xf32>
    %reshape3A_11 = vector.shape_cast %get3A_10 : vector<16x632x128xf32> to vector<10112x128xf32>
    %slice3A_12 = vector.extract_strided_slice %reshape3A_11 {offsets = [0, 0], sizes = [10000, 1], strides = [1, 1]} : vector<10112x128xf32> to vector<10000x1xf32>
    %add3A = arith.addf %slice3A, %slice3A_12 : vector<10000x1xf32>
    %add3A_13 = arith.constant 1.000000e+00 : f32
    %add3A_14 = vector.broadcast %add3A_13 : f32 to vector<10000x1xf32>
    %add3A_15 = arith.addf %add3A, %add3A_14 : vector<10000x1xf32>
    %max3A = arith.constant 9.99999996E-13 : f32
    %max3A_16 = vector.broadcast %max3A : f32 to vector<10000x1xf32>
    %max3A_17 = arith.maximumf %add3A_15, %max3A_16 : vector<10000x1xf32>
    %sqrt3A = math.sqrt %max3A_17 : vector<10000x1xf32>
    %div3A = arith.constant 1.000000e+00 : f32
    %div3A_18 = vector.broadcast %div3A : f32 to vector<10000x1xf32>
    %div3A_19 = arith.divf %div3A_18, %sqrt3A : vector<10000x1xf32>
    %broadcast_in_dim3A = vector.shape_cast %div3A_19 : vector<10000x1xf32> to vector<10000x1xf32>
    %broadcast_in_dim3A_20 = vector.broadcast %broadcast_in_dim3A : vector<10000x1xf32> to vector<10000x8xf32>
    %swap3A = arith.constant 0 : index
    %swap3A_21 = arith.constant 0 : index
    %swap3A_22 = vector.load %arg2[%swap3A, %swap3A_21] : memref<10000x8xf32, #tpu.memory_space<vmem>>, vector<10000x8xf32>
    tpu.vector_store %arg2[%swap3A, %swap3A_21], %broadcast_in_dim3A_20 {strides = array<i32>} : memref<10000x8xf32, #tpu.memory_space<vmem>>, vector<10000x8xf32>,
    %get3A_23 = arith.constant 0 : index
    %get3A_24 = arith.constant 0 : index
    %get3A_25 = vector.load %arg1[%get3A_23, %get3A_24] : memref<10000x128xf32, #tpu.memory_space<vmem>>, vector<10000x128xf32>
    %mul3A = vector.broadcast %div3A_19 : vector<10000x1xf32> to vector<10000x128xf32>
    %mul3A_26 = arith.mulf %get3A_25, %mul3A : vector<10000x128xf32>
    %swap3A_27 = arith.constant 0 : index
    %swap3A_28 = arith.constant 0 : index
    %swap3A_29 = vector.load %arg3[%swap3A_27, %swap3A_28] : memref<10000x128xf32, #tpu.memory_space<vmem>>, vector<10000x128xf32>
    tpu.vector_store %arg3[%swap3A_27, %swap3A_28], %mul3A_26 {strides = array<i32>} : memref<10000x128xf32, #tpu.memory_space<vmem>>, vector<10000x128xf32>,
    return
  }
}

module attributes {stable_mosaic.version = 14 : i64} {
  func.func @_combine_mid_body(%arg0: memref<2x16x632x128xf32, #tpu.memory_space<vmem>>, %arg1: memref<10000x128xf32, #tpu.memory_space<vmem>>, %arg2: memref<10000x128xf32, #tpu.memory_space<vmem>>, %arg3: memref<10000x8xf32, #tpu.memory_space<vmem>>, %arg4: memref<10000x128xf32, #tpu.memory_space<vmem>>) attributes {dimension_semantics = [], scalar_prefetch = 0 : i64, scratch_operands = 0 : i64, tpu.core_type = #tpu.core_type<tc>} {
    %get3A = arith.constant 0 : index
    %get3A_0 = arith.constant 0 : index
    %get3A_1 = vector.load %arg3[%get3A, %get3A_0] : memref<10000x8xf32, #tpu.memory_space<vmem>>, vector<10000x1xf32>
    %get3A_2 = arith.constant 0 : index
    %get3A_3 = arith.constant 0 : index
    %get3A_4 = arith.constant 0 : index
    %get3A_5 = arith.constant 0 : index
    %get3A_6 = vector.load %arg0[%get3A_2, %get3A_3, %get3A_4, %get3A_5] : memref<2x16x632x128xf32, #tpu.memory_space<vmem>>, vector<1x16x632x128xf32>
    %get3A_7 = vector.shape_cast %get3A_6 : vector<1x16x632x128xf32> to vector<16x632x128xf32>
    %reshape3A = vector.shape_cast %get3A_7 : vector<16x632x128xf32> to vector<10112x128xf32>
    %slice3A = vector.extract_strided_slice %reshape3A {offsets = [0, 0], sizes = [10000, 128], strides = [1, 1]} : vector<10112x128xf32> to vector<10000x128xf32>
    %get3A_8 = arith.constant 1 : index
    %get3A_9 = arith.constant 0 : index
    %get3A_10 = arith.constant 0 : index
    %get3A_11 = arith.constant 0 : index
    %get3A_12 = vector.load %arg0[%get3A_8, %get3A_9, %get3A_10, %get3A_11] : memref<2x16x632x128xf32, #tpu.memory_space<vmem>>, vector<1x16x632x128xf32>
    %get3A_13 = vector.shape_cast %get3A_12 : vector<1x16x632x128xf32> to vector<16x632x128xf32>
    %reshape3A_14 = vector.shape_cast %get3A_13 : vector<16x632x128xf32> to vector<10112x128xf32>
    %slice3A_15 = vector.extract_strided_slice %reshape3A_14 {offsets = [0, 0], sizes = [10000, 128], strides = [1, 1]} : vector<10112x128xf32> to vector<10000x128xf32>
    %add3A = arith.addf %slice3A, %slice3A_15 : vector<10000x128xf32>
    %get3A_16 = arith.constant 0 : index
    %get3A_17 = arith.constant 0 : index
    %get3A_18 = vector.load %arg1[%get3A_16, %get3A_17] : memref<10000x128xf32, #tpu.memory_space<vmem>>, vector<10000x128xf32>
    %add3A_19 = arith.addf %add3A, %get3A_18 : vector<10000x128xf32>
    %mul3A = vector.broadcast %get3A_1 : vector<10000x1xf32> to vector<10000x128xf32>
    %mul3A_20 = arith.mulf %mul3A, %add3A_19 : vector<10000x128xf32>
    %mul3A_21 = arith.constant 0.899999976 : f32
    %mul3A_22 = vector.broadcast %mul3A_21 : f32 to vector<10000x128xf32>
    %mul3A_23 = arith.mulf %mul3A_22, %mul3A_20 : vector<10000x128xf32>
    %get3A_24 = arith.constant 0 : index
    %get3A_25 = arith.constant 0 : index
    %get3A_26 = vector.load %arg2[%get3A_24, %get3A_25] : memref<10000x128xf32, #tpu.memory_space<vmem>>, vector<10000x128xf32>
    %mul3A_27 = arith.constant 1.000000e-01 : f32
    %mul3A_28 = vector.broadcast %mul3A_27 : f32 to vector<10000x128xf32>
    %mul3A_29 = arith.mulf %mul3A_28, %get3A_26 : vector<10000x128xf32>
    %add3A_30 = arith.addf %mul3A_23, %mul3A_29 : vector<10000x128xf32>
    %mul3A_31 = vector.broadcast %get3A_1 : vector<10000x1xf32> to vector<10000x128xf32>
    %mul3A_32 = arith.mulf %add3A_30, %mul3A_31 : vector<10000x128xf32>
    %swap3A = arith.constant 0 : index
    %swap3A_33 = arith.constant 0 : index
    %swap3A_34 = vector.load %arg4[%swap3A, %swap3A_33] : memref<10000x128xf32, #tpu.memory_space<vmem>>, vector<10000x128xf32>
    tpu.vector_store %arg4[%swap3A, %swap3A_33], %mul3A_32 {strides = array<i32>} : memref<10000x128xf32, #tpu.memory_space<vmem>>, vector<10000x128xf32>,
    return
  }
}

module attributes {stable_mosaic.version = 14 : i64} {
  func.func @_loss_body(%arg0: i32, %arg1: memref<8000x16xf32, #tpu.memory_space<vmem>>, %arg2: memref<8000x16xf32, #tpu.memory_space<vmem>>, %arg3: memref<1x1xf32, #tpu.memory_space<vmem>>, %arg4: memref<2xf32, #tpu.memory_space<smem>>) attributes {dimension_semantics = [#tpu.dimension_semantics<arbitrary>], iteration_bounds = array<i64: 40>, scalar_prefetch = 0 : i64, scratch_operands = 1 : i64, tpu.core_type = #tpu.core_type<tc>, window_params = [{transform_indices = @transform_0, window_bounds = array<i64: 8000, 16>}, {transform_indices = @transform_1, window_bounds = array<i64: 8000, 16>}, {pipeline_mode = #tpu.pipeline_mode<synchronous>, transform_indices = @transform_2, window_bounds = array<i64: 1, 1>}]} {
    %eq3A = arith.constant 0 : i32
    %eq3A_0 = arith.cmpi eq, %arg0, %eq3A : i32
    %convert_element_type3A = arith.extui %eq3A_0 : i1 to i32
    %cond3A = arith.constant 0 : i32
    %cond3A_1 = arith.cmpi ne, %convert_element_type3A, %cond3A : i32
    scf.if %cond3A_1 {
      %swap3A_39 = arith.constant 0.000000e+00 : f32
      %swap3A_40 = arith.constant 0 : index
      %swap3A_41 = memref.load %arg4[%swap3A_40] : memref<2xf32, #tpu.memory_space<smem>>
      memref.store %swap3A_39, %arg4[%swap3A_40] : memref<2xf32, #tpu.memory_space<smem>>
      %swap3A_42 = arith.constant 0.000000e+00 : f32
      %swap3A_43 = arith.constant 1 : index
      %swap3A_44 = memref.load %arg4[%swap3A_43] : memref<2xf32, #tpu.memory_space<smem>>
      memref.store %swap3A_42, %arg4[%swap3A_43] : memref<2xf32, #tpu.memory_space<smem>>
    } else {
    }
    %get3A = arith.constant 0 : index
    %get3A_2 = memref.load %arg4[%get3A] : memref<2xf32, #tpu.memory_space<smem>>
    %get3A_3 = arith.constant 0 : index
    %get3A_4 = arith.constant 0 : index
    %get3A_5 = vector.load %arg1[%get3A_3, %get3A_4] : memref<8000x16xf32, #tpu.memory_space<vmem>>, vector<8000x16xf32>
    %reduce_sum3A = arith.constant dense<0.000000e+00> : vector<8000xf32>
    %reduce_sum3A_6 = vector.multi_reduction <add>, %get3A_5, %reduce_sum3A [1] : vector<8000x16xf32> to vector<8000xf32>
    %div3A = arith.constant 5.000000e-01 : f32
    %div3A_7 = vector.broadcast %div3A : f32 to vector<8000xf32>
    %div3A_8 = arith.divf %reduce_sum3A_6, %div3A_7 : vector<8000xf32>
    %exp3A = math.exp %div3A_8 : vector<8000xf32>
    %reduce_sum3A_9 = vector.shape_cast %exp3A : vector<8000xf32> to vector<1x8000xf32>
    %reduce_sum3A_10 = arith.constant dense<0.000000e+00> : vector<1xf32>
    %reduce_sum3A_11 = vector.multi_reduction <add>, %reduce_sum3A_9, %reduce_sum3A_10 [1] : vector<1x8000xf32> to vector<1xf32>
    %reduce_sum3A_12 = vector.shape_cast %reduce_sum3A_11 : vector<1xf32> to vector<1x1xf32>
    %reduce_sum3A_13 = vector.extract %reduce_sum3A_12[0, 0] : f32 from vector<1x1xf32>
    %add3A = arith.addf %get3A_2, %reduce_sum3A_13 : f32
    %swap3A = arith.constant 0 : index
    %swap3A_14 = memref.load %arg4[%swap3A] : memref<2xf32, #tpu.memory_space<smem>>
    memref.store %add3A, %arg4[%swap3A] : memref<2xf32, #tpu.memory_space<smem>>
    %get3A_15 = arith.constant 1 : index
    %get3A_16 = memref.load %arg4[%get3A_15] : memref<2xf32, #tpu.memory_space<smem>>
    %get3A_17 = arith.constant 0 : index
    %get3A_18 = arith.constant 0 : index
    %get3A_19 = vector.load %arg2[%get3A_17, %get3A_18] : memref<8000x16xf32, #tpu.memory_space<vmem>>, vector<8000x16xf32>
    %reduce_sum3A_20 = arith.constant dense<0.000000e+00> : vector<8000xf32>
    %reduce_sum3A_21 = vector.multi_reduction <add>, %get3A_19, %reduce_sum3A_20 [1] : vector<8000x16xf32> to vector<8000xf32>
    %div3A_22 = arith.constant 5.000000e-01 : f32
    %div3A_23 = vector.broadcast %div3A_22 : f32 to vector<8000xf32>
    %div3A_24 = arith.divf %reduce_sum3A_21, %div3A_23 : vector<8000xf32>
    %exp3A_25 = math.exp %div3A_24 : vector<8000xf32>
    %reduce_sum3A_26 = vector.shape_cast %exp3A_25 : vector<8000xf32> to vector<1x8000xf32>
    %reduce_sum3A_27 = arith.constant dense<0.000000e+00> : vector<1xf32>
    %reduce_sum3A_28 = vector.multi_reduction <add>, %reduce_sum3A_26, %reduce_sum3A_27 [1] : vector<1x8000xf32> to vector<1xf32>
    %reduce_sum3A_29 = vector.shape_cast %reduce_sum3A_28 : vector<1xf32> to vector<1x1xf32>
    %reduce_sum3A_30 = vector.extract %reduce_sum3A_29[0, 0] : f32 from vector<1x1xf32>
    %add3A_31 = arith.addf %get3A_16, %reduce_sum3A_30 : f32
    %swap3A_32 = arith.constant 1 : index
    %swap3A_33 = memref.load %arg4[%swap3A_32] : memref<2xf32, #tpu.memory_space<smem>>
    memref.store %add3A_31, %arg4[%swap3A_32] : memref<2xf32, #tpu.memory_space<smem>>
    %eq3A_34 = arith.constant 39 : i32
    %eq3A_35 = arith.cmpi eq, %arg0, %eq3A_34 : i32
    %convert_element_type3A_36 = arith.extui %eq3A_35 : i1 to i32
    %cond3A_37 = arith.constant 0 : i32
    %cond3A_38 = arith.cmpi ne, %convert_element_type3A_36, %cond3A_37 : i32
    scf.if %cond3A_38 {
      %get3A_39 = arith.constant 0 : index
      %get3A_40 = memref.load %arg4[%get3A_39] : memref<2xf32, #tpu.memory_space<smem>>
      %get3A_41 = arith.constant 1 : index
      %get3A_42 = memref.load %arg4[%get3A_41] : memref<2xf32, #tpu.memory_space<smem>>
      %add3A_43 = arith.addf %get3A_40, %get3A_42 : f32
      %div3A_44 = arith.divf %get3A_40, %add3A_43 : f32
      %log3A = math.log %div3A_44 : f32
      %neg3A = arith.constant 0.000000e+00 : f32
      %neg3A_45 = arith.subf %neg3A, %log3A : f32
      %broadcast_in_dim3A = vector.broadcast %neg3A_45 : f32 to vector<1x1xf32>
      %swap3A_46 = arith.constant 0 : index
      %swap3A_47 = arith.constant 0 : index
      %swap3A_48 = vector.load %arg3[%swap3A_46, %swap3A_47] : memref<1x1xf32, #tpu.memory_space<vmem>>, vector<1x1xf32>
      tpu.vector_store %arg3[%swap3A_46, %swap3A_47], %broadcast_in_dim3A {strides = array<i32>} : memref<1x1xf32, #tpu.memory_space<vmem>>, vector<1x1xf32>,
    } else {
    }
    return
  }
  func.func @transform_0(%arg0: i32) -> (i32, i32) {
    %c0_i32 = arith.constant 0 : i32
    %c0_i32_0 = arith.constant 0 : i32
    return %arg0, %c0_i32 : i32, i32
  }
  func.func @transform_1(%arg0: i32) -> (i32, i32) {
    %c0_i32 = arith.constant 0 : i32
    %c0_i32_0 = arith.constant 0 : i32
    return %arg0, %c0_i32 : i32, i32
  }
  func.func @transform_2(%arg0: i32) -> (i32, i32) {
    %c0_i32 = arith.constant 0 : i32
    %c0_i32_0 = arith.constant 0 : i32
    %c0_i32_1 = arith.constant 0 : i32
    return %c0_i32, %c0_i32_0 : i32, i32
  }
}

module attributes {stable_mosaic.version = 14 : i64} {
  func.func @_combine_last_body(%arg0: memref<2x16x632x128xf32, #tpu.memory_space<vmem>>, %arg1: memref<10000x128xf32, #tpu.memory_space<vmem>>, %arg2: memref<10000x128xf32, #tpu.memory_space<vmem>>, %arg3: memref<10000x8xf32, #tpu.memory_space<vmem>>, %arg4: memref<8x128xf32, #tpu.memory_space<vmem>>, %arg5: memref<8x128xf32, #tpu.memory_space<vmem>>, %arg6: memref<10000x128xf32, #tpu.memory_space<vmem>>) attributes {dimension_semantics = [], scalar_prefetch = 0 : i64, scratch_operands = 0 : i64, tpu.core_type = #tpu.core_type<tc>} {
    %get3A = arith.constant 0 : index
    %get3A_0 = arith.constant 0 : index
    %get3A_1 = vector.load %arg3[%get3A, %get3A_0] : memref<10000x8xf32, #tpu.memory_space<vmem>>, vector<10000x1xf32>
    %get3A_2 = arith.constant 0 : index
    %get3A_3 = arith.constant 0 : index
    %get3A_4 = arith.constant 0 : index
    %get3A_5 = arith.constant 0 : index
    %get3A_6 = vector.load %arg0[%get3A_2, %get3A_3, %get3A_4, %get3A_5] : memref<2x16x632x128xf32, #tpu.memory_space<vmem>>, vector<1x16x632x128xf32>
    %get3A_7 = vector.shape_cast %get3A_6 : vector<1x16x632x128xf32> to vector<16x632x128xf32>
    %reshape3A = vector.shape_cast %get3A_7 : vector<16x632x128xf32> to vector<10112x128xf32>
    %slice3A = vector.extract_strided_slice %reshape3A {offsets = [0, 0], sizes = [10000, 128], strides = [1, 1]} : vector<10112x128xf32> to vector<10000x128xf32>
    %get3A_8 = arith.constant 1 : index
    %get3A_9 = arith.constant 0 : index
    %get3A_10 = arith.constant 0 : index
    %get3A_11 = arith.constant 0 : index
    %get3A_12 = vector.load %arg0[%get3A_8, %get3A_9, %get3A_10, %get3A_11] : memref<2x16x632x128xf32, #tpu.memory_space<vmem>>, vector<1x16x632x128xf32>
    %get3A_13 = vector.shape_cast %get3A_12 : vector<1x16x632x128xf32> to vector<16x632x128xf32>
    %reshape3A_14 = vector.shape_cast %get3A_13 : vector<16x632x128xf32> to vector<10112x128xf32>
    %slice3A_15 = vector.extract_strided_slice %reshape3A_14 {offsets = [0, 0], sizes = [10000, 128], strides = [1, 1]} : vector<10112x128xf32> to vector<10000x128xf32>
    %add3A = arith.addf %slice3A, %slice3A_15 : vector<10000x128xf32>
    %get3A_16 = arith.constant 0 : index
    %get3A_17 = arith.constant 0 : index
    %get3A_18 = vector.load %arg1[%get3A_16, %get3A_17] : memref<10000x128xf32, #tpu.memory_space<vmem>>, vector<10000x128xf32>
    %add3A_19 = arith.addf %add3A, %get3A_18 : vector<10000x128xf32>
    %mul3A = vector.broadcast %get3A_1 : vector<10000x1xf32> to vector<10000x128xf32>
    %mul3A_20 = arith.mulf %mul3A, %add3A_19 : vector<10000x128xf32>
    %mul3A_21 = arith.constant 0.899999976 : f32
    %mul3A_22 = vector.broadcast %mul3A_21 : f32 to vector<10000x128xf32>
    %mul3A_23 = arith.mulf %mul3A_22, %mul3A_20 : vector<10000x128xf32>
    %get3A_24 = arith.constant 0 : index
    %get3A_25 = arith.constant 0 : index
    %get3A_26 = vector.load %arg2[%get3A_24, %get3A_25] : memref<10000x128xf32, #tpu.memory_space<vmem>>, vector<10000x128xf32>
    %mul3A_27 = arith.constant 1.000000e-01 : f32
    %mul3A_28 = vector.broadcast %mul3A_27 : f32 to vector<10000x128xf32>
    %mul3A_29 = arith.mulf %mul3A_28, %get3A_26 : vector<10000x128xf32>
    %add3A_30 = arith.addf %mul3A_23, %mul3A_29 : vector<10000x128xf32>
    %slice3A_31 = vector.extract_strided_slice %add3A_30 {offsets = [0, 0], sizes = [4000, 128], strides = [1, 1]} : vector<10000x128xf32> to vector<4000x128xf32>
    %get3A_32 = arith.constant 0 : index
    %get3A_33 = arith.constant 0 : index
    %get3A_34 = vector.load %arg5[%get3A_32, %get3A_33] : memref<8x128xf32, #tpu.memory_space<vmem>>, vector<1x128xf32>
    %mul3A_35 = vector.broadcast %get3A_34 : vector<1x128xf32> to vector<4000x128xf32>
    %mul3A_36 = arith.mulf %slice3A_31, %mul3A_35 : vector<4000x128xf32>
    %get3A_37 = arith.constant 0 : index
    %get3A_38 = arith.constant 0 : index
    %get3A_39 = vector.load %arg4[%get3A_37, %get3A_38] : memref<8x128xf32, #tpu.memory_space<vmem>>, vector<1x128xf32>
    %add3A_40 = vector.broadcast %get3A_39 : vector<1x128xf32> to vector<4000x128xf32>
    %add3A_41 = arith.addf %mul3A_36, %add3A_40 : vector<4000x128xf32>
    %slice3A_42 = vector.extract_strided_slice %add3A_30 {offsets = [4000, 0], sizes = [3000, 128], strides = [1, 1]} : vector<10000x128xf32> to vector<3000x128xf32>
    %get3A_43 = arith.constant 1 : index
    %get3A_44 = arith.constant 0 : index
    %get3A_45 = vector.load %arg5[%get3A_43, %get3A_44] : memref<8x128xf32, #tpu.memory_space<vmem>>, vector<1x128xf32>
    %mul3A_46 = vector.broadcast %get3A_45 : vector<1x128xf32> to vector<3000x128xf32>
    %mul3A_47 = arith.mulf %slice3A_42, %mul3A_46 : vector<3000x128xf32>
    %get3A_48 = arith.constant 1 : index
    %get3A_49 = arith.constant 0 : index
    %get3A_50 = vector.load %arg4[%get3A_48, %get3A_49] : memref<8x128xf32, #tpu.memory_space<vmem>>, vector<1x128xf32>
    %add3A_51 = vector.broadcast %get3A_50 : vector<1x128xf32> to vector<3000x128xf32>
    %add3A_52 = arith.addf %mul3A_47, %add3A_51 : vector<3000x128xf32>
    %slice3A_53 = vector.extract_strided_slice %add3A_30 {offsets = [7000, 0], sizes = [3000, 128], strides = [1, 1]} : vector<10000x128xf32> to vector<3000x128xf32>
    %get3A_54 = arith.constant 2 : index
    %get3A_55 = arith.constant 0 : index
    %get3A_56 = vector.load %arg5[%get3A_54, %get3A_55] : memref<8x128xf32, #tpu.memory_space<vmem>>, vector<1x128xf32>
    %mul3A_57 = vector.broadcast %get3A_56 : vector<1x128xf32> to vector<3000x128xf32>
    %mul3A_58 = arith.mulf %slice3A_53, %mul3A_57 : vector<3000x128xf32>
    %get3A_59 = arith.constant 2 : index
    %get3A_60 = arith.constant 0 : index
    %get3A_61 = vector.load %arg4[%get3A_59, %get3A_60] : memref<8x128xf32, #tpu.memory_space<vmem>>, vector<1x128xf32>
    %add3A_62 = vector.broadcast %get3A_61 : vector<1x128xf32> to vector<3000x128xf32>
    %add3A_63 = arith.addf %mul3A_58, %add3A_62 : vector<3000x128xf32>
    %concatenate3A = tpu.concatenate %add3A_41, %add3A_52, %add3A_63 in 0 : vector<4000x128xf32>, vector<3000x128xf32>, vector<3000x128xf32> -> vector<10000x128xf32>
    %swap3A = arith.constant 0 : index
    %swap3A_64 = arith.constant 0 : index
    %swap3A_65 = vector.load %arg6[%swap3A, %swap3A_64] : memref<10000x128xf32, #tpu.memory_space<vmem>>, vector<10000x128xf32>
    tpu.vector_store %arg6[%swap3A, %swap3A_64], %concatenate3A {strides = array<i32>} : memref<10000x128xf32, #tpu.memory_space<vmem>>, vector<10000x128xf32>,
    return
  }
}

</mosaic_0001>

<sc_bundles>
// kernel: kernel.14.cloned.1.call-start
scs
__scs_entry_jumppad:
0x0: {  	(pc) =	sbr.rel $0x88, $3  }
0x1: {  	(tag) =	ssettag $0x0;
	lr =	simm.s32 $0x1  }
0x2: {  	[smem:$0x3F9C] =	sst lr;
	_ =	strace $0xD0000000  }
0x3: {  	_ = 	snop  }
0x4: {  	_ = 	snop  }
0x5: {  	_ = 	snop  }
0x6: {  	_ = 	snop  }
0x7: {  	_ = 	snop  }
__scs_overlays_trampoline_lowered:
0x8: {  	[smem:$0x3FAB] =	sst s0  }
0x9: {  	[smem:$0x3FAC] =	sst s1  }
0xa: {  	[smem:$0x3FAD] =	sst s2  }
0xb: {  	[smem:$0x3FAE] =	sst s3  }
0xc: {  	[smem:$0x3FAF] =	sst s4  }
0xd: {  	[smem:$0x3FB0] =	sst s5  }
0xe: {  	[smem:$0x3FB1] =	sst s6  }
0xf: {  	[smem:$0x3FB2] =	sst s7  }
0x10: {  	[smem:$0x3FB3] =	sst s8  }
0x11: {  	[smem:$0x3FB4] =	sst s9;
	s0 =	simm.s32 @!p0 $0x0  }
0x12: {  	s1 =	sld [smem:$0x3F9A];
	s0 =	simm.s32 @p0 $0x1  }
0x13: {  	[smem:$0x3FB5] =	sst s0;
	s0 =	simm.s32 @!p1 $0x0  }
0x14: {  	s2 =	sld [smem:$0x3F99];
	s0 =	simm.s32 @p1 $0x1  }
0x15: {  	[smem:$0x3FB6] =	sst s0;
	s0 =	simm.s32 @!p2 $0x0  }
0x16: {  	s3 =	sld [smem:$0x3FDB];
	s0 =	simm.s32 @p2 $0x1  }
0x17: {  	s4 =	simm.s32 $0x1BF5;
	[smem:$0x3FB8] =	sst s0  }
0x18: {  	s0 =	sld [smem:$0x3F9B];
	_ =	swait.ge [sflag:s4], $0x0  }
0x19: {  	s7 =	sld [smem:$0x3F9C]  }
0x1a: {  	s8 =	sadd.s32 $0xFFFFE003, lr  }
0x1b: {  	s9 =	sadd.s32 $0xFFFFFEF7, lr;
	s5 =	simm.s32 $0xFFFFFFFF;
	p2 =	slt.u32 s8, $0xFFFFF086  }
0x1c: {  	p1 =	slt.u32 s9, $0xF7A;
	s5 =	simm.s32 @!p2 $0x0  }
0x1d: {  	s5 =	simm.s32 @p1 $0x1;
	p0 =	seq.s32 s7, s2  }
0x1e: {  	s7 =	smul.u32 @!p0 $0xF7A, s2;
	p2 =	seq.s32 @!p0 s5, $0x0  }
0x1f: {  	s9 =	smul.u32 $0xF7A, s1;
	s8 =	simm.s32 @!p0 $0x1BF5;
	p2 =	por !p2, p0  }
0x20: {  	[sflag:s8] =	ssyncset.s32 @!p0 $0xFFFFF086;
	s6 =	sadd.s32 @!p0 s3, s7;
	s7 =	simm.s32 @!p0 $0x108  }
0x21: {  	s3 =	sadd.s32 s3, s9;
	s6 =	sadd.s32 @!p0 $0x88, s6;
	s7 =	simm.s32 @p2 $0x1082  }
0x22: {  	[simem:s7], [sflag:s8] =	dma.local @!p0 [hbm:s6], $0xF7A  }
0x23: {  	s9 =	sor.u32 $0xD0000000, s2;
	s6 =	simm.s32 $0x108;
	_ =	swait.ge @!p0 [sflag:s8], $0x0  }
0x24: {  	s3 =	sadd.s32 $0x88, s3;
	s6 =	simm.s32 @!p1 $0x1082;
	[sflag:s4] =	ssyncset.s32 $0xFFFFF086  }
0x25: {  	[simem:s6], [sflag:s4] =	dma.local [hbm:s3], $0xF7A  }
0x26: {  	[smem:$0x3F9C] =	sst s1;
	(tag) =	ssettag s2;
	_ =	strace s9  }
0x27: {  	s1 =	sld [smem:$0x3FAC]  }
0x28: {  	s2 =	sld [smem:$0x3FAD]  }
0x29: {  	s4 =	sld [smem:$0x3FAF]  }
0x2a: {  	p0 =	seq.s32 s5, $0x0;
	s5 =	sld [smem:$0x3FB0]  }
0x2b: {  	s6 =	sld [smem:$0x3FB1]  }
0x2c: {  	s7 =	sld [smem:$0x3FB2]  }
0x2d: {  	s3 =	simm.s32 $0x108;
	s8 =	sld [smem:$0x3FB3]  }
0x2e: {  	s3 =	simm.s32 @!p0 $0x1082;
	s9 =	sld [smem:$0x3FB4]  }
0x2f: {  	lr =	sadd.s32 s0, s3;
	s0 =	sld [smem:$0x3FAB]  }
0x30: {  	s3 =	sld [smem:$0x3FAE]  }
0x31: {  	[smem:$0x3FB7] =	sst s10  }
0x32: {  	s10 =	sld [smem:$0x3FB5];
	_ =	sdelay $0x3  }
0x33: {  	p0 =	seq.s32 s10, $0x1;
	s10 =	sld [smem:$0x3FB7];
	_ =	sdelay $0x3  }
0x34: {  	[smem:$0x3FB7] =	sst s10  }
0x35: {  	s10 =	sld [smem:$0x3FB6];
	_ =	sdelay $0x3  }
0x36: {  	p1 =	seq.s32 s10, $0x1;
	s10 =	sld [smem:$0x3FB7];
	_ =	sdelay $0x3  }
0x37: {  	[smem:$0x3FB7] =	sst s10  }
0x38: {  	s10 =	sld [smem:$0x3FB8]  }
0x39: {  	_ = 	snop;
	(pc) =	sbr.ind lr, $3  }
0x3a: {  	_ = 	snop  }
0x3b: {  	_ = 	snop  }
0x3c: {  	p2 =	seq.s32 s10, $0x1;
	s10 =	sld [smem:$0x3FB7]  }
0x3d: {  	_ =	shalt  }
0x3e: {  	_ =	shalt  }
0x3f: {  	_ =	shalt  }
0x40: {  	_ =	shalt  }
0x41: {  	_ =	shalt  }
0x42: {  	_ =	shalt  }
0x43: {  	_ =	shalt  }
0x44: {  	_ =	shalt  }
0x45: {  	_ =	shalt  }
0x46: {  	_ =	shalt  }
0x47: {  	_ =	shalt  }
0x48: {  	_ =	shalt  }
0x49: {  	_ =	shalt  }
0x4a: {  	_ =	shalt  }
0x4b: {  	_ =	shalt  }
0x4c: {  	_ =	shalt  }
0x4d: {  	_ =	shalt  }
0x4e: {  	_ =	shalt  }
0x4f: {  	_ =	shalt  }
0x50: {  	_ =	shalt  }
0x51: {  	_ =	shalt  }
0x52: {  	_ =	shalt  }
0x53: {  	_ =	shalt  }
0x54: {  	_ =	shalt  }
0x55: {  	_ =	shalt  }
0x56: {  	_ =	shalt  }
0x57: {  	_ =	shalt  }
0x58: {  	_ =	shalt  }
0x59: {  	_ =	shalt  }
0x5a: {  	_ =	shalt  }
0x5b: {  	_ =	shalt  }
0x5c: {  	_ =	shalt  }
0x5d: {  	_ =	shalt  }
0x5e: {  	_ =	shalt  }
0x5f: {  	_ =	shalt  }
0x60: {  	_ =	shalt  }
0x61: {  	_ =	shalt  }
0x62: {  	_ =	shalt  }
0x63: {  	_ =	shalt  }
0x64: {  	_ =	shalt  }
0x65: {  	_ =	shalt  }
0x66: {  	_ =	shalt  }
0x67: {  	_ =	shalt  }
0x68: {  	_ =	shalt  }
0x69: {  	_ =	shalt  }
0x6a: {  	_ =	shalt  }
0x6b: {  	_ =	shalt  }
0x6c: {  	_ =	shalt  }
0x6d: {  	_ =	shalt  }
0x6e: {  	_ =	shalt  }
0x6f: {  	_ =	shalt  }
0x70: {  	_ =	shalt  }
0x71: {  	_ =	shalt  }
0x72: {  	_ =	shalt  }
0x73: {  	_ =	shalt  }
0x74: {  	_ =	shalt  }
0x75: {  	_ =	shalt  }
0x76: {  	_ =	shalt  }
0x77: {  	_ =	shalt  }
0x78: {  	_ =	shalt  }
0x79: {  	_ =	shalt  }
0x7a: {  	_ =	shalt  }
0x7b: {  	_ =	shalt  }
0x7c: {  	_ =	shalt  }
0x7d: {  	_ =	shalt  }
0x7e: {  	_ =	shalt  }
0x7f: {  	_ =	shalt  }
0x80: {  	_ =	shalt  }
0x81: {  	_ =	shalt  }
0x82: {  	_ =	shalt  }
0x83: {  	_ =	shalt  }
0x84: {  	_ =	shalt  }
0x85: {  	_ =	shalt  }
0x86: {  	_ =	shalt  }
0x87: {  	_ =	shalt  }
.Lfunc_end0:
.L_simem_size_0:
called_computation_lowered:
.L_overlay_start_0:
0x88: {  	s2 =	sld [smem:$0x3FD9]  }
0x89: {  	s3 =	sld [smem:$0x3FFE];
	_ =	sdelay $0x1  }
0x8a: {  	s1 =	srdreg.scid  }
0x8b: {  	s0 =	sand.u32 $0x1, s1  }
0x8c: {  	s14 =	sshll.u32 s0, $0xA;
	s2 =	sadd.s32 s3, s2  }
0x8d: {  	s2 =	sadd.s32 s2, s14  }
0x8e: {  	[smem:$0x3FC3] =	sst s2  }
0x8f: {  	_ = 	snop  }
0x90: {  	s2 =	sld [smem:$0x3FD0];
	_ =	sdelay $0x2  }
0x91: {  	s15 =	simm.s32 $0xC;
	s4 =	simm.s32 $0x10  }
0x92: {  	[smem:s4], [sflag:s15] =	dma.local [hbm:s2], $0x1  }
0x93: {  	_ =	swait.eq [sflag:s15], $0x1  }
0x94: {  	[sflag:s15] =	ssyncset.done $0x0  }
0x95: {  	[sflag:s15] =	ssyncadd.s32 $0xFFFFFFFF  }
0x96: {  	s16 =	sld [smem:$0x10];
	(tm) =	ssettm $0x1  }
0x97: {  	s17 =	sld [smem:$0x3FFB];
	_ =	sdelay $0x3  }
0x98: {  	_ =	strace s17  }
0x99: {  	s3 =	sld [smem:$0x3FFC];
	_ =	sdelay $0x3  }
0x9a: {  	_ =	strace s3  }
0x9b: {  	s3 =	sld [smem:$0x3FFD];
	_ =	sdelay $0x3  }
0x9c: {  	_ =	strace s3  }
0x9d: {  	_ =	strace $0x8FFFFFFF  }
0x9e: {  	s18 =	sld [smem:$0x3FDB];
	_ =	sdelay $0x1  }
0x9f: {  	s19 =	simm.s32 $_scs_section_size  }
0xa0: {  	s5 =	simm.s32 $_size__tile_overlayer_lowered;
	s6 =	simm.s32 $_tile_overlayer_lowered  }
0xa1: {  	s22 =	simm.s32 $0x1BFF;
	s21 =	sshll.u32 s6, $0x1;
	s3 =	sadd.s32 s19, s18  }
0xa2: {  	s7 =	simm.s32 $0x0;
	s20 =	sshll.u32 s5, $0x1;
	s5 =	sadd.s32 s21, s3  }
0xa3: {  	[timem:s7], [sflag:s22] =	dma.local [hbm:s5], s20  }
0xa4: {  	_ =	swait.ge [sflag:s22], s20  }
0xa5: {  	s4 =	ssub.s32 $0x0, s20;
	[sflag:s22] =	ssyncset.done $0x0  }
0xa6: {  	[sflag:s22] =	ssyncadd.s32 s4;
	_ =	sdelay $0x1  }
0xa7: {  	s23 =	simm.s32 $0x1B8B  }
0xa8: {  	_ =	swait.ge [sflag:s23], $0x1  }
0xa9: {  	[sflag:s23] =	ssyncset.done $0x0  }
0xaa: {  	s25 =	simm.s32 $0x1B8E;
	s24 =	sld [smem:$0x3FFE];
	[sflag:s23] =	ssyncadd.s32 $0xFFFFFFFF  }
0xab: {  	s26 =	simm.s32 $execute0_lowered;
	[smem:$0x3FD2] =	sst s25  }
0xac: {  	s5 =	sshll.u32 s26, $0x1;
	_ =	strace $0x80000046;
	[dreg:$0x1] =	wrdreg $0xFFFFFFFF  }
0xad: {  	s28 =	simm.s32 $_size_execute0_lowered;
	s3 =	sadd.s32 s3, s5;
	[dreg:$0x0] =	wrdreg $0x0  }
0xae: {  	s5 =	sshll.u32 s28, $0x1;
	[dreg:$0x2] =	wrdreg s3  }
0xaf: {  	[dreg:$0x3] =	wrdreg s5  }
0xb0: {  	[dreg:$0x4] =	wrdreg $0xC0  }
0xb1: {  	_ =	task [dreg:s7], $0x5FFFF  }
0xb2: {  	[dreg:$0x1] =	wrdreg $0xFFFFFFFF  }
0xb3: {  	[dreg:$0x0] =	wrdreg $0x60  }
0xb4: {  	[dreg:$0x2] =	wrdreg s24  }
0xb5: {  	[dreg:$0x3] =	wrdreg s16  }
0xb6: {  	[dreg:$0x4] =	wrdreg $0x28800  }
0xb7: {  	[dreg:$0x5] =	wrdreg $0x9  }
0xb8: {  	_ =	task.clear_ibuf [dreg:s7], $0x6FFFF;
	_ =	strace $0x90000046  }
0xb9: {  	s29 =	simm.s32 $0x9;
	_ =	strace $0x80000048  }
0xba: {  	_ =	swait.ge [sflag:s29], $0x1  }
0xbb: {  	[sflag:s29] =	ssyncadd.s32 $0xFFFFFFFF  }
0xbc: {  	_ =	strace $0x90000048  }
0xbd: {  	_ =	sfence  }
0xbe: {  	s30 =	sld [smem:$0x0];
	_ =	sdelay $0x2  }
0xbf: {  	s31 =	sshll.u32 s1, $0xD;
	s1 =	sshrl.u32 s1, $0x2  }
0xc0: {  	s3 =	sand.u32 $0x4000, s31;
	s1 =	sadd.s32 s1, s30  }
0xc1: {  	s0 =	sor.u32 s3, s0;
	s1 =	sshll.u32 s1, $0x11  }
0xc2: {  	s0 =	sor.u32 s1, s0  }
0xc3: {  	s0 =	sadd.s32 $0x8F2B, s0  }
0xc4: {  	[sflag:s0] =	ssyncadd.remote.s32 $0x1  }
0xc5: {  	_ =	sfence.sel $0xFFFF  }
0xc6: {  	[dreg:$0x0] =	wrdreg $0xFFFFFFFF;
	(pc) =	sbr.abs _section_cstart, $3  }
0xc7: {  	[dreg:$0x1] =	wrdreg $0xFFFFFFFF  }
0xc8: {  	_ =	task.clear_ibuf [dreg:s7], $0x2FFFF;
	_ =	strace $0x9FFFFFFF  }
0xc9: {  	(tm) =	ssettm $0x7FFFFFFF  }
tec
execute0_lowered:
.L_overlay_start_1:
0x0: {  	(tag) =	ssettag $0x1  }
0x1: {  	s6 =	rddreg [dreg:$0x0]  }
0x2: {  	s1 =	srdreg.scid;
	s0 =	stileid.u32  }
0x3: {  	s2 =	rddreg [dreg:$0x1];
	s5 =	smul.u32 $0x4E20, s0  }
0x4: {  	s3 =	rddreg [dreg:$0x2];
	s28 =	smul.u32 $0x13C00, s0  }
0x5: {  	s4 =	simm.s32 $0x0;
	s7 =	sand.u32 $0x1, s1;
	s29 =	smul.u32 $0x4F000, s0  }
0x6: {  	s13 =	simm.s32 $0x50;
	s1 =	rddreg [dreg:$0x3];
	s8 =	smul.u32 $0x2710, s7  }
0x7: {  	s14 =	simm.s32 $0x0;
	[smem:$0x7FF] =	sst s4;
	s9 =	smul.u32 $0x13C000, s7  }
0x8: {  	s31 =	sshll.u32 s0, $0x6;
	_ =	strace $0x80000047;
	s7 =	ssub.s32 $0x2, s7  }
0x9: {  	s30 =	sshrl.u32 s7, $0x1;
	s5 =	sadd.s32 s8, s5;
	s8 =	sadd.s32 s28, s9  }
0xa: {  	s9 =	sshrl.u32 s29, $0x2;
	s11 =	ssub.s32 s7, s30;
	s5 =	sshrl.u32 s5, $0x3  }
0xb: {  	s8 =	sshrl.u32 s8, $0x3;
	s12 =	sadd.s32 s9, s3;
	s10 =	sadd.s32 s5, s6  }
0xc: {  	s5 =	sadd.s32 $0x18600, s6;
	s8 =	sadd.s32 s8, s6;
	s6 =	sor.u32 $0x1C01, s31  }
0xd: {  	s7 =	sadd.s32 $0x1AE00, s8;
	s8 =	smax.u32 s11, $0x1;
	s9 =	sadd.s32 $0xE800, s10  }
0xe: {  	s10 =	sshrl.u32 s12, $0x3;
	s11 =	simm.s32 $0x1;
	s12 =	simm.s32 $0x80  }
.LBB2_1:
0xf: {  	[spmem:s10], [sflag:s6] =	dma.local [hbm:s5], $0x2780  }
0x10: {  	_ =	swait.ge [sflag:s11], $0x2780  }
0x11: {  	[sflag:s11] =	ssyncset.done $0x0  }
0x12: {  	[sflag:s11] =	ssyncadd.s32 $0xFFFFD880  }
0x13: {  	[tilespmem:s12], [sflag:$0x1] =	stream.linear.gather [hbm4b:s2+s4], $0x2800, $0x38;
	[tilespmem:$0x16480] =	vst v63  }
0x14: {  	_ =	swait.ge [sflag:s11], $0x2800  }
0x15: {  	[sflag:s11] =	ssyncset.done $0x0  }
0x16: {  	[sflag:s11] =	ssyncadd.s32 $0xFFFFD800  }
0x17: {  	s15 =	sadd.s32 $0x0, s9;
	[bflag:$0x0] =	sbarrier.arrive $0xFFFF  }
0x18: {  	[tilespmem:s4], [sflag:$0x1] =	stream.linear.gather [hbm4b:s15+s4], $0x50, $0x38;
	[tilespmem:$0x16480] =	vst v63  }
0x19: {  	_ =	swait.ge [sflag:s11], $0x50  }
0x1a: {  	[sflag:s11] =	ssyncset.done $0x0  }
0x1b: {  	[sflag:s11] =	ssyncadd.s32 $0xFFFFFFB0  }
0x1c: {  	[spmem:s3] =	stream.indirect.scatter.add.f32 [tilespmem:s12], [sflag:$0x1], $0x80, s4, s13, $0xb8;
	[tilespmem:$0x16480] =	vst v63  }
0x1d: {  	_ =	swait.ge [sflag:s11], $0x2800  }
0x1e: {  	s16 =	simm.s32 $0x14;
	s15 =	simm.s32 $0xA;
	[sflag:s11] =	ssyncset.done $0x0  }
.LBB2_2:
0x1f: {  	s17 =	sadd.s32 s15, s9  }
0x20: {  	[sflag:s11] =	ssyncadd.s32 $0xFFFFD800;
	s15 =	smov.u32 s16;
	s18 =	sadd.s32 $0xA, s16  }
0x21: {  	[tilespmem:s4], [sflag:$0x1] =	stream.linear.gather [hbm4b:s17+s4], $0x50, $0x38;
	[tilespmem:$0x16480] =	vst v63  }
0x22: {  	p0 =	sne.s32 s16, $0x4D8;
	_ =	swait.ge [sflag:s11], $0x50  }
.Ltmp0:
0x23: {  	[sflag:s11] =	ssyncset.done $0x0;
	(pc) =	sbr.rel @p0 .LBB2_2-.Ltmp0, $4  }
0x24: {  	[sflag:s11] =	ssyncadd.s32 $0xFFFFFFB0  }
0x25: {  	[spmem:s3] =	stream.indirect.scatter.add.f32 [tilespmem:s12], [sflag:$0x1], $0x80, s4, s13, $0xb8;
	[tilespmem:$0x16480] =	vst v63  }
0x26: {  	_ =	swait.ge [sflag:s11], $0x2800  }
0x27: {  	s16 =	smov.u32 s18;
	[sflag:s11] =	ssyncset.done $0x0  }
0x28: {  	s15 =	sadd.s32 s15, s9;
	[sflag:s11] =	ssyncadd.s32 $0xFFFFD800  }
0x29: {  	[tilespmem:s4], [sflag:$0x1] =	stream.linear.gather [hbm4b:s15+s4], $0x50, $0x38;
	[tilespmem:$0x16480] =	vst v63  }
0x2a: {  	_ =	swait.ge [sflag:s11], $0x50  }
0x2b: {  	[sflag:s11] =	ssyncset.done $0x0  }
0x2c: {  	[sflag:s11] =	ssyncadd.s32 $0xFFFFFFB0  }
0x2d: {  	[spmem:s3] =	stream.indirect.scatter.add.f32 [tilespmem:s12], [sflag:$0x1], $0x80, s4, s13, $0xb8;
	[tilespmem:$0x16480] =	vst v63  }
0x2e: {  	_ =	swait.ge [sflag:s11], $0x2800  }
0x2f: {  	s14 =	sadd.s32 $0x1, s14;
	[sflag:s11] =	ssyncset.done $0x0  }
0x30: {  	p0 =	sne.s32 s14, s8;
	[sflag:s11] =	ssyncadd.s32 $0xFFFFD800  }
.Ltmp1:
0x31: {  	[bflag:$0x0] =	sbarrier.arrive $0xFFFF;
	(pc) =	sbr.rel @p0 .LBB2_1-.Ltmp1, $4  }
0x32: {  	[hbm:s7], [sflag:s6] =	dma.local [spmem:s10], $0x2780  }
0x33: {  	_ =	swait.ge [sflag:s11], $0x2780  }
0x34: {  	[sflag:s11] =	ssyncset.done $0x0  }
0x35: {  	[sflag:s11] =	ssyncadd.s32 $0xFFFFD880  }
0x36: {  	_ =	sfence.sel $0x180000  }
0x37: {  	[bflag:$0x0] =	sbarrier.arrive $0xFFFF  }
0x38: {  	p0 =	sne.s32 s0, $0x0;
	_ =	strace $0x90000047  }
0x39: {  	s0 =	sadd.s32 @!p0 $0x100000, s1;
	[bflag:$0x2] =	sbarrier.arrive $0xFFFF  }
0x3a: {  	[sflag:s0] =	ssyncadd.tile.s32 @!p0 $0x1;
	_ =	shalt  }
.Lfunc_end2:
_tile_overlayer_lowered:
.L_overlay_start_2:
0x3b: {  	(tag) =	ssettag $0x2  }
0x3c: {  	s0 =	rddreg [dreg:$0x0];
	s2 =	stileid.u32  }
0x3d: {  	s1 =	rddreg [dreg:$0x1];
	p0 =	sne.s32 s2, $0x0  }
0x3e: {  	s3 =	rddreg [dreg:$0x2];
	[bflag:$0x3] =	sbarrier.arrive $0xFFFF;
	s2 =	simm.s32 @!p0 $0x1C01  }
0x3f: {  	[timem:s3], [sflag:s2] =	dma.local @!p0 [hbm:s0], s1  }
0x40: {  	s0 =	simm.s32 @!p0 $0x1  }
0x41: {  	_ =	swait.ge @!p0 [sflag:s0], s1  }
0x42: {  	s1 =	ssub.s32 @!p0 $0x0, s1;
	[sflag:s0] =	ssyncset.done @!p0 $0x0  }
0x43: {  	[sflag:s0] =	ssyncadd.s32 @!p0 s1  }
0x44: {  	[bflag:$0x3] =	sbarrier.arrive $0xFFFF  }
0x45: {  	_ =	shalt  }

// kernel: kernel.17.cloned.1.call-start
scs
__scs_entry_jumppad:
0x0: {  	(pc) =	sbr.rel $0x88, $3  }
0x1: {  	(tag) =	ssettag $0x0;
	lr =	simm.s32 $0x1  }
0x2: {  	[smem:$0x3F9C] =	sst lr;
	_ =	strace $0xD0000000  }
0x3: {  	_ = 	snop  }
0x4: {  	_ = 	snop  }
0x5: {  	_ = 	snop  }
0x6: {  	_ = 	snop  }
0x7: {  	_ = 	snop  }
__scs_overlays_trampoline_lowered:
0x8: {  	[smem:$0x3FAB] =	sst s0  }
0x9: {  	[smem:$0x3FAC] =	sst s1  }
0xa: {  	[smem:$0x3FAD] =	sst s2  }
0xb: {  	[smem:$0x3FAE] =	sst s3  }
0xc: {  	[smem:$0x3FAF] =	sst s4  }
0xd: {  	[smem:$0x3FB0] =	sst s5  }
0xe: {  	[smem:$0x3FB1] =	sst s6  }
0xf: {  	[smem:$0x3FB2] =	sst s7  }
0x10: {  	[smem:$0x3FB3] =	sst s8  }
0x11: {  	[smem:$0x3FB4] =	sst s9;
	s0 =	simm.s32 @!p0 $0x0  }
0x12: {  	s1 =	sld [smem:$0x3F9A];
	s0 =	simm.s32 @p0 $0x1  }
0x13: {  	[smem:$0x3FB5] =	sst s0;
	s0 =	simm.s32 @!p1 $0x0  }
0x14: {  	s2 =	sld [smem:$0x3F99];
	s0 =	simm.s32 @p1 $0x1  }
0x15: {  	[smem:$0x3FB6] =	sst s0;
	s0 =	simm.s32 @!p2 $0x0  }
0x16: {  	s3 =	sld [smem:$0x3FDB];
	s0 =	simm.s32 @p2 $0x1  }
0x17: {  	s4 =	simm.s32 $0x1BF5;
	[smem:$0x3FB8] =	sst s0  }
0x18: {  	s0 =	sld [smem:$0x3F9B];
	_ =	swait.ge [sflag:s4], $0x0  }
0x19: {  	s7 =	sld [smem:$0x3F9C]  }
0x1a: {  	s8 =	sadd.s32 $0xFFFFE003, lr  }
0x1b: {  	s9 =	sadd.s32 $0xFFFFFEF7, lr;
	s5 =	simm.s32 $0xFFFFFFFF;
	p2 =	slt.u32 s8, $0xFFFFF086  }
0x1c: {  	p1 =	slt.u32 s9, $0xF7A;
	s5 =	simm.s32 @!p2 $0x0  }
0x1d: {  	s5 =	simm.s32 @p1 $0x1;
	p0 =	seq.s32 s7, s2  }
0x1e: {  	s7 =	smul.u32 @!p0 $0xF7A, s2;
	p2 =	seq.s32 @!p0 s5, $0x0  }
0x1f: {  	s9 =	smul.u32 $0xF7A, s1;
	s8 =	simm.s32 @!p0 $0x1BF5;
	p2 =	por !p2, p0  }
0x20: {  	[sflag:s8] =	ssyncset.s32 @!p0 $0xFFFFF086;
	s6 =	sadd.s32 @!p0 s3, s7;
	s7 =	simm.s32 @!p0 $0x108  }
0x21: {  	s3 =	sadd.s32 s3, s9;
	s6 =	sadd.s32 @!p0 $0x88, s6;
	s7 =	simm.s32 @p2 $0x1082  }
0x22: {  	[simem:s7], [sflag:s8] =	dma.local @!p0 [hbm:s6], $0xF7A  }
0x23: {  	s9 =	sor.u32 $0xD0000000, s2;
	s6 =	simm.s32 $0x108;
	_ =	swait.ge @!p0 [sflag:s8], $0x0  }
0x24: {  	s3 =	sadd.s32 $0x88, s3;
	s6 =	simm.s32 @!p1 $0x1082;
	[sflag:s4] =	ssyncset.s32 $0xFFFFF086  }
0x25: {  	[simem:s6], [sflag:s4] =	dma.local [hbm:s3], $0xF7A  }
0x26: {  	[smem:$0x3F9C] =	sst s1;
	(tag) =	ssettag s2;
	_ =	strace s9  }
0x27: {  	s1 =	sld [smem:$0x3FAC]  }
0x28: {  	s2 =	sld [smem:$0x3FAD]  }
0x29: {  	s4 =	sld [smem:$0x3FAF]  }
0x2a: {  	p0 =	seq.s32 s5, $0x0;
	s5 =	sld [smem:$0x3FB0]  }
0x2b: {  	s6 =	sld [smem:$0x3FB1]  }
0x2c: {  	s7 =	sld [smem:$0x3FB2]  }
0x2d: {  	s3 =	simm.s32 $0x108;
	s8 =	sld [smem:$0x3FB3]  }
0x2e: {  	s3 =	simm.s32 @!p0 $0x1082;
	s9 =	sld [smem:$0x3FB4]  }
0x2f: {  	lr =	sadd.s32 s0, s3;
	s0 =	sld [smem:$0x3FAB]  }
0x30: {  	s3 =	sld [smem:$0x3FAE]  }
0x31: {  	[smem:$0x3FB7] =	sst s10  }
0x32: {  	s10 =	sld [smem:$0x3FB5];
	_ =	sdelay $0x3  }
0x33: {  	p0 =	seq.s32 s10, $0x1;
	s10 =	sld [smem:$0x3FB7];
	_ =	sdelay $0x3  }
0x34: {  	[smem:$0x3FB7] =	sst s10  }
0x35: {  	s10 =	sld [smem:$0x3FB6];
	_ =	sdelay $0x3  }
0x36: {  	p1 =	seq.s32 s10, $0x1;
	s10 =	sld [smem:$0x3FB7];
	_ =	sdelay $0x3  }
0x37: {  	[smem:$0x3FB7] =	sst s10  }
0x38: {  	s10 =	sld [smem:$0x3FB8]  }
0x39: {  	_ = 	snop;
	(pc) =	sbr.ind lr, $3  }
0x3a: {  	_ = 	snop  }
0x3b: {  	_ = 	snop  }
0x3c: {  	p2 =	seq.s32 s10, $0x1;
	s10 =	sld [smem:$0x3FB7]  }
0x3d: {  	_ =	shalt  }
0x3e: {  	_ =	shalt  }
0x3f: {  	_ =	shalt  }
0x40: {  	_ =	shalt  }
0x41: {  	_ =	shalt  }
0x42: {  	_ =	shalt  }
0x43: {  	_ =	shalt  }
0x44: {  	_ =	shalt  }
0x45: {  	_ =	shalt  }
0x46: {  	_ =	shalt  }
0x47: {  	_ =	shalt  }
0x48: {  	_ =	shalt  }
0x49: {  	_ =	shalt  }
0x4a: {  	_ =	shalt  }
0x4b: {  	_ =	shalt  }
0x4c: {  	_ =	shalt  }
0x4d: {  	_ =	shalt  }
0x4e: {  	_ =	shalt  }
0x4f: {  	_ =	shalt  }
0x50: {  	_ =	shalt  }
0x51: {  	_ =	shalt  }
0x52: {  	_ =	shalt  }
0x53: {  	_ =	shalt  }
0x54: {  	_ =	shalt  }
0x55: {  	_ =	shalt  }
0x56: {  	_ =	shalt  }
0x57: {  	_ =	shalt  }
0x58: {  	_ =	shalt  }
0x59: {  	_ =	shalt  }
0x5a: {  	_ =	shalt  }
0x5b: {  	_ =	shalt  }
0x5c: {  	_ =	shalt  }
0x5d: {  	_ =	shalt  }
0x5e: {  	_ =	shalt  }
0x5f: {  	_ =	shalt  }
0x60: {  	_ =	shalt  }
0x61: {  	_ =	shalt  }
0x62: {  	_ =	shalt  }
0x63: {  	_ =	shalt  }
0x64: {  	_ =	shalt  }
0x65: {  	_ =	shalt  }
0x66: {  	_ =	shalt  }
0x67: {  	_ =	shalt  }
0x68: {  	_ =	shalt  }
0x69: {  	_ =	shalt  }
0x6a: {  	_ =	shalt  }
0x6b: {  	_ =	shalt  }
0x6c: {  	_ =	shalt  }
0x6d: {  	_ =	shalt  }
0x6e: {  	_ =	shalt  }
0x6f: {  	_ =	shalt  }
0x70: {  	_ =	shalt  }
0x71: {  	_ =	shalt  }
0x72: {  	_ =	shalt  }
0x73: {  	_ =	shalt  }
0x74: {  	_ =	shalt  }
0x75: {  	_ =	shalt  }
0x76: {  	_ =	shalt  }
0x77: {  	_ =	shalt  }
0x78: {  	_ =	shalt  }
0x79: {  	_ =	shalt  }
0x7a: {  	_ =	shalt  }
0x7b: {  	_ =	shalt  }
0x7c: {  	_ =	shalt  }
0x7d: {  	_ =	shalt  }
0x7e: {  	_ =	shalt  }
0x7f: {  	_ =	shalt  }
0x80: {  	_ =	shalt  }
0x81: {  	_ =	shalt  }
0x82: {  	_ =	shalt  }
0x83: {  	_ =	shalt  }
0x84: {  	_ =	shalt  }
0x85: {  	_ =	shalt  }
0x86: {  	_ =	shalt  }
0x87: {  	_ =	shalt  }
.Lfunc_end0:
.L_simem_size_0:
called_computation.1_lowered:
.L_overlay_start_0:
0x88: {  	s2 =	sld [smem:$0x3FD9]  }
0x89: {  	s3 =	sld [smem:$0x3FFE];
	_ =	sdelay $0x1  }
0x8a: {  	s1 =	srdreg.scid  }
0x8b: {  	s0 =	sand.u32 $0x1, s1  }
0x8c: {  	s14 =	sshll.u32 s0, $0xA;
	s2 =	sadd.s32 s3, s2  }
0x8d: {  	s2 =	sadd.s32 s2, s14  }
0x8e: {  	[smem:$0x3FC3] =	sst s2  }
0x8f: {  	_ = 	snop  }
0x90: {  	s2 =	sld [smem:$0x3FD0];
	_ =	sdelay $0x2  }
0x91: {  	s15 =	simm.s32 $0xC;
	s4 =	simm.s32 $0x10  }
0x92: {  	[smem:s4], [sflag:s15] =	dma.local [hbm:s2], $0x1  }
0x93: {  	_ =	swait.eq [sflag:s15], $0x1  }
0x94: {  	[sflag:s15] =	ssyncset.done $0x0  }
0x95: {  	[sflag:s15] =	ssyncadd.s32 $0xFFFFFFFF  }
0x96: {  	s16 =	sld [smem:$0x10];
	(tm) =	ssettm $0x1  }
0x97: {  	s17 =	sld [smem:$0x3FFB];
	_ =	sdelay $0x3  }
0x98: {  	_ =	strace s17  }
0x99: {  	s3 =	sld [smem:$0x3FFC];
	_ =	sdelay $0x3  }
0x9a: {  	_ =	strace s3  }
0x9b: {  	s3 =	sld [smem:$0x3FFD];
	_ =	sdelay $0x3  }
0x9c: {  	_ =	strace s3  }
0x9d: {  	_ =	strace $0x8FFFFFFF  }
0x9e: {  	s18 =	sld [smem:$0x3FDB];
	_ =	sdelay $0x1  }
0x9f: {  	s19 =	simm.s32 $_scs_section_size  }
0xa0: {  	s5 =	simm.s32 $_size__tile_overlayer_lowered;
	s6 =	simm.s32 $_tile_overlayer_lowered  }
0xa1: {  	s22 =	simm.s32 $0x1BFF;
	s21 =	sshll.u32 s6, $0x1;
	s3 =	sadd.s32 s19, s18  }
0xa2: {  	s7 =	simm.s32 $0x0;
	s20 =	sshll.u32 s5, $0x1;
	s5 =	sadd.s32 s21, s3  }
0xa3: {  	[timem:s7], [sflag:s22] =	dma.local [hbm:s5], s20  }
0xa4: {  	_ =	swait.ge [sflag:s22], s20  }
0xa5: {  	s4 =	ssub.s32 $0x0, s20;
	[sflag:s22] =	ssyncset.done $0x0  }
0xa6: {  	[sflag:s22] =	ssyncadd.s32 s4;
	_ =	sdelay $0x1  }
0xa7: {  	s23 =	simm.s32 $0x1B8B  }
0xa8: {  	_ =	swait.ge [sflag:s23], $0x1  }
0xa9: {  	[sflag:s23] =	ssyncset.done $0x0  }
0xaa: {  	s25 =	simm.s32 $0x1B8E;
	s24 =	sld [smem:$0x3FFE];
	[sflag:s23] =	ssyncadd.s32 $0xFFFFFFFF  }
0xab: {  	s26 =	simm.s32 $execute0_lowered;
	[smem:$0x3FD2] =	sst s25  }
0xac: {  	s5 =	sshll.u32 s26, $0x1;
	_ =	strace $0x80000049;
	[dreg:$0x1] =	wrdreg $0xFFFFFFFF  }
0xad: {  	s28 =	simm.s32 $_size_execute0_lowered;
	s3 =	sadd.s32 s3, s5;
	[dreg:$0x0] =	wrdreg $0x0  }
0xae: {  	s5 =	sshll.u32 s28, $0x1;
	[dreg:$0x2] =	wrdreg s3  }
0xaf: {  	[dreg:$0x3] =	wrdreg s5  }
0xb0: {  	[dreg:$0x4] =	wrdreg $0xC0  }
0xb1: {  	_ =	task [dreg:s7], $0x5FFFF  }
0xb2: {  	[dreg:$0x1] =	wrdreg $0xFFFFFFFF  }
0xb3: {  	[dreg:$0x0] =	wrdreg $0x60  }
0xb4: {  	[dreg:$0x2] =	wrdreg s16  }
0xb5: {  	[dreg:$0x3] =	wrdreg s24  }
0xb6: {  	[dreg:$0x4] =	wrdreg $0x2A000  }
0xb7: {  	[dreg:$0x5] =	wrdreg $0x9  }
0xb8: {  	_ =	task.clear_ibuf [dreg:s7], $0x6FFFF;
	_ =	strace $0x90000049  }
0xb9: {  	s29 =	simm.s32 $0x9;
	_ =	strace $0x8000004B  }
0xba: {  	_ =	swait.ge [sflag:s29], $0x1  }
0xbb: {  	[sflag:s29] =	ssyncadd.s32 $0xFFFFFFFF  }
0xbc: {  	_ =	strace $0x9000004B  }
0xbd: {  	_ =	sfence  }
0xbe: {  	s30 =	sld [smem:$0x0];
	_ =	sdelay $0x2  }
0xbf: {  	s31 =	sshll.u32 s1, $0xD;
	s1 =	sshrl.u32 s1, $0x2  }
0xc0: {  	s3 =	sand.u32 $0x4000, s31;
	s1 =	sadd.s32 s1, s30  }
0xc1: {  	s0 =	sor.u32 s3, s0;
	s1 =	sshll.u32 s1, $0x11  }
0xc2: {  	s0 =	sor.u32 s1, s0  }
0xc3: {  	s0 =	sadd.s32 $0x8F2B, s0  }
0xc4: {  	[sflag:s0] =	ssyncadd.remote.s32 $0x1  }
0xc5: {  	_ =	sfence.sel $0xFFFF  }
0xc6: {  	[dreg:$0x0] =	wrdreg $0xFFFFFFFF;
	(pc) =	sbr.abs _section_cstart, $3  }
0xc7: {  	[dreg:$0x1] =	wrdreg $0xFFFFFFFF  }
0xc8: {  	_ =	task.clear_ibuf [dreg:s7], $0x2FFFF;
	_ =	strace $0x9FFFFFFF  }
0xc9: {  	(tm) =	ssettm $0x7FFFFFFF  }
tec
execute0_lowered:
.L_overlay_start_1:
0x0: {  	(tag) =	ssettag $0x1  }
0x1: {  	s1 =	rddreg [dreg:$0x0]  }
0x2: {  	s0 =	rddreg [dreg:$0x1]  }
0x3: {  	s2 =	rddreg [dreg:$0x2];
	s3 =	srdreg.scid  }
0x4: {  	s4 =	simm.s32 $0x0;
	s12 =	stileid.u32;
	s19 =	simm.s32 $0x3  }
0x5: {  	s28 =	simm.s32 $0x2;
	s29 =	simm.s32 $0x0;
	s3 =	sand.u32 $0x1, s3  }
0x6: {  	[smem:$0x7FF] =	sst s4;
	s8 =	smul.u32 $0x13C00, s12;
	s5 =	sadd.s32 $0x4A00, s0  }
0x7: {  	s6 =	sadd.s32 $0xE800, s0;
	s20 =	sadd.s32 $0x18600, s0;
	s11 =	smul.u32 $0x4F000, s12  }
0x8: {  	s9 =	sshll.u32 s12, $0x1;
	s23 =	smul.u32 $0x4E20, s12;
	s24 =	sshll.u32 s12, $0x6  }
0x9: {  	s7 =	smul.u32 $0x13C000, s3;
	_ =	strace $0x8000004A;
	[dreg:$0x4] =	wrdreg s20  }
0xa: {  	s10 =	ssub.s32 $0x2, s3;
	s9 =	sor.u32 s3, s9;
	s3 =	smul.u32 $0x2710, s3  }
0xb: {  	s20 =	simm.s32 $0x80;
	s21 =	sshrl.u32 s10, $0x1;
	s9 =	smul.u32 $0x2710, s9  }
0xc: {  	s22 =	sshrl.u32 s11, $0x2;
	s8 =	sadd.s32 s8, s7;
	s14 =	ssub.s32 s10, s21  }
0xd: {  	s18 =	sadd.s32 s22, s2;
	s3 =	sadd.s32 s3, s23;
	s21 =	simm.s32 $0x28  }
0xe: {  	s22 =	simm.s32 $0x200;
	s23 =	simm.s32 $0x100;
	s8 =	sshrl.u32 s8, $0x3  }
0xf: {  	s25 =	sshrl.u32 s9, $0x3;
	s26 =	sadd.s32 $0x26E8, s9;
	s15 =	sadd.s32 $0x28, s3  }
0x10: {  	s14 =	smax.u32 s14, $0x1;
	s18 =	sshrl.u32 s18, $0x3;
	s0 =	sadd.s32 s8, s0  }
0x11: {  	s8 =	sor.u32 $0x1C03, s24;
	s30 =	sadd.s32 s5, s25;
	s12 =	sshrl.u32 s26, $0x3  }
0x12: {  	s10 =	sadd.s32 s6, s25;
	s31 =	sshrl.u32 s15, $0x3;
	s15 =	sadd.s32 $0x50, s3  }
0x13: {  	s24 =	simm.s32 $0x180;
	s25 =	simm.s32 $0x1600;
	s26 =	simm.s32 $0x1  }
0x14: {  	[dreg:$0x5] =	wrdreg s30;
	s11 =	sadd.s32 s5, s12;
	s12 =	sadd.s32 s6, s12  }
0x15: {  	s13 =	sadd.s32 $0xB8600, s0;
	s16 =	sadd.s32 s31, s6;
	s17 =	sadd.s32 s31, s5  }
.LBB2_1:
0x16: {  	s0 =	rddreg [dreg:$0x4]  }
0x17: {  	[spmem:s18], [sflag:s8] =	dma.local [hbm:s0], $0x2780  }
0x18: {  	_ =	swait.ge [sflag:s19], $0x2780  }
0x19: {  	[sflag:s19] =	ssyncset.done $0x0  }
0x1a: {  	[sflag:s19] =	ssyncadd.s32 $0xFFFFD880  }
0x1b: {  	[bflag:$0x0] =	sbarrier.arrive $0xFFFF  }
0x1c: {  	s9 =	rddreg [dreg:$0x5]  }
0x1d: {  	[tilespmem:s4], [sflag:$0x3] =	stream.linear.gather [hbm4b:s9+s4], $0x28, $0x38;
	[tilespmem:$0x16600] =	vst v63  }
0x1e: {  	_ =	swait.ge [sflag:s19], $0x28  }
0x1f: {  	[sflag:s19] =	ssyncset.done $0x0  }
0x20: {  	[sflag:s19] =	ssyncadd.s32 $0xFFFFFFD8  }
0x21: {  	[tilespmem:s20], [sflag:$0x3] =	stream.linear.gather [hbm4b:s10+s4], $0x28, $0x38;
	[tilespmem:$0x16600] =	vst v63  }
0x22: {  	_ =	swait.ge [sflag:s19], $0x28  }
0x23: {  	[sflag:s19] =	ssyncset.done $0x0  }
0x24: {  	[sflag:s19] =	ssyncadd.s32 $0xFFFFFFD8  }
0x25: {  	[tilespmem:s22], [sflag:$0x1] =	stream.indirect.gather [hbm4b:s1+s21], $0x80, s4, s21, $0xb8;
	[tilespmem:$0x16600] =	vst v63  }
0x26: {  	s3 =	sadd.s32 $0x0, s17  }
0x27: {  	[tilespmem:s23], [sflag:$0x3] =	stream.linear.gather [hbm4b:s3+s4], $0x28, $0x38;
	[tilespmem:$0x16600] =	vst v63  }
0x28: {  	_ =	swait.ge [sflag:s19], $0x28  }
0x29: {  	[sflag:s19] =	ssyncset.done $0x0  }
0x2a: {  	s7 =	sadd.s32 $0x0, s16;
	[sflag:s19] =	ssyncadd.s32 $0xFFFFFFD8  }
0x2b: {  	[tilespmem:s24], [sflag:$0x3] =	stream.linear.gather [hbm4b:s7+s4], $0x28, $0x38;
	[tilespmem:$0x16600] =	vst v63  }
0x2c: {  	_ =	swait.ge [sflag:s19], $0x28  }
0x2d: {  	[sflag:s19] =	ssyncset.done $0x0  }
0x2e: {  	[sflag:s19] =	ssyncadd.s32 $0xFFFFFFD8  }
0x2f: {  	[tilespmem:s25], [sflag:$0x2] =	stream.indirect.gather [hbm4b:s1+s21], $0x80, s23, s21, $0xb8;
	[tilespmem:$0x16600] =	vst v63  }
0x30: {  	_ =	swait.ge [sflag:s26], $0x1400  }
0x31: {  	[sflag:s26] =	ssyncset.done $0x0  }
0x32: {  	[sflag:s26] =	ssyncadd.s32 $0xFFFFEC00  }
0x33: {  	[spmem:s2] =	stream.indirect.scatter.add.f32 [tilespmem:s22], [sflag:$0x3], $0x80, s20, s21, $0xb8;
	[tilespmem:$0x16600] =	vst v63  }
0x34: {  	_ =	swait.ge [sflag:s19], $0x1400  }
0x35: {  	s9 =	sshrl.u32 s15, $0x3;
	[sflag:s19] =	ssyncset.done $0x0  }
0x36: {  	s3 =	sadd.s32 s5, s9;
	[sflag:s19] =	ssyncadd.s32 $0xFFFFEC00  }
0x37: {  	[tilespmem:s4], [sflag:$0x3] =	stream.linear.gather [hbm4b:s3+s4], $0x28, $0x38;
	[tilespmem:$0x16600] =	vst v63  }
0x38: {  	_ =	swait.ge [sflag:s19], $0x28  }
0x39: {  	[sflag:s19] =	ssyncset.done $0x0  }
0x3a: {  	s0 =	sadd.s32 s6, s9;
	[sflag:s19] =	ssyncadd.s32 $0xFFFFFFD8  }
0x3b: {  	[tilespmem:s20], [sflag:$0x3] =	stream.linear.gather [hbm4b:s0+s4], $0x28, $0x38;
	[tilespmem:$0x16600] =	vst v63  }
0x3c: {  	_ =	swait.ge [sflag:s19], $0x28  }
0x3d: {  	[sflag:s19] =	ssyncset.done $0x0  }
0x3e: {  	[sflag:s19] =	ssyncadd.s32 $0xFFFFFFD8  }
0x3f: {  	[tilespmem:s22], [sflag:$0x1] =	stream.indirect.gather [hbm4b:s1+s21], $0x80, s4, s21, $0xb8;
	[tilespmem:$0x16600] =	vst v63  }
0x40: {  	_ =	swait.ge [sflag:s28], $0x1400  }
0x41: {  	[sflag:s28] =	ssyncset.done $0x0  }
0x42: {  	[sflag:s28] =	ssyncadd.s32 $0xFFFFEC00  }
0x43: {  	[spmem:s2] =	stream.indirect.scatter.add.f32 [tilespmem:s25], [sflag:$0x3], $0x80, s24, s21, $0xb8;
	[tilespmem:$0x16600] =	vst v63  }
0x44: {  	s31 =	simm.s32 $0xA;
	_ =	swait.ge [sflag:s19], $0x1400  }
0x45: {  	s30 =	sadd.s32 $0x50, s15;
	s0 =	simm.s32 $0x14;
	[sflag:s19] =	ssyncset.done $0x0  }
.LBB2_2:
0x46: {  	s7 =	sadd.s32 s31, s17  }
0x47: {  	[sflag:s19] =	ssyncadd.s32 $0xFFFFEC00;
	s9 =	smov.u32 s0;
	s3 =	sadd.s32 $0xA, s0  }
0x48: {  	[tilespmem:s23], [sflag:$0x3] =	stream.linear.gather [hbm4b:s7+s4], $0x28, $0x38;
	[tilespmem:$0x16600] =	vst v63  }
0x49: {  	p0 =	sne.s32 s0, $0x4CE;
	_ =	swait.ge [sflag:s19], $0x28  }
0x4a: {  	[sflag:s19] =	ssyncset.done $0x0  }
0x4b: {  	s0 =	sadd.s32 s31, s16;
	s31 =	smov.u32 s9;
	[sflag:s19] =	ssyncadd.s32 $0xFFFFFFD8  }
0x4c: {  	[tilespmem:s24], [sflag:$0x3] =	stream.linear.gather [hbm4b:s0+s4], $0x28, $0x38;
	[tilespmem:$0x16600] =	vst v63  }
0x4d: {  	_ =	swait.ge [sflag:s19], $0x28  }
0x4e: {  	[sflag:s19] =	ssyncset.done $0x0  }
0x4f: {  	[sflag:s19] =	ssyncadd.s32 $0xFFFFFFD8  }
0x50: {  	[tilespmem:s25], [sflag:$0x2] =	stream.indirect.gather [hbm4b:s1+s21], $0x80, s23, s21, $0xb8;
	[tilespmem:$0x16600] =	vst v63  }
0x51: {  	_ =	swait.ge [sflag:s26], $0x1400  }
0x52: {  	[sflag:s26] =	ssyncset.done $0x0  }
0x53: {  	[sflag:s26] =	ssyncadd.s32 $0xFFFFEC00  }
0x54: {  	[spmem:s2] =	stream.indirect.scatter.add.f32 [tilespmem:s22], [sflag:$0x3], $0x80, s20, s21, $0xb8;
	[tilespmem:$0x16600] =	vst v63  }
0x55: {  	_ =	swait.ge [sflag:s19], $0x1400  }
0x56: {  	s0 =	sshrl.u32 s30, $0x3;
	[sflag:s19] =	ssyncset.done $0x0  }
0x57: {  	s7 =	sadd.s32 s5, s0;
	[sflag:s19] =	ssyncadd.s32 $0xFFFFEC00  }
0x58: {  	[tilespmem:s4], [sflag:$0x3] =	stream.linear.gather [hbm4b:s7+s4], $0x28, $0x38;
	[tilespmem:$0x16600] =	vst v63  }
0x59: {  	_ =	swait.ge [sflag:s19], $0x28  }
0x5a: {  	[sflag:s19] =	ssyncset.done $0x0  }
0x5b: {  	s0 =	sadd.s32 s6, s0;
	[sflag:s19] =	ssyncadd.s32 $0xFFFFFFD8  }
0x5c: {  	[tilespmem:s20], [sflag:$0x3] =	stream.linear.gather [hbm4b:s0+s4], $0x28, $0x38;
	[tilespmem:$0x16600] =	vst v63  }
0x5d: {  	_ =	swait.ge [sflag:s19], $0x28  }
0x5e: {  	[sflag:s19] =	ssyncset.done $0x0  }
0x5f: {  	[sflag:s19] =	ssyncadd.s32 $0xFFFFFFD8  }
0x60: {  	[tilespmem:s22], [sflag:$0x1] =	stream.indirect.gather [hbm4b:s1+s21], $0x80, s4, s21, $0xb8;
	[tilespmem:$0x16600] =	vst v63  }
0x61: {  	_ =	swait.ge [sflag:s28], $0x1400  }
.Ltmp0:
0x62: {  	[sflag:s28] =	ssyncset.done $0x0;
	(pc) =	sbr.rel @p0 .LBB2_2-.Ltmp0, $4  }
0x63: {  	[sflag:s28] =	ssyncadd.s32 $0xFFFFEC00  }
0x64: {  	[spmem:s2] =	stream.indirect.scatter.add.f32 [tilespmem:s25], [sflag:$0x3], $0x80, s24, s21, $0xb8;
	[tilespmem:$0x16600] =	vst v63  }
0x65: {  	_ =	swait.ge [sflag:s19], $0x1400  }
0x66: {  	s30 =	sadd.s32 $0x50, s30;
	s0 =	smov.u32 s3;
	[sflag:s19] =	ssyncset.done $0x0  }
0x67: {  	s0 =	sadd.s32 s31, s17;
	[sflag:s19] =	ssyncadd.s32 $0xFFFFEC00  }
0x68: {  	[tilespmem:s23], [sflag:$0x3] =	stream.linear.gather [hbm4b:s0+s4], $0x28, $0x38;
	[tilespmem:$0x16600] =	vst v63  }
0x69: {  	_ =	swait.ge [sflag:s19], $0x28  }
0x6a: {  	[sflag:s19] =	ssyncset.done $0x0  }
0x6b: {  	s9 =	sadd.s32 s31, s16;
	[sflag:s19] =	ssyncadd.s32 $0xFFFFFFD8  }
0x6c: {  	[tilespmem:s24], [sflag:$0x3] =	stream.linear.gather [hbm4b:s9+s4], $0x28, $0x38;
	[tilespmem:$0x16600] =	vst v63  }
0x6d: {  	_ =	swait.ge [sflag:s19], $0x28  }
0x6e: {  	[sflag:s19] =	ssyncset.done $0x0  }
0x6f: {  	[sflag:s19] =	ssyncadd.s32 $0xFFFFFFD8  }
0x70: {  	[tilespmem:s25], [sflag:$0x2] =	stream.indirect.gather [hbm4b:s1+s21], $0x80, s23, s21, $0xb8;
	[tilespmem:$0x16600] =	vst v63  }
0x71: {  	_ =	swait.ge [sflag:s26], $0x1400  }
0x72: {  	[sflag:s26] =	ssyncset.done $0x0  }
0x73: {  	[sflag:s26] =	ssyncadd.s32 $0xFFFFEC00  }
0x74: {  	[spmem:s2] =	stream.indirect.scatter.add.f32 [tilespmem:s22], [sflag:$0x3], $0x80, s20, s21, $0xb8;
	[tilespmem:$0x16600] =	vst v63  }
0x75: {  	_ =	swait.ge [sflag:s19], $0x1400  }
0x76: {  	s31 =	sshrl.u32 s30, $0x3;
	[sflag:s19] =	ssyncset.done $0x0  }
0x77: {  	s3 =	sadd.s32 s5, s31;
	[sflag:s19] =	ssyncadd.s32 $0xFFFFEC00  }
0x78: {  	[tilespmem:s4], [sflag:$0x3] =	stream.linear.gather [hbm4b:s3+s4], $0x28, $0x38;
	[tilespmem:$0x16600] =	vst v63  }
0x79: {  	_ =	swait.ge [sflag:s19], $0x28  }
0x7a: {  	[sflag:s19] =	ssyncset.done $0x0  }
0x7b: {  	s0 =	sadd.s32 s6, s31;
	[sflag:s19] =	ssyncadd.s32 $0xFFFFFFD8  }
0x7c: {  	[tilespmem:s20], [sflag:$0x3] =	stream.linear.gather [hbm4b:s0+s4], $0x28, $0x38;
	[tilespmem:$0x16600] =	vst v63  }
0x7d: {  	_ =	swait.ge [sflag:s19], $0x28  }
0x7e: {  	[sflag:s19] =	ssyncset.done $0x0  }
0x7f: {  	[sflag:s19] =	ssyncadd.s32 $0xFFFFFFD8  }
0x80: {  	[tilespmem:s22], [sflag:$0x1] =	stream.indirect.gather [hbm4b:s1+s21], $0x80, s4, s21, $0xb8;
	[tilespmem:$0x16600] =	vst v63  }
0x81: {  	_ =	swait.ge [sflag:s28], $0x1400  }
0x82: {  	[sflag:s28] =	ssyncset.done $0x0  }
0x83: {  	[sflag:s28] =	ssyncadd.s32 $0xFFFFEC00  }
0x84: {  	[spmem:s2] =	stream.indirect.scatter.add.f32 [tilespmem:s25], [sflag:$0x3], $0x80, s24, s21, $0xb8;
	[tilespmem:$0x16600] =	vst v63  }
0x85: {  	_ =	swait.ge [sflag:s19], $0x1400  }
0x86: {  	[sflag:s19] =	ssyncset.done $0x0  }
0x87: {  	[sflag:s19] =	ssyncadd.s32 $0xFFFFEC00  }
0x88: {  	[tilespmem:s23], [sflag:$0x3] =	stream.linear.gather [hbm4b:s11+s4], $0x28, $0x38;
	[tilespmem:$0x16600] =	vst v63  }
0x89: {  	_ =	swait.ge [sflag:s19], $0x28  }
0x8a: {  	[sflag:s19] =	ssyncset.done $0x0  }
0x8b: {  	[sflag:s19] =	ssyncadd.s32 $0xFFFFFFD8  }
0x8c: {  	[tilespmem:s24], [sflag:$0x3] =	stream.linear.gather [hbm4b:s12+s4], $0x28, $0x38;
	[tilespmem:$0x16600] =	vst v63  }
0x8d: {  	_ =	swait.ge [sflag:s19], $0x28  }
0x8e: {  	[sflag:s19] =	ssyncset.done $0x0  }
0x8f: {  	[sflag:s19] =	ssyncadd.s32 $0xFFFFFFD8  }
0x90: {  	[tilespmem:s25], [sflag:$0x2] =	stream.indirect.gather [hbm4b:s1+s21], $0x80, s23, s21, $0xb8;
	[tilespmem:$0x16600] =	vst v63  }
0x91: {  	_ =	swait.ge [sflag:s26], $0x1400  }
0x92: {  	[sflag:s26] =	ssyncset.done $0x0  }
0x93: {  	[sflag:s26] =	ssyncadd.s32 $0xFFFFEC00  }
0x94: {  	[spmem:s2] =	stream.indirect.scatter.add.f32 [tilespmem:s22], [sflag:$0x3], $0x80, s20, s21, $0xb8;
	[tilespmem:$0x16600] =	vst v63  }
0x95: {  	_ =	swait.ge [sflag:s19], $0x1400  }
0x96: {  	[sflag:s19] =	ssyncset.done $0x0  }
0x97: {  	[sflag:s19] =	ssyncadd.s32 $0xFFFFEC00  }
0x98: {  	_ =	swait.ge [sflag:s28], $0x1400  }
0x99: {  	[sflag:s28] =	ssyncset.done $0x0  }
0x9a: {  	[sflag:s28] =	ssyncadd.s32 $0xFFFFEC00  }
0x9b: {  	[spmem:s2] =	stream.indirect.scatter.add.f32 [tilespmem:s25], [sflag:$0x3], $0x80, s24, s21, $0xb8;
	[tilespmem:$0x16600] =	vst v63  }
0x9c: {  	_ =	swait.ge [sflag:s19], $0x1400  }
0x9d: {  	s29 =	sadd.s32 $0x1, s29;
	[sflag:s19] =	ssyncset.done $0x0  }
0x9e: {  	p0 =	sne.s32 s29, s14;
	[sflag:s19] =	ssyncadd.s32 $0xFFFFEC00  }
.Ltmp1:
0x9f: {  	[bflag:$0x0] =	sbarrier.arrive $0xFFFF;
	(pc) =	sbr.rel @p0 .LBB2_1-.Ltmp1, $4  }
0xa0: {  	[hbm:s13], [sflag:s8] =	dma.local [spmem:s18], $0x2780  }
0xa1: {  	_ =	swait.ge [sflag:s19], $0x2780  }
0xa2: {  	[sflag:s19] =	ssyncset.done $0x0  }
0xa3: {  	[sflag:s19] =	ssyncadd.s32 $0xFFFFD880  }
0xa4: {  	_ =	sfence.sel $0x180000  }
0xa5: {  	[bflag:$0x0] =	sbarrier.arrive $0xFFFF  }
0xa6: {  	_ =	strace $0x9000004A  }
0xa7: {  	s0 =	stileid.u32;
	[bflag:$0x2] =	sbarrier.arrive $0xFFFF  }
0xa8: {  	p0 =	sne.s32 s0, $0x0;
	s0 =	rddreg [dreg:$0x3]  }
0xa9: {  	s0 =	sadd.s32 @!p0 $0x100000, s0  }
0xaa: {  	[sflag:s0] =	ssyncadd.tile.s32 @!p0 $0x1;
	_ =	shalt  }
.Lfunc_end2:
_tile_overlayer_lowered:
.L_overlay_start_2:
0xab: {  	(tag) =	ssettag $0x2  }
0xac: {  	s0 =	rddreg [dreg:$0x0];
	s2 =	stileid.u32  }
0xad: {  	s1 =	rddreg [dreg:$0x1];
	p0 =	sne.s32 s2, $0x0  }
0xae: {  	s3 =	rddreg [dreg:$0x2];
	[bflag:$0x3] =	sbarrier.arrive $0xFFFF;
	s2 =	simm.s32 @!p0 $0x1C03  }
0xaf: {  	[timem:s3], [sflag:s2] =	dma.local @!p0 [hbm:s0], s1  }
0xb0: {  	s0 =	simm.s32 @!p0 $0x3  }
0xb1: {  	_ =	swait.ge @!p0 [sflag:s0], s1  }
0xb2: {  	s1 =	ssub.s32 @!p0 $0x0, s1;
	[sflag:s0] =	ssyncset.done @!p0 $0x0  }
0xb3: {  	[sflag:s0] =	ssyncadd.s32 @!p0 s1  }
0xb4: {  	[bflag:$0x3] =	sbarrier.arrive $0xFFFF  }
0xb5: {  	_ =	shalt  }

// kernel: kernel.20.cloned.1.call-start
scs
__scs_entry_jumppad:
0x0: {  	(pc) =	sbr.rel $0x88, $3  }
0x1: {  	(tag) =	ssettag $0x0;
	lr =	simm.s32 $0x1  }
0x2: {  	[smem:$0x3F9C] =	sst lr;
	_ =	strace $0xD0000000  }
0x3: {  	_ = 	snop  }
0x4: {  	_ = 	snop  }
0x5: {  	_ = 	snop  }
0x6: {  	_ = 	snop  }
0x7: {  	_ = 	snop  }
__scs_overlays_trampoline_lowered:
0x8: {  	[smem:$0x3FAB] =	sst s0  }
0x9: {  	[smem:$0x3FAC] =	sst s1  }
0xa: {  	[smem:$0x3FAD] =	sst s2  }
0xb: {  	[smem:$0x3FAE] =	sst s3  }
0xc: {  	[smem:$0x3FAF] =	sst s4  }
0xd: {  	[smem:$0x3FB0] =	sst s5  }
0xe: {  	[smem:$0x3FB1] =	sst s6  }
0xf: {  	[smem:$0x3FB2] =	sst s7  }
0x10: {  	[smem:$0x3FB3] =	sst s8  }
0x11: {  	[smem:$0x3FB4] =	sst s9;
	s0 =	simm.s32 @!p0 $0x0  }
0x12: {  	s1 =	sld [smem:$0x3F9A];
	s0 =	simm.s32 @p0 $0x1  }
0x13: {  	[smem:$0x3FB5] =	sst s0;
	s0 =	simm.s32 @!p1 $0x0  }
0x14: {  	s2 =	sld [smem:$0x3F99];
	s0 =	simm.s32 @p1 $0x1  }
0x15: {  	[smem:$0x3FB6] =	sst s0;
	s0 =	simm.s32 @!p2 $0x0  }
0x16: {  	s3 =	sld [smem:$0x3FDB];
	s0 =	simm.s32 @p2 $0x1  }
0x17: {  	s4 =	simm.s32 $0x1BF5;
	[smem:$0x3FB8] =	sst s0  }
0x18: {  	s0 =	sld [smem:$0x3F9B];
	_ =	swait.ge [sflag:s4], $0x0  }
0x19: {  	s7 =	sld [smem:$0x3F9C]  }
0x1a: {  	s8 =	sadd.s32 $0xFFFFE003, lr  }
0x1b: {  	s9 =	sadd.s32 $0xFFFFFEF7, lr;
	s5 =	simm.s32 $0xFFFFFFFF;
	p2 =	slt.u32 s8, $0xFFFFF086  }
0x1c: {  	p1 =	slt.u32 s9, $0xF7A;
	s5 =	simm.s32 @!p2 $0x0  }
0x1d: {  	s5 =	simm.s32 @p1 $0x1;
	p0 =	seq.s32 s7, s2  }
0x1e: {  	s7 =	smul.u32 @!p0 $0xF7A, s2;
	p2 =	seq.s32 @!p0 s5, $0x0  }
0x1f: {  	s9 =	smul.u32 $0xF7A, s1;
	s8 =	simm.s32 @!p0 $0x1BF5;
	p2 =	por !p2, p0  }
0x20: {  	[sflag:s8] =	ssyncset.s32 @!p0 $0xFFFFF086;
	s6 =	sadd.s32 @!p0 s3, s7;
	s7 =	simm.s32 @!p0 $0x108  }
0x21: {  	s3 =	sadd.s32 s3, s9;
	s6 =	sadd.s32 @!p0 $0x88, s6;
	s7 =	simm.s32 @p2 $0x1082  }
0x22: {  	[simem:s7], [sflag:s8] =	dma.local @!p0 [hbm:s6], $0xF7A  }
0x23: {  	s9 =	sor.u32 $0xD0000000, s2;
	s6 =	simm.s32 $0x108;
	_ =	swait.ge @!p0 [sflag:s8], $0x0  }
0x24: {  	s3 =	sadd.s32 $0x88, s3;
	s6 =	simm.s32 @!p1 $0x1082;
	[sflag:s4] =	ssyncset.s32 $0xFFFFF086  }
0x25: {  	[simem:s6], [sflag:s4] =	dma.local [hbm:s3], $0xF7A  }
0x26: {  	[smem:$0x3F9C] =	sst s1;
	(tag) =	ssettag s2;
	_ =	strace s9  }
0x27: {  	s1 =	sld [smem:$0x3FAC]  }
0x28: {  	s2 =	sld [smem:$0x3FAD]  }
0x29: {  	s4 =	sld [smem:$0x3FAF]  }
0x2a: {  	p0 =	seq.s32 s5, $0x0;
	s5 =	sld [smem:$0x3FB0]  }
0x2b: {  	s6 =	sld [smem:$0x3FB1]  }
0x2c: {  	s7 =	sld [smem:$0x3FB2]  }
0x2d: {  	s3 =	simm.s32 $0x108;
	s8 =	sld [smem:$0x3FB3]  }
0x2e: {  	s3 =	simm.s32 @!p0 $0x1082;
	s9 =	sld [smem:$0x3FB4]  }
0x2f: {  	lr =	sadd.s32 s0, s3;
	s0 =	sld [smem:$0x3FAB]  }
0x30: {  	s3 =	sld [smem:$0x3FAE]  }
0x31: {  	[smem:$0x3FB7] =	sst s10  }
0x32: {  	s10 =	sld [smem:$0x3FB5];
	_ =	sdelay $0x3  }
0x33: {  	p0 =	seq.s32 s10, $0x1;
	s10 =	sld [smem:$0x3FB7];
	_ =	sdelay $0x3  }
0x34: {  	[smem:$0x3FB7] =	sst s10  }
0x35: {  	s10 =	sld [smem:$0x3FB6];
	_ =	sdelay $0x3  }
0x36: {  	p1 =	seq.s32 s10, $0x1;
	s10 =	sld [smem:$0x3FB7];
	_ =	sdelay $0x3  }
0x37: {  	[smem:$0x3FB7] =	sst s10  }
0x38: {  	s10 =	sld [smem:$0x3FB8]  }
0x39: {  	_ = 	snop;
	(pc) =	sbr.ind lr, $3  }
0x3a: {  	_ = 	snop  }
0x3b: {  	_ = 	snop  }
0x3c: {  	p2 =	seq.s32 s10, $0x1;
	s10 =	sld [smem:$0x3FB7]  }
0x3d: {  	_ =	shalt  }
0x3e: {  	_ =	shalt  }
0x3f: {  	_ =	shalt  }
0x40: {  	_ =	shalt  }
0x41: {  	_ =	shalt  }
0x42: {  	_ =	shalt  }
0x43: {  	_ =	shalt  }
0x44: {  	_ =	shalt  }
0x45: {  	_ =	shalt  }
0x46: {  	_ =	shalt  }
0x47: {  	_ =	shalt  }
0x48: {  	_ =	shalt  }
0x49: {  	_ =	shalt  }
0x4a: {  	_ =	shalt  }
0x4b: {  	_ =	shalt  }
0x4c: {  	_ =	shalt  }
0x4d: {  	_ =	shalt  }
0x4e: {  	_ =	shalt  }
0x4f: {  	_ =	shalt  }
0x50: {  	_ =	shalt  }
0x51: {  	_ =	shalt  }
0x52: {  	_ =	shalt  }
0x53: {  	_ =	shalt  }
0x54: {  	_ =	shalt  }
0x55: {  	_ =	shalt  }
0x56: {  	_ =	shalt  }
0x57: {  	_ =	shalt  }
0x58: {  	_ =	shalt  }
0x59: {  	_ =	shalt  }
0x5a: {  	_ =	shalt  }
0x5b: {  	_ =	shalt  }
0x5c: {  	_ =	shalt  }
0x5d: {  	_ =	shalt  }
0x5e: {  	_ =	shalt  }
0x5f: {  	_ =	shalt  }
0x60: {  	_ =	shalt  }
0x61: {  	_ =	shalt  }
0x62: {  	_ =	shalt  }
0x63: {  	_ =	shalt  }
0x64: {  	_ =	shalt  }
0x65: {  	_ =	shalt  }
0x66: {  	_ =	shalt  }
0x67: {  	_ =	shalt  }
0x68: {  	_ =	shalt  }
0x69: {  	_ =	shalt  }
0x6a: {  	_ =	shalt  }
0x6b: {  	_ =	shalt  }
0x6c: {  	_ =	shalt  }
0x6d: {  	_ =	shalt  }
0x6e: {  	_ =	shalt  }
0x6f: {  	_ =	shalt  }
0x70: {  	_ =	shalt  }
0x71: {  	_ =	shalt  }
0x72: {  	_ =	shalt  }
0x73: {  	_ =	shalt  }
0x74: {  	_ =	shalt  }
0x75: {  	_ =	shalt  }
0x76: {  	_ =	shalt  }
0x77: {  	_ =	shalt  }
0x78: {  	_ =	shalt  }
0x79: {  	_ =	shalt  }
0x7a: {  	_ =	shalt  }
0x7b: {  	_ =	shalt  }
0x7c: {  	_ =	shalt  }
0x7d: {  	_ =	shalt  }
0x7e: {  	_ =	shalt  }
0x7f: {  	_ =	shalt  }
0x80: {  	_ =	shalt  }
0x81: {  	_ =	shalt  }
0x82: {  	_ =	shalt  }
0x83: {  	_ =	shalt  }
0x84: {  	_ =	shalt  }
0x85: {  	_ =	shalt  }
0x86: {  	_ =	shalt  }
0x87: {  	_ =	shalt  }
.Lfunc_end0:
.L_simem_size_0:
called_computation.2_lowered:
.L_overlay_start_0:
0x88: {  	s2 =	sld [smem:$0x3FD9]  }
0x89: {  	s3 =	sld [smem:$0x3FFE];
	_ =	sdelay $0x1  }
0x8a: {  	s1 =	srdreg.scid  }
0x8b: {  	s0 =	sand.u32 $0x1, s1  }
0x8c: {  	s14 =	sshll.u32 s0, $0xA;
	s2 =	sadd.s32 s3, s2  }
0x8d: {  	s2 =	sadd.s32 s2, s14  }
0x8e: {  	[smem:$0x3FC3] =	sst s2  }
0x8f: {  	_ = 	snop  }
0x90: {  	s2 =	sld [smem:$0x3FD0];
	_ =	sdelay $0x2  }
0x91: {  	s15 =	simm.s32 $0xC;
	s4 =	simm.s32 $0x10  }
0x92: {  	[smem:s4], [sflag:s15] =	dma.local [hbm:s2], $0x1  }
0x93: {  	_ =	swait.eq [sflag:s15], $0x1  }
0x94: {  	[sflag:s15] =	ssyncset.done $0x0  }
0x95: {  	[sflag:s15] =	ssyncadd.s32 $0xFFFFFFFF  }
0x96: {  	s16 =	sld [smem:$0x10];
	(tm) =	ssettm $0x1  }
0x97: {  	s17 =	sld [smem:$0x3FFB];
	_ =	sdelay $0x3  }
0x98: {  	_ =	strace s17  }
0x99: {  	s3 =	sld [smem:$0x3FFC];
	_ =	sdelay $0x3  }
0x9a: {  	_ =	strace s3  }
0x9b: {  	s3 =	sld [smem:$0x3FFD];
	_ =	sdelay $0x3  }
0x9c: {  	_ =	strace s3  }
0x9d: {  	_ =	strace $0x8FFFFFFF  }
0x9e: {  	s18 =	sld [smem:$0x3FDB];
	_ =	sdelay $0x1  }
0x9f: {  	s19 =	simm.s32 $_scs_section_size  }
0xa0: {  	s5 =	simm.s32 $_size__tile_overlayer_lowered;
	s6 =	simm.s32 $_tile_overlayer_lowered  }
0xa1: {  	s22 =	simm.s32 $0x1BFF;
	s21 =	sshll.u32 s6, $0x1;
	s3 =	sadd.s32 s19, s18  }
0xa2: {  	s7 =	simm.s32 $0x0;
	s20 =	sshll.u32 s5, $0x1;
	s5 =	sadd.s32 s21, s3  }
0xa3: {  	[timem:s7], [sflag:s22] =	dma.local [hbm:s5], s20  }
0xa4: {  	_ =	swait.ge [sflag:s22], s20  }
0xa5: {  	s4 =	ssub.s32 $0x0, s20;
	[sflag:s22] =	ssyncset.done $0x0  }
0xa6: {  	[sflag:s22] =	ssyncadd.s32 s4;
	_ =	sdelay $0x1  }
0xa7: {  	s23 =	simm.s32 $0x1B8B  }
0xa8: {  	_ =	swait.ge [sflag:s23], $0x1  }
0xa9: {  	[sflag:s23] =	ssyncset.done $0x0  }
0xaa: {  	s25 =	simm.s32 $0x1B8E;
	s24 =	sld [smem:$0x3FFE];
	[sflag:s23] =	ssyncadd.s32 $0xFFFFFFFF  }
0xab: {  	s26 =	simm.s32 $execute0_lowered;
	[smem:$0x3FD2] =	sst s25  }
0xac: {  	s5 =	sshll.u32 s26, $0x1;
	_ =	strace $0x8000004C;
	[dreg:$0x1] =	wrdreg $0xFFFFFFFF  }
0xad: {  	s28 =	simm.s32 $_size_execute0_lowered;
	s3 =	sadd.s32 s3, s5;
	[dreg:$0x0] =	wrdreg $0x0  }
0xae: {  	s5 =	sshll.u32 s28, $0x1;
	[dreg:$0x2] =	wrdreg s3  }
0xaf: {  	[dreg:$0x3] =	wrdreg s5  }
0xb0: {  	[dreg:$0x4] =	wrdreg $0xC0  }
0xb1: {  	_ =	task [dreg:s7], $0x5FFFF  }
0xb2: {  	[dreg:$0x1] =	wrdreg $0xFFFFFFFF  }
0xb3: {  	[dreg:$0x0] =	wrdreg $0x60  }
0xb4: {  	[dreg:$0x2] =	wrdreg s16  }
0xb5: {  	[dreg:$0x3] =	wrdreg s24  }
0xb6: {  	[dreg:$0x4] =	wrdreg $0x2A000  }
0xb7: {  	[dreg:$0x5] =	wrdreg $0xB  }
0xb8: {  	_ =	task.clear_ibuf [dreg:s7], $0x6FFFF;
	_ =	strace $0x9000004C  }
0xb9: {  	s29 =	simm.s32 $0xB;
	_ =	strace $0x8000004E  }
0xba: {  	_ =	swait.ge [sflag:s29], $0x1  }
0xbb: {  	[sflag:s29] =	ssyncadd.s32 $0xFFFFFFFF  }
0xbc: {  	_ =	strace $0x9000004E  }
0xbd: {  	_ =	sfence  }
0xbe: {  	s30 =	sld [smem:$0x0];
	_ =	sdelay $0x2  }
0xbf: {  	s31 =	sshll.u32 s1, $0xD;
	s1 =	sshrl.u32 s1, $0x2  }
0xc0: {  	s3 =	sand.u32 $0x4000, s31;
	s1 =	sadd.s32 s1, s30  }
0xc1: {  	s0 =	sor.u32 s3, s0;
	s1 =	sshll.u32 s1, $0x11  }
0xc2: {  	s0 =	sor.u32 s1, s0  }
0xc3: {  	s0 =	sadd.s32 $0x8F2B, s0  }
0xc4: {  	[sflag:s0] =	ssyncadd.remote.s32 $0x1  }
0xc5: {  	_ =	sfence.sel $0xFFFF  }
0xc6: {  	[dreg:$0x0] =	wrdreg $0xFFFFFFFF;
	(pc) =	sbr.abs _section_cstart, $3  }
0xc7: {  	[dreg:$0x1] =	wrdreg $0xFFFFFFFF  }
0xc8: {  	_ =	task.clear_ibuf [dreg:s7], $0x2FFFF;
	_ =	strace $0x9FFFFFFF  }
0xc9: {  	(tm) =	ssettm $0x7FFFFFFF  }
tec
execute0_lowered:
.L_overlay_start_1:
0x0: {  	(tag) =	ssettag $0x1  }
0x1: {  	s1 =	rddreg [dreg:$0x0]  }
0x2: {  	s0 =	rddreg [dreg:$0x1]  }
0x3: {  	s2 =	rddreg [dreg:$0x2];
	s3 =	srdreg.scid  }
0x4: {  	s4 =	simm.s32 $0x0;
	s12 =	stileid.u32;
	s19 =	simm.s32 $0x3  }
0x5: {  	s28 =	simm.s32 $0x2;
	s29 =	simm.s32 $0x0;
	s3 =	sand.u32 $0x1, s3  }
0x6: {  	[smem:$0x7FF] =	sst s4;
	s8 =	smul.u32 $0x13C00, s12;
	s5 =	sadd.s32 $0x4A00, s0  }
0x7: {  	s6 =	sadd.s32 $0xE800, s0;
	s20 =	sadd.s32 $0x18600, s0;
	s11 =	smul.u32 $0x4F000, s12  }
0x8: {  	s9 =	sshll.u32 s12, $0x1;
	s23 =	smul.u32 $0x4E20, s12;
	s24 =	sshll.u32 s12, $0x6  }
0x9: {  	s7 =	smul.u32 $0x13C000, s3;
	_ =	strace $0x8000004D;
	[dreg:$0x4] =	wrdreg s20  }
0xa: {  	s10 =	ssub.s32 $0x2, s3;
	s9 =	sor.u32 s3, s9;
	s3 =	smul.u32 $0x2710, s3  }
0xb: {  	s20 =	simm.s32 $0x80;
	s21 =	sshrl.u32 s10, $0x1;
	s9 =	smul.u32 $0x2710, s9  }
0xc: {  	s22 =	sshrl.u32 s11, $0x2;
	s8 =	sadd.s32 s8, s7;
	s14 =	ssub.s32 s10, s21  }
0xd: {  	s18 =	sadd.s32 s22, s2;
	s3 =	sadd.s32 s3, s23;
	s21 =	simm.s32 $0x28  }
0xe: {  	s22 =	simm.s32 $0x200;
	s23 =	simm.s32 $0x100;
	s8 =	sshrl.u32 s8, $0x3  }
0xf: {  	s25 =	sshrl.u32 s9, $0x3;
	s26 =	sadd.s32 $0x26E8, s9;
	s15 =	sadd.s32 $0x28, s3  }
0x10: {  	s14 =	smax.u32 s14, $0x1;
	s18 =	sshrl.u32 s18, $0x3;
	s0 =	sadd.s32 s8, s0  }
0x11: {  	s8 =	sor.u32 $0x1C03, s24;
	s30 =	sadd.s32 s5, s25;
	s12 =	sshrl.u32 s26, $0x3  }
0x12: {  	s10 =	sadd.s32 s6, s25;
	s31 =	sshrl.u32 s15, $0x3;
	s15 =	sadd.s32 $0x50, s3  }
0x13: {  	s24 =	simm.s32 $0x180;
	s25 =	simm.s32 $0x1600;
	s26 =	simm.s32 $0x1  }
0x14: {  	[dreg:$0x5] =	wrdreg s30;
	s11 =	sadd.s32 s5, s12;
	s12 =	sadd.s32 s6, s12  }
0x15: {  	s13 =	sadd.s32 $0xB8600, s0;
	s16 =	sadd.s32 s31, s6;
	s17 =	sadd.s32 s31, s5  }
.LBB2_1:
0x16: {  	s0 =	rddreg [dreg:$0x4]  }
0x17: {  	[spmem:s18], [sflag:s8] =	dma.local [hbm:s0], $0x2780  }
0x18: {  	_ =	swait.ge [sflag:s19], $0x2780  }
0x19: {  	[sflag:s19] =	ssyncset.done $0x0  }
0x1a: {  	[sflag:s19] =	ssyncadd.s32 $0xFFFFD880  }
0x1b: {  	[bflag:$0x0] =	sbarrier.arrive $0xFFFF  }
0x1c: {  	s9 =	rddreg [dreg:$0x5]  }
0x1d: {  	[tilespmem:s4], [sflag:$0x3] =	stream.linear.gather [hbm4b:s9+s4], $0x28, $0x38;
	[tilespmem:$0x16600] =	vst v63  }
0x1e: {  	_ =	swait.ge [sflag:s19], $0x28  }
0x1f: {  	[sflag:s19] =	ssyncset.done $0x0  }
0x20: {  	[sflag:s19] =	ssyncadd.s32 $0xFFFFFFD8  }
0x21: {  	[tilespmem:s20], [sflag:$0x3] =	stream.linear.gather [hbm4b:s10+s4], $0x28, $0x38;
	[tilespmem:$0x16600] =	vst v63  }
0x22: {  	_ =	swait.ge [sflag:s19], $0x28  }
0x23: {  	[sflag:s19] =	ssyncset.done $0x0  }
0x24: {  	[sflag:s19] =	ssyncadd.s32 $0xFFFFFFD8  }
0x25: {  	[tilespmem:s22], [sflag:$0x1] =	stream.indirect.gather [hbm4b:s1+s21], $0x80, s4, s21, $0xb8;
	[tilespmem:$0x16600] =	vst v63  }
0x26: {  	s3 =	sadd.s32 $0x0, s17  }
0x27: {  	[tilespmem:s23], [sflag:$0x3] =	stream.linear.gather [hbm4b:s3+s4], $0x28, $0x38;
	[tilespmem:$0x16600] =	vst v63  }
0x28: {  	_ =	swait.ge [sflag:s19], $0x28  }
0x29: {  	[sflag:s19] =	ssyncset.done $0x0  }
0x2a: {  	s7 =	sadd.s32 $0x0, s16;
	[sflag:s19] =	ssyncadd.s32 $0xFFFFFFD8  }
0x2b: {  	[tilespmem:s24], [sflag:$0x3] =	stream.linear.gather [hbm4b:s7+s4], $0x28, $0x38;
	[tilespmem:$0x16600] =	vst v63  }
0x2c: {  	_ =	swait.ge [sflag:s19], $0x28  }
0x2d: {  	[sflag:s19] =	ssyncset.done $0x0  }
0x2e: {  	[sflag:s19] =	ssyncadd.s32 $0xFFFFFFD8  }
0x2f: {  	[tilespmem:s25], [sflag:$0x2] =	stream.indirect.gather [hbm4b:s1+s21], $0x80, s23, s21, $0xb8;
	[tilespmem:$0x16600] =	vst v63  }
0x30: {  	_ =	swait.ge [sflag:s26], $0x1400  }
0x31: {  	[sflag:s26] =	ssyncset.done $0x0  }
0x32: {  	[sflag:s26] =	ssyncadd.s32 $0xFFFFEC00  }
0x33: {  	[spmem:s2] =	stream.indirect.scatter.add.f32 [tilespmem:s22], [sflag:$0x3], $0x80, s20, s21, $0xb8;
	[tilespmem:$0x16600] =	vst v63  }
0x34: {  	_ =	swait.ge [sflag:s19], $0x1400  }
0x35: {  	s9 =	sshrl.u32 s15, $0x3;
	[sflag:s19] =	ssyncset.done $0x0  }
0x36: {  	s3 =	sadd.s32 s5, s9;
	[sflag:s19] =	ssyncadd.s32 $0xFFFFEC00  }
0x37: {  	[tilespmem:s4], [sflag:$0x3] =	stream.linear.gather [hbm4b:s3+s4], $0x28, $0x38;
	[tilespmem:$0x16600] =	vst v63  }
0x38: {  	_ =	swait.ge [sflag:s19], $0x28  }
0x39: {  	[sflag:s19] =	ssyncset.done $0x0  }
0x3a: {  	s0 =	sadd.s32 s6, s9;
	[sflag:s19] =	ssyncadd.s32 $0xFFFFFFD8  }
0x3b: {  	[tilespmem:s20], [sflag:$0x3] =	stream.linear.gather [hbm4b:s0+s4], $0x28, $0x38;
	[tilespmem:$0x16600] =	vst v63  }
0x3c: {  	_ =	swait.ge [sflag:s19], $0x28  }
0x3d: {  	[sflag:s19] =	ssyncset.done $0x0  }
0x3e: {  	[sflag:s19] =	ssyncadd.s32 $0xFFFFFFD8  }
0x3f: {  	[tilespmem:s22], [sflag:$0x1] =	stream.indirect.gather [hbm4b:s1+s21], $0x80, s4, s21, $0xb8;
	[tilespmem:$0x16600] =	vst v63  }
0x40: {  	_ =	swait.ge [sflag:s28], $0x1400  }
0x41: {  	[sflag:s28] =	ssyncset.done $0x0  }
0x42: {  	[sflag:s28] =	ssyncadd.s32 $0xFFFFEC00  }
0x43: {  	[spmem:s2] =	stream.indirect.scatter.add.f32 [tilespmem:s25], [sflag:$0x3], $0x80, s24, s21, $0xb8;
	[tilespmem:$0x16600] =	vst v63  }
0x44: {  	s31 =	simm.s32 $0xA;
	_ =	swait.ge [sflag:s19], $0x1400  }
0x45: {  	s30 =	sadd.s32 $0x50, s15;
	s0 =	simm.s32 $0x14;
	[sflag:s19] =	ssyncset.done $0x0  }
.LBB2_2:
0x46: {  	s7 =	sadd.s32 s31, s17  }
0x47: {  	[sflag:s19] =	ssyncadd.s32 $0xFFFFEC00;
	s9 =	smov.u32 s0;
	s3 =	sadd.s32 $0xA, s0  }
0x48: {  	[tilespmem:s23], [sflag:$0x3] =	stream.linear.gather [hbm4b:s7+s4], $0x28, $0x38;
	[tilespmem:$0x16600] =	vst v63  }
0x49: {  	p0 =	sne.s32 s0, $0x4CE;
	_ =	swait.ge [sflag:s19], $0x28  }
0x4a: {  	[sflag:s19] =	ssyncset.done $0x0  }
0x4b: {  	s0 =	sadd.s32 s31, s16;
	s31 =	smov.u32 s9;
	[sflag:s19] =	ssyncadd.s32 $0xFFFFFFD8  }
0x4c: {  	[tilespmem:s24], [sflag:$0x3] =	stream.linear.gather [hbm4b:s0+s4], $0x28, $0x38;
	[tilespmem:$0x16600] =	vst v63  }
0x4d: {  	_ =	swait.ge [sflag:s19], $0x28  }
0x4e: {  	[sflag:s19] =	ssyncset.done $0x0  }
0x4f: {  	[sflag:s19] =	ssyncadd.s32 $0xFFFFFFD8  }
0x50: {  	[tilespmem:s25], [sflag:$0x2] =	stream.indirect.gather [hbm4b:s1+s21], $0x80, s23, s21, $0xb8;
	[tilespmem:$0x16600] =	vst v63  }
0x51: {  	_ =	swait.ge [sflag:s26], $0x1400  }
0x52: {  	[sflag:s26] =	ssyncset.done $0x0  }
0x53: {  	[sflag:s26] =	ssyncadd.s32 $0xFFFFEC00  }
0x54: {  	[spmem:s2] =	stream.indirect.scatter.add.f32 [tilespmem:s22], [sflag:$0x3], $0x80, s20, s21, $0xb8;
	[tilespmem:$0x16600] =	vst v63  }
0x55: {  	_ =	swait.ge [sflag:s19], $0x1400  }
0x56: {  	s0 =	sshrl.u32 s30, $0x3;
	[sflag:s19] =	ssyncset.done $0x0  }
0x57: {  	s7 =	sadd.s32 s5, s0;
	[sflag:s19] =	ssyncadd.s32 $0xFFFFEC00  }
0x58: {  	[tilespmem:s4], [sflag:$0x3] =	stream.linear.gather [hbm4b:s7+s4], $0x28, $0x38;
	[tilespmem:$0x16600] =	vst v63  }
0x59: {  	_ =	swait.ge [sflag:s19], $0x28  }
0x5a: {  	[sflag:s19] =	ssyncset.done $0x0  }
0x5b: {  	s0 =	sadd.s32 s6, s0;
	[sflag:s19] =	ssyncadd.s32 $0xFFFFFFD8  }
0x5c: {  	[tilespmem:s20], [sflag:$0x3] =	stream.linear.gather [hbm4b:s0+s4], $0x28, $0x38;
	[tilespmem:$0x16600] =	vst v63  }
0x5d: {  	_ =	swait.ge [sflag:s19], $0x28  }
0x5e: {  	[sflag:s19] =	ssyncset.done $0x0  }
0x5f: {  	[sflag:s19] =	ssyncadd.s32 $0xFFFFFFD8  }
0x60: {  	[tilespmem:s22], [sflag:$0x1] =	stream.indirect.gather [hbm4b:s1+s21], $0x80, s4, s21, $0xb8;
	[tilespmem:$0x16600] =	vst v63  }
0x61: {  	_ =	swait.ge [sflag:s28], $0x1400  }
.Ltmp0:
0x62: {  	[sflag:s28] =	ssyncset.done $0x0;
	(pc) =	sbr.rel @p0 .LBB2_2-.Ltmp0, $4  }
0x63: {  	[sflag:s28] =	ssyncadd.s32 $0xFFFFEC00  }
0x64: {  	[spmem:s2] =	stream.indirect.scatter.add.f32 [tilespmem:s25], [sflag:$0x3], $0x80, s24, s21, $0xb8;
	[tilespmem:$0x16600] =	vst v63  }
0x65: {  	_ =	swait.ge [sflag:s19], $0x1400  }
0x66: {  	s30 =	sadd.s32 $0x50, s30;
	s0 =	smov.u32 s3;
	[sflag:s19] =	ssyncset.done $0x0  }
0x67: {  	s0 =	sadd.s32 s31, s17;
	[sflag:s19] =	ssyncadd.s32 $0xFFFFEC00  }
0x68: {  	[tilespmem:s23], [sflag:$0x3] =	stream.linear.gather [hbm4b:s0+s4], $0x28, $0x38;
	[tilespmem:$0x16600] =	vst v63  }
0x69: {  	_ =	swait.ge [sflag:s19], $0x28  }
0x6a: {  	[sflag:s19] =	ssyncset.done $0x0  }
0x6b: {  	s9 =	sadd.s32 s31, s16;
	[sflag:s19] =	ssyncadd.s32 $0xFFFFFFD8  }
0x6c: {  	[tilespmem:s24], [sflag:$0x3] =	stream.linear.gather [hbm4b:s9+s4], $0x28, $0x38;
	[tilespmem:$0x16600] =	vst v63  }
0x6d: {  	_ =	swait.ge [sflag:s19], $0x28  }
0x6e: {  	[sflag:s19] =	ssyncset.done $0x0  }
0x6f: {  	[sflag:s19] =	ssyncadd.s32 $0xFFFFFFD8  }
0x70: {  	[tilespmem:s25], [sflag:$0x2] =	stream.indirect.gather [hbm4b:s1+s21], $0x80, s23, s21, $0xb8;
	[tilespmem:$0x16600] =	vst v63  }
0x71: {  	_ =	swait.ge [sflag:s26], $0x1400  }
0x72: {  	[sflag:s26] =	ssyncset.done $0x0  }
0x73: {  	[sflag:s26] =	ssyncadd.s32 $0xFFFFEC00  }
0x74: {  	[spmem:s2] =	stream.indirect.scatter.add.f32 [tilespmem:s22], [sflag:$0x3], $0x80, s20, s21, $0xb8;
	[tilespmem:$0x16600] =	vst v63  }
0x75: {  	_ =	swait.ge [sflag:s19], $0x1400  }
0x76: {  	s31 =	sshrl.u32 s30, $0x3;
	[sflag:s19] =	ssyncset.done $0x0  }
0x77: {  	s3 =	sadd.s32 s5, s31;
	[sflag:s19] =	ssyncadd.s32 $0xFFFFEC00  }
0x78: {  	[tilespmem:s4], [sflag:$0x3] =	stream.linear.gather [hbm4b:s3+s4], $0x28, $0x38;
	[tilespmem:$0x16600] =	vst v63  }
0x79: {  	_ =	swait.ge [sflag:s19], $0x28  }
0x7a: {  	[sflag:s19] =	ssyncset.done $0x0  }
0x7b: {  	s0 =	sadd.s32 s6, s31;
	[sflag:s19] =	ssyncadd.s32 $0xFFFFFFD8  }
0x7c: {  	[tilespmem:s20], [sflag:$0x3] =	stream.linear.gather [hbm4b:s0+s4], $0x28, $0x38;
	[tilespmem:$0x16600] =	vst v63  }
0x7d: {  	_ =	swait.ge [sflag:s19], $0x28  }
0x7e: {  	[sflag:s19] =	ssyncset.done $0x0  }
0x7f: {  	[sflag:s19] =	ssyncadd.s32 $0xFFFFFFD8  }
0x80: {  	[tilespmem:s22], [sflag:$0x1] =	stream.indirect.gather [hbm4b:s1+s21], $0x80, s4, s21, $0xb8;
	[tilespmem:$0x16600] =	vst v63  }
0x81: {  	_ =	swait.ge [sflag:s28], $0x1400  }
0x82: {  	[sflag:s28] =	ssyncset.done $0x0  }
0x83: {  	[sflag:s28] =	ssyncadd.s32 $0xFFFFEC00  }
0x84: {  	[spmem:s2] =	stream.indirect.scatter.add.f32 [tilespmem:s25], [sflag:$0x3], $0x80, s24, s21, $0xb8;
	[tilespmem:$0x16600] =	vst v63  }
0x85: {  	_ =	swait.ge [sflag:s19], $0x1400  }
0x86: {  	[sflag:s19] =	ssyncset.done $0x0  }
0x87: {  	[sflag:s19] =	ssyncadd.s32 $0xFFFFEC00  }
0x88: {  	[tilespmem:s23], [sflag:$0x3] =	stream.linear.gather [hbm4b:s11+s4], $0x28, $0x38;
	[tilespmem:$0x16600] =	vst v63  }
0x89: {  	_ =	swait.ge [sflag:s19], $0x28  }
0x8a: {  	[sflag:s19] =	ssyncset.done $0x0  }
0x8b: {  	[sflag:s19] =	ssyncadd.s32 $0xFFFFFFD8  }
0x8c: {  	[tilespmem:s24], [sflag:$0x3] =	stream.linear.gather [hbm4b:s12+s4], $0x28, $0x38;
	[tilespmem:$0x16600] =	vst v63  }
0x8d: {  	_ =	swait.ge [sflag:s19], $0x28  }
0x8e: {  	[sflag:s19] =	ssyncset.done $0x0  }
0x8f: {  	[sflag:s19] =	ssyncadd.s32 $0xFFFFFFD8  }
0x90: {  	[tilespmem:s25], [sflag:$0x2] =	stream.indirect.gather [hbm4b:s1+s21], $0x80, s23, s21, $0xb8;
	[tilespmem:$0x16600] =	vst v63  }
0x91: {  	_ =	swait.ge [sflag:s26], $0x1400  }
0x92: {  	[sflag:s26] =	ssyncset.done $0x0  }
0x93: {  	[sflag:s26] =	ssyncadd.s32 $0xFFFFEC00  }
0x94: {  	[spmem:s2] =	stream.indirect.scatter.add.f32 [tilespmem:s22], [sflag:$0x3], $0x80, s20, s21, $0xb8;
	[tilespmem:$0x16600] =	vst v63  }
0x95: {  	_ =	swait.ge [sflag:s19], $0x1400  }
0x96: {  	[sflag:s19] =	ssyncset.done $0x0  }
0x97: {  	[sflag:s19] =	ssyncadd.s32 $0xFFFFEC00  }
0x98: {  	_ =	swait.ge [sflag:s28], $0x1400  }
0x99: {  	[sflag:s28] =	ssyncset.done $0x0  }
0x9a: {  	[sflag:s28] =	ssyncadd.s32 $0xFFFFEC00  }
0x9b: {  	[spmem:s2] =	stream.indirect.scatter.add.f32 [tilespmem:s25], [sflag:$0x3], $0x80, s24, s21, $0xb8;
	[tilespmem:$0x16600] =	vst v63  }
0x9c: {  	_ =	swait.ge [sflag:s19], $0x1400  }
0x9d: {  	s29 =	sadd.s32 $0x1, s29;
	[sflag:s19] =	ssyncset.done $0x0  }
0x9e: {  	p0 =	sne.s32 s29, s14;
	[sflag:s19] =	ssyncadd.s32 $0xFFFFEC00  }
.Ltmp1:
0x9f: {  	[bflag:$0x0] =	sbarrier.arrive $0xFFFF;
	(pc) =	sbr.rel @p0 .LBB2_1-.Ltmp1, $4  }
0xa0: {  	[hbm:s13], [sflag:s8] =	dma.local [spmem:s18], $0x2780  }
0xa1: {  	_ =	swait.ge [sflag:s19], $0x2780  }
0xa2: {  	[sflag:s19] =	ssyncset.done $0x0  }
0xa3: {  	[sflag:s19] =	ssyncadd.s32 $0xFFFFD880  }
0xa4: {  	_ =	sfence.sel $0x180000  }
0xa5: {  	[bflag:$0x0] =	sbarrier.arrive $0xFFFF  }
0xa6: {  	_ =	strace $0x9000004D  }
0xa7: {  	s0 =	stileid.u32;
	[bflag:$0x2] =	sbarrier.arrive $0xFFFF  }
0xa8: {  	p0 =	sne.s32 s0, $0x0;
	s0 =	rddreg [dreg:$0x3]  }
0xa9: {  	s0 =	sadd.s32 @!p0 $0x100000, s0  }
0xaa: {  	[sflag:s0] =	ssyncadd.tile.s32 @!p0 $0x1;
	_ =	shalt  }
.Lfunc_end2:
_tile_overlayer_lowered:
.L_overlay_start_2:
0xab: {  	(tag) =	ssettag $0x2  }
0xac: {  	s0 =	rddreg [dreg:$0x0];
	s2 =	stileid.u32  }
0xad: {  	s1 =	rddreg [dreg:$0x1];
	p0 =	sne.s32 s2, $0x0  }
0xae: {  	s3 =	rddreg [dreg:$0x2];
	[bflag:$0x3] =	sbarrier.arrive $0xFFFF;
	s2 =	simm.s32 @!p0 $0x1C03  }
0xaf: {  	[timem:s3], [sflag:s2] =	dma.local @!p0 [hbm:s0], s1  }
0xb0: {  	s0 =	simm.s32 @!p0 $0x3  }
0xb1: {  	_ =	swait.ge @!p0 [sflag:s0], s1  }
0xb2: {  	s1 =	ssub.s32 @!p0 $0x0, s1;
	[sflag:s0] =	ssyncset.done @!p0 $0x0  }
0xb3: {  	[sflag:s0] =	ssyncadd.s32 @!p0 s1  }
0xb4: {  	[bflag:$0x3] =	sbarrier.arrive $0xFFFF  }
0xb5: {  	_ =	shalt  }

// kernel: kernel.23.cloned.1.call-start
scs
__scs_entry_jumppad:
0x0: {  	(pc) =	sbr.rel $0x88, $3  }
0x1: {  	(tag) =	ssettag $0x0;
	lr =	simm.s32 $0x1  }
0x2: {  	[smem:$0x3F9C] =	sst lr;
	_ =	strace $0xD0000000  }
0x3: {  	_ = 	snop  }
0x4: {  	_ = 	snop  }
0x5: {  	_ = 	snop  }
0x6: {  	_ = 	snop  }
0x7: {  	_ = 	snop  }
__scs_overlays_trampoline_lowered:
0x8: {  	[smem:$0x3FAB] =	sst s0  }
0x9: {  	[smem:$0x3FAC] =	sst s1  }
0xa: {  	[smem:$0x3FAD] =	sst s2  }
0xb: {  	[smem:$0x3FAE] =	sst s3  }
0xc: {  	[smem:$0x3FAF] =	sst s4  }
0xd: {  	[smem:$0x3FB0] =	sst s5  }
0xe: {  	[smem:$0x3FB1] =	sst s6  }
0xf: {  	[smem:$0x3FB2] =	sst s7  }
0x10: {  	[smem:$0x3FB3] =	sst s8  }
0x11: {  	[smem:$0x3FB4] =	sst s9;
	s0 =	simm.s32 @!p0 $0x0  }
0x12: {  	s1 =	sld [smem:$0x3F9A];
	s0 =	simm.s32 @p0 $0x1  }
0x13: {  	[smem:$0x3FB5] =	sst s0;
	s0 =	simm.s32 @!p1 $0x0  }
0x14: {  	s2 =	sld [smem:$0x3F99];
	s0 =	simm.s32 @p1 $0x1  }
0x15: {  	[smem:$0x3FB6] =	sst s0;
	s0 =	simm.s32 @!p2 $0x0  }
0x16: {  	s3 =	sld [smem:$0x3FDB];
	s0 =	simm.s32 @p2 $0x1  }
0x17: {  	s4 =	simm.s32 $0x1BF5;
	[smem:$0x3FB8] =	sst s0  }
0x18: {  	s0 =	sld [smem:$0x3F9B];
	_ =	swait.ge [sflag:s4], $0x0  }
0x19: {  	s7 =	sld [smem:$0x3F9C]  }
0x1a: {  	s8 =	sadd.s32 $0xFFFFE003, lr  }
0x1b: {  	s9 =	sadd.s32 $0xFFFFFEF7, lr;
	s5 =	simm.s32 $0xFFFFFFFF;
	p2 =	slt.u32 s8, $0xFFFFF086  }
0x1c: {  	p1 =	slt.u32 s9, $0xF7A;
	s5 =	simm.s32 @!p2 $0x0  }
0x1d: {  	s5 =	simm.s32 @p1 $0x1;
	p0 =	seq.s32 s7, s2  }
0x1e: {  	s7 =	smul.u32 @!p0 $0xF7A, s2;
	p2 =	seq.s32 @!p0 s5, $0x0  }
0x1f: {  	s9 =	smul.u32 $0xF7A, s1;
	s8 =	simm.s32 @!p0 $0x1BF5;
	p2 =	por !p2, p0  }
0x20: {  	[sflag:s8] =	ssyncset.s32 @!p0 $0xFFFFF086;
	s6 =	sadd.s32 @!p0 s3, s7;
	s7 =	simm.s32 @!p0 $0x108  }
0x21: {  	s3 =	sadd.s32 s3, s9;
	s6 =	sadd.s32 @!p0 $0x88, s6;
	s7 =	simm.s32 @p2 $0x1082  }
0x22: {  	[simem:s7], [sflag:s8] =	dma.local @!p0 [hbm:s6], $0xF7A  }
0x23: {  	s9 =	sor.u32 $0xD0000000, s2;
	s6 =	simm.s32 $0x108;
	_ =	swait.ge @!p0 [sflag:s8], $0x0  }
0x24: {  	s3 =	sadd.s32 $0x88, s3;
	s6 =	simm.s32 @!p1 $0x1082;
	[sflag:s4] =	ssyncset.s32 $0xFFFFF086  }
0x25: {  	[simem:s6], [sflag:s4] =	dma.local [hbm:s3], $0xF7A  }
0x26: {  	[smem:$0x3F9C] =	sst s1;
	(tag) =	ssettag s2;
	_ =	strace s9  }
0x27: {  	s1 =	sld [smem:$0x3FAC]  }
0x28: {  	s2 =	sld [smem:$0x3FAD]  }
0x29: {  	s4 =	sld [smem:$0x3FAF]  }
0x2a: {  	p0 =	seq.s32 s5, $0x0;
	s5 =	sld [smem:$0x3FB0]  }
0x2b: {  	s6 =	sld [smem:$0x3FB1]  }
0x2c: {  	s7 =	sld [smem:$0x3FB2]  }
0x2d: {  	s3 =	simm.s32 $0x108;
	s8 =	sld [smem:$0x3FB3]  }
0x2e: {  	s3 =	simm.s32 @!p0 $0x1082;
	s9 =	sld [smem:$0x3FB4]  }
0x2f: {  	lr =	sadd.s32 s0, s3;
	s0 =	sld [smem:$0x3FAB]  }
0x30: {  	s3 =	sld [smem:$0x3FAE]  }
0x31: {  	[smem:$0x3FB7] =	sst s10  }
0x32: {  	s10 =	sld [smem:$0x3FB5];
	_ =	sdelay $0x3  }
0x33: {  	p0 =	seq.s32 s10, $0x1;
	s10 =	sld [smem:$0x3FB7];
	_ =	sdelay $0x3  }
0x34: {  	[smem:$0x3FB7] =	sst s10  }
0x35: {  	s10 =	sld [smem:$0x3FB6];
	_ =	sdelay $0x3  }
0x36: {  	p1 =	seq.s32 s10, $0x1;
	s10 =	sld [smem:$0x3FB7];
	_ =	sdelay $0x3  }
0x37: {  	[smem:$0x3FB7] =	sst s10  }
0x38: {  	s10 =	sld [smem:$0x3FB8]  }
0x39: {  	_ = 	snop;
	(pc) =	sbr.ind lr, $3  }
0x3a: {  	_ = 	snop  }
0x3b: {  	_ = 	snop  }
0x3c: {  	p2 =	seq.s32 s10, $0x1;
	s10 =	sld [smem:$0x3FB7]  }
0x3d: {  	_ =	shalt  }
0x3e: {  	_ =	shalt  }
0x3f: {  	_ =	shalt  }
0x40: {  	_ =	shalt  }
0x41: {  	_ =	shalt  }
0x42: {  	_ =	shalt  }
0x43: {  	_ =	shalt  }
0x44: {  	_ =	shalt  }
0x45: {  	_ =	shalt  }
0x46: {  	_ =	shalt  }
0x47: {  	_ =	shalt  }
0x48: {  	_ =	shalt  }
0x49: {  	_ =	shalt  }
0x4a: {  	_ =	shalt  }
0x4b: {  	_ =	shalt  }
0x4c: {  	_ =	shalt  }
0x4d: {  	_ =	shalt  }
0x4e: {  	_ =	shalt  }
0x4f: {  	_ =	shalt  }
0x50: {  	_ =	shalt  }
0x51: {  	_ =	shalt  }
0x52: {  	_ =	shalt  }
0x53: {  	_ =	shalt  }
0x54: {  	_ =	shalt  }
0x55: {  	_ =	shalt  }
0x56: {  	_ =	shalt  }
0x57: {  	_ =	shalt  }
0x58: {  	_ =	shalt  }
0x59: {  	_ =	shalt  }
0x5a: {  	_ =	shalt  }
0x5b: {  	_ =	shalt  }
0x5c: {  	_ =	shalt  }
0x5d: {  	_ =	shalt  }
0x5e: {  	_ =	shalt  }
0x5f: {  	_ =	shalt  }
0x60: {  	_ =	shalt  }
0x61: {  	_ =	shalt  }
0x62: {  	_ =	shalt  }
0x63: {  	_ =	shalt  }
0x64: {  	_ =	shalt  }
0x65: {  	_ =	shalt  }
0x66: {  	_ =	shalt  }
0x67: {  	_ =	shalt  }
0x68: {  	_ =	shalt  }
0x69: {  	_ =	shalt  }
0x6a: {  	_ =	shalt  }
0x6b: {  	_ =	shalt  }
0x6c: {  	_ =	shalt  }
0x6d: {  	_ =	shalt  }
0x6e: {  	_ =	shalt  }
0x6f: {  	_ =	shalt  }
0x70: {  	_ =	shalt  }
0x71: {  	_ =	shalt  }
0x72: {  	_ =	shalt  }
0x73: {  	_ =	shalt  }
0x74: {  	_ =	shalt  }
0x75: {  	_ =	shalt  }
0x76: {  	_ =	shalt  }
0x77: {  	_ =	shalt  }
0x78: {  	_ =	shalt  }
0x79: {  	_ =	shalt  }
0x7a: {  	_ =	shalt  }
0x7b: {  	_ =	shalt  }
0x7c: {  	_ =	shalt  }
0x7d: {  	_ =	shalt  }
0x7e: {  	_ =	shalt  }
0x7f: {  	_ =	shalt  }
0x80: {  	_ =	shalt  }
0x81: {  	_ =	shalt  }
0x82: {  	_ =	shalt  }
0x83: {  	_ =	shalt  }
0x84: {  	_ =	shalt  }
0x85: {  	_ =	shalt  }
0x86: {  	_ =	shalt  }
0x87: {  	_ =	shalt  }
.Lfunc_end0:
.L_simem_size_0:
called_computation.3_lowered:
.L_overlay_start_0:
0x88: {  	s2 =	sld [smem:$0x3FD9]  }
0x89: {  	s3 =	sld [smem:$0x3FFE];
	_ =	sdelay $0x1  }
0x8a: {  	s1 =	srdreg.scid  }
0x8b: {  	s0 =	sand.u32 $0x1, s1  }
0x8c: {  	s15 =	sshll.u32 s0, $0xA;
	s2 =	sadd.s32 s3, s2  }
0x8d: {  	s2 =	sadd.s32 s2, s15  }
0x8e: {  	[smem:$0x3FC3] =	sst s2  }
0x8f: {  	_ = 	snop  }
0x90: {  	s2 =	sld [smem:$0x3FD0];
	_ =	sdelay $0x2  }
0x91: {  	s16 =	simm.s32 $0xC;
	s4 =	simm.s32 $0x10  }
0x92: {  	[smem:s4], [sflag:s16] =	dma.local [hbm:s2], $0x1  }
0x93: {  	_ =	swait.eq [sflag:s16], $0x1  }
0x94: {  	[sflag:s16] =	ssyncset.done $0x0  }
0x95: {  	[sflag:s16] =	ssyncadd.s32 $0xFFFFFFFF  }
0x96: {  	s17 =	sld [smem:$0x10];
	(tm) =	ssettm $0x1  }
0x97: {  	s18 =	sld [smem:$0x3FFB];
	_ =	sdelay $0x3  }
0x98: {  	_ =	strace s18  }
0x99: {  	s2 =	sld [smem:$0x3FFC];
	_ =	sdelay $0x3  }
0x9a: {  	_ =	strace s2  }
0x9b: {  	s2 =	sld [smem:$0x3FFD];
	_ =	sdelay $0x3  }
0x9c: {  	_ =	strace s2  }
0x9d: {  	_ =	strace $0x8FFFFFFF  }
0x9e: {  	s19 =	sld [smem:$0x3FDB];
	_ =	sdelay $0x1  }
0x9f: {  	s20 =	simm.s32 $_scs_section_size  }
0xa0: {  	s5 =	simm.s32 $_size__tile_overlayer_lowered;
	s6 =	simm.s32 $_tile_overlayer_lowered  }
0xa1: {  	s7 =	simm.s32 $0x1BFF;
	s21 =	sshll.u32 s6, $0x1;
	s4 =	sadd.s32 s20, s19  }
0xa2: {  	s22 =	simm.s32 $0x0;
	s5 =	sshll.u32 s5, $0x1;
	s6 =	sadd.s32 s21, s4  }
0xa3: {  	[timem:s22], [sflag:s7] =	dma.local [hbm:s6], s5  }
0xa4: {  	_ =	swait.ge [sflag:s7], s5  }
0xa5: {  	s5 =	ssub.s32 $0x0, s5;
	[sflag:s7] =	ssyncset.done $0x0  }
0xa6: {  	[sflag:s7] =	ssyncadd.s32 s5;
	_ =	sdelay $0x1  }
0xa7: {  	s23 =	simm.s32 $0x1B8B  }
0xa8: {  	_ =	swait.ge [sflag:s23], $0x1  }
0xa9: {  	[sflag:s23] =	ssyncset.done $0x0  }
0xaa: {  	[sflag:s23] =	ssyncadd.s32 $0xFFFFFFFF  }
0xab: {  	s5 =	sld [smem:$0x0]  }
0xac: {  	s6 =	sand.u32 $0xFFFFFFFE, s1  }
0xad: {  	p0 =	sne.s32 s1, s6  }
0xae: {  	s6 =	sshll.u32 @p0 s6, $0xE  }
0xaf: {  	s6 =	sadd.s32 @p0 $0x11B8D, s6;
	s7 =	sshll.u32 @p0 s5, $0x11  }
0xb0: {  	s6 =	sor.u32 @p0 s7, s6  }
0xb1: {  	[sflag:s6] =	ssyncadd.remote.s32 @p0 $0x1;
	_ =	sdelay $0x1  }
0xb2: {  	s6 =	simm.s32 @p0 $0x1B8D  }
0xb3: {  	_ =	swait.eq @p0 [sflag:s6], $0x1  }
0xb4: {  	[sflag:s6] =	ssyncadd.s32 @p0 $0xFFFFFFFF  }
0xb5: {  	s7 =	sshll.u32 @!p0 s1, $0xE  }
0xb6: {  	s7 =	sor.u32 @!p0 $0x4000, s7;
	s6 =	simm.s32 @!p0 $0x1B8D  }
0xb7: {  	s5 =	sshll.u32 @!p0 s5, $0x11;
	s7 =	sadd.s32 @!p0 $0x11B8D, s7;
	_ =	swait.eq @!p0 [sflag:s6], $0x1  }
0xb8: {  	s5 =	sor.u32 @!p0 s5, s7;
	[sflag:s6] =	ssyncadd.s32 @!p0 $0xFFFFFFFF  }
0xb9: {  	s25 =	simm.s32 $0x1B8E;
	s24 =	sld [smem:$0x3FFE];
	[sflag:s5] =	ssyncadd.remote.s32 @!p0 $0x1  }
0xba: {  	s26 =	simm.s32 $execute0_lowered;
	[smem:$0x3FD2] =	sst s25  }
0xbb: {  	s6 =	sshll.u32 s26, $0x1;
	_ =	strace $0x80000055;
	[dreg:$0x1] =	wrdreg $0xFFFFFFFF  }
0xbc: {  	s28 =	simm.s32 $_size_execute0_lowered;
	s4 =	sadd.s32 s4, s6;
	[dreg:$0x0] =	wrdreg $0x0  }
0xbd: {  	s6 =	sshll.u32 s28, $0x1;
	[dreg:$0x2] =	wrdreg s4  }
0xbe: {  	[dreg:$0x3] =	wrdreg s6  }
0xbf: {  	[dreg:$0x4] =	wrdreg $0xC0  }
0xc0: {  	_ =	task [dreg:s22], $0x5FFFF  }
0xc1: {  	[dreg:$0x1] =	wrdreg $0xFFFFFFFF  }
0xc2: {  	[dreg:$0x0] =	wrdreg $0x60  }
0xc3: {  	[dreg:$0x2] =	wrdreg s17  }
0xc4: {  	[dreg:$0x3] =	wrdreg s24  }
0xc5: {  	[dreg:$0x4] =	wrdreg $0x2A000  }
0xc6: {  	[dreg:$0x5] =	wrdreg $0xB  }
0xc7: {  	_ =	task.clear_ibuf [dreg:s22], $0x6FFFF;
	_ =	strace $0x90000055  }
0xc8: {  	s29 =	simm.s32 $0xB;
	_ =	strace $0x80000057  }
0xc9: {  	_ =	swait.ge [sflag:s29], $0x1  }
0xca: {  	[sflag:s29] =	ssyncadd.s32 $0xFFFFFFFF  }
0xcb: {  	_ =	strace $0x90000057  }
0xcc: {  	_ =	sfence  }
0xcd: {  	s30 =	sld [smem:$0x0];
	_ =	sdelay $0x2  }
0xce: {  	s31 =	sshll.u32 s1, $0xD;
	s1 =	sshrl.u32 s1, $0x2  }
0xcf: {  	s4 =	sand.u32 $0x4000, s31;
	s1 =	sadd.s32 s1, s30  }
0xd0: {  	s0 =	sor.u32 s4, s0;
	s1 =	sshll.u32 s1, $0x11  }
0xd1: {  	s0 =	sor.u32 s1, s0  }
0xd2: {  	s0 =	sadd.s32 $0x8F2B, s0  }
0xd3: {  	[sflag:s0] =	ssyncadd.remote.s32 $0x1  }
0xd4: {  	_ =	sfence.sel $0xFFFF  }
0xd5: {  	[dreg:$0x0] =	wrdreg $0xFFFFFFFF;
	(pc) =	sbr.abs _section_cstart, $3  }
0xd6: {  	[dreg:$0x1] =	wrdreg $0xFFFFFFFF  }
0xd7: {  	_ =	task.clear_ibuf [dreg:s22], $0x2FFFF;
	_ =	strace $0x9FFFFFFF  }
0xd8: {  	(tm) =	ssettm $0x7FFFFFFF  }
0xd9: {  	_ =	shalt  }
tec
execute0_lowered:
.L_overlay_start_1:
0x0: {  	(tag) =	ssettag $0x1  }
0x1: {  	s1 =	rddreg [dreg:$0x0]  }
0x2: {  	s0 =	rddreg [dreg:$0x1]  }
0x3: {  	s2 =	rddreg [dreg:$0x2];
	s3 =	srdreg.scid  }
0x4: {  	s4 =	simm.s32 $0x0;
	s12 =	stileid.u32;
	s19 =	simm.s32 $0x3  }
0x5: {  	s28 =	simm.s32 $0x2;
	s29 =	simm.s32 $0x0;
	s3 =	sand.u32 $0x1, s3  }
0x6: {  	[smem:$0x7FF] =	sst s4;
	s8 =	smul.u32 $0x13C00, s12;
	s5 =	sadd.s32 $0x4A00, s0  }
0x7: {  	s6 =	sadd.s32 $0xE800, s0;
	s20 =	sadd.s32 $0x18600, s0;
	s11 =	smul.u32 $0x4F000, s12  }
0x8: {  	s9 =	sshll.u32 s12, $0x1;
	s23 =	smul.u32 $0x4E20, s12;
	s24 =	sshll.u32 s12, $0x6  }
0x9: {  	s7 =	smul.u32 $0x13C000, s3;
	_ =	strace $0x80000056;
	[dreg:$0x4] =	wrdreg s20  }
0xa: {  	s10 =	ssub.s32 $0x2, s3;
	s9 =	sor.u32 s3, s9;
	s3 =	smul.u32 $0x2710, s3  }
0xb: {  	s20 =	simm.s32 $0x80;
	s21 =	sshrl.u32 s10, $0x1;
	s9 =	smul.u32 $0x2710, s9  }
0xc: {  	s22 =	sshrl.u32 s11, $0x2;
	s8 =	sadd.s32 s8, s7;
	s14 =	ssub.s32 s10, s21  }
0xd: {  	s18 =	sadd.s32 s22, s2;
	s3 =	sadd.s32 s3, s23;
	s21 =	simm.s32 $0x28  }
0xe: {  	s22 =	simm.s32 $0x200;
	s23 =	simm.s32 $0x100;
	s8 =	sshrl.u32 s8, $0x3  }
0xf: {  	s25 =	sshrl.u32 s9, $0x3;
	s26 =	sadd.s32 $0x26E8, s9;
	s15 =	sadd.s32 $0x28, s3  }
0x10: {  	s14 =	smax.u32 s14, $0x1;
	s18 =	sshrl.u32 s18, $0x3;
	s0 =	sadd.s32 s8, s0  }
0x11: {  	s8 =	sor.u32 $0x1C03, s24;
	s30 =	sadd.s32 s5, s25;
	s12 =	sshrl.u32 s26, $0x3  }
0x12: {  	s10 =	sadd.s32 s6, s25;
	s31 =	sshrl.u32 s15, $0x3;
	s15 =	sadd.s32 $0x50, s3  }
0x13: {  	s24 =	simm.s32 $0x180;
	s25 =	simm.s32 $0x1600;
	s26 =	simm.s32 $0x1  }
0x14: {  	[dreg:$0x5] =	wrdreg s30;
	s11 =	sadd.s32 s5, s12;
	s12 =	sadd.s32 s6, s12  }
0x15: {  	s13 =	sadd.s32 $0xB8600, s0;
	s16 =	sadd.s32 s31, s6;
	s17 =	sadd.s32 s31, s5  }
.LBB2_1:
0x16: {  	s0 =	rddreg [dreg:$0x4]  }
0x17: {  	[spmem:s18], [sflag:s8] =	dma.local [hbm:s0], $0x2780  }
0x18: {  	_ =	swait.ge [sflag:s19], $0x2780  }
0x19: {  	[sflag:s19] =	ssyncset.done $0x0  }
0x1a: {  	[sflag:s19] =	ssyncadd.s32 $0xFFFFD880  }
0x1b: {  	[bflag:$0x0] =	sbarrier.arrive $0xFFFF  }
0x1c: {  	s9 =	rddreg [dreg:$0x5]  }
0x1d: {  	[tilespmem:s4], [sflag:$0x3] =	stream.linear.gather [hbm4b:s9+s4], $0x28, $0x38;
	[tilespmem:$0x16600] =	vst v63  }
0x1e: {  	_ =	swait.ge [sflag:s19], $0x28  }
0x1f: {  	[sflag:s19] =	ssyncset.done $0x0  }
0x20: {  	[sflag:s19] =	ssyncadd.s32 $0xFFFFFFD8  }
0x21: {  	[tilespmem:s20], [sflag:$0x3] =	stream.linear.gather [hbm4b:s10+s4], $0x28, $0x38;
	[tilespmem:$0x16600] =	vst v63  }
0x22: {  	_ =	swait.ge [sflag:s19], $0x28  }
0x23: {  	[sflag:s19] =	ssyncset.done $0x0  }
0x24: {  	[sflag:s19] =	ssyncadd.s32 $0xFFFFFFD8  }
0x25: {  	[tilespmem:s22], [sflag:$0x1] =	stream.indirect.gather [hbm4b:s1+s21], $0x80, s4, s21, $0xb8;
	[tilespmem:$0x16600] =	vst v63  }
0x26: {  	s3 =	sadd.s32 $0x0, s17  }
0x27: {  	[tilespmem:s23], [sflag:$0x3] =	stream.linear.gather [hbm4b:s3+s4], $0x28, $0x38;
	[tilespmem:$0x16600] =	vst v63  }
0x28: {  	_ =	swait.ge [sflag:s19], $0x28  }
0x29: {  	[sflag:s19] =	ssyncset.done $0x0  }
0x2a: {  	s7 =	sadd.s32 $0x0, s16;
	[sflag:s19] =	ssyncadd.s32 $0xFFFFFFD8  }
0x2b: {  	[tilespmem:s24], [sflag:$0x3] =	stream.linear.gather [hbm4b:s7+s4], $0x28, $0x38;
	[tilespmem:$0x16600] =	vst v63  }
0x2c: {  	_ =	swait.ge [sflag:s19], $0x28  }
0x2d: {  	[sflag:s19] =	ssyncset.done $0x0  }
0x2e: {  	[sflag:s19] =	ssyncadd.s32 $0xFFFFFFD8  }
0x2f: {  	[tilespmem:s25], [sflag:$0x2] =	stream.indirect.gather [hbm4b:s1+s21], $0x80, s23, s21, $0xb8;
	[tilespmem:$0x16600] =	vst v63  }
0x30: {  	_ =	swait.ge [sflag:s26], $0x1400  }
0x31: {  	[sflag:s26] =	ssyncset.done $0x0  }
0x32: {  	[sflag:s26] =	ssyncadd.s32 $0xFFFFEC00  }
0x33: {  	[spmem:s2] =	stream.indirect.scatter.add.f32 [tilespmem:s22], [sflag:$0x3], $0x80, s20, s21, $0xb8;
	[tilespmem:$0x16600] =	vst v63  }
0x34: {  	_ =	swait.ge [sflag:s19], $0x1400  }
0x35: {  	s9 =	sshrl.u32 s15, $0x3;
	[sflag:s19] =	ssyncset.done $0x0  }
0x36: {  	s3 =	sadd.s32 s5, s9;
	[sflag:s19] =	ssyncadd.s32 $0xFFFFEC00  }
0x37: {  	[tilespmem:s4], [sflag:$0x3] =	stream.linear.gather [hbm4b:s3+s4], $0x28, $0x38;
	[tilespmem:$0x16600] =	vst v63  }
0x38: {  	_ =	swait.ge [sflag:s19], $0x28  }
0x39: {  	[sflag:s19] =	ssyncset.done $0x0  }
0x3a: {  	s0 =	sadd.s32 s6, s9;
	[sflag:s19] =	ssyncadd.s32 $0xFFFFFFD8  }
0x3b: {  	[tilespmem:s20], [sflag:$0x3] =	stream.linear.gather [hbm4b:s0+s4], $0x28, $0x38;
	[tilespmem:$0x16600] =	vst v63  }
0x3c: {  	_ =	swait.ge [sflag:s19], $0x28  }
0x3d: {  	[sflag:s19] =	ssyncset.done $0x0  }
0x3e: {  	[sflag:s19] =	ssyncadd.s32 $0xFFFFFFD8  }
0x3f: {  	[tilespmem:s22], [sflag:$0x1] =	stream.indirect.gather [hbm4b:s1+s21], $0x80, s4, s21, $0xb8;
	[tilespmem:$0x16600] =	vst v63  }
0x40: {  	_ =	swait.ge [sflag:s28], $0x1400  }
0x41: {  	[sflag:s28] =	ssyncset.done $0x0  }
0x42: {  	[sflag:s28] =	ssyncadd.s32 $0xFFFFEC00  }
0x43: {  	[spmem:s2] =	stream.indirect.scatter.add.f32 [tilespmem:s25], [sflag:$0x3], $0x80, s24, s21, $0xb8;
	[tilespmem:$0x16600] =	vst v63  }
0x44: {  	s31 =	simm.s32 $0xA;
	_ =	swait.ge [sflag:s19], $0x1400  }
0x45: {  	s30 =	sadd.s32 $0x50, s15;
	s0 =	simm.s32 $0x14;
	[sflag:s19] =	ssyncset.done $0x0  }
.LBB2_2:
0x46: {  	s7 =	sadd.s32 s31, s17  }
0x47: {  	[sflag:s19] =	ssyncadd.s32 $0xFFFFEC00;
	s9 =	smov.u32 s0;
	s3 =	sadd.s32 $0xA, s0  }
0x48: {  	[tilespmem:s23], [sflag:$0x3] =	stream.linear.gather [hbm4b:s7+s4], $0x28, $0x38;
	[tilespmem:$0x16600] =	vst v63  }
0x49: {  	p0 =	sne.s32 s0, $0x4CE;
	_ =	swait.ge [sflag:s19], $0x28  }
0x4a: {  	[sflag:s19] =	ssyncset.done $0x0  }
0x4b: {  	s0 =	sadd.s32 s31, s16;
	s31 =	smov.u32 s9;
	[sflag:s19] =	ssyncadd.s32 $0xFFFFFFD8  }
0x4c: {  	[tilespmem:s24], [sflag:$0x3] =	stream.linear.gather [hbm4b:s0+s4], $0x28, $0x38;
	[tilespmem:$0x16600] =	vst v63  }
0x4d: {  	_ =	swait.ge [sflag:s19], $0x28  }
0x4e: {  	[sflag:s19] =	ssyncset.done $0x0  }
0x4f: {  	[sflag:s19] =	ssyncadd.s32 $0xFFFFFFD8  }
0x50: {  	[tilespmem:s25], [sflag:$0x2] =	stream.indirect.gather [hbm4b:s1+s21], $0x80, s23, s21, $0xb8;
	[tilespmem:$0x16600] =	vst v63  }
0x51: {  	_ =	swait.ge [sflag:s26], $0x1400  }
0x52: {  	[sflag:s26] =	ssyncset.done $0x0  }
0x53: {  	[sflag:s26] =	ssyncadd.s32 $0xFFFFEC00  }
0x54: {  	[spmem:s2] =	stream.indirect.scatter.add.f32 [tilespmem:s22], [sflag:$0x3], $0x80, s20, s21, $0xb8;
	[tilespmem:$0x16600] =	vst v63  }
0x55: {  	_ =	swait.ge [sflag:s19], $0x1400  }
0x56: {  	s0 =	sshrl.u32 s30, $0x3;
	[sflag:s19] =	ssyncset.done $0x0  }
0x57: {  	s7 =	sadd.s32 s5, s0;
	[sflag:s19] =	ssyncadd.s32 $0xFFFFEC00  }
0x58: {  	[tilespmem:s4], [sflag:$0x3] =	stream.linear.gather [hbm4b:s7+s4], $0x28, $0x38;
	[tilespmem:$0x16600] =	vst v63  }
0x59: {  	_ =	swait.ge [sflag:s19], $0x28  }
0x5a: {  	[sflag:s19] =	ssyncset.done $0x0  }
0x5b: {  	s0 =	sadd.s32 s6, s0;
	[sflag:s19] =	ssyncadd.s32 $0xFFFFFFD8  }
0x5c: {  	[tilespmem:s20], [sflag:$0x3] =	stream.linear.gather [hbm4b:s0+s4], $0x28, $0x38;
	[tilespmem:$0x16600] =	vst v63  }
0x5d: {  	_ =	swait.ge [sflag:s19], $0x28  }
0x5e: {  	[sflag:s19] =	ssyncset.done $0x0  }
0x5f: {  	[sflag:s19] =	ssyncadd.s32 $0xFFFFFFD8  }
0x60: {  	[tilespmem:s22], [sflag:$0x1] =	stream.indirect.gather [hbm4b:s1+s21], $0x80, s4, s21, $0xb8;
	[tilespmem:$0x16600] =	vst v63  }
0x61: {  	_ =	swait.ge [sflag:s28], $0x1400  }
.Ltmp0:
0x62: {  	[sflag:s28] =	ssyncset.done $0x0;
	(pc) =	sbr.rel @p0 .LBB2_2-.Ltmp0, $4  }
0x63: {  	[sflag:s28] =	ssyncadd.s32 $0xFFFFEC00  }
0x64: {  	[spmem:s2] =	stream.indirect.scatter.add.f32 [tilespmem:s25], [sflag:$0x3], $0x80, s24, s21, $0xb8;
	[tilespmem:$0x16600] =	vst v63  }
0x65: {  	_ =	swait.ge [sflag:s19], $0x1400  }
0x66: {  	s30 =	sadd.s32 $0x50, s30;
	s0 =	smov.u32 s3;
	[sflag:s19] =	ssyncset.done $0x0  }
0x67: {  	s0 =	sadd.s32 s31, s17;
	[sflag:s19] =	ssyncadd.s32 $0xFFFFEC00  }
0x68: {  	[tilespmem:s23], [sflag:$0x3] =	stream.linear.gather [hbm4b:s0+s4], $0x28, $0x38;
	[tilespmem:$0x16600] =	vst v63  }
0x69: {  	_ =	swait.ge [sflag:s19], $0x28  }
0x6a: {  	[sflag:s19] =	ssyncset.done $0x0  }
0x6b: {  	s9 =	sadd.s32 s31, s16;
	[sflag:s19] =	ssyncadd.s32 $0xFFFFFFD8  }
0x6c: {  	[tilespmem:s24], [sflag:$0x3] =	stream.linear.gather [hbm4b:s9+s4], $0x28, $0x38;
	[tilespmem:$0x16600] =	vst v63  }
0x6d: {  	_ =	swait.ge [sflag:s19], $0x28  }
0x6e: {  	[sflag:s19] =	ssyncset.done $0x0  }
0x6f: {  	[sflag:s19] =	ssyncadd.s32 $0xFFFFFFD8  }
0x70: {  	[tilespmem:s25], [sflag:$0x2] =	stream.indirect.gather [hbm4b:s1+s21], $0x80, s23, s21, $0xb8;
	[tilespmem:$0x16600] =	vst v63  }
0x71: {  	_ =	swait.ge [sflag:s26], $0x1400  }
0x72: {  	[sflag:s26] =	ssyncset.done $0x0  }
0x73: {  	[sflag:s26] =	ssyncadd.s32 $0xFFFFEC00  }
0x74: {  	[spmem:s2] =	stream.indirect.scatter.add.f32 [tilespmem:s22], [sflag:$0x3], $0x80, s20, s21, $0xb8;
	[tilespmem:$0x16600] =	vst v63  }
0x75: {  	_ =	swait.ge [sflag:s19], $0x1400  }
0x76: {  	s31 =	sshrl.u32 s30, $0x3;
	[sflag:s19] =	ssyncset.done $0x0  }
0x77: {  	s3 =	sadd.s32 s5, s31;
	[sflag:s19] =	ssyncadd.s32 $0xFFFFEC00  }
0x78: {  	[tilespmem:s4], [sflag:$0x3] =	stream.linear.gather [hbm4b:s3+s4], $0x28, $0x38;
	[tilespmem:$0x16600] =	vst v63  }
0x79: {  	_ =	swait.ge [sflag:s19], $0x28  }
0x7a: {  	[sflag:s19] =	ssyncset.done $0x0  }
0x7b: {  	s0 =	sadd.s32 s6, s31;
	[sflag:s19] =	ssyncadd.s32 $0xFFFFFFD8  }
0x7c: {  	[tilespmem:s20], [sflag:$0x3] =	stream.linear.gather [hbm4b:s0+s4], $0x28, $0x38;
	[tilespmem:$0x16600] =	vst v63  }
0x7d: {  	_ =	swait.ge [sflag:s19], $0x28  }
0x7e: {  	[sflag:s19] =	ssyncset.done $0x0  }
0x7f: {  	[sflag:s19] =	ssyncadd.s32 $0xFFFFFFD8  }
0x80: {  	[tilespmem:s22], [sflag:$0x1] =	stream.indirect.gather [hbm4b:s1+s21], $0x80, s4, s21, $0xb8;
	[tilespmem:$0x16600] =	vst v63  }
0x81: {  	_ =	swait.ge [sflag:s28], $0x1400  }
0x82: {  	[sflag:s28] =	ssyncset.done $0x0  }
0x83: {  	[sflag:s28] =	ssyncadd.s32 $0xFFFFEC00  }
0x84: {  	[spmem:s2] =	stream.indirect.scatter.add.f32 [tilespmem:s25], [sflag:$0x3], $0x80, s24, s21, $0xb8;
	[tilespmem:$0x16600] =	vst v63  }
0x85: {  	_ =	swait.ge [sflag:s19], $0x1400  }
0x86: {  	[sflag:s19] =	ssyncset.done $0x0  }
0x87: {  	[sflag:s19] =	ssyncadd.s32 $0xFFFFEC00  }
0x88: {  	[tilespmem:s23], [sflag:$0x3] =	stream.linear.gather [hbm4b:s11+s4], $0x28, $0x38;
	[tilespmem:$0x16600] =	vst v63  }
0x89: {  	_ =	swait.ge [sflag:s19], $0x28  }
0x8a: {  	[sflag:s19] =	ssyncset.done $0x0  }
0x8b: {  	[sflag:s19] =	ssyncadd.s32 $0xFFFFFFD8  }
0x8c: {  	[tilespmem:s24], [sflag:$0x3] =	stream.linear.gather [hbm4b:s12+s4], $0x28, $0x38;
	[tilespmem:$0x16600] =	vst v63  }
0x8d: {  	_ =	swait.ge [sflag:s19], $0x28  }
0x8e: {  	[sflag:s19] =	ssyncset.done $0x0  }
0x8f: {  	[sflag:s19] =	ssyncadd.s32 $0xFFFFFFD8  }
0x90: {  	[tilespmem:s25], [sflag:$0x2] =	stream.indirect.gather [hbm4b:s1+s21], $0x80, s23, s21, $0xb8;
	[tilespmem:$0x16600] =	vst v63  }
0x91: {  	_ =	swait.ge [sflag:s26], $0x1400  }
0x92: {  	[sflag:s26] =	ssyncset.done $0x0  }
0x93: {  	[sflag:s26] =	ssyncadd.s32 $0xFFFFEC00  }
0x94: {  	[spmem:s2] =	stream.indirect.scatter.add.f32 [tilespmem:s22], [sflag:$0x3], $0x80, s20, s21, $0xb8;
	[tilespmem:$0x16600] =	vst v63  }
0x95: {  	_ =	swait.ge [sflag:s19], $0x1400  }
0x96: {  	[sflag:s19] =	ssyncset.done $0x0  }
0x97: {  	[sflag:s19] =	ssyncadd.s32 $0xFFFFEC00  }
0x98: {  	_ =	swait.ge [sflag:s28], $0x1400  }
0x99: {  	[sflag:s28] =	ssyncset.done $0x0  }
0x9a: {  	[sflag:s28] =	ssyncadd.s32 $0xFFFFEC00  }
0x9b: {  	[spmem:s2] =	stream.indirect.scatter.add.f32 [tilespmem:s25], [sflag:$0x3], $0x80, s24, s21, $0xb8;
	[tilespmem:$0x16600] =	vst v63  }
0x9c: {  	_ =	swait.ge [sflag:s19], $0x1400  }
0x9d: {  	s29 =	sadd.s32 $0x1, s29;
	[sflag:s19] =	ssyncset.done $0x0  }
0x9e: {  	p0 =	sne.s32 s29, s14;
	[sflag:s19] =	ssyncadd.s32 $0xFFFFEC00  }
.Ltmp1:
0x9f: {  	[bflag:$0x0] =	sbarrier.arrive $0xFFFF;
	(pc) =	sbr.rel @p0 .LBB2_1-.Ltmp1, $4  }
0xa0: {  	[hbm:s13], [sflag:s8] =	dma.local [spmem:s18], $0x2780  }
0xa1: {  	_ =	swait.ge [sflag:s19], $0x2780  }
0xa2: {  	[sflag:s19] =	ssyncset.done $0x0  }
0xa3: {  	[sflag:s19] =	ssyncadd.s32 $0xFFFFD880  }
0xa4: {  	_ =	sfence.sel $0x180000  }
0xa5: {  	[bflag:$0x0] =	sbarrier.arrive $0xFFFF  }
0xa6: {  	_ =	strace $0x90000056  }
0xa7: {  	s0 =	stileid.u32;
	[bflag:$0x2] =	sbarrier.arrive $0xFFFF  }
0xa8: {  	p0 =	sne.s32 s0, $0x0;
	s0 =	rddreg [dreg:$0x3]  }
0xa9: {  	s0 =	sadd.s32 @!p0 $0x100000, s0  }
0xaa: {  	[sflag:s0] =	ssyncadd.tile.s32 @!p0 $0x1;
	_ =	shalt  }
.Lfunc_end2:
_tile_overlayer_lowered:
.L_overlay_start_2:
0xab: {  	(tag) =	ssettag $0x2  }
0xac: {  	s0 =	rddreg [dreg:$0x0];
	s2 =	stileid.u32  }
0xad: {  	s1 =	rddreg [dreg:$0x1];
	p0 =	sne.s32 s2, $0x0  }
0xae: {  	s3 =	rddreg [dreg:$0x2];
	[bflag:$0x3] =	sbarrier.arrive $0xFFFF;
	s2 =	simm.s32 @!p0 $0x1C03  }
0xaf: {  	[timem:s3], [sflag:s2] =	dma.local @!p0 [hbm:s0], s1  }
0xb0: {  	s0 =	simm.s32 @!p0 $0x3  }
0xb1: {  	_ =	swait.ge @!p0 [sflag:s0], s1  }
0xb2: {  	s1 =	ssub.s32 @!p0 $0x0, s1;
	[sflag:s0] =	ssyncset.done @!p0 $0x0  }
0xb3: {  	[sflag:s0] =	ssyncadd.s32 @!p0 s1  }
0xb4: {  	[bflag:$0x3] =	sbarrier.arrive $0xFFFF  }
0xb5: {  	_ =	shalt  }

// kernel: kernel.26.cloned.1.call-start
scs
__scs_entry_jumppad:
0x0: {  	(pc) =	sbr.rel $0x88, $3  }
0x1: {  	(tag) =	ssettag $0x0;
	lr =	simm.s32 $0x1  }
0x2: {  	[smem:$0x3F9C] =	sst lr;
	_ =	strace $0xD0000000  }
0x3: {  	_ = 	snop  }
0x4: {  	_ = 	snop  }
0x5: {  	_ = 	snop  }
0x6: {  	_ = 	snop  }
0x7: {  	_ = 	snop  }
__scs_overlays_trampoline_lowered:
0x8: {  	[smem:$0x3FAB] =	sst s0  }
0x9: {  	[smem:$0x3FAC] =	sst s1  }
0xa: {  	[smem:$0x3FAD] =	sst s2  }
0xb: {  	[smem:$0x3FAE] =	sst s3  }
0xc: {  	[smem:$0x3FAF] =	sst s4  }
0xd: {  	[smem:$0x3FB0] =	sst s5  }
0xe: {  	[smem:$0x3FB1] =	sst s6  }
0xf: {  	[smem:$0x3FB2] =	sst s7  }
0x10: {  	[smem:$0x3FB3] =	sst s8  }
0x11: {  	[smem:$0x3FB4] =	sst s9;
	s0 =	simm.s32 @!p0 $0x0  }
0x12: {  	s1 =	sld [smem:$0x3F9A];
	s0 =	simm.s32 @p0 $0x1  }
0x13: {  	[smem:$0x3FB5] =	sst s0;
	s0 =	simm.s32 @!p1 $0x0  }
0x14: {  	s2 =	sld [smem:$0x3F99];
	s0 =	simm.s32 @p1 $0x1  }
0x15: {  	[smem:$0x3FB6] =	sst s0;
	s0 =	simm.s32 @!p2 $0x0  }
0x16: {  	s3 =	sld [smem:$0x3FDB];
	s0 =	simm.s32 @p2 $0x1  }
0x17: {  	s4 =	simm.s32 $0x1BF5;
	[smem:$0x3FB8] =	sst s0  }
0x18: {  	s0 =	sld [smem:$0x3F9B];
	_ =	swait.ge [sflag:s4], $0x0  }
0x19: {  	s7 =	sld [smem:$0x3F9C]  }
0x1a: {  	s8 =	sadd.s32 $0xFFFFE003, lr  }
0x1b: {  	s9 =	sadd.s32 $0xFFFFFEF7, lr;
	s5 =	simm.s32 $0xFFFFFFFF;
	p2 =	slt.u32 s8, $0xFFFFF086  }
0x1c: {  	p1 =	slt.u32 s9, $0xF7A;
	s5 =	simm.s32 @!p2 $0x0  }
0x1d: {  	s5 =	simm.s32 @p1 $0x1;
	p0 =	seq.s32 s7, s2  }
0x1e: {  	s7 =	smul.u32 @!p0 $0xF7A, s2;
	p2 =	seq.s32 @!p0 s5, $0x0  }
0x1f: {  	s9 =	smul.u32 $0xF7A, s1;
	s8 =	simm.s32 @!p0 $0x1BF5;
	p2 =	por !p2, p0  }
0x20: {  	[sflag:s8] =	ssyncset.s32 @!p0 $0xFFFFF086;
	s6 =	sadd.s32 @!p0 s3, s7;
	s7 =	simm.s32 @!p0 $0x108  }
0x21: {  	s3 =	sadd.s32 s3, s9;
	s6 =	sadd.s32 @!p0 $0x88, s6;
	s7 =	simm.s32 @p2 $0x1082  }
0x22: {  	[simem:s7], [sflag:s8] =	dma.local @!p0 [hbm:s6], $0xF7A  }
0x23: {  	s9 =	sor.u32 $0xD0000000, s2;
	s6 =	simm.s32 $0x108;
	_ =	swait.ge @!p0 [sflag:s8], $0x0  }
0x24: {  	s3 =	sadd.s32 $0x88, s3;
	s6 =	simm.s32 @!p1 $0x1082;
	[sflag:s4] =	ssyncset.s32 $0xFFFFF086  }
0x25: {  	[simem:s6], [sflag:s4] =	dma.local [hbm:s3], $0xF7A  }
0x26: {  	[smem:$0x3F9C] =	sst s1;
	(tag) =	ssettag s2;
	_ =	strace s9  }
0x27: {  	s1 =	sld [smem:$0x3FAC]  }
0x28: {  	s2 =	sld [smem:$0x3FAD]  }
0x29: {  	s4 =	sld [smem:$0x3FAF]  }
0x2a: {  	p0 =	seq.s32 s5, $0x0;
	s5 =	sld [smem:$0x3FB0]  }
0x2b: {  	s6 =	sld [smem:$0x3FB1]  }
0x2c: {  	s7 =	sld [smem:$0x3FB2]  }
0x2d: {  	s3 =	simm.s32 $0x108;
	s8 =	sld [smem:$0x3FB3]  }
0x2e: {  	s3 =	simm.s32 @!p0 $0x1082;
	s9 =	sld [smem:$0x3FB4]  }
0x2f: {  	lr =	sadd.s32 s0, s3;
	s0 =	sld [smem:$0x3FAB]  }
0x30: {  	s3 =	sld [smem:$0x3FAE]  }
0x31: {  	[smem:$0x3FB7] =	sst s10  }
0x32: {  	s10 =	sld [smem:$0x3FB5];
	_ =	sdelay $0x3  }
0x33: {  	p0 =	seq.s32 s10, $0x1;
	s10 =	sld [smem:$0x3FB7];
	_ =	sdelay $0x3  }
0x34: {  	[smem:$0x3FB7] =	sst s10  }
0x35: {  	s10 =	sld [smem:$0x3FB6];
	_ =	sdelay $0x3  }
0x36: {  	p1 =	seq.s32 s10, $0x1;
	s10 =	sld [smem:$0x3FB7];
	_ =	sdelay $0x3  }
0x37: {  	[smem:$0x3FB7] =	sst s10  }
0x38: {  	s10 =	sld [smem:$0x3FB8]  }
0x39: {  	_ = 	snop;
	(pc) =	sbr.ind lr, $3  }
0x3a: {  	_ = 	snop  }
0x3b: {  	_ = 	snop  }
0x3c: {  	p2 =	seq.s32 s10, $0x1;
	s10 =	sld [smem:$0x3FB7]  }
0x3d: {  	_ =	shalt  }
0x3e: {  	_ =	shalt  }
0x3f: {  	_ =	shalt  }
0x40: {  	_ =	shalt  }
0x41: {  	_ =	shalt  }
0x42: {  	_ =	shalt  }
0x43: {  	_ =	shalt  }
0x44: {  	_ =	shalt  }
0x45: {  	_ =	shalt  }
0x46: {  	_ =	shalt  }
0x47: {  	_ =	shalt  }
0x48: {  	_ =	shalt  }
0x49: {  	_ =	shalt  }
0x4a: {  	_ =	shalt  }
0x4b: {  	_ =	shalt  }
0x4c: {  	_ =	shalt  }
0x4d: {  	_ =	shalt  }
0x4e: {  	_ =	shalt  }
0x4f: {  	_ =	shalt  }
0x50: {  	_ =	shalt  }
0x51: {  	_ =	shalt  }
0x52: {  	_ =	shalt  }
0x53: {  	_ =	shalt  }
0x54: {  	_ =	shalt  }
0x55: {  	_ =	shalt  }
0x56: {  	_ =	shalt  }
0x57: {  	_ =	shalt  }
0x58: {  	_ =	shalt  }
0x59: {  	_ =	shalt  }
0x5a: {  	_ =	shalt  }
0x5b: {  	_ =	shalt  }
0x5c: {  	_ =	shalt  }
0x5d: {  	_ =	shalt  }
0x5e: {  	_ =	shalt  }
0x5f: {  	_ =	shalt  }
0x60: {  	_ =	shalt  }
0x61: {  	_ =	shalt  }
0x62: {  	_ =	shalt  }
0x63: {  	_ =	shalt  }
0x64: {  	_ =	shalt  }
0x65: {  	_ =	shalt  }
0x66: {  	_ =	shalt  }
0x67: {  	_ =	shalt  }
0x68: {  	_ =	shalt  }
0x69: {  	_ =	shalt  }
0x6a: {  	_ =	shalt  }
0x6b: {  	_ =	shalt  }
0x6c: {  	_ =	shalt  }
0x6d: {  	_ =	shalt  }
0x6e: {  	_ =	shalt  }
0x6f: {  	_ =	shalt  }
0x70: {  	_ =	shalt  }
0x71: {  	_ =	shalt  }
0x72: {  	_ =	shalt  }
0x73: {  	_ =	shalt  }
0x74: {  	_ =	shalt  }
0x75: {  	_ =	shalt  }
0x76: {  	_ =	shalt  }
0x77: {  	_ =	shalt  }
0x78: {  	_ =	shalt  }
0x79: {  	_ =	shalt  }
0x7a: {  	_ =	shalt  }
0x7b: {  	_ =	shalt  }
0x7c: {  	_ =	shalt  }
0x7d: {  	_ =	shalt  }
0x7e: {  	_ =	shalt  }
0x7f: {  	_ =	shalt  }
0x80: {  	_ =	shalt  }
0x81: {  	_ =	shalt  }
0x82: {  	_ =	shalt  }
0x83: {  	_ =	shalt  }
0x84: {  	_ =	shalt  }
0x85: {  	_ =	shalt  }
0x86: {  	_ =	shalt  }
0x87: {  	_ =	shalt  }
.Lfunc_end0:
.L_simem_size_0:
called_computation.4_lowered:
.L_overlay_start_0:
0x88: {  	s2 =	sld [smem:$0x3FD9]  }
0x89: {  	s3 =	sld [smem:$0x3FFE];
	_ =	sdelay $0x1  }
0x8a: {  	s1 =	srdreg.scid  }
0x8b: {  	s0 =	sand.u32 $0x1, s1  }
0x8c: {  	s17 =	sshll.u32 s0, $0xA;
	s2 =	sadd.s32 s3, s2  }
0x8d: {  	s2 =	sadd.s32 s2, s17  }
0x8e: {  	[smem:$0x3FC3] =	sst s2  }
0x8f: {  	_ = 	snop  }
0x90: {  	(tm) =	ssettm $0x1  }
0x91: {  	s18 =	sld [smem:$0x3FFB];
	_ =	sdelay $0x3  }
0x92: {  	_ =	strace s18  }
0x93: {  	s2 =	sld [smem:$0x3FFC];
	_ =	sdelay $0x3  }
0x94: {  	_ =	strace s2  }
0x95: {  	s2 =	sld [smem:$0x3FFD];
	_ =	sdelay $0x3  }
0x96: {  	_ =	strace s2  }
0x97: {  	_ =	strace $0x8FFFFFFF  }
0x98: {  	s19 =	sld [smem:$0x3FDB];
	_ =	sdelay $0x1  }
0x99: {  	s20 =	simm.s32 $_scs_section_size  }
0x9a: {  	s4 =	simm.s32 $_size__tile_overlayer_lowered;
	s5 =	simm.s32 $_tile_overlayer_lowered  }
0x9b: {  	s6 =	simm.s32 $0x1BFF;
	s21 =	sshll.u32 s5, $0x1;
	s3 =	sadd.s32 s20, s19  }
0x9c: {  	s22 =	simm.s32 $0x0;
	s4 =	sshll.u32 s4, $0x1;
	s5 =	sadd.s32 s21, s3  }
0x9d: {  	[timem:s22], [sflag:s6] =	dma.local [hbm:s5], s4  }
0x9e: {  	_ =	swait.ge [sflag:s6], s4  }
0x9f: {  	s4 =	ssub.s32 $0x0, s4;
	[sflag:s6] =	ssyncset.done $0x0  }
0xa0: {  	[sflag:s6] =	ssyncadd.s32 s4;
	_ =	sdelay $0x1  }
0xa1: {  	s23 =	simm.s32 $0x1B8B  }
0xa2: {  	_ =	swait.ge [sflag:s23], $0x1  }
0xa3: {  	[sflag:s23] =	ssyncset.done $0x0  }
0xa4: {  	[sflag:s23] =	ssyncadd.s32 $0xFFFFFFFF  }
0xa5: {  	s4 =	sld [smem:$0x0]  }
0xa6: {  	s5 =	sand.u32 $0xFFFFFFFE, s1  }
0xa7: {  	p0 =	sne.s32 s1, s5  }
0xa8: {  	s5 =	sshll.u32 @p0 s5, $0xE  }
0xa9: {  	s5 =	sadd.s32 @p0 $0x11B8D, s5;
	s6 =	sshll.u32 @p0 s4, $0x11  }
0xaa: {  	s5 =	sor.u32 @p0 s6, s5  }
0xab: {  	[sflag:s5] =	ssyncadd.remote.s32 @p0 $0x1;
	_ =	sdelay $0x1  }
0xac: {  	s5 =	simm.s32 @p0 $0x1B8D  }
0xad: {  	_ =	swait.eq @p0 [sflag:s5], $0x1  }
0xae: {  	[sflag:s5] =	ssyncadd.s32 @p0 $0xFFFFFFFF  }
0xaf: {  	s6 =	sshll.u32 @!p0 s1, $0xE  }
0xb0: {  	s6 =	sor.u32 @!p0 $0x4000, s6;
	s5 =	simm.s32 @!p0 $0x1B8D  }
0xb1: {  	s4 =	sshll.u32 @!p0 s4, $0x11;
	s6 =	sadd.s32 @!p0 $0x11B8D, s6;
	_ =	swait.eq @!p0 [sflag:s5], $0x1  }
0xb2: {  	s4 =	sor.u32 @!p0 s4, s6;
	[sflag:s5] =	ssyncadd.s32 @!p0 $0xFFFFFFFF  }
0xb3: {  	s25 =	simm.s32 $0x1B8E;
	s24 =	sld [smem:$0x3FFE];
	[sflag:s4] =	ssyncadd.remote.s32 @!p0 $0x1  }
0xb4: {  	s26 =	simm.s32 $execute0_lowered;
	[smem:$0x3FD2] =	sst s25  }
0xb5: {  	s5 =	sshll.u32 s26, $0x1;
	_ =	strace $0x80000052;
	[dreg:$0x1] =	wrdreg $0xFFFFFFFF  }
0xb6: {  	s28 =	simm.s32 $_size_execute0_lowered;
	s3 =	sadd.s32 s3, s5;
	[dreg:$0x0] =	wrdreg $0x0  }
0xb7: {  	s5 =	sshll.u32 s28, $0x1;
	[dreg:$0x2] =	wrdreg s3  }
0xb8: {  	[dreg:$0x3] =	wrdreg s5  }
0xb9: {  	[dreg:$0x4] =	wrdreg $0xC0  }
0xba: {  	_ =	task [dreg:s22], $0x5FFFF  }
0xbb: {  	[dreg:$0x1] =	wrdreg $0xFFFFFFFF  }
0xbc: {  	[dreg:$0x0] =	wrdreg $0x60  }
0xbd: {  	[dreg:$0x2] =	wrdreg s24  }
0xbe: {  	[dreg:$0x3] =	wrdreg $0x9  }
0xbf: {  	_ =	task.clear_ibuf [dreg:s22], $0x4FFFF;
	_ =	strace $0x90000052  }
0xc0: {  	s29 =	simm.s32 $0x9;
	_ =	strace $0x80000054  }
0xc1: {  	_ =	swait.ge [sflag:s29], $0x1  }
0xc2: {  	[sflag:s29] =	ssyncadd.s32 $0xFFFFFFFF  }
0xc3: {  	_ =	strace $0x90000054  }
0xc4: {  	_ =	sfence  }
0xc5: {  	s30 =	sld [smem:$0x0];
	_ =	sdelay $0x2  }
0xc6: {  	s31 =	sshll.u32 s1, $0xD;
	s1 =	sshrl.u32 s1, $0x2  }
0xc7: {  	s4 =	sand.u32 $0x4000, s31;
	s1 =	sadd.s32 s1, s30  }
0xc8: {  	s0 =	sor.u32 s4, s0;
	s1 =	sshll.u32 s1, $0x11  }
0xc9: {  	s0 =	sor.u32 s1, s0  }
0xca: {  	s0 =	sadd.s32 $0x8F2B, s0  }
0xcb: {  	[sflag:s0] =	ssyncadd.remote.s32 $0x1  }
0xcc: {  	_ =	sfence.sel $0xFFFF  }
0xcd: {  	[dreg:$0x0] =	wrdreg $0xFFFFFFFF;
	(pc) =	sbr.abs _section_cstart, $3  }
0xce: {  	[dreg:$0x1] =	wrdreg $0xFFFFFFFF  }
0xcf: {  	_ =	task.clear_ibuf [dreg:s22], $0x2FFFF;
	_ =	strace $0x9FFFFFFF  }
0xd0: {  	(tm) =	ssettm $0x7FFFFFFF  }
0xd1: {  	_ =	shalt  }
tec
execute0_lowered:
.L_overlay_start_1:
0x0: {  	(tag) =	ssettag $0x1  }
0x1: {  	s0 =	rddreg [dreg:$0x0]  }
0x2: {  	s2 =	simm.s32 $0x0;
	s1 =	srdreg.scid;
	s3 =	stileid.u32  }
0x3: {  	s17 =	simm.s32 $0x3;
	s18 =	simm.s32 $0x80;
	s19 =	simm.s32 $0x28  }
0x4: {  	s20 =	simm.s32 $0x200;
	s21 =	simm.s32 $0x1600;
	s22 =	simm.s32 $0x100  }
0x5: {  	s23 =	simm.s32 $0x180;
	s28 =	simm.s32 $0x5200;
	s29 =	simm.s32 $0x2  }
0x6: {  	s30 =	simm.s32 $0x0;
	[smem:$0x7FF] =	sst s2;
	s1 =	sand.u32 $0x1, s1  }
0x7: {  	s4 =	sshll.u32 s3, $0x1;
	s3 =	sadd.s32 $0x69E00, s0;
	s6 =	sadd.s32 $0xE800, s0  }
0x8: {  	s7 =	sadd.s32 $0x5E9600, s0;
	s8 =	sor.u32 s1, s4;
	s1 =	ssub.s32 $0x2, s1  }
0x9: {  	_ =	strace $0x80000053;
	s5 =	smul.u32 $0x2710, s8;
	s24 =	sshrl.u32 s1, $0x1  }
0xa: {  	s4 =	sadd.s32 $0x4A00, s0;
	s8 =	smul.u32 $0x138800, s8;
	s0 =	ssub.s32 s1, s24  }
0xb: {  	s24 =	simm.s32 $0x2A00;
	s25 =	sshrl.u32 s5, $0x3;
	s26 =	sadd.s32 $0x26E8, s5  }
0xc: {  	s10 =	sadd.s32 $0x28, s5;
	s8 =	sshrl.u32 s8, $0x3;
	s11 =	sadd.s32 $0x50, s5  }
0xd: {  	s16 =	smax.u32 s0, $0x1;
	s9 =	sadd.s32 s4, s25;
	s1 =	sadd.s32 s6, s25  }
0xe: {  	s31 =	sshrl.u32 s26, $0x3;
	s8 =	sadd.s32 s7, s8;
	[dreg:$0x2] =	wrdreg s9  }
0xf: {  	s25 =	simm.s32 $0x3E00;
	[dreg:$0x3] =	wrdreg s1;
	s12 =	sadd.s32 s4, s31  }
0x10: {  	s13 =	sadd.s32 s6, s31;
	s14 =	sadd.s32 $0x26C00, s8;
	s1 =	sshll.u32 s26, $0x4  }
0x11: {  	s26 =	simm.s32 $0x1;
	[dreg:$0x4] =	wrdreg s12;
	s15 =	sadd.s32 s7, s1  }
.LBB2_1:
0x12: {  	s0 =	rddreg [dreg:$0x2]  }
0x13: {  	[tilespmem:s2], [sflag:$0x3] =	stream.linear.gather [hbm4b:s0+s2], $0x28, $0x38;
	[tilespmem:$0x6600] =	vst v63  }
0x14: {  	_ =	swait.ge [sflag:s17], $0x28  }
0x15: {  	[sflag:s17] =	ssyncset.done $0x0  }
0x16: {  	s12 =	rddreg [dreg:$0x3];
	[sflag:s17] =	ssyncadd.s32 $0xFFFFFFD8  }
0x17: {  	[tilespmem:s18], [sflag:$0x3] =	stream.linear.gather [hbm4b:s12+s2], $0x28, $0x38;
	[tilespmem:$0x6600] =	vst v63  }
0x18: {  	_ =	swait.ge [sflag:s17], $0x28  }
0x19: {  	[sflag:s17] =	ssyncset.done $0x0  }
0x1a: {  	[sflag:s17] =	ssyncadd.s32 $0xFFFFFFD8  }
0x1b: {  	[tilespmem:s20], [sflag:$0x1] =	stream.indirect.gather [hbm4b:s3+s19], $0x80, s2, s19, $0xb8;
	[tilespmem:$0x6600] =	vst v63  }
0x1c: {  	s31 =	simm.s32 $0x0  }
0x1d: {  	[tilespmem:s21], [sflag:$0x1] =	stream.indirect.gather [hbm4b:s3+s19], $0x80, s18, s19, $0xb8;
	[tilespmem:$0x6600] =	vst v63  }
.LBB2_2:
0x1e: {  	s1 =	smul.u32 $0x50, s31;
	_ =	sdelay $0x1  }
0x1f: {  	s0 =	sadd.s32 s1, s10  }
0x20: {  	s8 =	sshrl.u32 s0, $0x3  }
0x21: {  	s12 =	simm.s32 $0x0;
	s9 =	sadd.s32 s4, s8  }
0x22: {  	[tilespmem:s22], [sflag:$0x3] =	stream.linear.gather [hbm4b:s9+s12], $0x28, $0x38;
	[tilespmem:$0x6600] =	vst v63  }
0x23: {  	_ =	swait.ge [sflag:s17], $0x28  }
0x24: {  	[sflag:s17] =	ssyncset.done $0x0  }
0x25: {  	s8 =	sadd.s32 s6, s8;
	[sflag:s17] =	ssyncadd.s32 $0xFFFFFFD8  }
0x26: {  	[tilespmem:s23], [sflag:$0x3] =	stream.linear.gather [hbm4b:s8+s12], $0x28, $0x38;
	[tilespmem:$0x6600] =	vst v63  }
0x27: {  	_ =	swait.ge [sflag:s17], $0x28  }
0x28: {  	[sflag:s17] =	ssyncset.done $0x0  }
0x29: {  	[sflag:s17] =	ssyncadd.s32 $0xFFFFFFD8  }
0x2a: {  	[tilespmem:s24], [sflag:$0x2] =	stream.indirect.gather [hbm4b:s3+s19], $0x80, s22, s19, $0xb8;
	[tilespmem:$0x6600] =	vst v63  }
0x2b: {  	_ = 	snop  }
0x2c: {  	[tilespmem:s25], [sflag:$0x2] =	stream.indirect.gather [hbm4b:s3+s19], $0x80, s23, s19, $0xb8;
	[tilespmem:$0x6600] =	vst v63  }
0x2d: {  	_ =	swait.ge [sflag:s26], $0x1400  }
0x2e: {  	[sflag:s26] =	ssyncset.done $0x0  }
0x2f: {  	[sflag:s26] =	ssyncadd.s32 $0xFFFFEC00  }
0x30: {  	_ =	swait.ge [sflag:s26], $0x1400  }
0x31: {  	[sflag:s26] =	ssyncset.done $0x0  }
0x32: {  	s8 =	simm.s32 $0x0;
	[sflag:s26] =	ssyncadd.s32 $0xFFFFEC00  }
0x33: {  	v0 =	vld [tilespmem:s8+$0x200]  }
0x34: {  	v1 =	vld [tilespmem:s8+$0x1600]  }
0x35: {  	v2 =	vld [tilespmem:s8+$0x210]  }
0x36: {  	v3 =	vld [tilespmem:s8+$0x1610]  }
0x37: {  	v4 =	vld [tilespmem:s8+$0x220]  }
0x38: {  	v5 =	vld [tilespmem:s8+$0x1620]  }
0x39: {  	v6 =	vld [tilespmem:s8+$0x230]  }
0x3a: {  	v7 =	vld [tilespmem:s8+$0x1630]  }
0x3b: {  	v0 =	vmul.f32 v1, v0;
	v1 =	vmul.f32 v3, v2;
	v2 =	vld [tilespmem:s8+$0x240]  }
0x3c: {  	v3 =	vld [tilespmem:s8+$0x1640]  }
0x3d: {  	v8 =	vld [tilespmem:s8+$0x1650];
	v0 =	vadd.f32 v1, v0;
	v1 =	vmul.f32 v5, v4  }
0x3e: {  	v5 =	vld [tilespmem:s8+$0x250]  }
0x3f: {  	v0 =	vadd.f32 v1, v0;
	v1 =	vmul.f32 v7, v6;
	v6 =	vld [tilespmem:s8+$0x260]  }
0x40: {  	v7 =	vld [tilespmem:s8+$0x1660]  }
0x41: {  	v4 =	vld [tilespmem:s8+$0x1670];
	v2 =	vmul.f32 v3, v2;
	v9 =	vadd.f32 v1, v0  }
0x42: {  	s9 =	simm.s32 $0x80;
	v1 =	vld [tilespmem:s8+$0x270]  }
0x43: {  	v3 =	vld [tilespmem:s9+$0x210];
	v5 =	vmul.f32 v8, v5;
	v9 =	vadd.f32 v2, v9  }
0x44: {  	v0 =	vld [tilespmem:s9+$0x200]  }
0x45: {  	s12 =	simm.s32 $0x400;
	v2 =	vld [tilespmem:s9+$0x1600];
	v6 =	vmul.f32 v7, v6;
	v5 =	vadd.f32 v5, v9  }
.LBB2_3:
0x46: {  	p0 =	sne.s32 s12, $0x4E00;
	v7 =	vld [tilespmem:s9+$0x1610]  }
0x47: {  	v8 =	vld [tilespmem:s9+$0x220];
	v5 =	vadd.f32 v6, v5;
	v1 =	vmul.f32 v4, v1  }
0x48: {  	v4 =	vld [tilespmem:s9+$0x1620]  }
0x49: {  	v6 =	vld [tilespmem:s9+$0x230];
	v1 =	vadd.f32 v1, v5  }
0x4a: {  	v5 =	vld [tilespmem:s9+$0x1630]  }
0x4b: {  	v0 =	vmul.f32 v2, v0;
	v2 =	vmul.f32 v7, v3;
	v3 =	vld [tilespmem:s9+$0x240];
	[tilespmem:s8+$0x5200] =	vst v1;
	s8 =	smov.u32 s9  }
0x4c: {  	v1 =	vld [tilespmem:s8+$0x1640]  }
0x4d: {  	v0 =	vadd.f32 v2, v0;
	v2 =	vmul.f32 v4, v8;
	v7 =	vld [tilespmem:s8+$0x250]  }
0x4e: {  	v8 =	vld [tilespmem:s8+$0x1650]  }
0x4f: {  	v0 =	vadd.f32 v2, v0;
	v2 =	vmul.f32 v5, v6;
	v6 =	vld [tilespmem:s8+$0x260]  }
0x50: {  	v9 =	vld [tilespmem:s8+$0x1660]  }
.Ltmp0:
0x51: {  	v2 =	vadd.f32 v2, v0;
	v3 =	vmul.f32 v1, v3;
	v1 =	vld [tilespmem:s8+$0x270];
	(pc) =	sbr.rel @p0 .LBB2_3-.Ltmp0, $4  }
0x52: {  	s9 =	sshra.s32 s12, $0x2;
	v4 =	vld [tilespmem:s8+$0x1670]  }
0x53: {  	v0 =	vld [tilespmem:s9+$0x200];
	v5 =	vadd.f32 v3, v2;
	v7 =	vmul.f32 v8, v7  }
0x54: {  	v2 =	vld [tilespmem:s9+$0x1600]  }
0x55: {  	s12 =	sadd.s32 $0x200, s12;
	v3 =	vld [tilespmem:s9+$0x210];
	v5 =	vadd.f32 v7, v5;
	v6 =	vmul.f32 v9, v6  }
0x56: {  	v7 =	vld [tilespmem:s9+$0x1610]  }
0x57: {  	v8 =	vld [tilespmem:s9+$0x220];
	v5 =	vadd.f32 v6, v5;
	v1 =	vmul.f32 v4, v1  }
0x58: {  	v4 =	vld [tilespmem:s9+$0x1620]  }
0x59: {  	v6 =	vld [tilespmem:s9+$0x230];
	v1 =	vadd.f32 v1, v5  }
0x5a: {  	v5 =	vld [tilespmem:s9+$0x1630]  }
0x5b: {  	v9 =	vld [tilespmem:s9+$0x240];
	v0 =	vmul.f32 v2, v0;
	v2 =	vmul.f32 v7, v3;
	[tilespmem:s8+$0x5200] =	vst v1  }
0x5c: {  	v1 =	vld [tilespmem:s9+$0x1640]  }
0x5d: {  	v3 =	vld [tilespmem:s9+$0x250];
	v0 =	vadd.f32 v2, v0;
	v2 =	vmul.f32 v4, v8  }
0x5e: {  	v4 =	vld [tilespmem:s9+$0x1650]  }
0x5f: {  	v0 =	vadd.f32 v2, v0;
	v2 =	vmul.f32 v5, v6;
	v5 =	vld [tilespmem:s9+$0x260]  }
0x60: {  	v6 =	vld [tilespmem:s9+$0x1660]  }
0x61: {  	v7 =	vld [tilespmem:s9+$0x1670];
	v0 =	vadd.f32 v2, v0;
	v1 =	vmul.f32 v1, v9  }
0x62: {  	v2 =	vld [tilespmem:s9+$0x270]  }
0x63: {  	v0 =	vadd.f32 v1, v0;
	v1 =	vmul.f32 v4, v3;
	_ =	sdelay $0x1  }
0x64: {  	v0 =	vadd.f32 v1, v0;
	v1 =	vmul.f32 v6, v5;
	_ =	sdelay $0x1  }
0x65: {  	v0 =	vadd.f32 v1, v0;
	v1 =	vmul.f32 v7, v2;
	_ =	sdelay $0x1  }
0x66: {  	s12 =	sadd.s32 s5, s1;
	v0 =	vadd.f32 v1, v0  }
0x67: {  	s8 =	sshll.u32 s12, $0x4  }
0x68: {  	s8 =	sadd.s32 s7, s8;
	[tilespmem:s9+$0x5200] =	vst v0;
	s9 =	simm.s32 $0x0  }
0x69: {  	[hbm4b:s8+s9] =	stream.linear.scatter [tilespmem:s28], [sflag:$0x3], $0x1400, $0x38;
	[tilespmem:$0x6600] =	vst v63  }
0x6a: {  	s8 =	sadd.s32 s1, s11;
	_ =	swait.ge [sflag:s17], $0x1400  }
0x6b: {  	s1 =	sshrl.u32 s8, $0x3;
	[sflag:s17] =	ssyncset.done $0x0  }
0x6c: {  	s12 =	sadd.s32 s4, s1;
	[sflag:s17] =	ssyncadd.s32 $0xFFFFEC00  }
0x6d: {  	[tilespmem:s9], [sflag:$0x3] =	stream.linear.gather [hbm4b:s12+s9], $0x28, $0x38;
	[tilespmem:$0x6600] =	vst v63  }
0x6e: {  	_ =	swait.ge [sflag:s17], $0x28  }
0x6f: {  	[sflag:s17] =	ssyncset.done $0x0  }
0x70: {  	s1 =	sadd.s32 s6, s1;
	[sflag:s17] =	ssyncadd.s32 $0xFFFFFFD8  }
0x71: {  	[tilespmem:s18], [sflag:$0x3] =	stream.linear.gather [hbm4b:s1+s9], $0x28, $0x38;
	[tilespmem:$0x6600] =	vst v63  }
0x72: {  	_ =	swait.ge [sflag:s17], $0x28  }
0x73: {  	[sflag:s17] =	ssyncset.done $0x0  }
0x74: {  	[sflag:s17] =	ssyncadd.s32 $0xFFFFFFD8  }
0x75: {  	[tilespmem:s20], [sflag:$0x1] =	stream.indirect.gather [hbm4b:s3+s19], $0x80, s9, s19, $0xb8;
	[tilespmem:$0x6600] =	vst v63  }
0x76: {  	_ = 	snop  }
0x77: {  	[tilespmem:s21], [sflag:$0x1] =	stream.indirect.gather [hbm4b:s3+s19], $0x80, s18, s19, $0xb8;
	[tilespmem:$0x6600] =	vst v63  }
0x78: {  	_ =	swait.ge [sflag:s29], $0x1400  }
0x79: {  	[sflag:s29] =	ssyncset.done $0x0  }
0x7a: {  	[sflag:s29] =	ssyncadd.s32 $0xFFFFEC00  }
0x7b: {  	_ =	swait.ge [sflag:s29], $0x1400  }
0x7c: {  	[sflag:s29] =	ssyncset.done $0x0  }
0x7d: {  	s1 =	simm.s32 $0x0;
	[sflag:s29] =	ssyncadd.s32 $0xFFFFEC00  }
0x7e: {  	v0 =	vld [tilespmem:s1+$0x2A00]  }
0x7f: {  	v1 =	vld [tilespmem:s1+$0x3E00]  }
0x80: {  	v2 =	vld [tilespmem:s1+$0x2A10]  }
0x81: {  	v3 =	vld [tilespmem:s1+$0x3E10]  }
0x82: {  	v4 =	vld [tilespmem:s1+$0x2A20]  }
0x83: {  	v5 =	vld [tilespmem:s1+$0x3E20]  }
0x84: {  	v6 =	vld [tilespmem:s1+$0x2A30]  }
0x85: {  	v7 =	vld [tilespmem:s1+$0x3E30]  }
0x86: {  	v0 =	vmul.f32 v1, v0;
	v1 =	vmul.f32 v3, v2;
	v2 =	vld [tilespmem:s1+$0x2A40]  }
0x87: {  	v3 =	vld [tilespmem:s1+$0x3E40]  }
0x88: {  	v8 =	vld [tilespmem:s1+$0x3E50];
	v0 =	vadd.f32 v1, v0;
	v1 =	vmul.f32 v5, v4  }
0x89: {  	v5 =	vld [tilespmem:s1+$0x2A50]  }
0x8a: {  	v0 =	vadd.f32 v1, v0;
	v1 =	vmul.f32 v7, v6;
	v6 =	vld [tilespmem:s1+$0x2A60]  }
0x8b: {  	v7 =	vld [tilespmem:s1+$0x3E60]  }
0x8c: {  	v4 =	vld [tilespmem:s1+$0x3E70];
	v2 =	vmul.f32 v3, v2;
	v63 =	vadd.f32 v1, v0  }
0x8d: {  	s8 =	simm.s32 $0x80;
	v1 =	vld [tilespmem:s1+$0x2A70]  }
0x8e: {  	v3 =	vld [tilespmem:s8+$0x2A10];
	v5 =	vmul.f32 v8, v5;
	v9 =	vadd.f32 v2, v63  }
0x8f: {  	v0 =	vld [tilespmem:s8+$0x2A00]  }
0x90: {  	s9 =	simm.s32 $0x400;
	v2 =	vld [tilespmem:s8+$0x3E00];
	v6 =	vmul.f32 v7, v6;
	v5 =	vadd.f32 v5, v9  }
.LBB2_5:
0x91: {  	p0 =	sne.s32 s9, $0x4E00;
	v7 =	vld [tilespmem:s8+$0x3E10]  }
0x92: {  	v8 =	vld [tilespmem:s8+$0x2A20];
	v5 =	vadd.f32 v6, v5;
	v1 =	vmul.f32 v4, v1  }
0x93: {  	v4 =	vld [tilespmem:s8+$0x3E20]  }
0x94: {  	v6 =	vld [tilespmem:s8+$0x2A30];
	v1 =	vadd.f32 v1, v5  }
0x95: {  	v5 =	vld [tilespmem:s8+$0x3E30]  }
0x96: {  	v0 =	vmul.f32 v2, v0;
	v2 =	vmul.f32 v7, v3;
	v3 =	vld [tilespmem:s8+$0x2A40];
	[tilespmem:s1+$0x5200] =	vst v1;
	s1 =	smov.u32 s8  }
0x97: {  	v1 =	vld [tilespmem:s1+$0x3E40]  }
0x98: {  	v0 =	vadd.f32 v2, v0;
	v2 =	vmul.f32 v4, v8;
	v7 =	vld [tilespmem:s1+$0x2A50]  }
0x99: {  	v8 =	vld [tilespmem:s1+$0x3E50]  }
0x9a: {  	v0 =	vadd.f32 v2, v0;
	v2 =	vmul.f32 v5, v6;
	v6 =	vld [tilespmem:s1+$0x2A60]  }
0x9b: {  	v9 =	vld [tilespmem:s1+$0x3E60]  }
.Ltmp1:
0x9c: {  	v2 =	vadd.f32 v2, v0;
	v3 =	vmul.f32 v1, v3;
	v1 =	vld [tilespmem:s1+$0x2A70];
	(pc) =	sbr.rel @p0 .LBB2_5-.Ltmp1, $4  }
0x9d: {  	s8 =	sshra.s32 s9, $0x2;
	v4 =	vld [tilespmem:s1+$0x3E70]  }
0x9e: {  	v0 =	vld [tilespmem:s8+$0x2A00];
	v5 =	vadd.f32 v3, v2;
	v7 =	vmul.f32 v8, v7  }
0x9f: {  	v2 =	vld [tilespmem:s8+$0x3E00]  }
0xa0: {  	s9 =	sadd.s32 $0x200, s9;
	v3 =	vld [tilespmem:s8+$0x2A10];
	v5 =	vadd.f32 v7, v5;
	v6 =	vmul.f32 v9, v6  }
0xa1: {  	v7 =	vld [tilespmem:s8+$0x3E10]  }
0xa2: {  	v8 =	vld [tilespmem:s8+$0x2A20];
	v5 =	vadd.f32 v6, v5;
	v1 =	vmul.f32 v4, v1  }
0xa3: {  	v49 =	vld [tilespmem:s8+$0x3E20]  }
0xa4: {  	v50 =	vld [tilespmem:s8+$0x2A30];
	v1 =	vadd.f32 v1, v5  }
0xa5: {  	v51 =	vld [tilespmem:s8+$0x3E30]  }
0xa6: {  	v9 =	vld [tilespmem:s8+$0x2A40];
	v0 =	vmul.f32 v2, v0;
	v52 =	vmul.f32 v7, v3;
	[tilespmem:s1+$0x5200] =	vst v1  }
0xa7: {  	v1 =	vld [tilespmem:s8+$0x3E40]  }
0xa8: {  	v53 =	vmul.f32 v49, v8;
	v54 =	vld [tilespmem:s8+$0x2A50];
	v0 =	vadd.f32 v52, v0  }
0xa9: {  	v55 =	vld [tilespmem:s8+$0x3E50]  }
0xaa: {  	v56 =	vmul.f32 v51, v50;
	v57 =	vld [tilespmem:s8+$0x2A60];
	v0 =	vadd.f32 v53, v0  }
0xab: {  	v58 =	vld [tilespmem:s8+$0x3E60]  }
0xac: {  	v59 =	vld [tilespmem:s8+$0x2A70];
	v0 =	vadd.f32 v56, v0;
	v1 =	vmul.f32 v1, v9  }
0xad: {  	v60 =	vld [tilespmem:s8+$0x3E70]  }
0xae: {  	v61 =	vmul.f32 v55, v54;
	v0 =	vadd.f32 v1, v0;
	_ =	sdelay $0x1  }
0xaf: {  	v62 =	vmul.f32 v58, v57;
	v0 =	vadd.f32 v61, v0;
	_ =	sdelay $0x1  }
0xb0: {  	v63 =	vmul.f32 v60, v59;
	v0 =	vadd.f32 v62, v0;
	_ =	sdelay $0x1  }
0xb1: {  	s31 =	sadd.s32 $0x1, s31;
	v0 =	vadd.f32 v63, v0  }
0xb2: {  	s0 =	sshll.u32 s0, $0x4;
	p0 =	sne.s32 s31, $0x7C  }
.Ltmp2:
0xb3: {  	s0 =	sadd.s32 s7, s0;
	[tilespmem:s8+$0x5200] =	vst v0;
	(pc) =	sbr.rel @p0 .LBB2_2-.Ltmp2, $4  }
0xb4: {  	[hbm4b:s0+s2] =	stream.linear.scatter [tilespmem:s28], [sflag:$0x3], $0x1400, $0x38;
	[tilespmem:$0x6600] =	vst v63  }
0xb5: {  	_ =	swait.ge [sflag:s17], $0x1400  }
0xb6: {  	[sflag:s17] =	ssyncset.done $0x0  }
0xb7: {  	[sflag:s17] =	ssyncadd.s32 $0xFFFFEC00  }
0xb8: {  	s0 =	simm.s32 $0x0;
	s1 =	rddreg [dreg:$0x4]  }
0xb9: {  	[tilespmem:s22], [sflag:$0x3] =	stream.linear.gather [hbm4b:s1+s0], $0x28, $0x38;
	[tilespmem:$0x6600] =	vst v63  }
0xba: {  	_ =	swait.ge [sflag:s17], $0x28  }
0xbb: {  	[sflag:s17] =	ssyncset.done $0x0  }
0xbc: {  	[sflag:s17] =	ssyncadd.s32 $0xFFFFFFD8  }
0xbd: {  	[tilespmem:s23], [sflag:$0x3] =	stream.linear.gather [hbm4b:s13+s0], $0x28, $0x38;
	[tilespmem:$0x6600] =	vst v63  }
0xbe: {  	_ =	swait.ge [sflag:s17], $0x28  }
0xbf: {  	[sflag:s17] =	ssyncset.done $0x0  }
0xc0: {  	[sflag:s17] =	ssyncadd.s32 $0xFFFFFFD8  }
0xc1: {  	[tilespmem:s24], [sflag:$0x2] =	stream.indirect.gather [hbm4b:s3+s19], $0x80, s22, s19, $0xb8;
	[tilespmem:$0x6600] =	vst v63  }
0xc2: {  	_ = 	snop  }
0xc3: {  	[tilespmem:s25], [sflag:$0x2] =	stream.indirect.gather [hbm4b:s3+s19], $0x80, s23, s19, $0xb8;
	[tilespmem:$0x6600] =	vst v63  }
0xc4: {  	_ =	swait.ge [sflag:s26], $0x1400  }
0xc5: {  	[sflag:s26] =	ssyncset.done $0x0  }
0xc6: {  	[sflag:s26] =	ssyncadd.s32 $0xFFFFEC00  }
0xc7: {  	_ =	swait.ge [sflag:s26], $0x1400  }
0xc8: {  	[sflag:s26] =	ssyncset.done $0x0  }
0xc9: {  	s0 =	simm.s32 $0x0;
	[sflag:s26] =	ssyncadd.s32 $0xFFFFEC00  }
0xca: {  	v0 =	vld [tilespmem:s0+$0x200]  }
0xcb: {  	v1 =	vld [tilespmem:s0+$0x1600]  }
0xcc: {  	v2 =	vld [tilespmem:s0+$0x210]  }
0xcd: {  	v3 =	vld [tilespmem:s0+$0x1610]  }
0xce: {  	v4 =	vld [tilespmem:s0+$0x220]  }
0xcf: {  	v5 =	vld [tilespmem:s0+$0x1620]  }
0xd0: {  	v6 =	vld [tilespmem:s0+$0x230]  }
0xd1: {  	v7 =	vld [tilespmem:s0+$0x1630]  }
0xd2: {  	v0 =	vmul.f32 v1, v0;
	v1 =	vmul.f32 v3, v2;
	v2 =	vld [tilespmem:s0+$0x240]  }
0xd3: {  	v3 =	vld [tilespmem:s0+$0x1640]  }
0xd4: {  	v8 =	vld [tilespmem:s0+$0x1650];
	v0 =	vadd.f32 v1, v0;
	v1 =	vmul.f32 v5, v4  }
0xd5: {  	v5 =	vld [tilespmem:s0+$0x250]  }
0xd6: {  	v0 =	vadd.f32 v1, v0;
	v1 =	vmul.f32 v7, v6;
	v6 =	vld [tilespmem:s0+$0x260]  }
0xd7: {  	v7 =	vld [tilespmem:s0+$0x1660]  }
0xd8: {  	v4 =	vld [tilespmem:s0+$0x1670];
	v2 =	vmul.f32 v3, v2;
	v9 =	vadd.f32 v1, v0  }
0xd9: {  	s1 =	simm.s32 $0x80;
	v1 =	vld [tilespmem:s0+$0x270]  }
0xda: {  	v3 =	vld [tilespmem:s1+$0x210];
	v5 =	vmul.f32 v8, v5;
	v9 =	vadd.f32 v2, v9  }
0xdb: {  	v0 =	vld [tilespmem:s1+$0x200]  }
0xdc: {  	s8 =	simm.s32 $0x400;
	v2 =	vld [tilespmem:s1+$0x1600];
	v6 =	vmul.f32 v7, v6;
	v5 =	vadd.f32 v5, v9  }
.LBB2_8:
0xdd: {  	p0 =	sne.s32 s8, $0x4E00;
	v7 =	vld [tilespmem:s1+$0x1610]  }
0xde: {  	v8 =	vld [tilespmem:s1+$0x220];
	v5 =	vadd.f32 v6, v5;
	v1 =	vmul.f32 v4, v1  }
0xdf: {  	v4 =	vld [tilespmem:s1+$0x1620]  }
0xe0: {  	v6 =	vld [tilespmem:s1+$0x230];
	v1 =	vadd.f32 v1, v5  }
0xe1: {  	v5 =	vld [tilespmem:s1+$0x1630]  }
0xe2: {  	v0 =	vmul.f32 v2, v0;
	v2 =	vmul.f32 v7, v3;
	v3 =	vld [tilespmem:s1+$0x240];
	[tilespmem:s0+$0x5200] =	vst v1;
	s0 =	smov.u32 s1  }
0xe3: {  	v1 =	vld [tilespmem:s0+$0x1640]  }
0xe4: {  	v0 =	vadd.f32 v2, v0;
	v2 =	vmul.f32 v4, v8;
	v7 =	vld [tilespmem:s0+$0x250]  }
0xe5: {  	v8 =	vld [tilespmem:s0+$0x1650]  }
0xe6: {  	v0 =	vadd.f32 v2, v0;
	v2 =	vmul.f32 v5, v6;
	v6 =	vld [tilespmem:s0+$0x260]  }
0xe7: {  	v9 =	vld [tilespmem:s0+$0x1660]  }
.Ltmp3:
0xe8: {  	v2 =	vadd.f32 v2, v0;
	v3 =	vmul.f32 v1, v3;
	v1 =	vld [tilespmem:s0+$0x270];
	(pc) =	sbr.rel @p0 .LBB2_8-.Ltmp3, $4  }
0xe9: {  	s1 =	sshra.s32 s8, $0x2;
	v4 =	vld [tilespmem:s0+$0x1670]  }
0xea: {  	v0 =	vld [tilespmem:s1+$0x200];
	v5 =	vadd.f32 v3, v2;
	v7 =	vmul.f32 v8, v7  }
0xeb: {  	v2 =	vld [tilespmem:s1+$0x1600]  }
0xec: {  	s8 =	sadd.s32 $0x200, s8;
	v3 =	vld [tilespmem:s1+$0x210];
	v5 =	vadd.f32 v7, v5;
	v6 =	vmul.f32 v9, v6  }
0xed: {  	v7 =	vld [tilespmem:s1+$0x1610]  }
0xee: {  	v8 =	vld [tilespmem:s1+$0x220];
	v5 =	vadd.f32 v6, v5;
	v1 =	vmul.f32 v4, v1  }
0xef: {  	v4 =	vld [tilespmem:s1+$0x1620]  }
0xf0: {  	v6 =	vld [tilespmem:s1+$0x230];
	v1 =	vadd.f32 v1, v5  }
0xf1: {  	v5 =	vld [tilespmem:s1+$0x1630]  }
0xf2: {  	v9 =	vld [tilespmem:s1+$0x240];
	v0 =	vmul.f32 v2, v0;
	v2 =	vmul.f32 v7, v3;
	[tilespmem:s0+$0x5200] =	vst v1  }
0xf3: {  	v1 =	vld [tilespmem:s1+$0x1640]  }
0xf4: {  	v3 =	vld [tilespmem:s1+$0x250];
	v0 =	vadd.f32 v2, v0;
	v2 =	vmul.f32 v4, v8  }
0xf5: {  	v4 =	vld [tilespmem:s1+$0x1650]  }
0xf6: {  	v0 =	vadd.f32 v2, v0;
	v2 =	vmul.f32 v5, v6;
	v5 =	vld [tilespmem:s1+$0x260]  }
0xf7: {  	v6 =	vld [tilespmem:s1+$0x1660]  }
0xf8: {  	v7 =	vld [tilespmem:s1+$0x1670];
	v0 =	vadd.f32 v2, v0;
	v1 =	vmul.f32 v1, v9  }
0xf9: {  	v2 =	vld [tilespmem:s1+$0x270]  }
0xfa: {  	v0 =	vadd.f32 v1, v0;
	v1 =	vmul.f32 v4, v3;
	_ =	sdelay $0x1  }
0xfb: {  	v0 =	vadd.f32 v1, v0;
	v1 =	vmul.f32 v6, v5;
	_ =	sdelay $0x1  }
0xfc: {  	v0 =	vadd.f32 v1, v0;
	v1 =	vmul.f32 v7, v2;
	_ =	sdelay $0x1  }
0xfd: {  	v0 =	vadd.f32 v1, v0;
	_ =	sdelay $0x1  }
0xfe: {  	s31 =	simm.s32 $0x0;
	[tilespmem:s1+$0x5200] =	vst v0  }
0xff: {  	[hbm4b:s14+s31] =	stream.linear.scatter [tilespmem:s28], [sflag:$0x3], $0x1400, $0x38;
	[tilespmem:$0x6600] =	vst v63  }
0x100: {  	_ =	swait.ge [sflag:s17], $0x1400  }
0x101: {  	[sflag:s17] =	ssyncset.done $0x0  }
0x102: {  	[sflag:s17] =	ssyncadd.s32 $0xFFFFEC00  }
0x103: {  	_ =	swait.ge [sflag:s29], $0x1400  }
0x104: {  	[sflag:s29] =	ssyncset.done $0x0  }
0x105: {  	[sflag:s29] =	ssyncadd.s32 $0xFFFFEC00  }
0x106: {  	_ =	swait.ge [sflag:s29], $0x1400  }
0x107: {  	[sflag:s29] =	ssyncset.done $0x0  }
0x108: {  	s0 =	simm.s32 $0x0;
	[sflag:s29] =	ssyncadd.s32 $0xFFFFEC00  }
0x109: {  	v0 =	vld [tilespmem:s0+$0x2A00]  }
0x10a: {  	v1 =	vld [tilespmem:s0+$0x3E00]  }
0x10b: {  	v2 =	vld [tilespmem:s0+$0x2A10]  }
0x10c: {  	v3 =	vld [tilespmem:s0+$0x3E10]  }
0x10d: {  	v4 =	vld [tilespmem:s0+$0x2A20]  }
0x10e: {  	v5 =	vld [tilespmem:s0+$0x3E20]  }
0x10f: {  	v6 =	vld [tilespmem:s0+$0x2A30]  }
0x110: {  	v7 =	vld [tilespmem:s0+$0x3E30]  }
0x111: {  	v0 =	vmul.f32 v1, v0;
	v1 =	vmul.f32 v3, v2;
	v2 =	vld [tilespmem:s0+$0x2A40]  }
0x112: {  	v3 =	vld [tilespmem:s0+$0x3E40]  }
0x113: {  	v8 =	vld [tilespmem:s0+$0x3E50];
	v0 =	vadd.f32 v1, v0;
	v1 =	vmul.f32 v5, v4  }
0x114: {  	v5 =	vld [tilespmem:s0+$0x2A50]  }
0x115: {  	v0 =	vadd.f32 v1, v0;
	v1 =	vmul.f32 v7, v6;
	v6 =	vld [tilespmem:s0+$0x2A60]  }
0x116: {  	v7 =	vld [tilespmem:s0+$0x3E60]  }
0x117: {  	v4 =	vld [tilespmem:s0+$0x3E70];
	v2 =	vmul.f32 v3, v2;
	v63 =	vadd.f32 v1, v0  }
0x118: {  	s1 =	simm.s32 $0x80;
	v1 =	vld [tilespmem:s0+$0x2A70]  }
0x119: {  	v3 =	vld [tilespmem:s1+$0x2A10];
	v5 =	vmul.f32 v8, v5;
	v9 =	vadd.f32 v2, v63  }
0x11a: {  	v0 =	vld [tilespmem:s1+$0x2A00]  }
0x11b: {  	s8 =	simm.s32 $0x400;
	v2 =	vld [tilespmem:s1+$0x3E00];
	v6 =	vmul.f32 v7, v6;
	v5 =	vadd.f32 v5, v9  }
.LBB2_10:
0x11c: {  	p0 =	sne.s32 s8, $0x4E00;
	v7 =	vld [tilespmem:s1+$0x3E10]  }
0x11d: {  	v8 =	vld [tilespmem:s1+$0x2A20];
	v5 =	vadd.f32 v6, v5;
	v1 =	vmul.f32 v4, v1  }
0x11e: {  	v4 =	vld [tilespmem:s1+$0x3E20]  }
0x11f: {  	v6 =	vld [tilespmem:s1+$0x2A30];
	v1 =	vadd.f32 v1, v5  }
0x120: {  	v5 =	vld [tilespmem:s1+$0x3E30]  }
0x121: {  	v0 =	vmul.f32 v2, v0;
	v2 =	vmul.f32 v7, v3;
	v3 =	vld [tilespmem:s1+$0x2A40];
	[tilespmem:s0+$0x5200] =	vst v1;
	s0 =	smov.u32 s1  }
0x122: {  	v1 =	vld [tilespmem:s0+$0x3E40]  }
0x123: {  	v0 =	vadd.f32 v2, v0;
	v2 =	vmul.f32 v4, v8;
	v7 =	vld [tilespmem:s0+$0x2A50]  }
0x124: {  	v8 =	vld [tilespmem:s0+$0x3E50]  }
0x125: {  	v0 =	vadd.f32 v2, v0;
	v2 =	vmul.f32 v5, v6;
	v6 =	vld [tilespmem:s0+$0x2A60]  }
0x126: {  	v9 =	vld [tilespmem:s0+$0x3E60]  }
.Ltmp4:
0x127: {  	v2 =	vadd.f32 v2, v0;
	v3 =	vmul.f32 v1, v3;
	v1 =	vld [tilespmem:s0+$0x2A70];
	(pc) =	sbr.rel @p0 .LBB2_10-.Ltmp4, $4  }
0x128: {  	s1 =	sshra.s32 s8, $0x2;
	v4 =	vld [tilespmem:s0+$0x3E70]  }
0x129: {  	v0 =	vld [tilespmem:s1+$0x2A00];
	v5 =	vadd.f32 v3, v2;
	v7 =	vmul.f32 v8, v7  }
0x12a: {  	v2 =	vld [tilespmem:s1+$0x3E00]  }
0x12b: {  	s8 =	sadd.s32 $0x200, s8;
	v3 =	vld [tilespmem:s1+$0x2A10];
	v5 =	vadd.f32 v7, v5;
	v6 =	vmul.f32 v9, v6  }
0x12c: {  	v7 =	vld [tilespmem:s1+$0x3E10]  }
0x12d: {  	v8 =	vld [tilespmem:s1+$0x2A20];
	v5 =	vadd.f32 v6, v5;
	v1 =	vmul.f32 v4, v1  }
0x12e: {  	v49 =	vld [tilespmem:s1+$0x3E20]  }
0x12f: {  	v50 =	vld [tilespmem:s1+$0x2A30];
	v1 =	vadd.f32 v1, v5  }
0x130: {  	v51 =	vld [tilespmem:s1+$0x3E30]  }
0x131: {  	v9 =	vld [tilespmem:s1+$0x2A40];
	v0 =	vmul.f32 v2, v0;
	v52 =	vmul.f32 v7, v3;
	[tilespmem:s0+$0x5200] =	vst v1  }
0x132: {  	v1 =	vld [tilespmem:s1+$0x3E40]  }
0x133: {  	v53 =	vmul.f32 v49, v8;
	v54 =	vld [tilespmem:s1+$0x2A50];
	v0 =	vadd.f32 v52, v0  }
0x134: {  	v55 =	vld [tilespmem:s1+$0x3E50]  }
0x135: {  	v56 =	vmul.f32 v51, v50;
	v57 =	vld [tilespmem:s1+$0x2A60];
	v0 =	vadd.f32 v53, v0  }
0x136: {  	v58 =	vld [tilespmem:s1+$0x3E60]  }
0x137: {  	v59 =	vld [tilespmem:s1+$0x2A70];
	v0 =	vadd.f32 v56, v0;
	v1 =	vmul.f32 v1, v9  }
0x138: {  	v60 =	vld [tilespmem:s1+$0x3E70]  }
0x139: {  	v61 =	vmul.f32 v55, v54;
	v0 =	vadd.f32 v1, v0;
	_ =	sdelay $0x1  }
0x13a: {  	v62 =	vmul.f32 v58, v57;
	v0 =	vadd.f32 v61, v0;
	_ =	sdelay $0x1  }
0x13b: {  	v63 =	vmul.f32 v60, v59;
	v0 =	vadd.f32 v62, v0;
	_ =	sdelay $0x1  }
0x13c: {  	s30 =	sadd.s32 $0x1, s30;
	v0 =	vadd.f32 v63, v0  }
0x13d: {  	p0 =	sne.s32 s30, s16  }
.Ltmp5:
0x13e: {  	[tilespmem:s1+$0x5200] =	vst v0;
	(pc) =	sbr.rel @p0 .LBB2_1-.Ltmp5, $4  }
0x13f: {  	[hbm4b:s15+s2] =	stream.linear.scatter [tilespmem:s28], [sflag:$0x3], $0x1400, $0x38;
	[tilespmem:$0x6600] =	vst v63  }
0x140: {  	_ =	swait.ge [sflag:s17], $0x1400  }
0x141: {  	[sflag:s17] =	ssyncset.done $0x0  }
0x142: {  	[sflag:s17] =	ssyncadd.s32 $0xFFFFEC00  }
0x143: {  	_ =	sfence.sel $0x180000  }
0x144: {  	[bflag:$0x0] =	sbarrier.arrive $0xFFFF  }
0x145: {  	_ =	strace $0x90000053  }
0x146: {  	s0 =	stileid.u32;
	[bflag:$0x2] =	sbarrier.arrive $0xFFFF  }
0x147: {  	p0 =	sne.s32 s0, $0x0;
	s0 =	rddreg [dreg:$0x1]  }
0x148: {  	s0 =	sadd.s32 @!p0 $0x100000, s0  }
0x149: {  	[sflag:s0] =	ssyncadd.tile.s32 @!p0 $0x1;
	_ =	shalt  }
.Lfunc_end2:
_tile_overlayer_lowered:
.L_overlay_start_2:
0x14a: {  	(tag) =	ssettag $0x2  }
0x14b: {  	s0 =	rddreg [dreg:$0x0];
	s2 =	stileid.u32  }
0x14c: {  	s1 =	rddreg [dreg:$0x1];
	p0 =	sne.s32 s2, $0x0  }
0x14d: {  	s3 =	rddreg [dreg:$0x2];
	[bflag:$0x3] =	sbarrier.arrive $0xFFFF;
	s2 =	simm.s32 @!p0 $0x1C03  }
0x14e: {  	[timem:s3], [sflag:s2] =	dma.local @!p0 [hbm:s0], s1  }
0x14f: {  	s0 =	simm.s32 @!p0 $0x3  }
0x150: {  	_ =	swait.ge @!p0 [sflag:s0], s1  }
0x151: {  	s1 =	ssub.s32 @!p0 $0x0, s1;
	[sflag:s0] =	ssyncset.done @!p0 $0x0  }
0x152: {  	[sflag:s0] =	ssyncadd.s32 @!p0 s1  }
0x153: {  	[bflag:$0x3] =	sbarrier.arrive $0xFFFF  }
0x154: {  	_ =	shalt  }

// kernel: kernel.29.cloned.1.call-start
scs
__scs_entry_jumppad:
0x0: {  	(pc) =	sbr.rel $0x88, $3  }
0x1: {  	(tag) =	ssettag $0x0;
	lr =	simm.s32 $0x1  }
0x2: {  	[smem:$0x3F9C] =	sst lr;
	_ =	strace $0xD0000000  }
0x3: {  	_ = 	snop  }
0x4: {  	_ = 	snop  }
0x5: {  	_ = 	snop  }
0x6: {  	_ = 	snop  }
0x7: {  	_ = 	snop  }
__scs_overlays_trampoline_lowered:
0x8: {  	[smem:$0x3FAB] =	sst s0  }
0x9: {  	[smem:$0x3FAC] =	sst s1  }
0xa: {  	[smem:$0x3FAD] =	sst s2  }
0xb: {  	[smem:$0x3FAE] =	sst s3  }
0xc: {  	[smem:$0x3FAF] =	sst s4  }
0xd: {  	[smem:$0x3FB0] =	sst s5  }
0xe: {  	[smem:$0x3FB1] =	sst s6  }
0xf: {  	[smem:$0x3FB2] =	sst s7  }
0x10: {  	[smem:$0x3FB3] =	sst s8  }
0x11: {  	[smem:$0x3FB4] =	sst s9;
	s0 =	simm.s32 @!p0 $0x0  }
0x12: {  	s1 =	sld [smem:$0x3F9A];
	s0 =	simm.s32 @p0 $0x1  }
0x13: {  	[smem:$0x3FB5] =	sst s0;
	s0 =	simm.s32 @!p1 $0x0  }
0x14: {  	s2 =	sld [smem:$0x3F99];
	s0 =	simm.s32 @p1 $0x1  }
0x15: {  	[smem:$0x3FB6] =	sst s0;
	s0 =	simm.s32 @!p2 $0x0  }
0x16: {  	s3 =	sld [smem:$0x3FDB];
	s0 =	simm.s32 @p2 $0x1  }
0x17: {  	s4 =	simm.s32 $0x1BF5;
	[smem:$0x3FB8] =	sst s0  }
0x18: {  	s0 =	sld [smem:$0x3F9B];
	_ =	swait.ge [sflag:s4], $0x0  }
0x19: {  	s7 =	sld [smem:$0x3F9C]  }
0x1a: {  	s8 =	sadd.s32 $0xFFFFE003, lr  }
0x1b: {  	s9 =	sadd.s32 $0xFFFFFEF7, lr;
	s5 =	simm.s32 $0xFFFFFFFF;
	p2 =	slt.u32 s8, $0xFFFFF086  }
0x1c: {  	p1 =	slt.u32 s9, $0xF7A;
	s5 =	simm.s32 @!p2 $0x0  }
0x1d: {  	s5 =	simm.s32 @p1 $0x1;
	p0 =	seq.s32 s7, s2  }
0x1e: {  	s7 =	smul.u32 @!p0 $0xF7A, s2;
	p2 =	seq.s32 @!p0 s5, $0x0  }
0x1f: {  	s9 =	smul.u32 $0xF7A, s1;
	s8 =	simm.s32 @!p0 $0x1BF5;
	p2 =	por !p2, p0  }
0x20: {  	[sflag:s8] =	ssyncset.s32 @!p0 $0xFFFFF086;
	s6 =	sadd.s32 @!p0 s3, s7;
	s7 =	simm.s32 @!p0 $0x108  }
0x21: {  	s3 =	sadd.s32 s3, s9;
	s6 =	sadd.s32 @!p0 $0x88, s6;
	s7 =	simm.s32 @p2 $0x1082  }
0x22: {  	[simem:s7], [sflag:s8] =	dma.local @!p0 [hbm:s6], $0xF7A  }
0x23: {  	s9 =	sor.u32 $0xD0000000, s2;
	s6 =	simm.s32 $0x108;
	_ =	swait.ge @!p0 [sflag:s8], $0x0  }
0x24: {  	s3 =	sadd.s32 $0x88, s3;
	s6 =	simm.s32 @!p1 $0x1082;
	[sflag:s4] =	ssyncset.s32 $0xFFFFF086  }
0x25: {  	[simem:s6], [sflag:s4] =	dma.local [hbm:s3], $0xF7A  }
0x26: {  	[smem:$0x3F9C] =	sst s1;
	(tag) =	ssettag s2;
	_ =	strace s9  }
0x27: {  	s1 =	sld [smem:$0x3FAC]  }
0x28: {  	s2 =	sld [smem:$0x3FAD]  }
0x29: {  	s4 =	sld [smem:$0x3FAF]  }
0x2a: {  	p0 =	seq.s32 s5, $0x0;
	s5 =	sld [smem:$0x3FB0]  }
0x2b: {  	s6 =	sld [smem:$0x3FB1]  }
0x2c: {  	s7 =	sld [smem:$0x3FB2]  }
0x2d: {  	s3 =	simm.s32 $0x108;
	s8 =	sld [smem:$0x3FB3]  }
0x2e: {  	s3 =	simm.s32 @!p0 $0x1082;
	s9 =	sld [smem:$0x3FB4]  }
0x2f: {  	lr =	sadd.s32 s0, s3;
	s0 =	sld [smem:$0x3FAB]  }
0x30: {  	s3 =	sld [smem:$0x3FAE]  }
0x31: {  	[smem:$0x3FB7] =	sst s10  }
0x32: {  	s10 =	sld [smem:$0x3FB5];
	_ =	sdelay $0x3  }
0x33: {  	p0 =	seq.s32 s10, $0x1;
	s10 =	sld [smem:$0x3FB7];
	_ =	sdelay $0x3  }
0x34: {  	[smem:$0x3FB7] =	sst s10  }
0x35: {  	s10 =	sld [smem:$0x3FB6];
	_ =	sdelay $0x3  }
0x36: {  	p1 =	seq.s32 s10, $0x1;
	s10 =	sld [smem:$0x3FB7];
	_ =	sdelay $0x3  }
0x37: {  	[smem:$0x3FB7] =	sst s10  }
0x38: {  	s10 =	sld [smem:$0x3FB8]  }
0x39: {  	_ = 	snop;
	(pc) =	sbr.ind lr, $3  }
0x3a: {  	_ = 	snop  }
0x3b: {  	_ = 	snop  }
0x3c: {  	p2 =	seq.s32 s10, $0x1;
	s10 =	sld [smem:$0x3FB7]  }
0x3d: {  	_ =	shalt  }
0x3e: {  	_ =	shalt  }
0x3f: {  	_ =	shalt  }
0x40: {  	_ =	shalt  }
0x41: {  	_ =	shalt  }
0x42: {  	_ =	shalt  }
0x43: {  	_ =	shalt  }
0x44: {  	_ =	shalt  }
0x45: {  	_ =	shalt  }
0x46: {  	_ =	shalt  }
0x47: {  	_ =	shalt  }
0x48: {  	_ =	shalt  }
0x49: {  	_ =	shalt  }
0x4a: {  	_ =	shalt  }
0x4b: {  	_ =	shalt  }
0x4c: {  	_ =	shalt  }
0x4d: {  	_ =	shalt  }
0x4e: {  	_ =	shalt  }
0x4f: {  	_ =	shalt  }
0x50: {  	_ =	shalt  }
0x51: {  	_ =	shalt  }
0x52: {  	_ =	shalt  }
0x53: {  	_ =	shalt  }
0x54: {  	_ =	shalt  }
0x55: {  	_ =	shalt  }
0x56: {  	_ =	shalt  }
0x57: {  	_ =	shalt  }
0x58: {  	_ =	shalt  }
0x59: {  	_ =	shalt  }
0x5a: {  	_ =	shalt  }
0x5b: {  	_ =	shalt  }
0x5c: {  	_ =	shalt  }
0x5d: {  	_ =	shalt  }
0x5e: {  	_ =	shalt  }
0x5f: {  	_ =	shalt  }
0x60: {  	_ =	shalt  }
0x61: {  	_ =	shalt  }
0x62: {  	_ =	shalt  }
0x63: {  	_ =	shalt  }
0x64: {  	_ =	shalt  }
0x65: {  	_ =	shalt  }
0x66: {  	_ =	shalt  }
0x67: {  	_ =	shalt  }
0x68: {  	_ =	shalt  }
0x69: {  	_ =	shalt  }
0x6a: {  	_ =	shalt  }
0x6b: {  	_ =	shalt  }
0x6c: {  	_ =	shalt  }
0x6d: {  	_ =	shalt  }
0x6e: {  	_ =	shalt  }
0x6f: {  	_ =	shalt  }
0x70: {  	_ =	shalt  }
0x71: {  	_ =	shalt  }
0x72: {  	_ =	shalt  }
0x73: {  	_ =	shalt  }
0x74: {  	_ =	shalt  }
0x75: {  	_ =	shalt  }
0x76: {  	_ =	shalt  }
0x77: {  	_ =	shalt  }
0x78: {  	_ =	shalt  }
0x79: {  	_ =	shalt  }
0x7a: {  	_ =	shalt  }
0x7b: {  	_ =	shalt  }
0x7c: {  	_ =	shalt  }
0x7d: {  	_ =	shalt  }
0x7e: {  	_ =	shalt  }
0x7f: {  	_ =	shalt  }
0x80: {  	_ =	shalt  }
0x81: {  	_ =	shalt  }
0x82: {  	_ =	shalt  }
0x83: {  	_ =	shalt  }
0x84: {  	_ =	shalt  }
0x85: {  	_ =	shalt  }
0x86: {  	_ =	shalt  }
0x87: {  	_ =	shalt  }
.Lfunc_end0:
.L_simem_size_0:
called_computation.5_lowered:
.L_overlay_start_0:
0x88: {  	s2 =	sld [smem:$0x3FD9]  }
0x89: {  	s3 =	sld [smem:$0x3FFE];
	_ =	sdelay $0x1  }
0x8a: {  	s1 =	srdreg.scid  }
0x8b: {  	s0 =	sand.u32 $0x1, s1  }
0x8c: {  	s17 =	sshll.u32 s0, $0xA;
	s2 =	sadd.s32 s3, s2  }
0x8d: {  	s2 =	sadd.s32 s2, s17  }
0x8e: {  	[smem:$0x3FC3] =	sst s2  }
0x8f: {  	_ = 	snop  }
0x90: {  	(tm) =	ssettm $0x1  }
0x91: {  	s18 =	sld [smem:$0x3FFB];
	_ =	sdelay $0x3  }
0x92: {  	_ =	strace s18  }
0x93: {  	s2 =	sld [smem:$0x3FFC];
	_ =	sdelay $0x3  }
0x94: {  	_ =	strace s2  }
0x95: {  	s2 =	sld [smem:$0x3FFD];
	_ =	sdelay $0x3  }
0x96: {  	_ =	strace s2  }
0x97: {  	_ =	strace $0x8FFFFFFF  }
0x98: {  	s19 =	sld [smem:$0x3FDB];
	_ =	sdelay $0x1  }
0x99: {  	s20 =	simm.s32 $_scs_section_size  }
0x9a: {  	s4 =	simm.s32 $_size__tile_overlayer_lowered;
	s5 =	simm.s32 $_tile_overlayer_lowered  }
0x9b: {  	s6 =	simm.s32 $0x1BFF;
	s21 =	sshll.u32 s5, $0x1;
	s3 =	sadd.s32 s20, s19  }
0x9c: {  	s22 =	simm.s32 $0x0;
	s4 =	sshll.u32 s4, $0x1;
	s5 =	sadd.s32 s21, s3  }
0x9d: {  	[timem:s22], [sflag:s6] =	dma.local [hbm:s5], s4  }
0x9e: {  	_ =	swait.ge [sflag:s6], s4  }
0x9f: {  	s4 =	ssub.s32 $0x0, s4;
	[sflag:s6] =	ssyncset.done $0x0  }
0xa0: {  	[sflag:s6] =	ssyncadd.s32 s4;
	_ =	sdelay $0x1  }
0xa1: {  	s23 =	simm.s32 $0x1B8B  }
0xa2: {  	_ =	swait.ge [sflag:s23], $0x1  }
0xa3: {  	[sflag:s23] =	ssyncset.done $0x0  }
0xa4: {  	[sflag:s23] =	ssyncadd.s32 $0xFFFFFFFF  }
0xa5: {  	s4 =	sld [smem:$0x0]  }
0xa6: {  	s5 =	sand.u32 $0xFFFFFFFE, s1  }
0xa7: {  	p0 =	sne.s32 s1, s5  }
0xa8: {  	s5 =	sshll.u32 @p0 s5, $0xE  }
0xa9: {  	s5 =	sadd.s32 @p0 $0x11B8D, s5;
	s6 =	sshll.u32 @p0 s4, $0x11  }
0xaa: {  	s5 =	sor.u32 @p0 s6, s5  }
0xab: {  	[sflag:s5] =	ssyncadd.remote.s32 @p0 $0x1;
	_ =	sdelay $0x1  }
0xac: {  	s5 =	simm.s32 @p0 $0x1B8D  }
0xad: {  	_ =	swait.eq @p0 [sflag:s5], $0x1  }
0xae: {  	[sflag:s5] =	ssyncadd.s32 @p0 $0xFFFFFFFF  }
0xaf: {  	s6 =	sshll.u32 @!p0 s1, $0xE  }
0xb0: {  	s6 =	sor.u32 @!p0 $0x4000, s6;
	s5 =	simm.s32 @!p0 $0x1B8D  }
0xb1: {  	s4 =	sshll.u32 @!p0 s4, $0x11;
	s6 =	sadd.s32 @!p0 $0x11B8D, s6;
	_ =	swait.eq @!p0 [sflag:s5], $0x1  }
0xb2: {  	s4 =	sor.u32 @!p0 s4, s6;
	[sflag:s5] =	ssyncadd.s32 @!p0 $0xFFFFFFFF  }
0xb3: {  	s25 =	simm.s32 $0x1B8E;
	s24 =	sld [smem:$0x3FFE];
	[sflag:s4] =	ssyncadd.remote.s32 @!p0 $0x1  }
0xb4: {  	s26 =	simm.s32 $execute0_lowered;
	[smem:$0x3FD2] =	sst s25  }
0xb5: {  	s5 =	sshll.u32 s26, $0x1;
	_ =	strace $0x8000004F;
	[dreg:$0x1] =	wrdreg $0xFFFFFFFF  }
0xb6: {  	s28 =	simm.s32 $_size_execute0_lowered;
	s3 =	sadd.s32 s3, s5;
	[dreg:$0x0] =	wrdreg $0x0  }
0xb7: {  	s5 =	sshll.u32 s28, $0x1;
	[dreg:$0x2] =	wrdreg s3  }
0xb8: {  	[dreg:$0x3] =	wrdreg s5  }
0xb9: {  	[dreg:$0x4] =	wrdreg $0xC0  }
0xba: {  	_ =	task [dreg:s22], $0x5FFFF  }
0xbb: {  	[dreg:$0x1] =	wrdreg $0xFFFFFFFF  }
0xbc: {  	[dreg:$0x0] =	wrdreg $0x60  }
0xbd: {  	[dreg:$0x2] =	wrdreg s24  }
0xbe: {  	[dreg:$0x3] =	wrdreg $0xA  }
0xbf: {  	_ =	task.clear_ibuf [dreg:s22], $0x4FFFF;
	_ =	strace $0x9000004F  }
0xc0: {  	s29 =	simm.s32 $0xA;
	_ =	strace $0x80000051  }
0xc1: {  	_ =	swait.ge [sflag:s29], $0x1  }
0xc2: {  	[sflag:s29] =	ssyncadd.s32 $0xFFFFFFFF  }
0xc3: {  	_ =	strace $0x90000051  }
0xc4: {  	_ =	sfence  }
0xc5: {  	s30 =	sld [smem:$0x0];
	_ =	sdelay $0x2  }
0xc6: {  	s31 =	sshll.u32 s1, $0xD;
	s1 =	sshrl.u32 s1, $0x2  }
0xc7: {  	s4 =	sand.u32 $0x4000, s31;
	s1 =	sadd.s32 s1, s30  }
0xc8: {  	s0 =	sor.u32 s4, s0;
	s1 =	sshll.u32 s1, $0x11  }
0xc9: {  	s0 =	sor.u32 s1, s0  }
0xca: {  	s0 =	sadd.s32 $0x8F2B, s0  }
0xcb: {  	[sflag:s0] =	ssyncadd.remote.s32 $0x1  }
0xcc: {  	_ =	sfence.sel $0xFFFF  }
0xcd: {  	[dreg:$0x0] =	wrdreg $0xFFFFFFFF;
	(pc) =	sbr.abs _section_cstart, $3  }
0xce: {  	[dreg:$0x1] =	wrdreg $0xFFFFFFFF  }
0xcf: {  	_ =	task.clear_ibuf [dreg:s22], $0x2FFFF;
	_ =	strace $0x9FFFFFFF  }
0xd0: {  	(tm) =	ssettm $0x7FFFFFFF  }
0xd1: {  	_ =	shalt  }
tec
execute0_lowered:
.L_overlay_start_1:
0x0: {  	(tag) =	ssettag $0x1  }
0x1: {  	s0 =	rddreg [dreg:$0x0]  }
0x2: {  	s2 =	simm.s32 $0x0;
	s1 =	srdreg.scid;
	s3 =	stileid.u32  }
0x3: {  	s17 =	simm.s32 $0x3;
	s18 =	simm.s32 $0x80;
	s19 =	simm.s32 $0x28  }
0x4: {  	s20 =	simm.s32 $0x200;
	s21 =	simm.s32 $0x1600;
	s22 =	simm.s32 $0x100  }
0x5: {  	s23 =	simm.s32 $0x180;
	s28 =	simm.s32 $0x5200;
	s29 =	simm.s32 $0x2  }
0x6: {  	s30 =	simm.s32 $0x0;
	[smem:$0x7FF] =	sst s2;
	s1 =	sand.u32 $0x1, s1  }
0x7: {  	s4 =	sshll.u32 s3, $0x1;
	s3 =	sadd.s32 $0x69E00, s0;
	s6 =	sadd.s32 $0x42000, s0  }
0x8: {  	s7 =	sadd.s32 $0x107600, s0;
	s8 =	sor.u32 s1, s4;
	s1 =	ssub.s32 $0x2, s1  }
0x9: {  	_ =	strace $0x80000050;
	s5 =	smul.u32 $0x2710, s8;
	s24 =	sshrl.u32 s1, $0x1  }
0xa: {  	s4 =	sadd.s32 $0x4BE00, s0;
	s8 =	smul.u32 $0x138800, s8;
	s0 =	ssub.s32 s1, s24  }
0xb: {  	s24 =	simm.s32 $0x2A00;
	s25 =	sshrl.u32 s5, $0x3;
	s26 =	sadd.s32 $0x26E8, s5  }
0xc: {  	s10 =	sadd.s32 $0x28, s5;
	s8 =	sshrl.u32 s8, $0x3;
	s11 =	sadd.s32 $0x50, s5  }
0xd: {  	s16 =	smax.u32 s0, $0x1;
	s9 =	sadd.s32 s4, s25;
	s1 =	sadd.s32 s6, s25  }
0xe: {  	s31 =	sshrl.u32 s26, $0x3;
	s8 =	sadd.s32 s7, s8;
	[dreg:$0x2] =	wrdreg s9  }
0xf: {  	s25 =	simm.s32 $0x3E00;
	[dreg:$0x3] =	wrdreg s1;
	s12 =	sadd.s32 s4, s31  }
0x10: {  	s13 =	sadd.s32 s6, s31;
	s14 =	sadd.s32 $0x26C00, s8;
	s1 =	sshll.u32 s26, $0x4  }
0x11: {  	s26 =	simm.s32 $0x1;
	[dreg:$0x4] =	wrdreg s12;
	s15 =	sadd.s32 s7, s1  }
.LBB2_1:
0x12: {  	s0 =	rddreg [dreg:$0x2]  }
0x13: {  	[tilespmem:s2], [sflag:$0x3] =	stream.linear.gather [hbm4b:s0+s2], $0x28, $0x38;
	[tilespmem:$0x6600] =	vst v63  }
0x14: {  	_ =	swait.ge [sflag:s17], $0x28  }
0x15: {  	[sflag:s17] =	ssyncset.done $0x0  }
0x16: {  	s12 =	rddreg [dreg:$0x3];
	[sflag:s17] =	ssyncadd.s32 $0xFFFFFFD8  }
0x17: {  	[tilespmem:s18], [sflag:$0x3] =	stream.linear.gather [hbm4b:s12+s2], $0x28, $0x38;
	[tilespmem:$0x6600] =	vst v63  }
0x18: {  	_ =	swait.ge [sflag:s17], $0x28  }
0x19: {  	[sflag:s17] =	ssyncset.done $0x0  }
0x1a: {  	[sflag:s17] =	ssyncadd.s32 $0xFFFFFFD8  }
0x1b: {  	[tilespmem:s20], [sflag:$0x1] =	stream.indirect.gather [hbm4b:s3+s19], $0x80, s2, s19, $0xb8;
	[tilespmem:$0x6600] =	vst v63  }
0x1c: {  	s31 =	simm.s32 $0x0  }
0x1d: {  	[tilespmem:s21], [sflag:$0x1] =	stream.indirect.gather [hbm4b:s3+s19], $0x80, s18, s19, $0xb8;
	[tilespmem:$0x6600] =	vst v63  }
.LBB2_2:
0x1e: {  	s1 =	smul.u32 $0x50, s31;
	_ =	sdelay $0x1  }
0x1f: {  	s0 =	sadd.s32 s1, s10  }
0x20: {  	s8 =	sshrl.u32 s0, $0x3  }
0x21: {  	s12 =	simm.s32 $0x0;
	s9 =	sadd.s32 s4, s8  }
0x22: {  	[tilespmem:s22], [sflag:$0x3] =	stream.linear.gather [hbm4b:s9+s12], $0x28, $0x38;
	[tilespmem:$0x6600] =	vst v63  }
0x23: {  	_ =	swait.ge [sflag:s17], $0x28  }
0x24: {  	[sflag:s17] =	ssyncset.done $0x0  }
0x25: {  	s8 =	sadd.s32 s6, s8;
	[sflag:s17] =	ssyncadd.s32 $0xFFFFFFD8  }
0x26: {  	[tilespmem:s23], [sflag:$0x3] =	stream.linear.gather [hbm4b:s8+s12], $0x28, $0x38;
	[tilespmem:$0x6600] =	vst v63  }
0x27: {  	_ =	swait.ge [sflag:s17], $0x28  }
0x28: {  	[sflag:s17] =	ssyncset.done $0x0  }
0x29: {  	[sflag:s17] =	ssyncadd.s32 $0xFFFFFFD8  }
0x2a: {  	[tilespmem:s24], [sflag:$0x2] =	stream.indirect.gather [hbm4b:s3+s19], $0x80, s22, s19, $0xb8;
	[tilespmem:$0x6600] =	vst v63  }
0x2b: {  	_ = 	snop  }
0x2c: {  	[tilespmem:s25], [sflag:$0x2] =	stream.indirect.gather [hbm4b:s3+s19], $0x80, s23, s19, $0xb8;
	[tilespmem:$0x6600] =	vst v63  }
0x2d: {  	_ =	swait.ge [sflag:s26], $0x1400  }
0x2e: {  	[sflag:s26] =	ssyncset.done $0x0  }
0x2f: {  	[sflag:s26] =	ssyncadd.s32 $0xFFFFEC00  }
0x30: {  	_ =	swait.ge [sflag:s26], $0x1400  }
0x31: {  	[sflag:s26] =	ssyncset.done $0x0  }
0x32: {  	s8 =	simm.s32 $0x0;
	[sflag:s26] =	ssyncadd.s32 $0xFFFFEC00  }
0x33: {  	v0 =	vld [tilespmem:s8+$0x200]  }
0x34: {  	v1 =	vld [tilespmem:s8+$0x1600]  }
0x35: {  	v2 =	vld [tilespmem:s8+$0x210]  }
0x36: {  	v3 =	vld [tilespmem:s8+$0x1610]  }
0x37: {  	v4 =	vld [tilespmem:s8+$0x220]  }
0x38: {  	v5 =	vld [tilespmem:s8+$0x1620]  }
0x39: {  	v6 =	vld [tilespmem:s8+$0x230]  }
0x3a: {  	v7 =	vld [tilespmem:s8+$0x1630]  }
0x3b: {  	v0 =	vmul.f32 v1, v0;
	v1 =	vmul.f32 v3, v2;
	v2 =	vld [tilespmem:s8+$0x240]  }
0x3c: {  	v3 =	vld [tilespmem:s8+$0x1640]  }
0x3d: {  	v8 =	vld [tilespmem:s8+$0x1650];
	v0 =	vadd.f32 v1, v0;
	v1 =	vmul.f32 v5, v4  }
0x3e: {  	v5 =	vld [tilespmem:s8+$0x250]  }
0x3f: {  	v0 =	vadd.f32 v1, v0;
	v1 =	vmul.f32 v7, v6;
	v6 =	vld [tilespmem:s8+$0x260]  }
0x40: {  	v7 =	vld [tilespmem:s8+$0x1660]  }
0x41: {  	v4 =	vld [tilespmem:s8+$0x1670];
	v2 =	vmul.f32 v3, v2;
	v9 =	vadd.f32 v1, v0  }
0x42: {  	s9 =	simm.s32 $0x80;
	v1 =	vld [tilespmem:s8+$0x270]  }
0x43: {  	v3 =	vld [tilespmem:s9+$0x210];
	v5 =	vmul.f32 v8, v5;
	v9 =	vadd.f32 v2, v9  }
0x44: {  	v0 =	vld [tilespmem:s9+$0x200]  }
0x45: {  	s12 =	simm.s32 $0x400;
	v2 =	vld [tilespmem:s9+$0x1600];
	v6 =	vmul.f32 v7, v6;
	v5 =	vadd.f32 v5, v9  }
.LBB2_3:
0x46: {  	p0 =	sne.s32 s12, $0x4E00;
	v7 =	vld [tilespmem:s9+$0x1610]  }
0x47: {  	v8 =	vld [tilespmem:s9+$0x220];
	v5 =	vadd.f32 v6, v5;
	v1 =	vmul.f32 v4, v1  }
0x48: {  	v4 =	vld [tilespmem:s9+$0x1620]  }
0x49: {  	v6 =	vld [tilespmem:s9+$0x230];
	v1 =	vadd.f32 v1, v5  }
0x4a: {  	v5 =	vld [tilespmem:s9+$0x1630]  }
0x4b: {  	v0 =	vmul.f32 v2, v0;
	v2 =	vmul.f32 v7, v3;
	v3 =	vld [tilespmem:s9+$0x240];
	[tilespmem:s8+$0x5200] =	vst v1;
	s8 =	smov.u32 s9  }
0x4c: {  	v1 =	vld [tilespmem:s8+$0x1640]  }
0x4d: {  	v0 =	vadd.f32 v2, v0;
	v2 =	vmul.f32 v4, v8;
	v7 =	vld [tilespmem:s8+$0x250]  }
0x4e: {  	v8 =	vld [tilespmem:s8+$0x1650]  }
0x4f: {  	v0 =	vadd.f32 v2, v0;
	v2 =	vmul.f32 v5, v6;
	v6 =	vld [tilespmem:s8+$0x260]  }
0x50: {  	v9 =	vld [tilespmem:s8+$0x1660]  }
.Ltmp0:
0x51: {  	v2 =	vadd.f32 v2, v0;
	v3 =	vmul.f32 v1, v3;
	v1 =	vld [tilespmem:s8+$0x270];
	(pc) =	sbr.rel @p0 .LBB2_3-.Ltmp0, $4  }
0x52: {  	s9 =	sshra.s32 s12, $0x2;
	v4 =	vld [tilespmem:s8+$0x1670]  }
0x53: {  	v0 =	vld [tilespmem:s9+$0x200];
	v5 =	vadd.f32 v3, v2;
	v7 =	vmul.f32 v8, v7  }
0x54: {  	v2 =	vld [tilespmem:s9+$0x1600]  }
0x55: {  	s12 =	sadd.s32 $0x200, s12;
	v3 =	vld [tilespmem:s9+$0x210];
	v5 =	vadd.f32 v7, v5;
	v6 =	vmul.f32 v9, v6  }
0x56: {  	v7 =	vld [tilespmem:s9+$0x1610]  }
0x57: {  	v8 =	vld [tilespmem:s9+$0x220];
	v5 =	vadd.f32 v6, v5;
	v1 =	vmul.f32 v4, v1  }
0x58: {  	v4 =	vld [tilespmem:s9+$0x1620]  }
0x59: {  	v6 =	vld [tilespmem:s9+$0x230];
	v1 =	vadd.f32 v1, v5  }
0x5a: {  	v5 =	vld [tilespmem:s9+$0x1630]  }
0x5b: {  	v9 =	vld [tilespmem:s9+$0x240];
	v0 =	vmul.f32 v2, v0;
	v2 =	vmul.f32 v7, v3;
	[tilespmem:s8+$0x5200] =	vst v1  }
0x5c: {  	v1 =	vld [tilespmem:s9+$0x1640]  }
0x5d: {  	v3 =	vld [tilespmem:s9+$0x250];
	v0 =	vadd.f32 v2, v0;
	v2 =	vmul.f32 v4, v8  }
0x5e: {  	v4 =	vld [tilespmem:s9+$0x1650]  }
0x5f: {  	v0 =	vadd.f32 v2, v0;
	v2 =	vmul.f32 v5, v6;
	v5 =	vld [tilespmem:s9+$0x260]  }
0x60: {  	v6 =	vld [tilespmem:s9+$0x1660]  }
0x61: {  	v7 =	vld [tilespmem:s9+$0x1670];
	v0 =	vadd.f32 v2, v0;
	v1 =	vmul.f32 v1, v9  }
0x62: {  	v2 =	vld [tilespmem:s9+$0x270]  }
0x63: {  	v0 =	vadd.f32 v1, v0;
	v1 =	vmul.f32 v4, v3;
	_ =	sdelay $0x1  }
0x64: {  	v0 =	vadd.f32 v1, v0;
	v1 =	vmul.f32 v6, v5;
	_ =	sdelay $0x1  }
0x65: {  	v0 =	vadd.f32 v1, v0;
	v1 =	vmul.f32 v7, v2;
	_ =	sdelay $0x1  }
0x66: {  	s12 =	sadd.s32 s5, s1;
	v0 =	vadd.f32 v1, v0  }
0x67: {  	s8 =	sshll.u32 s12, $0x4  }
0x68: {  	s8 =	sadd.s32 s7, s8;
	[tilespmem:s9+$0x5200] =	vst v0;
	s9 =	simm.s32 $0x0  }
0x69: {  	[hbm4b:s8+s9] =	stream.linear.scatter [tilespmem:s28], [sflag:$0x3], $0x1400, $0x38;
	[tilespmem:$0x6600] =	vst v63  }
0x6a: {  	s8 =	sadd.s32 s1, s11;
	_ =	swait.ge [sflag:s17], $0x1400  }
0x6b: {  	s1 =	sshrl.u32 s8, $0x3;
	[sflag:s17] =	ssyncset.done $0x0  }
0x6c: {  	s12 =	sadd.s32 s4, s1;
	[sflag:s17] =	ssyncadd.s32 $0xFFFFEC00  }
0x6d: {  	[tilespmem:s9], [sflag:$0x3] =	stream.linear.gather [hbm4b:s12+s9], $0x28, $0x38;
	[tilespmem:$0x6600] =	vst v63  }
0x6e: {  	_ =	swait.ge [sflag:s17], $0x28  }
0x6f: {  	[sflag:s17] =	ssyncset.done $0x0  }
0x70: {  	s1 =	sadd.s32 s6, s1;
	[sflag:s17] =	ssyncadd.s32 $0xFFFFFFD8  }
0x71: {  	[tilespmem:s18], [sflag:$0x3] =	stream.linear.gather [hbm4b:s1+s9], $0x28, $0x38;
	[tilespmem:$0x6600] =	vst v63  }
0x72: {  	_ =	swait.ge [sflag:s17], $0x28  }
0x73: {  	[sflag:s17] =	ssyncset.done $0x0  }
0x74: {  	[sflag:s17] =	ssyncadd.s32 $0xFFFFFFD8  }
0x75: {  	[tilespmem:s20], [sflag:$0x1] =	stream.indirect.gather [hbm4b:s3+s19], $0x80, s9, s19, $0xb8;
	[tilespmem:$0x6600] =	vst v63  }
0x76: {  	_ = 	snop  }
0x77: {  	[tilespmem:s21], [sflag:$0x1] =	stream.indirect.gather [hbm4b:s3+s19], $0x80, s18, s19, $0xb8;
	[tilespmem:$0x6600] =	vst v63  }
0x78: {  	_ =	swait.ge [sflag:s29], $0x1400  }
0x79: {  	[sflag:s29] =	ssyncset.done $0x0  }
0x7a: {  	[sflag:s29] =	ssyncadd.s32 $0xFFFFEC00  }
0x7b: {  	_ =	swait.ge [sflag:s29], $0x1400  }
0x7c: {  	[sflag:s29] =	ssyncset.done $0x0  }
0x7d: {  	s1 =	simm.s32 $0x0;
	[sflag:s29] =	ssyncadd.s32 $0xFFFFEC00  }
0x7e: {  	v0 =	vld [tilespmem:s1+$0x2A00]  }
0x7f: {  	v1 =	vld [tilespmem:s1+$0x3E00]  }
0x80: {  	v2 =	vld [tilespmem:s1+$0x2A10]  }
0x81: {  	v3 =	vld [tilespmem:s1+$0x3E10]  }
0x82: {  	v4 =	vld [tilespmem:s1+$0x2A20]  }
0x83: {  	v5 =	vld [tilespmem:s1+$0x3E20]  }
0x84: {  	v6 =	vld [tilespmem:s1+$0x2A30]  }
0x85: {  	v7 =	vld [tilespmem:s1+$0x3E30]  }
0x86: {  	v0 =	vmul.f32 v1, v0;
	v1 =	vmul.f32 v3, v2;
	v2 =	vld [tilespmem:s1+$0x2A40]  }
0x87: {  	v3 =	vld [tilespmem:s1+$0x3E40]  }
0x88: {  	v8 =	vld [tilespmem:s1+$0x3E50];
	v0 =	vadd.f32 v1, v0;
	v1 =	vmul.f32 v5, v4  }
0x89: {  	v5 =	vld [tilespmem:s1+$0x2A50]  }
0x8a: {  	v0 =	vadd.f32 v1, v0;
	v1 =	vmul.f32 v7, v6;
	v6 =	vld [tilespmem:s1+$0x2A60]  }
0x8b: {  	v7 =	vld [tilespmem:s1+$0x3E60]  }
0x8c: {  	v4 =	vld [tilespmem:s1+$0x3E70];
	v2 =	vmul.f32 v3, v2;
	v63 =	vadd.f32 v1, v0  }
0x8d: {  	s8 =	simm.s32 $0x80;
	v1 =	vld [tilespmem:s1+$0x2A70]  }
0x8e: {  	v3 =	vld [tilespmem:s8+$0x2A10];
	v5 =	vmul.f32 v8, v5;
	v9 =	vadd.f32 v2, v63  }
0x8f: {  	v0 =	vld [tilespmem:s8+$0x2A00]  }
0x90: {  	s9 =	simm.s32 $0x400;
	v2 =	vld [tilespmem:s8+$0x3E00];
	v6 =	vmul.f32 v7, v6;
	v5 =	vadd.f32 v5, v9  }
.LBB2_5:
0x91: {  	p0 =	sne.s32 s9, $0x4E00;
	v7 =	vld [tilespmem:s8+$0x3E10]  }
0x92: {  	v8 =	vld [tilespmem:s8+$0x2A20];
	v5 =	vadd.f32 v6, v5;
	v1 =	vmul.f32 v4, v1  }
0x93: {  	v4 =	vld [tilespmem:s8+$0x3E20]  }
0x94: {  	v6 =	vld [tilespmem:s8+$0x2A30];
	v1 =	vadd.f32 v1, v5  }
0x95: {  	v5 =	vld [tilespmem:s8+$0x3E30]  }
0x96: {  	v0 =	vmul.f32 v2, v0;
	v2 =	vmul.f32 v7, v3;
	v3 =	vld [tilespmem:s8+$0x2A40];
	[tilespmem:s1+$0x5200] =	vst v1;
	s1 =	smov.u32 s8  }
0x97: {  	v1 =	vld [tilespmem:s1+$0x3E40]  }
0x98: {  	v0 =	vadd.f32 v2, v0;
	v2 =	vmul.f32 v4, v8;
	v7 =	vld [tilespmem:s1+$0x2A50]  }
0x99: {  	v8 =	vld [tilespmem:s1+$0x3E50]  }
0x9a: {  	v0 =	vadd.f32 v2, v0;
	v2 =	vmul.f32 v5, v6;
	v6 =	vld [tilespmem:s1+$0x2A60]  }
0x9b: {  	v9 =	vld [tilespmem:s1+$0x3E60]  }
.Ltmp1:
0x9c: {  	v2 =	vadd.f32 v2, v0;
	v3 =	vmul.f32 v1, v3;
	v1 =	vld [tilespmem:s1+$0x2A70];
	(pc) =	sbr.rel @p0 .LBB2_5-.Ltmp1, $4  }
0x9d: {  	s8 =	sshra.s32 s9, $0x2;
	v4 =	vld [tilespmem:s1+$0x3E70]  }
0x9e: {  	v0 =	vld [tilespmem:s8+$0x2A00];
	v5 =	vadd.f32 v3, v2;
	v7 =	vmul.f32 v8, v7  }
0x9f: {  	v2 =	vld [tilespmem:s8+$0x3E00]  }
0xa0: {  	s9 =	sadd.s32 $0x200, s9;
	v3 =	vld [tilespmem:s8+$0x2A10];
	v5 =	vadd.f32 v7, v5;
	v6 =	vmul.f32 v9, v6  }
0xa1: {  	v7 =	vld [tilespmem:s8+$0x3E10]  }
0xa2: {  	v8 =	vld [tilespmem:s8+$0x2A20];
	v5 =	vadd.f32 v6, v5;
	v1 =	vmul.f32 v4, v1  }
0xa3: {  	v49 =	vld [tilespmem:s8+$0x3E20]  }
0xa4: {  	v50 =	vld [tilespmem:s8+$0x2A30];
	v1 =	vadd.f32 v1, v5  }
0xa5: {  	v51 =	vld [tilespmem:s8+$0x3E30]  }
0xa6: {  	v9 =	vld [tilespmem:s8+$0x2A40];
	v0 =	vmul.f32 v2, v0;
	v52 =	vmul.f32 v7, v3;
	[tilespmem:s1+$0x5200] =	vst v1  }
0xa7: {  	v1 =	vld [tilespmem:s8+$0x3E40]  }
0xa8: {  	v53 =	vmul.f32 v49, v8;
	v54 =	vld [tilespmem:s8+$0x2A50];
	v0 =	vadd.f32 v52, v0  }
0xa9: {  	v55 =	vld [tilespmem:s8+$0x3E50]  }
0xaa: {  	v56 =	vmul.f32 v51, v50;
	v57 =	vld [tilespmem:s8+$0x2A60];
	v0 =	vadd.f32 v53, v0  }
0xab: {  	v58 =	vld [tilespmem:s8+$0x3E60]  }
0xac: {  	v59 =	vld [tilespmem:s8+$0x2A70];
	v0 =	vadd.f32 v56, v0;
	v1 =	vmul.f32 v1, v9  }
0xad: {  	v60 =	vld [tilespmem:s8+$0x3E70]  }
0xae: {  	v61 =	vmul.f32 v55, v54;
	v0 =	vadd.f32 v1, v0;
	_ =	sdelay $0x1  }
0xaf: {  	v62 =	vmul.f32 v58, v57;
	v0 =	vadd.f32 v61, v0;
	_ =	sdelay $0x1  }
0xb0: {  	v63 =	vmul.f32 v60, v59;
	v0 =	vadd.f32 v62, v0;
	_ =	sdelay $0x1  }
0xb1: {  	s31 =	sadd.s32 $0x1, s31;
	v0 =	vadd.f32 v63, v0  }
0xb2: {  	s0 =	sshll.u32 s0, $0x4;
	p0 =	sne.s32 s31, $0x7C  }
.Ltmp2:
0xb3: {  	s0 =	sadd.s32 s7, s0;
	[tilespmem:s8+$0x5200] =	vst v0;
	(pc) =	sbr.rel @p0 .LBB2_2-.Ltmp2, $4  }
0xb4: {  	[hbm4b:s0+s2] =	stream.linear.scatter [tilespmem:s28], [sflag:$0x3], $0x1400, $0x38;
	[tilespmem:$0x6600] =	vst v63  }
0xb5: {  	_ =	swait.ge [sflag:s17], $0x1400  }
0xb6: {  	[sflag:s17] =	ssyncset.done $0x0  }
0xb7: {  	[sflag:s17] =	ssyncadd.s32 $0xFFFFEC00  }
0xb8: {  	s0 =	simm.s32 $0x0;
	s1 =	rddreg [dreg:$0x4]  }
0xb9: {  	[tilespmem:s22], [sflag:$0x3] =	stream.linear.gather [hbm4b:s1+s0], $0x28, $0x38;
	[tilespmem:$0x6600] =	vst v63  }
0xba: {  	_ =	swait.ge [sflag:s17], $0x28  }
0xbb: {  	[sflag:s17] =	ssyncset.done $0x0  }
0xbc: {  	[sflag:s17] =	ssyncadd.s32 $0xFFFFFFD8  }
0xbd: {  	[tilespmem:s23], [sflag:$0x3] =	stream.linear.gather [hbm4b:s13+s0], $0x28, $0x38;
	[tilespmem:$0x6600] =	vst v63  }
0xbe: {  	_ =	swait.ge [sflag:s17], $0x28  }
0xbf: {  	[sflag:s17] =	ssyncset.done $0x0  }
0xc0: {  	[sflag:s17] =	ssyncadd.s32 $0xFFFFFFD8  }
0xc1: {  	[tilespmem:s24], [sflag:$0x2] =	stream.indirect.gather [hbm4b:s3+s19], $0x80, s22, s19, $0xb8;
	[tilespmem:$0x6600] =	vst v63  }
0xc2: {  	_ = 	snop  }
0xc3: {  	[tilespmem:s25], [sflag:$0x2] =	stream.indirect.gather [hbm4b:s3+s19], $0x80, s23, s19, $0xb8;
	[tilespmem:$0x6600] =	vst v63  }
0xc4: {  	_ =	swait.ge [sflag:s26], $0x1400  }
0xc5: {  	[sflag:s26] =	ssyncset.done $0x0  }
0xc6: {  	[sflag:s26] =	ssyncadd.s32 $0xFFFFEC00  }
0xc7: {  	_ =	swait.ge [sflag:s26], $0x1400  }
0xc8: {  	[sflag:s26] =	ssyncset.done $0x0  }
0xc9: {  	s0 =	simm.s32 $0x0;
	[sflag:s26] =	ssyncadd.s32 $0xFFFFEC00  }
0xca: {  	v0 =	vld [tilespmem:s0+$0x200]  }
0xcb: {  	v1 =	vld [tilespmem:s0+$0x1600]  }
0xcc: {  	v2 =	vld [tilespmem:s0+$0x210]  }
0xcd: {  	v3 =	vld [tilespmem:s0+$0x1610]  }
0xce: {  	v4 =	vld [tilespmem:s0+$0x220]  }
0xcf: {  	v5 =	vld [tilespmem:s0+$0x1620]  }
0xd0: {  	v6 =	vld [tilespmem:s0+$0x230]  }
0xd1: {  	v7 =	vld [tilespmem:s0+$0x1630]  }
0xd2: {  	v0 =	vmul.f32 v1, v0;
	v1 =	vmul.f32 v3, v2;
	v2 =	vld [tilespmem:s0+$0x240]  }
0xd3: {  	v3 =	vld [tilespmem:s0+$0x1640]  }
0xd4: {  	v8 =	vld [tilespmem:s0+$0x1650];
	v0 =	vadd.f32 v1, v0;
	v1 =	vmul.f32 v5, v4  }
0xd5: {  	v5 =	vld [tilespmem:s0+$0x250]  }
0xd6: {  	v0 =	vadd.f32 v1, v0;
	v1 =	vmul.f32 v7, v6;
	v6 =	vld [tilespmem:s0+$0x260]  }
0xd7: {  	v7 =	vld [tilespmem:s0+$0x1660]  }
0xd8: {  	v4 =	vld [tilespmem:s0+$0x1670];
	v2 =	vmul.f32 v3, v2;
	v9 =	vadd.f32 v1, v0  }
0xd9: {  	s1 =	simm.s32 $0x80;
	v1 =	vld [tilespmem:s0+$0x270]  }
0xda: {  	v3 =	vld [tilespmem:s1+$0x210];
	v5 =	vmul.f32 v8, v5;
	v9 =	vadd.f32 v2, v9  }
0xdb: {  	v0 =	vld [tilespmem:s1+$0x200]  }
0xdc: {  	s8 =	simm.s32 $0x400;
	v2 =	vld [tilespmem:s1+$0x1600];
	v6 =	vmul.f32 v7, v6;
	v5 =	vadd.f32 v5, v9  }
.LBB2_8:
0xdd: {  	p0 =	sne.s32 s8, $0x4E00;
	v7 =	vld [tilespmem:s1+$0x1610]  }
0xde: {  	v8 =	vld [tilespmem:s1+$0x220];
	v5 =	vadd.f32 v6, v5;
	v1 =	vmul.f32 v4, v1  }
0xdf: {  	v4 =	vld [tilespmem:s1+$0x1620]  }
0xe0: {  	v6 =	vld [tilespmem:s1+$0x230];
	v1 =	vadd.f32 v1, v5  }
0xe1: {  	v5 =	vld [tilespmem:s1+$0x1630]  }
0xe2: {  	v0 =	vmul.f32 v2, v0;
	v2 =	vmul.f32 v7, v3;
	v3 =	vld [tilespmem:s1+$0x240];
	[tilespmem:s0+$0x5200] =	vst v1;
	s0 =	smov.u32 s1  }
0xe3: {  	v1 =	vld [tilespmem:s0+$0x1640]  }
0xe4: {  	v0 =	vadd.f32 v2, v0;
	v2 =	vmul.f32 v4, v8;
	v7 =	vld [tilespmem:s0+$0x250]  }
0xe5: {  	v8 =	vld [tilespmem:s0+$0x1650]  }
0xe6: {  	v0 =	vadd.f32 v2, v0;
	v2 =	vmul.f32 v5, v6;
	v6 =	vld [tilespmem:s0+$0x260]  }
0xe7: {  	v9 =	vld [tilespmem:s0+$0x1660]  }
.Ltmp3:
0xe8: {  	v2 =	vadd.f32 v2, v0;
	v3 =	vmul.f32 v1, v3;
	v1 =	vld [tilespmem:s0+$0x270];
	(pc) =	sbr.rel @p0 .LBB2_8-.Ltmp3, $4  }
0xe9: {  	s1 =	sshra.s32 s8, $0x2;
	v4 =	vld [tilespmem:s0+$0x1670]  }
0xea: {  	v0 =	vld [tilespmem:s1+$0x200];
	v5 =	vadd.f32 v3, v2;
	v7 =	vmul.f32 v8, v7  }
0xeb: {  	v2 =	vld [tilespmem:s1+$0x1600]  }
0xec: {  	s8 =	sadd.s32 $0x200, s8;
	v3 =	vld [tilespmem:s1+$0x210];
	v5 =	vadd.f32 v7, v5;
	v6 =	vmul.f32 v9, v6  }
0xed: {  	v7 =	vld [tilespmem:s1+$0x1610]  }
0xee: {  	v8 =	vld [tilespmem:s1+$0x220];
	v5 =	vadd.f32 v6, v5;
	v1 =	vmul.f32 v4, v1  }
0xef: {  	v4 =	vld [tilespmem:s1+$0x1620]  }
0xf0: {  	v6 =	vld [tilespmem:s1+$0x230];
	v1 =	vadd.f32 v1, v5  }
0xf1: {  	v5 =	vld [tilespmem:s1+$0x1630]  }
0xf2: {  	v9 =	vld [tilespmem:s1+$0x240];
	v0 =	vmul.f32 v2, v0;
	v2 =	vmul.f32 v7, v3;
	[tilespmem:s0+$0x5200] =	vst v1  }
0xf3: {  	v1 =	vld [tilespmem:s1+$0x1640]  }
0xf4: {  	v3 =	vld [tilespmem:s1+$0x250];
	v0 =	vadd.f32 v2, v0;
	v2 =	vmul.f32 v4, v8  }
0xf5: {  	v4 =	vld [tilespmem:s1+$0x1650]  }
0xf6: {  	v0 =	vadd.f32 v2, v0;
	v2 =	vmul.f32 v5, v6;
	v5 =	vld [tilespmem:s1+$0x260]  }
0xf7: {  	v6 =	vld [tilespmem:s1+$0x1660]  }
0xf8: {  	v7 =	vld [tilespmem:s1+$0x1670];
	v0 =	vadd.f32 v2, v0;
	v1 =	vmul.f32 v1, v9  }
0xf9: {  	v2 =	vld [tilespmem:s1+$0x270]  }
0xfa: {  	v0 =	vadd.f32 v1, v0;
	v1 =	vmul.f32 v4, v3;
	_ =	sdelay $0x1  }
0xfb: {  	v0 =	vadd.f32 v1, v0;
	v1 =	vmul.f32 v6, v5;
	_ =	sdelay $0x1  }
0xfc: {  	v0 =	vadd.f32 v1, v0;
	v1 =	vmul.f32 v7, v2;
	_ =	sdelay $0x1  }
0xfd: {  	v0 =	vadd.f32 v1, v0;
	_ =	sdelay $0x1  }
0xfe: {  	s31 =	simm.s32 $0x0;
	[tilespmem:s1+$0x5200] =	vst v0  }
0xff: {  	[hbm4b:s14+s31] =	stream.linear.scatter [tilespmem:s28], [sflag:$0x3], $0x1400, $0x38;
	[tilespmem:$0x6600] =	vst v63  }
0x100: {  	_ =	swait.ge [sflag:s17], $0x1400  }
0x101: {  	[sflag:s17] =	ssyncset.done $0x0  }
0x102: {  	[sflag:s17] =	ssyncadd.s32 $0xFFFFEC00  }
0x103: {  	_ =	swait.ge [sflag:s29], $0x1400  }
0x104: {  	[sflag:s29] =	ssyncset.done $0x0  }
0x105: {  	[sflag:s29] =	ssyncadd.s32 $0xFFFFEC00  }
0x106: {  	_ =	swait.ge [sflag:s29], $0x1400  }
0x107: {  	[sflag:s29] =	ssyncset.done $0x0  }
0x108: {  	s0 =	simm.s32 $0x0;
	[sflag:s29] =	ssyncadd.s32 $0xFFFFEC00  }
0x109: {  	v0 =	vld [tilespmem:s0+$0x2A00]  }
0x10a: {  	v1 =	vld [tilespmem:s0+$0x3E00]  }
0x10b: {  	v2 =	vld [tilespmem:s0+$0x2A10]  }
0x10c: {  	v3 =	vld [tilespmem:s0+$0x3E10]  }
0x10d: {  	v4 =	vld [tilespmem:s0+$0x2A20]  }
0x10e: {  	v5 =	vld [tilespmem:s0+$0x3E20]  }
0x10f: {  	v6 =	vld [tilespmem:s0+$0x2A30]  }
0x110: {  	v7 =	vld [tilespmem:s0+$0x3E30]  }
0x111: {  	v0 =	vmul.f32 v1, v0;
	v1 =	vmul.f32 v3, v2;
	v2 =	vld [tilespmem:s0+$0x2A40]  }
0x112: {  	v3 =	vld [tilespmem:s0+$0x3E40]  }
0x113: {  	v8 =	vld [tilespmem:s0+$0x3E50];
	v0 =	vadd.f32 v1, v0;
	v1 =	vmul.f32 v5, v4  }
0x114: {  	v5 =	vld [tilespmem:s0+$0x2A50]  }
0x115: {  	v0 =	vadd.f32 v1, v0;
	v1 =	vmul.f32 v7, v6;
	v6 =	vld [tilespmem:s0+$0x2A60]  }
0x116: {  	v7 =	vld [tilespmem:s0+$0x3E60]  }
0x117: {  	v4 =	vld [tilespmem:s0+$0x3E70];
	v2 =	vmul.f32 v3, v2;
	v63 =	vadd.f32 v1, v0  }
0x118: {  	s1 =	simm.s32 $0x80;
	v1 =	vld [tilespmem:s0+$0x2A70]  }
0x119: {  	v3 =	vld [tilespmem:s1+$0x2A10];
	v5 =	vmul.f32 v8, v5;
	v9 =	vadd.f32 v2, v63  }
0x11a: {  	v0 =	vld [tilespmem:s1+$0x2A00]  }
0x11b: {  	s8 =	simm.s32 $0x400;
	v2 =	vld [tilespmem:s1+$0x3E00];
	v6 =	vmul.f32 v7, v6;
	v5 =	vadd.f32 v5, v9  }
.LBB2_10:
0x11c: {  	p0 =	sne.s32 s8, $0x4E00;
	v7 =	vld [tilespmem:s1+$0x3E10]  }
0x11d: {  	v8 =	vld [tilespmem:s1+$0x2A20];
	v5 =	vadd.f32 v6, v5;
	v1 =	vmul.f32 v4, v1  }
0x11e: {  	v4 =	vld [tilespmem:s1+$0x3E20]  }
0x11f: {  	v6 =	vld [tilespmem:s1+$0x2A30];
	v1 =	vadd.f32 v1, v5  }
0x120: {  	v5 =	vld [tilespmem:s1+$0x3E30]  }
0x121: {  	v0 =	vmul.f32 v2, v0;
	v2 =	vmul.f32 v7, v3;
	v3 =	vld [tilespmem:s1+$0x2A40];
	[tilespmem:s0+$0x5200] =	vst v1;
	s0 =	smov.u32 s1  }
0x122: {  	v1 =	vld [tilespmem:s0+$0x3E40]  }
0x123: {  	v0 =	vadd.f32 v2, v0;
	v2 =	vmul.f32 v4, v8;
	v7 =	vld [tilespmem:s0+$0x2A50]  }
0x124: {  	v8 =	vld [tilespmem:s0+$0x3E50]  }
0x125: {  	v0 =	vadd.f32 v2, v0;
	v2 =	vmul.f32 v5, v6;
	v6 =	vld [tilespmem:s0+$0x2A60]  }
0x126: {  	v9 =	vld [tilespmem:s0+$0x3E60]  }
.Ltmp4:
0x127: {  	v2 =	vadd.f32 v2, v0;
	v3 =	vmul.f32 v1, v3;
	v1 =	vld [tilespmem:s0+$0x2A70];
	(pc) =	sbr.rel @p0 .LBB2_10-.Ltmp4, $4  }
0x128: {  	s1 =	sshra.s32 s8, $0x2;
	v4 =	vld [tilespmem:s0+$0x3E70]  }
0x129: {  	v0 =	vld [tilespmem:s1+$0x2A00];
	v5 =	vadd.f32 v3, v2;
	v7 =	vmul.f32 v8, v7  }
0x12a: {  	v2 =	vld [tilespmem:s1+$0x3E00]  }
0x12b: {  	s8 =	sadd.s32 $0x200, s8;
	v3 =	vld [tilespmem:s1+$0x2A10];
	v5 =	vadd.f32 v7, v5;
	v6 =	vmul.f32 v9, v6  }
0x12c: {  	v7 =	vld [tilespmem:s1+$0x3E10]  }
0x12d: {  	v8 =	vld [tilespmem:s1+$0x2A20];
	v5 =	vadd.f32 v6, v5;
	v1 =	vmul.f32 v4, v1  }
0x12e: {  	v49 =	vld [tilespmem:s1+$0x3E20]  }
0x12f: {  	v50 =	vld [tilespmem:s1+$0x2A30];
	v1 =	vadd.f32 v1, v5  }
0x130: {  	v51 =	vld [tilespmem:s1+$0x3E30]  }
0x131: {  	v9 =	vld [tilespmem:s1+$0x2A40];
	v0 =	vmul.f32 v2, v0;
	v52 =	vmul.f32 v7, v3;
	[tilespmem:s0+$0x5200] =	vst v1  }
0x132: {  	v1 =	vld [tilespmem:s1+$0x3E40]  }
0x133: {  	v53 =	vmul.f32 v49, v8;
	v54 =	vld [tilespmem:s1+$0x2A50];
	v0 =	vadd.f32 v52, v0  }
0x134: {  	v55 =	vld [tilespmem:s1+$0x3E50]  }
0x135: {  	v56 =	vmul.f32 v51, v50;
	v57 =	vld [tilespmem:s1+$0x2A60];
	v0 =	vadd.f32 v53, v0  }
0x136: {  	v58 =	vld [tilespmem:s1+$0x3E60]  }
0x137: {  	v59 =	vld [tilespmem:s1+$0x2A70];
	v0 =	vadd.f32 v56, v0;
	v1 =	vmul.f32 v1, v9  }
0x138: {  	v60 =	vld [tilespmem:s1+$0x3E70]  }
0x139: {  	v61 =	vmul.f32 v55, v54;
	v0 =	vadd.f32 v1, v0;
	_ =	sdelay $0x1  }
0x13a: {  	v62 =	vmul.f32 v58, v57;
	v0 =	vadd.f32 v61, v0;
	_ =	sdelay $0x1  }
0x13b: {  	v63 =	vmul.f32 v60, v59;
	v0 =	vadd.f32 v62, v0;
	_ =	sdelay $0x1  }
0x13c: {  	s30 =	sadd.s32 $0x1, s30;
	v0 =	vadd.f32 v63, v0  }
0x13d: {  	p0 =	sne.s32 s30, s16  }
.Ltmp5:
0x13e: {  	[tilespmem:s1+$0x5200] =	vst v0;
	(pc) =	sbr.rel @p0 .LBB2_1-.Ltmp5, $4  }
0x13f: {  	[hbm4b:s15+s2] =	stream.linear.scatter [tilespmem:s28], [sflag:$0x3], $0x1400, $0x38;
	[tilespmem:$0x6600] =	vst v63  }
0x140: {  	_ =	swait.ge [sflag:s17], $0x1400  }
0x141: {  	[sflag:s17] =	ssyncset.done $0x0  }
0x142: {  	[sflag:s17] =	ssyncadd.s32 $0xFFFFEC00  }
0x143: {  	_ =	sfence.sel $0x180000  }
0x144: {  	[bflag:$0x0] =	sbarrier.arrive $0xFFFF  }
0x145: {  	_ =	strace $0x90000050  }
0x146: {  	s0 =	stileid.u32;
	[bflag:$0x2] =	sbarrier.arrive $0xFFFF  }
0x147: {  	p0 =	sne.s32 s0, $0x0;
	s0 =	rddreg [dreg:$0x1]  }
0x148: {  	s0 =	sadd.s32 @!p0 $0x100000, s0  }
0x149: {  	[sflag:s0] =	ssyncadd.tile.s32 @!p0 $0x1;
	_ =	shalt  }
.Lfunc_end2:
_tile_overlayer_lowered:
.L_overlay_start_2:
0x14a: {  	(tag) =	ssettag $0x2  }
0x14b: {  	s0 =	rddreg [dreg:$0x0];
	s2 =	stileid.u32  }
0x14c: {  	s1 =	rddreg [dreg:$0x1];
	p0 =	sne.s32 s2, $0x0  }
0x14d: {  	s3 =	rddreg [dreg:$0x2];
	[bflag:$0x3] =	sbarrier.arrive $0xFFFF;
	s2 =	simm.s32 @!p0 $0x1C03  }
0x14e: {  	[timem:s3], [sflag:s2] =	dma.local @!p0 [hbm:s0], s1  }
0x14f: {  	s0 =	simm.s32 @!p0 $0x3  }
0x150: {  	_ =	swait.ge @!p0 [sflag:s0], s1  }
0x151: {  	s1 =	ssub.s32 @!p0 $0x0, s1;
	[sflag:s0] =	ssyncset.done @!p0 $0x0  }
0x152: {  	[sflag:s0] =	ssyncadd.s32 @!p0 s1  }
0x153: {  	[bflag:$0x3] =	sbarrier.arrive $0xFFFF  }
0x154: {  	_ =	shalt  }

</sc_bundles>
